<compile_context>
chip_gen: v7x
topology: tpu7x:2x2x1
jax: 0.10.2.dev20260603
libtpu: 0.0.44.dev20260713+nightly
codegen_flags: <defaults>
</compile_context>

<pallas_src>
import functools

import jax
import jax.numpy as jnp
from jax import lax
from jax.experimental import pallas as pl
from jax.experimental.pallas import tpu as pltpu
from jax.experimental.pallas import tpu_sc as plsc

NSC = 2
NSUB = 16
NTILES = NSC * NSUB
CS = 128
G = 4
NOB = 20


def _pad_nodes(n):
    return ((n + 128) // 128) * 128


def _pad_nodes_deg(n):
    return ((n + 255) // 256) * 256


def _mesh():
    return plsc.VectorSubcoreMesh(core_axis_name="c", subcore_axis_name="s")


def _sc_degrees(src4, dst4, ones_h, npad):
    rows_pt = npad // NSUB

    @functools.partial(
        pl.kernel,
        out_type=(jax.ShapeDtypeStruct((npad,), jnp.float32),
                  jax.ShapeDtypeStruct((npad,), jnp.float32),
                  jax.ShapeDtypeStruct((npad,), jnp.float32),
                  jax.ShapeDtypeStruct((npad,), jnp.float32)),
        mesh=_mesh(),
        scratch_types=[
            pltpu.VMEM((G, CS), jnp.int32),
            pltpu.VMEM((G, CS), jnp.int32),
            pltpu.VMEM((G, CS), jnp.int32),
            pltpu.VMEM((G, CS), jnp.int32),
            pltpu.VMEM((CS,), jnp.float32),
            pltpu.VMEM((((npad // NSUB + 15) // 16) * 16,), jnp.float32),
            pltpu.VMEM_SHARED((npad,), jnp.float32),
            pltpu.VMEM_SHARED((npad,), jnp.float32),
            pltpu.SemaphoreType.DMA,
            pltpu.SemaphoreType.DMA,
            pltpu.SemaphoreType.DMA,
        ],
    )
    def deg_kernel(src_hbm, dst_hbm, ones_hbm,
                   dout0_hbm, dout1_hbm, din0_hbm, din1_hbm,
                   sidx0, didx0, sidx1, didx1, ones, zbuf, acc_o, acc_i,
                   isem0, isem1, ssem):
        c = lax.axis_index("c")
        s = lax.axis_index("s")
        t = s * NSC + c
        idxp = ((sidx0, didx0, isem0), (sidx1, didx1, isem1))
        pltpu.async_copy(src_hbm.at[t, 0], sidx0, isem0)
        pltpu.async_copy(dst_hbm.at[t, 0], didx0, isem0)
        pltpu.async_copy(src_hbm.at[t, 1], sidx1, isem1)
        pltpu.async_copy(dst_hbm.at[t, 1], didx1, isem1)
        pltpu.sync_copy(ones_hbm, ones)

        def init_z(i, _):
            zbuf[pl.ds(i * 16, 16)] = jnp.zeros((16,), jnp.float32)
            return 0
        lax.fori_loop(0, zbuf.shape[0] // 16, init_z, 0)
        pltpu.sync_copy(zbuf.at[pl.ds(0, rows_pt)],
                        acc_o.at[pl.ds(s * rows_pt, rows_pt)])
        pltpu.sync_copy(zbuf.at[pl.ds(0, rows_pt)],
                        acc_i.at[pl.ds(s * rows_pt, rows_pt)])
        plsc.subcore_barrier()

        def process_block(ob, p):
            sidx, didx, isem = idxp[p]
            pltpu.make_async_copy(src_hbm.at[t, 0], sidx, isem).wait()
            pltpu.make_async_copy(dst_hbm.at[t, 0], didx, isem).wait()
            for g in range(G):
                pltpu.async_copy(ones, acc_o.at[sidx.at[g]], ssem, add=True)
                pltpu.async_copy(ones, acc_i.at[didx.at[g]], ssem, add=True)
            for g in range(G):
                pltpu.make_async_copy(ones, acc_o.at[sidx.at[0]], ssem).wait()
                pltpu.make_async_copy(ones, acc_i.at[didx.at[0]], ssem).wait()
            @pl.when(ob + 2 < NOB)
            def _():
                pltpu.async_copy(src_hbm.at[t, ob + 2], sidx, isem)
                pltpu.async_copy(dst_hbm.at[t, ob + 2], didx, isem)

        def body(i, _):
            process_block(2 * i, 0)
            process_block(2 * i + 1, 1)
            return 0
        lax.fori_loop(0, NOB // 2, body, 0)
        plsc.subcore_barrier()

        @pl.when(c == 0)
        def _():
            pltpu.sync_copy(acc_o.at[pl.ds(s * rows_pt, rows_pt)],
                            dout0_hbm.at[pl.ds(s * rows_pt, rows_pt)])
            pltpu.sync_copy(acc_i.at[pl.ds(s * rows_pt, rows_pt)],
                            din0_hbm.at[pl.ds(s * rows_pt, rows_pt)])

        @pl.when(c == 1)
        def _():
            pltpu.sync_copy(acc_o.at[pl.ds(s * rows_pt, rows_pt)],
                            dout1_hbm.at[pl.ds(s * rows_pt, rows_pt)])
            pltpu.sync_copy(acc_i.at[pl.ds(s * rows_pt, rows_pt)],
                            din1_hbm.at[pl.ds(s * rows_pt, rows_pt)])

    return deg_kernel(src4, dst4, ones_h)


def _sc_spmm(z, src4, dst4, zeros2_h, npad):
    d = z.shape[1]
    rows_pt = npad // NSUB

    @functools.partial(
        pl.kernel,
        out_type=jax.ShapeDtypeStruct((NSC, npad, d), jnp.float32),
        mesh=_mesh(),
        scratch_types=[
            pltpu.VMEM((G, CS), jnp.int32),
            pltpu.VMEM((G, CS), jnp.int32),
            pltpu.VMEM((G, CS), jnp.int32),
            pltpu.VMEM((G, CS), jnp.int32),
            pltpu.VMEM((G, CS), jnp.int32),
            pltpu.VMEM((G, CS), jnp.int32),
            pltpu.VMEM((G, CS), jnp.int32),
            pltpu.VMEM((G, CS), jnp.int32),
            pltpu.VMEM((CS, d), jnp.float32),
            pltpu.VMEM((CS, d), jnp.float32),
            pltpu.VMEM_SHARED((npad, d), jnp.float32),
            pltpu.SemaphoreType.DMA,
            pltpu.SemaphoreType.DMA,
            pltpu.SemaphoreType.DMA,
            pltpu.SemaphoreType.DMA,
            pltpu.SemaphoreType.DMA,
            pltpu.SemaphoreType.DMA,
            pltpu.SemaphoreType.DMA,
            pltpu.SemaphoreType.DMA,
        ],
    )
    def spmm_kernel(z_hbm, src_hbm, dst_hbm, zeros_hbm, out_hbm,
                    sidx0, didx0, sidx1, didx1, sidx2, didx2, sidx3, didx3,
                    rb0, rb1, acc,
                    sem0, sem1, isem0, isem1, isem2, isem3, ssem0, ssem1):
        c = lax.axis_index("c")
        s = lax.axis_index("s")
        t = s * NSC + c
        rbs = (rb0, rb1)
        sems = (sem0, sem1)
        ssems = (ssem0, ssem1)
        idxp = ((sidx0, didx0, isem0), (sidx1, didx1, isem1),
                (sidx2, didx2, isem2), (sidx3, didx3, isem3))

        def wait_scatter(b):
            pltpu.make_async_copy(rbs[b], acc.at[didx0.at[0]],
                                  ssems[b]).wait()

        for b in range(3):
            pltpu.async_copy(src_hbm.at[t, b], idxp[b][0], idxp[b][2])
            pltpu.async_copy(dst_hbm.at[t, b], idxp[b][1], idxp[b][2])

        def zc(i, _):
            pltpu.sync_copy(zeros_hbm,
                            acc.at[pl.ds(s * rows_pt + i * 128, 128)])
            return 0
        lax.fori_loop(0, rows_pt // 128, zc, 0)
        rem = rows_pt % 128
        if rem:
            pltpu.sync_copy(
                zeros_hbm.at[pl.ds(0, rem)],
                acc.at[pl.ds(s * rows_pt + (rows_pt - rem), rem)])
        plsc.subcore_barrier()

        def wait_idx(sidx, didx, isem):
            pltpu.make_async_copy(src_hbm.at[t, 0], sidx, isem).wait()
            pltpu.make_async_copy(dst_hbm.at[t, 0], didx, isem).wait()

        def process_block(ob, p):
            sidx, didx, isem = idxp[p]
            wait_idx(sidx, didx, isem)

            @pl.when(ob > 0)
            def _():
                wait_scatter(0)
            cps = [None, None]
            cps[0] = pltpu.async_copy(z_hbm.at[sidx.at[0]], rb0, sem0)
            for g in range(G):
                b = g % 2
                if g + 1 < G:
                    nb = (g + 1) % 2
                    if g == 0:
                        @pl.when(ob > 0)
                        def _():
                            wait_scatter(1)
                    else:
                        wait_scatter(nb)
                    cps[nb] = pltpu.async_copy(
                        z_hbm.at[sidx.at[g + 1]], rbs[nb], sems[nb])
                cps[b].wait()
                pltpu.async_copy(rbs[b], acc.at[didx.at[g]], ssems[b],
                                 add=True)
            @pl.when(ob + 3 < NOB)
            def _():
                rsidx, rdidx, risem = idxp[(p + 3) % 4]
                pltpu.async_copy(src_hbm.at[t, ob + 3], rsidx, risem)
                pltpu.async_copy(dst_hbm.at[t, ob + 3], rdidx, risem)

        def body(i, _):
            for j in range(4):
                process_block(4 * i + j, j)
            return 0
        lax.fori_loop(0, NOB // 4, body, 0)
        wait_scatter(0)
        wait_scatter(1)
        plsc.subcore_barrier()
        pltpu.sync_copy(acc.at[pl.ds(s * rows_pt, rows_pt)],
                        out_hbm.at[c, pl.ds(s * rows_pt, rows_pt)])

    return spmm_kernel(z, src4, dst4, zeros2_h)


def _gelu(x):
    return 0.5 * x * (1.0 + lax.erf(x * (2.0 ** -0.5)))


def _tc1(do0, do1, di0, di1, x, w1, npad):
    n, d = x.shape

    def body(do0_ref, do1_ref, di0_ref, di1_ref, x_ref, w1_ref,
             z1_ref, ns_ref, nd_ref):
        od = do0_ref[...] + do1_ref[...]
        idg = di0_ref[...] + di1_ref[...]
        ns = jnp.where(od > 0, lax.rsqrt(jnp.maximum(od, 1.0)), 0.0)[:n]
        nd = jnp.where(idg > 0, lax.rsqrt(jnp.maximum(idg, 1.0)), 0.0)[:n]
        y = jnp.dot(x_ref[...], w1_ref[...], preferred_element_type=jnp.float32)
        z1_ref[...] = jnp.concatenate(
            [y * ns[:, None], jnp.zeros((npad - n, d), jnp.float32)], axis=0)
        ns_ref[...] = ns
        nd_ref[...] = nd

    return pl.pallas_call(
        body,
        out_shape=(jax.ShapeDtypeStruct((npad, d), jnp.float32),
                   jax.ShapeDtypeStruct((n,), jnp.float32),
                   jax.ShapeDtypeStruct((n,), jnp.float32)),
    )(do0, do1, di0, di1, x, w1)


def _tc2(p, n, nd, ns, b1, w2):
    npad, d = p.shape[1], p.shape[2]

    def body(p_ref, nd_ref, ns_ref, b1_ref, w2_ref, z2_ref):
        agg = p_ref[0, :n, :] + p_ref[1, :n, :]
        h = _gelu(agg * nd_ref[...][:, None] + b1_ref[...])
        y = jnp.dot(h, w2_ref[...], preferred_element_type=jnp.float32)
        z2_ref[...] = jnp.concatenate(
            [y * ns_ref[...][:, None], jnp.zeros((npad - n, d), jnp.float32)],
            axis=0)

    return pl.pallas_call(
        body,
        out_shape=jax.ShapeDtypeStruct((npad, d), jnp.float32),
    )(p, nd, ns, b1, w2)


def _tc3(p, n, nd, b2, wd, bd, k_static):
    d = p.shape[2]

    def body(p_ref, nd_ref, b2_ref, wd_ref, bd_ref, out_ref):
        agg = p_ref[0, :n, :] + p_ref[1, :n, :]
        h = _gelu(agg * nd_ref[...][:, None] + b2_ref[...])
        xr = h.reshape(n // k_static, k_static * d)
        out_ref[...] = jnp.dot(xr, wd_ref[...],
                               preferred_element_type=jnp.float32) + bd_ref[...]

    return pl.pallas_call(
        body,
        out_shape=jax.ShapeDtypeStruct((n // k_static, 1), jnp.float32),
    )(p, nd, b2, wd, bd)


def kernel(x, edge_index, k, W1, b1, W2, b2, Wd, bd):
    n, d = x.shape
    e = edge_index.shape[1]
    npad = _pad_nodes(n)
    k_static = Wd.shape[0] // d

    e_pad = NTILES * NOB * G * CS
    dummy = n + (jnp.arange(e_pad - e, dtype=jnp.int32) % (npad - n))
    src4 = jnp.concatenate([edge_index[0], dummy]).reshape(NTILES, NOB, G, CS)
    dst4 = jnp.concatenate([edge_index[1], dummy]).reshape(NTILES, NOB, G, CS)
    ones_h = jnp.ones((CS,), jnp.float32)
    zeros2_h = jnp.zeros((128, d), jnp.float32)

    do0, do1, di0, di1 = _sc_degrees(src4, dst4, ones_h, _pad_nodes_deg(n))
    z1, ns, nd = _tc1(do0, do1, di0, di1, x, W1, npad)
    p1 = _sc_spmm(z1, src4, dst4, zeros2_h, npad)
    z2 = _tc2(p1, n, nd, ns, b1.reshape(1, d), W2)
    p2 = _sc_spmm(z2, src4, dst4, zeros2_h, npad)
    out = _tc3(p2, n, nd, b2.reshape(1, d), Wd, bd.reshape(1, 1), k_static)
    return jnp.where(k == k_static, out, jnp.full_like(out, jnp.nan))

# --- scband reference (transcript-rebuilt; emitter-appended) ---
"""Pipeline reference for scband-gcn-1675037245603 (READ-ONLY COPY).

The authoritative reference and input builder live on the scoring server;
editing this copy changes nothing except your own understanding.
"""

import jax, jax.numpy as jnp
import numpy as np

N = 10000
E = 320000
D = 128
H = 128
K = 10


def setup_inputs(seed: int = 0) -> dict:
    key = jax.random.key(seed)
    k1, k2, k3, k4, k5, k6, k7 = jax.random.split(key, 7)
    x = jax.random.normal(k1, (N, D), dtype=jnp.float32)
    edge_index = jax.random.randint(k2, (2, E), 0, N, dtype=jnp.int32)
    W1 = jax.random.normal(k3, (D, H), dtype=jnp.float32) * 0.05
    b1 = jnp.zeros((H,), dtype=jnp.float32)
    W2 = jax.random.normal(k4, (H, H), dtype=jnp.float32) * 0.05
    b2 = jnp.zeros((H,), dtype=jnp.float32)
    Wd = jax.random.normal(k5, (K * H, 1), dtype=jnp.float32) * 0.05
    bd = jnp.zeros((1,), dtype=jnp.float32)
    return {"x": x, "edge_index": edge_index, "k": K,
            "W1": W1, "b1": b1, "W2": W2, "b2": b2, "Wd": Wd, "bd": bd}


def gcn_conv(x, src, dst, W, b):
    # DGL-style GraphConv with symmetric ('both') normalization:
    # h = D_in^{-1/2} A D_out^{-1/2} x W + b
    n = x.shape[0]
    ones = jnp.ones(src.shape[0], dtype=jnp.float32)
    out_deg = jax.ops.segment_sum(ones, src, num_segments=n)
    in_deg = jax.ops.segment_sum(ones, dst, num_segments=n)
    norm_src = jnp.where(out_deg > 0, jax.lax.rsqrt(jnp.maximum(out_deg, 1.0)), 0.0)
    norm_dst = jnp.where(in_deg > 0, jax.lax.rsqrt(jnp.maximum(in_deg, 1.0)), 0.0)
    m = x[src] * norm_src[src][:, None]          # gather + scale (SparseCore gather)
    agg = jax.ops.segment_sum(m, dst, num_segments=n)  # scatter-add
    h = agg * norm_dst[:, None]
    return h @ W + b


def reference(x, edge_index, k, W1, b1, W2, b2, Wd, bd):
    src = edge_index[0]
    dst = edge_index[1]
    h = gcn_conv(x, src, dst, W1, b1)
    h = jax.nn.gelu(h, approximate=False)
    h = gcn_conv(h, src, dst, W2, b2)
    h = jax.nn.gelu(h, approximate=False)
    k_static = Wd.shape[0] // h.shape[1]
    xr = h.reshape(h.shape[0] // k_static, k_static * h.shape[1])
    out = xr @ Wd + bd
    out = jnp.where(k == k_static, out, jnp.full_like(out, jnp.nan))
    return out

if __name__ == "__main__":
    import jax
    _d = setup_inputs()
    print(jax.jit(kernel)(*tuple(_d.values())))

</pallas_src>

<mosaic_0001>
#map = affine_map<(d0, d1) -> (0, 0)>
#map1 = affine_map<(d0, d1) -> (0, 0, 0, 0)>
#map2 = affine_map<(d0, d1) -> (0, 0, 0)>
module attributes {stable_mosaic.version = 14 : i64} {
  func.func @spmm_kernel(%arg0: i32, %arg1: i32, %arg2: memref<10112x128xf32, #tpu.memory_space<hbm>>, %arg3: memref<32x20x4x128xi32, #tpu.memory_space<hbm>>, %arg4: memref<32x20x4x128xi32, #tpu.memory_space<hbm>>, %arg5: memref<128x128xf32, #tpu.memory_space<hbm>>, %arg6: memref<2x10112x128xf32, #tpu.memory_space<hbm>>, %arg7: memref<4x128xi32, #tpu.memory_space<vmem>>, %arg8: memref<4x128xi32, #tpu.memory_space<vmem>>, %arg9: memref<4x128xi32, #tpu.memory_space<vmem>>, %arg10: memref<4x128xi32, #tpu.memory_space<vmem>>, %arg11: memref<4x128xi32, #tpu.memory_space<vmem>>, %arg12: memref<4x128xi32, #tpu.memory_space<vmem>>, %arg13: memref<4x128xi32, #tpu.memory_space<vmem>>, %arg14: memref<4x128xi32, #tpu.memory_space<vmem>>, %arg15: memref<128x128xf32, #tpu.memory_space<vmem>>, %arg16: memref<128x128xf32, #tpu.memory_space<vmem>>, %arg17: memref<10112x128xf32, #tpu.memory_space<vmem_shared>>, %arg18: memref<!tpu.dma_semaphore, #tpu.memory_space<semaphore_mem>>, %arg19: memref<!tpu.dma_semaphore, #tpu.memory_space<semaphore_mem>>, %arg20: memref<!tpu.dma_semaphore, #tpu.memory_space<semaphore_mem>>, %arg21: memref<!tpu.dma_semaphore, #tpu.memory_space<semaphore_mem>>, %arg22: memref<!tpu.dma_semaphore, #tpu.memory_space<semaphore_mem>>, %arg23: memref<!tpu.dma_semaphore, #tpu.memory_space<semaphore_mem>>, %arg24: memref<!tpu.dma_semaphore, #tpu.memory_space<semaphore_mem>>, %arg25: memref<!tpu.dma_semaphore, #tpu.memory_space<semaphore_mem>>) attributes {dimension_semantics = [#tpu.dimension_semantics<core_parallel>, #tpu.dimension_semantics<subcore_parallel>], iteration_bounds = array<i64: 2, 16>, scalar_prefetch = 0 : i64, scratch_operands = 19 : i64, tpu.core_type = #tpu.core_type<sc_vector_subcore>, window_params = [{transform_indices = #map}, {transform_indices = #map1}, {transform_indices = #map1}, {transform_indices = #map}, {transform_indices = #map2}]} {
    %mul3A = arith.constant 2 : i32
    %mul3A_0 = arith.muli %arg1, %mul3A : i32
    %add3A = arith.addi %mul3A_0, %arg0 : i32
    %dma_start3A = arith.constant 0 : i32
    %dma_start3A_1 = arith.constant 0 : i32
    %dma_start3A_2 = arith.constant 0 : i32
    %dma_start3A_3 = tpu.memref_slice %arg3[%add3A, %dma_start3A, %dma_start3A_1, %dma_start3A_2] : memref<32x20x4x128xi32, #tpu.memory_space<hbm>> -> memref<1x1x4x128xi32, #tpu.memory_space<hbm>>
    %dma_start3A_4 = tpu.memref_squeeze %dma_start3A_3 : memref<1x1x4x128xi32, #tpu.memory_space<hbm>> -> memref<4x128xi32, #tpu.memory_space<hbm>>
    %dma_start3A_5 = arith.constant 0 : i32
    %dma_start3A_6 = arith.constant 0 : i32
    %dma_start3A_7 = tpu.memref_slice %arg3[%add3A, %dma_start3A, %dma_start3A_5, %dma_start3A_6] : memref<32x20x4x128xi32, #tpu.memory_space<hbm>> -> memref<1x1x4x128xi32, #tpu.memory_space<hbm>>
    %dma_start3A_8 = tpu.memref_squeeze %dma_start3A_7 : memref<1x1x4x128xi32, #tpu.memory_space<hbm>> -> memref<4x128xi32, #tpu.memory_space<hbm>>
    tpu.enqueue_dma source(%dma_start3A_8 : memref<4x128xi32, #tpu.memory_space<hbm>>) target(%arg7 : memref<4x128xi32, #tpu.memory_space<vmem>>) target_semaphore(%arg20 : memref<!tpu.dma_semaphore, #tpu.memory_space<semaphore_mem>>)
    %dma_start3A_9 = arith.constant 0 : i32
    %dma_start3A_10 = arith.constant 0 : i32
    %dma_start3A_11 = arith.constant 0 : i32
    %dma_start3A_12 = tpu.memref_slice %arg4[%add3A, %dma_start3A_9, %dma_start3A_10, %dma_start3A_11] : memref<32x20x4x128xi32, #tpu.memory_space<hbm>> -> memref<1x1x4x128xi32, #tpu.memory_space<hbm>>
    %dma_start3A_13 = tpu.memref_squeeze %dma_start3A_12 : memref<1x1x4x128xi32, #tpu.memory_space<hbm>> -> memref<4x128xi32, #tpu.memory_space<hbm>>
    %dma_start3A_14 = arith.constant 0 : i32
    %dma_start3A_15 = arith.constant 0 : i32
    %dma_start3A_16 = tpu.memref_slice %arg4[%add3A, %dma_start3A_9, %dma_start3A_14, %dma_start3A_15] : memref<32x20x4x128xi32, #tpu.memory_space<hbm>> -> memref<1x1x4x128xi32, #tpu.memory_space<hbm>>
    %dma_start3A_17 = tpu.memref_squeeze %dma_start3A_16 : memref<1x1x4x128xi32, #tpu.memory_space<hbm>> -> memref<4x128xi32, #tpu.memory_space<hbm>>
    tpu.enqueue_dma source(%dma_start3A_17 : memref<4x128xi32, #tpu.memory_space<hbm>>) target(%arg8 : memref<4x128xi32, #tpu.memory_space<vmem>>) target_semaphore(%arg20 : memref<!tpu.dma_semaphore, #tpu.memory_space<semaphore_mem>>)
    %dma_start3A_18 = arith.constant 1 : i32
    %dma_start3A_19 = arith.constant 0 : i32
    %dma_start3A_20 = arith.constant 0 : i32
    %dma_start3A_21 = tpu.memref_slice %arg3[%add3A, %dma_start3A_18, %dma_start3A_19, %dma_start3A_20] : memref<32x20x4x128xi32, #tpu.memory_space<hbm>> -> memref<1x1x4x128xi32, #tpu.memory_space<hbm>>
    %dma_start3A_22 = tpu.memref_squeeze %dma_start3A_21 : memref<1x1x4x128xi32, #tpu.memory_space<hbm>> -> memref<4x128xi32, #tpu.memory_space<hbm>>
    %dma_start3A_23 = arith.constant 0 : i32
    %dma_start3A_24 = arith.constant 0 : i32
    %dma_start3A_25 = tpu.memref_slice %arg3[%add3A, %dma_start3A_18, %dma_start3A_23, %dma_start3A_24] : memref<32x20x4x128xi32, #tpu.memory_space<hbm>> -> memref<1x1x4x128xi32, #tpu.memory_space<hbm>>
    %dma_start3A_26 = tpu.memref_squeeze %dma_start3A_25 : memref<1x1x4x128xi32, #tpu.memory_space<hbm>> -> memref<4x128xi32, #tpu.memory_space<hbm>>
    tpu.enqueue_dma source(%dma_start3A_26 : memref<4x128xi32, #tpu.memory_space<hbm>>) target(%arg9 : memref<4x128xi32, #tpu.memory_space<vmem>>) target_semaphore(%arg21 : memref<!tpu.dma_semaphore, #tpu.memory_space<semaphore_mem>>)
    %dma_start3A_27 = arith.constant 1 : i32
    %dma_start3A_28 = arith.constant 0 : i32
    %dma_start3A_29 = arith.constant 0 : i32
    %dma_start3A_30 = tpu.memref_slice %arg4[%add3A, %dma_start3A_27, %dma_start3A_28, %dma_start3A_29] : memref<32x20x4x128xi32, #tpu.memory_space<hbm>> -> memref<1x1x4x128xi32, #tpu.memory_space<hbm>>
    %dma_start3A_31 = tpu.memref_squeeze %dma_start3A_30 : memref<1x1x4x128xi32, #tpu.memory_space<hbm>> -> memref<4x128xi32, #tpu.memory_space<hbm>>
    %dma_start3A_32 = arith.constant 0 : i32
    %dma_start3A_33 = arith.constant 0 : i32
    %dma_start3A_34 = tpu.memref_slice %arg4[%add3A, %dma_start3A_27, %dma_start3A_32, %dma_start3A_33] : memref<32x20x4x128xi32, #tpu.memory_space<hbm>> -> memref<1x1x4x128xi32, #tpu.memory_space<hbm>>
    %dma_start3A_35 = tpu.memref_squeeze %dma_start3A_34 : memref<1x1x4x128xi32, #tpu.memory_space<hbm>> -> memref<4x128xi32, #tpu.memory_space<hbm>>
    tpu.enqueue_dma source(%dma_start3A_35 : memref<4x128xi32, #tpu.memory_space<hbm>>) target(%arg10 : memref<4x128xi32, #tpu.memory_space<vmem>>) target_semaphore(%arg21 : memref<!tpu.dma_semaphore, #tpu.memory_space<semaphore_mem>>)
    %dma_start3A_36 = arith.constant 2 : i32
    %dma_start3A_37 = arith.constant 0 : i32
    %dma_start3A_38 = arith.constant 0 : i32
    %dma_start3A_39 = tpu.memref_slice %arg3[%add3A, %dma_start3A_36, %dma_start3A_37, %dma_start3A_38] : memref<32x20x4x128xi32, #tpu.memory_space<hbm>> -> memref<1x1x4x128xi32, #tpu.memory_space<hbm>>
    %dma_start3A_40 = tpu.memref_squeeze %dma_start3A_39 : memref<1x1x4x128xi32, #tpu.memory_space<hbm>> -> memref<4x128xi32, #tpu.memory_space<hbm>>
    %dma_start3A_41 = arith.constant 0 : i32
    %dma_start3A_42 = arith.constant 0 : i32
    %dma_start3A_43 = tpu.memref_slice %arg3[%add3A, %dma_start3A_36, %dma_start3A_41, %dma_start3A_42] : memref<32x20x4x128xi32, #tpu.memory_space<hbm>> -> memref<1x1x4x128xi32, #tpu.memory_space<hbm>>
    %dma_start3A_44 = tpu.memref_squeeze %dma_start3A_43 : memref<1x1x4x128xi32, #tpu.memory_space<hbm>> -> memref<4x128xi32, #tpu.memory_space<hbm>>
    tpu.enqueue_dma source(%dma_start3A_44 : memref<4x128xi32, #tpu.memory_space<hbm>>) target(%arg11 : memref<4x128xi32, #tpu.memory_space<vmem>>) target_semaphore(%arg22 : memref<!tpu.dma_semaphore, #tpu.memory_space<semaphore_mem>>)
    %dma_start3A_45 = arith.constant 2 : i32
    %dma_start3A_46 = arith.constant 0 : i32
    %dma_start3A_47 = arith.constant 0 : i32
    %dma_start3A_48 = tpu.memref_slice %arg4[%add3A, %dma_start3A_45, %dma_start3A_46, %dma_start3A_47] : memref<32x20x4x128xi32, #tpu.memory_space<hbm>> -> memref<1x1x4x128xi32, #tpu.memory_space<hbm>>
    %dma_start3A_49 = tpu.memref_squeeze %dma_start3A_48 : memref<1x1x4x128xi32, #tpu.memory_space<hbm>> -> memref<4x128xi32, #tpu.memory_space<hbm>>
    %dma_start3A_50 = arith.constant 0 : i32
    %dma_start3A_51 = arith.constant 0 : i32
    %dma_start3A_52 = tpu.memref_slice %arg4[%add3A, %dma_start3A_45, %dma_start3A_50, %dma_start3A_51] : memref<32x20x4x128xi32, #tpu.memory_space<hbm>> -> memref<1x1x4x128xi32, #tpu.memory_space<hbm>>
    %dma_start3A_53 = tpu.memref_squeeze %dma_start3A_52 : memref<1x1x4x128xi32, #tpu.memory_space<hbm>> -> memref<4x128xi32, #tpu.memory_space<hbm>>
    tpu.enqueue_dma source(%dma_start3A_53 : memref<4x128xi32, #tpu.memory_space<hbm>>) target(%arg12 : memref<4x128xi32, #tpu.memory_space<vmem>>) target_semaphore(%arg22 : memref<!tpu.dma_semaphore, #tpu.memory_space<semaphore_mem>>)
    %scan3A = arith.constant 0 : i32
    %scan3A_54 = arith.constant 0 : i32
    %scan3A_55 = arith.constant 4 : i32
    %scan3A_56 = arith.addi %scan3A_54, %scan3A_55 : i32
    %scan3A_57 = arith.constant 1 : i32
    %scan3A_58 = scf.for %scan3A_89 = %scan3A_54 to %scan3A_56 step %scan3A_57 iter_args(%scan3A_90 = %scan3A) -> (i32)  : i32 {
      %mul3A_91 = arith.constant 632 : i32
      %mul3A_92 = arith.muli %arg1, %mul3A_91 : i32
      %mul3A_93 = arith.constant 128 : i32
      %mul3A_94 = arith.muli %scan3A_89, %mul3A_93 : i32
      %add3A_95 = arith.addi %mul3A_92, %mul3A_94 : i32
      "tpu.region"() ({
        %run_scoped3A = tpu.sem_alloc : memref<!tpu.dma_semaphore, #tpu.memory_space<semaphore_mem>>
        %dma_start3A_97 = arith.constant 0 : i32
        %dma_start3A_98 = tpu.memref_slice %arg17[%add3A_95, %dma_start3A_97] : memref<10112x128xf32, #tpu.memory_space<vmem_shared>> -> memref<128x128xf32, #tpu.memory_space<vmem_shared>>
        tpu.enqueue_dma source(%arg5 : memref<128x128xf32, #tpu.memory_space<hbm>>) target(%dma_start3A_98 : memref<128x128xf32, #tpu.memory_space<vmem_shared>>) target_semaphore(%run_scoped3A : memref<!tpu.dma_semaphore, #tpu.memory_space<semaphore_mem>>)
        %dma_wait3A_99 = arith.constant 0 : i32
        %dma_wait3A_100 = tpu.memref_slice %arg17[%add3A_95, %dma_wait3A_99] : memref<10112x128xf32, #tpu.memory_space<vmem_shared>> -> memref<128x128xf32, #tpu.memory_space<vmem_shared>>
        tpu.wait_dma2 semaphore(%run_scoped3A : memref<!tpu.dma_semaphore, #tpu.memory_space<semaphore_mem>>) src(%arg5 : memref<128x128xf32, #tpu.memory_space<hbm>>) dst(%dma_wait3A_100 : memref<128x128xf32, #tpu.memory_space<vmem_shared>>)
        tpu.yield
      }) : () -> ()
      %scan3A_96 = arith.constant 0 : i32
      scf.yield %scan3A_96 : i32
    }
    %scan3A_59 = arith.constant 4 : i32
    %mul3A_60 = arith.constant 632 : i32
    %mul3A_61 = arith.muli %arg1, %mul3A_60 : i32
    %add3A_62 = arith.constant 512 : i32
    %add3A_63 = arith.addi %mul3A_61, %add3A_62 : i32
    "tpu.region"() ({
      %run_scoped3A = tpu.sem_alloc : memref<!tpu.dma_semaphore, #tpu.memory_space<semaphore_mem>>
      %dma_start3A_89 = arith.constant 0 : i32
      %dma_start3A_90 = tpu.memref_slice %arg17[%add3A_63, %dma_start3A_89] : memref<10112x128xf32, #tpu.memory_space<vmem_shared>> -> memref<120x128xf32, #tpu.memory_space<vmem_shared>>
      %dma_start3A_91 = arith.constant 0 : i32
      %dma_start3A_92 = arith.constant 0 : i32
      %dma_start3A_93 = tpu.memref_slice %arg5[%dma_start3A_91, %dma_start3A_92] : memref<128x128xf32, #tpu.memory_space<hbm>> -> memref<120x128xf32, #tpu.memory_space<hbm>>
      tpu.enqueue_dma source(%dma_start3A_93 : memref<120x128xf32, #tpu.memory_space<hbm>>) target(%dma_start3A_90 : memref<120x128xf32, #tpu.memory_space<vmem_shared>>) target_semaphore(%run_scoped3A : memref<!tpu.dma_semaphore, #tpu.memory_space<semaphore_mem>>)
      %dma_wait3A_94 = arith.constant 0 : i32
      %dma_wait3A_95 = tpu.memref_slice %arg17[%add3A_63, %dma_wait3A_94] : memref<10112x128xf32, #tpu.memory_space<vmem_shared>> -> memref<120x128xf32, #tpu.memory_space<vmem_shared>>
      %dma_wait3A_96 = arith.constant 0 : i32
      %dma_wait3A_97 = arith.constant 0 : i32
      %dma_wait3A_98 = tpu.memref_slice %arg5[%dma_wait3A_96, %dma_wait3A_97] : memref<128x128xf32, #tpu.memory_space<hbm>> -> memref<120x128xf32, #tpu.memory_space<hbm>>
      tpu.wait_dma2 semaphore(%run_scoped3A : memref<!tpu.dma_semaphore, #tpu.memory_space<semaphore_mem>>) src(%dma_wait3A_98 : memref<120x128xf32, #tpu.memory_space<hbm>>) dst(%dma_wait3A_95 : memref<120x128xf32, #tpu.memory_space<vmem_shared>>)
      tpu.yield
    }) : () -> ()
    %barrier3A = arith.constant 0 : index
    tpu.barrier barrier_id(%barrier3A)
    %scan3A_64 = arith.constant 0 : i32
    %scan3A_65 = arith.constant 0 : i32
    %scan3A_66 = arith.constant 5 : i32
    %scan3A_67 = arith.addi %scan3A_65, %scan3A_66 : i32
    %scan3A_68 = arith.constant 1 : i32
    %scan3A_69 = scf.for %scan3A_89 = %scan3A_65 to %scan3A_67 step %scan3A_68 iter_args(%scan3A_90 = %scan3A_64) -> (i32)  : i32 {
      %mul3A_91 = arith.constant 4 : i32
      %mul3A_92 = arith.muli %mul3A_91, %scan3A_89 : i32
      %add3A_93 = arith.constant 0 : i32
      %add3A_94 = arith.addi %mul3A_92, %add3A_93 : i32
      %dma_wait3A_95 = arith.constant 0 : i32
      %dma_wait3A_96 = arith.constant 0 : i32
      %dma_wait3A_97 = arith.constant 0 : i32
      %dma_wait3A_98 = tpu.memref_slice %arg3[%add3A, %dma_wait3A_95, %dma_wait3A_96, %dma_wait3A_97] : memref<32x20x4x128xi32, #tpu.memory_space<hbm>> -> memref<1x1x4x128xi32, #tpu.memory_space<hbm>>
      %dma_wait3A_99 = tpu.memref_squeeze %dma_wait3A_98 : memref<1x1x4x128xi32, #tpu.memory_space<hbm>> -> memref<4x128xi32, #tpu.memory_space<hbm>>
      %dma_wait3A_100 = arith.constant 0 : i32
      %dma_wait3A_101 = arith.constant 0 : i32
      %dma_wait3A_102 = tpu.memref_slice %arg3[%add3A, %dma_wait3A_95, %dma_wait3A_100, %dma_wait3A_101] : memref<32x20x4x128xi32, #tpu.memory_space<hbm>> -> memref<1x1x4x128xi32, #tpu.memory_space<hbm>>
      %dma_wait3A_103 = tpu.memref_squeeze %dma_wait3A_102 : memref<1x1x4x128xi32, #tpu.memory_space<hbm>> -> memref<4x128xi32, #tpu.memory_space<hbm>>
      tpu.wait_dma2 semaphore(%arg20 : memref<!tpu.dma_semaphore, #tpu.memory_space<semaphore_mem>>) src(%dma_wait3A_103 : memref<4x128xi32, #tpu.memory_space<hbm>>) dst(%arg7 : memref<4x128xi32, #tpu.memory_space<vmem>>)
      %dma_wait3A_104 = arith.constant 0 : i32
      %dma_wait3A_105 = arith.constant 0 : i32
      %dma_wait3A_106 = arith.constant 0 : i32
      %dma_wait3A_107 = tpu.memref_slice %arg4[%add3A, %dma_wait3A_104, %dma_wait3A_105, %dma_wait3A_106] : memref<32x20x4x128xi32, #tpu.memory_space<hbm>> -> memref<1x1x4x128xi32, #tpu.memory_space<hbm>>
      %dma_wait3A_108 = tpu.memref_squeeze %dma_wait3A_107 : memref<1x1x4x128xi32, #tpu.memory_space<hbm>> -> memref<4x128xi32, #tpu.memory_space<hbm>>
      %dma_wait3A_109 = arith.constant 0 : i32
      %dma_wait3A_110 = arith.constant 0 : i32
      %dma_wait3A_111 = tpu.memref_slice %arg4[%add3A, %dma_wait3A_104, %dma_wait3A_109, %dma_wait3A_110] : memref<32x20x4x128xi32, #tpu.memory_space<hbm>> -> memref<1x1x4x128xi32, #tpu.memory_space<hbm>>
      %dma_wait3A_112 = tpu.memref_squeeze %dma_wait3A_111 : memref<1x1x4x128xi32, #tpu.memory_space<hbm>> -> memref<4x128xi32, #tpu.memory_space<hbm>>
      tpu.wait_dma2 semaphore(%arg20 : memref<!tpu.dma_semaphore, #tpu.memory_space<semaphore_mem>>) src(%dma_wait3A_112 : memref<4x128xi32, #tpu.memory_space<hbm>>) dst(%arg8 : memref<4x128xi32, #tpu.memory_space<vmem>>)
      %gt3A = arith.constant 0 : i32
      %gt3A_113 = arith.cmpi sgt, %add3A_94, %gt3A : i32
      %convert_element_type3A = arith.extui %gt3A_113 : i1 to i32
      %cond3A = arith.constant 0 : i32
      %cond3A_114 = arith.cmpi ne, %convert_element_type3A, %cond3A : i32
      scf.if %cond3A_114 {
        %dma_wait3A_636 = arith.constant 0 : i32
        %dma_wait3A_637 = arith.constant 0 : i32
        %dma_wait3A_638 = tpu.memref_slice %arg8[%dma_wait3A_636, %dma_wait3A_637] : memref<4x128xi32, #tpu.memory_space<vmem>> -> memref<1x128xi32, #tpu.memory_space<vmem>>
        %dma_wait3A_639 = tpu.memref_squeeze %dma_wait3A_638 : memref<1x128xi32, #tpu.memory_space<vmem>> -> memref<128xi32, #tpu.memory_space<vmem>>
        %dma_wait3A_640 = arith.constant 0 : i32
        %dma_wait3A_641 = arith.constant 0 : i32
        %dma_wait3A_642 = tpu.memref_slice %arg17[%dma_wait3A_640, %dma_wait3A_641] : memref<10112x128xf32, #tpu.memory_space<vmem_shared>> -> memref<10112x128xf32, #tpu.memory_space<vmem_shared>>
        tpu.wait_indirect_dma semaphore(%arg24 : memref<!tpu.dma_semaphore, #tpu.memory_space<semaphore_mem>>) src(%arg15 : memref<128x128xf32, #tpu.memory_space<vmem>>) dst(%dma_wait3A_642 : memref<10112x128xf32, #tpu.memory_space<vmem_shared>>)
      } else {
      }
      %dma_start3A_115 = arith.constant 0 : i32
      %dma_start3A_116 = arith.constant 0 : i32
      %dma_start3A_117 = tpu.memref_slice %arg7[%dma_start3A_115, %dma_start3A_116] : memref<4x128xi32, #tpu.memory_space<vmem>> -> memref<1x128xi32, #tpu.memory_space<vmem>>
      %dma_start3A_118 = tpu.memref_squeeze %dma_start3A_117 : memref<1x128xi32, #tpu.memory_space<vmem>> -> memref<128xi32, #tpu.memory_space<vmem>>
      %dma_start3A_119 = arith.constant 0 : i32
      %dma_start3A_120 = arith.constant 0 : i32
      %dma_start3A_121 = tpu.memref_slice %arg2[%dma_start3A_119, %dma_start3A_120] : memref<10112x128xf32, #tpu.memory_space<hbm>> -> memref<10112x128xf32, #tpu.memory_space<hbm>>
      tpu.enqueue_indirect_dma source(%dma_start3A_121 : memref<10112x128xf32, #tpu.memory_space<hbm>>) target(%arg15 : memref<128x128xf32, #tpu.memory_space<vmem>>) offsets(%dma_start3A_118 : memref<128xi32, #tpu.memory_space<vmem>>) semaphore(%arg18 : memref<!tpu.dma_semaphore, #tpu.memory_space<semaphore_mem>>)
      %gt3A_122 = arith.constant 0 : i32
      %gt3A_123 = arith.cmpi sgt, %add3A_94, %gt3A_122 : i32
      %convert_element_type3A_124 = arith.extui %gt3A_123 : i1 to i32
      %cond3A_125 = arith.constant 0 : i32
      %cond3A_126 = arith.cmpi ne, %convert_element_type3A_124, %cond3A_125 : i32
      scf.if %cond3A_126 {
        %dma_wait3A_636 = arith.constant 0 : i32
        %dma_wait3A_637 = arith.constant 0 : i32
        %dma_wait3A_638 = tpu.memref_slice %arg8[%dma_wait3A_636, %dma_wait3A_637] : memref<4x128xi32, #tpu.memory_space<vmem>> -> memref<1x128xi32, #tpu.memory_space<vmem>>
        %dma_wait3A_639 = tpu.memref_squeeze %dma_wait3A_638 : memref<1x128xi32, #tpu.memory_space<vmem>> -> memref<128xi32, #tpu.memory_space<vmem>>
        %dma_wait3A_640 = arith.constant 0 : i32
        %dma_wait3A_641 = arith.constant 0 : i32
        %dma_wait3A_642 = tpu.memref_slice %arg17[%dma_wait3A_640, %dma_wait3A_641] : memref<10112x128xf32, #tpu.memory_space<vmem_shared>> -> memref<10112x128xf32, #tpu.memory_space<vmem_shared>>
        tpu.wait_indirect_dma semaphore(%arg25 : memref<!tpu.dma_semaphore, #tpu.memory_space<semaphore_mem>>) src(%arg16 : memref<128x128xf32, #tpu.memory_space<vmem>>) dst(%dma_wait3A_642 : memref<10112x128xf32, #tpu.memory_space<vmem_shared>>)
      } else {
      }
      %dma_start3A_127 = arith.constant 1 : i32
      %dma_start3A_128 = arith.constant 0 : i32
      %dma_start3A_129 = tpu.memref_slice %arg7[%dma_start3A_127, %dma_start3A_128] : memref<4x128xi32, #tpu.memory_space<vmem>> -> memref<1x128xi32, #tpu.memory_space<vmem>>
      %dma_start3A_130 = tpu.memref_squeeze %dma_start3A_129 : memref<1x128xi32, #tpu.memory_space<vmem>> -> memref<128xi32, #tpu.memory_space<vmem>>
      %dma_start3A_131 = arith.constant 0 : i32
      %dma_start3A_132 = arith.constant 0 : i32
      %dma_start3A_133 = tpu.memref_slice %arg2[%dma_start3A_131, %dma_start3A_132] : memref<10112x128xf32, #tpu.memory_space<hbm>> -> memref<10112x128xf32, #tpu.memory_space<hbm>>
      tpu.enqueue_indirect_dma source(%dma_start3A_133 : memref<10112x128xf32, #tpu.memory_space<hbm>>) target(%arg16 : memref<128x128xf32, #tpu.memory_space<vmem>>) offsets(%dma_start3A_130 : memref<128xi32, #tpu.memory_space<vmem>>) semaphore(%arg19 : memref<!tpu.dma_semaphore, #tpu.memory_space<semaphore_mem>>)
      %dma_wait3A_134 = arith.constant 0 : i32
      %dma_wait3A_135 = arith.constant 0 : i32
      %dma_wait3A_136 = tpu.memref_slice %arg7[%dma_wait3A_134, %dma_wait3A_135] : memref<4x128xi32, #tpu.memory_space<vmem>> -> memref<1x128xi32, #tpu.memory_space<vmem>>
      %dma_wait3A_137 = tpu.memref_squeeze %dma_wait3A_136 : memref<1x128xi32, #tpu.memory_space<vmem>> -> memref<128xi32, #tpu.memory_space<vmem>>
      %dma_wait3A_138 = arith.constant 0 : i32
      %dma_wait3A_139 = arith.constant 0 : i32
      %dma_wait3A_140 = tpu.memref_slice %arg2[%dma_wait3A_138, %dma_wait3A_139] : memref<10112x128xf32, #tpu.memory_space<hbm>> -> memref<10112x128xf32, #tpu.memory_space<hbm>>
      tpu.wait_indirect_dma semaphore(%arg18 : memref<!tpu.dma_semaphore, #tpu.memory_space<semaphore_mem>>) src(%dma_wait3A_140 : memref<10112x128xf32, #tpu.memory_space<hbm>>) dst(%arg15 : memref<128x128xf32, #tpu.memory_space<vmem>>)
      %dma_start3A_141 = arith.constant 0 : i32
      %dma_start3A_142 = arith.constant 0 : i32
      %dma_start3A_143 = tpu.memref_slice %arg8[%dma_start3A_141, %dma_start3A_142] : memref<4x128xi32, #tpu.memory_space<vmem>> -> memref<1x128xi32, #tpu.memory_space<vmem>>
      %dma_start3A_144 = tpu.memref_squeeze %dma_start3A_143 : memref<1x128xi32, #tpu.memory_space<vmem>> -> memref<128xi32, #tpu.memory_space<vmem>>
      %dma_start3A_145 = arith.constant 0 : i32
      %dma_start3A_146 = arith.constant 0 : i32
      %dma_start3A_147 = tpu.memref_slice %arg17[%dma_start3A_145, %dma_start3A_146] : memref<10112x128xf32, #tpu.memory_space<vmem_shared>> -> memref<10112x128xf32, #tpu.memory_space<vmem_shared>>
      tpu.enqueue_indirect_dma source(%arg15 : memref<128x128xf32, #tpu.memory_space<vmem>>) target(%dma_start3A_147 : memref<10112x128xf32, #tpu.memory_space<vmem_shared>>) offsets(%dma_start3A_144 : memref<128xi32, #tpu.memory_space<vmem>>) semaphore(%arg24 : memref<!tpu.dma_semaphore, #tpu.memory_space<semaphore_mem>>) {add = true}
      %dma_wait3A_148 = arith.constant 0 : i32
      %dma_wait3A_149 = arith.constant 0 : i32
      %dma_wait3A_150 = tpu.memref_slice %arg8[%dma_wait3A_148, %dma_wait3A_149] : memref<4x128xi32, #tpu.memory_space<vmem>> -> memref<1x128xi32, #tpu.memory_space<vmem>>
      %dma_wait3A_151 = tpu.memref_squeeze %dma_wait3A_150 : memref<1x128xi32, #tpu.memory_space<vmem>> -> memref<128xi32, #tpu.memory_space<vmem>>
      %dma_wait3A_152 = arith.constant 0 : i32
      %dma_wait3A_153 = arith.constant 0 : i32
      %dma_wait3A_154 = tpu.memref_slice %arg17[%dma_wait3A_152, %dma_wait3A_153] : memref<10112x128xf32, #tpu.memory_space<vmem_shared>> -> memref<10112x128xf32, #tpu.memory_space<vmem_shared>>
      tpu.wait_indirect_dma semaphore(%arg24 : memref<!tpu.dma_semaphore, #tpu.memory_space<semaphore_mem>>) src(%arg15 : memref<128x128xf32, #tpu.memory_space<vmem>>) dst(%dma_wait3A_154 : memref<10112x128xf32, #tpu.memory_space<vmem_shared>>)
      %dma_start3A_155 = arith.constant 2 : i32
      %dma_start3A_156 = arith.constant 0 : i32
      %dma_start3A_157 = tpu.memref_slice %arg7[%dma_start3A_155, %dma_start3A_156] : memref<4x128xi32, #tpu.memory_space<vmem>> -> memref<1x128xi32, #tpu.memory_space<vmem>>
      %dma_start3A_158 = tpu.memref_squeeze %dma_start3A_157 : memref<1x128xi32, #tpu.memory_space<vmem>> -> memref<128xi32, #tpu.memory_space<vmem>>
      %dma_start3A_159 = arith.constant 0 : i32
      %dma_start3A_160 = arith.constant 0 : i32
      %dma_start3A_161 = tpu.memref_slice %arg2[%dma_start3A_159, %dma_start3A_160] : memref<10112x128xf32, #tpu.memory_space<hbm>> -> memref<10112x128xf32, #tpu.memory_space<hbm>>
      tpu.enqueue_indirect_dma source(%dma_start3A_161 : memref<10112x128xf32, #tpu.memory_space<hbm>>) target(%arg15 : memref<128x128xf32, #tpu.memory_space<vmem>>) offsets(%dma_start3A_158 : memref<128xi32, #tpu.memory_space<vmem>>) semaphore(%arg18 : memref<!tpu.dma_semaphore, #tpu.memory_space<semaphore_mem>>)
      %dma_wait3A_162 = arith.constant 1 : i32
      %dma_wait3A_163 = arith.constant 0 : i32
      %dma_wait3A_164 = tpu.memref_slice %arg7[%dma_wait3A_162, %dma_wait3A_163] : memref<4x128xi32, #tpu.memory_space<vmem>> -> memref<1x128xi32, #tpu.memory_space<vmem>>
      %dma_wait3A_165 = tpu.memref_squeeze %dma_wait3A_164 : memref<1x128xi32, #tpu.memory_space<vmem>> -> memref<128xi32, #tpu.memory_space<vmem>>
      %dma_wait3A_166 = arith.constant 0 : i32
      %dma_wait3A_167 = arith.constant 0 : i32
      %dma_wait3A_168 = tpu.memref_slice %arg2[%dma_wait3A_166, %dma_wait3A_167] : memref<10112x128xf32, #tpu.memory_space<hbm>> -> memref<10112x128xf32, #tpu.memory_space<hbm>>
      tpu.wait_indirect_dma semaphore(%arg19 : memref<!tpu.dma_semaphore, #tpu.memory_space<semaphore_mem>>) src(%dma_wait3A_168 : memref<10112x128xf32, #tpu.memory_space<hbm>>) dst(%arg16 : memref<128x128xf32, #tpu.memory_space<vmem>>)
      %dma_start3A_169 = arith.constant 1 : i32
      %dma_start3A_170 = arith.constant 0 : i32
      %dma_start3A_171 = tpu.memref_slice %arg8[%dma_start3A_169, %dma_start3A_170] : memref<4x128xi32, #tpu.memory_space<vmem>> -> memref<1x128xi32, #tpu.memory_space<vmem>>
      %dma_start3A_172 = tpu.memref_squeeze %dma_start3A_171 : memref<1x128xi32, #tpu.memory_space<vmem>> -> memref<128xi32, #tpu.memory_space<vmem>>
      %dma_start3A_173 = arith.constant 0 : i32
      %dma_start3A_174 = arith.constant 0 : i32
      %dma_start3A_175 = tpu.memref_slice %arg17[%dma_start3A_173, %dma_start3A_174] : memref<10112x128xf32, #tpu.memory_space<vmem_shared>> -> memref<10112x128xf32, #tpu.memory_space<vmem_shared>>
      tpu.enqueue_indirect_dma source(%arg16 : memref<128x128xf32, #tpu.memory_space<vmem>>) target(%dma_start3A_175 : memref<10112x128xf32, #tpu.memory_space<vmem_shared>>) offsets(%dma_start3A_172 : memref<128xi32, #tpu.memory_space<vmem>>) semaphore(%arg25 : memref<!tpu.dma_semaphore, #tpu.memory_space<semaphore_mem>>) {add = true}
      %dma_wait3A_176 = arith.constant 0 : i32
      %dma_wait3A_177 = arith.constant 0 : i32
      %dma_wait3A_178 = tpu.memref_slice %arg8[%dma_wait3A_176, %dma_wait3A_177] : memref<4x128xi32, #tpu.memory_space<vmem>> -> memref<1x128xi32, #tpu.memory_space<vmem>>
      %dma_wait3A_179 = tpu.memref_squeeze %dma_wait3A_178 : memref<1x128xi32, #tpu.memory_space<vmem>> -> memref<128xi32, #tpu.memory_space<vmem>>
      %dma_wait3A_180 = arith.constant 0 : i32
      %dma_wait3A_181 = arith.constant 0 : i32
      %dma_wait3A_182 = tpu.memref_slice %arg17[%dma_wait3A_180, %dma_wait3A_181] : memref<10112x128xf32, #tpu.memory_space<vmem_shared>> -> memref<10112x128xf32, #tpu.memory_space<vmem_shared>>
      tpu.wait_indirect_dma semaphore(%arg25 : memref<!tpu.dma_semaphore, #tpu.memory_space<semaphore_mem>>) src(%arg16 : memref<128x128xf32, #tpu.memory_space<vmem>>) dst(%dma_wait3A_182 : memref<10112x128xf32, #tpu.memory_space<vmem_shared>>)
      %dma_start3A_183 = arith.constant 3 : i32
      %dma_start3A_184 = arith.constant 0 : i32
      %dma_start3A_185 = tpu.memref_slice %arg7[%dma_start3A_183, %dma_start3A_184] : memref<4x128xi32, #tpu.memory_space<vmem>> -> memref<1x128xi32, #tpu.memory_space<vmem>>
      %dma_start3A_186 = tpu.memref_squeeze %dma_start3A_185 : memref<1x128xi32, #tpu.memory_space<vmem>> -> memref<128xi32, #tpu.memory_space<vmem>>
      %dma_start3A_187 = arith.constant 0 : i32
      %dma_start3A_188 = arith.constant 0 : i32
      %dma_start3A_189 = tpu.memref_slice %arg2[%dma_start3A_187, %dma_start3A_188] : memref<10112x128xf32, #tpu.memory_space<hbm>> -> memref<10112x128xf32, #tpu.memory_space<hbm>>
      tpu.enqueue_indirect_dma source(%dma_start3A_189 : memref<10112x128xf32, #tpu.memory_space<hbm>>) target(%arg16 : memref<128x128xf32, #tpu.memory_space<vmem>>) offsets(%dma_start3A_186 : memref<128xi32, #tpu.memory_space<vmem>>) semaphore(%arg19 : memref<!tpu.dma_semaphore, #tpu.memory_space<semaphore_mem>>)
      %dma_wait3A_190 = arith.constant 2 : i32
      %dma_wait3A_191 = arith.constant 0 : i32
      %dma_wait3A_192 = tpu.memref_slice %arg7[%dma_wait3A_190, %dma_wait3A_191] : memref<4x128xi32, #tpu.memory_space<vmem>> -> memref<1x128xi32, #tpu.memory_space<vmem>>
      %dma_wait3A_193 = tpu.memref_squeeze %dma_wait3A_192 : memref<1x128xi32, #tpu.memory_space<vmem>> -> memref<128xi32, #tpu.memory_space<vmem>>
      %dma_wait3A_194 = arith.constant 0 : i32
      %dma_wait3A_195 = arith.constant 0 : i32
      %dma_wait3A_196 = tpu.memref_slice %arg2[%dma_wait3A_194, %dma_wait3A_195] : memref<10112x128xf32, #tpu.memory_space<hbm>> -> memref<10112x128xf32, #tpu.memory_space<hbm>>
      tpu.wait_indirect_dma semaphore(%arg18 : memref<!tpu.dma_semaphore, #tpu.memory_space<semaphore_mem>>) src(%dma_wait3A_196 : memref<10112x128xf32, #tpu.memory_space<hbm>>) dst(%arg15 : memref<128x128xf32, #tpu.memory_space<vmem>>)
      %dma_start3A_197 = arith.constant 2 : i32
      %dma_start3A_198 = arith.constant 0 : i32
      %dma_start3A_199 = tpu.memref_slice %arg8[%dma_start3A_197, %dma_start3A_198] : memref<4x128xi32, #tpu.memory_space<vmem>> -> memref<1x128xi32, #tpu.memory_space<vmem>>
      %dma_start3A_200 = tpu.memref_squeeze %dma_start3A_199 : memref<1x128xi32, #tpu.memory_space<vmem>> -> memref<128xi32, #tpu.memory_space<vmem>>
      %dma_start3A_201 = arith.constant 0 : i32
      %dma_start3A_202 = arith.constant 0 : i32
      %dma_start3A_203 = tpu.memref_slice %arg17[%dma_start3A_201, %dma_start3A_202] : memref<10112x128xf32, #tpu.memory_space<vmem_shared>> -> memref<10112x128xf32, #tpu.memory_space<vmem_shared>>
      tpu.enqueue_indirect_dma source(%arg15 : memref<128x128xf32, #tpu.memory_space<vmem>>) target(%dma_start3A_203 : memref<10112x128xf32, #tpu.memory_space<vmem_shared>>) offsets(%dma_start3A_200 : memref<128xi32, #tpu.memory_space<vmem>>) semaphore(%arg24 : memref<!tpu.dma_semaphore, #tpu.memory_space<semaphore_mem>>) {add = true}
      %dma_wait3A_204 = arith.constant 3 : i32
      %dma_wait3A_205 = arith.constant 0 : i32
      %dma_wait3A_206 = tpu.memref_slice %arg7[%dma_wait3A_204, %dma_wait3A_205] : memref<4x128xi32, #tpu.memory_space<vmem>> -> memref<1x128xi32, #tpu.memory_space<vmem>>
      %dma_wait3A_207 = tpu.memref_squeeze %dma_wait3A_206 : memref<1x128xi32, #tpu.memory_space<vmem>> -> memref<128xi32, #tpu.memory_space<vmem>>
      %dma_wait3A_208 = arith.constant 0 : i32
      %dma_wait3A_209 = arith.constant 0 : i32
      %dma_wait3A_210 = tpu.memref_slice %arg2[%dma_wait3A_208, %dma_wait3A_209] : memref<10112x128xf32, #tpu.memory_space<hbm>> -> memref<10112x128xf32, #tpu.memory_space<hbm>>
      tpu.wait_indirect_dma semaphore(%arg19 : memref<!tpu.dma_semaphore, #tpu.memory_space<semaphore_mem>>) src(%dma_wait3A_210 : memref<10112x128xf32, #tpu.memory_space<hbm>>) dst(%arg16 : memref<128x128xf32, #tpu.memory_space<vmem>>)
      %dma_start3A_211 = arith.constant 3 : i32
      %dma_start3A_212 = arith.constant 0 : i32
      %dma_start3A_213 = tpu.memref_slice %arg8[%dma_start3A_211, %dma_start3A_212] : memref<4x128xi32, #tpu.memory_space<vmem>> -> memref<1x128xi32, #tpu.memory_space<vmem>>
      %dma_start3A_214 = tpu.memref_squeeze %dma_start3A_213 : memref<1x128xi32, #tpu.memory_space<vmem>> -> memref<128xi32, #tpu.memory_space<vmem>>
      %dma_start3A_215 = arith.constant 0 : i32
      %dma_start3A_216 = arith.constant 0 : i32
      %dma_start3A_217 = tpu.memref_slice %arg17[%dma_start3A_215, %dma_start3A_216] : memref<10112x128xf32, #tpu.memory_space<vmem_shared>> -> memref<10112x128xf32, #tpu.memory_space<vmem_shared>>
      tpu.enqueue_indirect_dma source(%arg16 : memref<128x128xf32, #tpu.memory_space<vmem>>) target(%dma_start3A_217 : memref<10112x128xf32, #tpu.memory_space<vmem_shared>>) offsets(%dma_start3A_214 : memref<128xi32, #tpu.memory_space<vmem>>) semaphore(%arg25 : memref<!tpu.dma_semaphore, #tpu.memory_space<semaphore_mem>>) {add = true}
      %add3A_218 = arith.constant 3 : i32
      %add3A_219 = arith.addi %add3A_94, %add3A_218 : i32
      %lt3A = arith.constant 20 : i32
      %lt3A_220 = arith.cmpi slt, %add3A_219, %lt3A : i32
      %convert_element_type3A_221 = arith.extui %lt3A_220 : i1 to i32
      %cond3A_222 = arith.constant 0 : i32
      %cond3A_223 = arith.cmpi ne, %convert_element_type3A_221, %cond3A_222 : i32
      scf.if %cond3A_223 {
        %add3A_636 = arith.constant 3 : i32
        %add3A_637 = arith.addi %add3A_94, %add3A_636 : i32
        %dma_start3A_638 = arith.constant 0 : i32
        %dma_start3A_639 = arith.constant 0 : i32
        %dma_start3A_640 = tpu.memref_slice %arg3[%add3A, %add3A_637, %dma_start3A_638, %dma_start3A_639] : memref<32x20x4x128xi32, #tpu.memory_space<hbm>> -> memref<1x1x4x128xi32, #tpu.memory_space<hbm>>
        %dma_start3A_641 = tpu.memref_squeeze %dma_start3A_640 : memref<1x1x4x128xi32, #tpu.memory_space<hbm>> -> memref<4x128xi32, #tpu.memory_space<hbm>>
        %dma_start3A_642 = arith.constant 0 : i32
        %dma_start3A_643 = arith.constant 0 : i32
        %dma_start3A_644 = tpu.memref_slice %arg3[%add3A, %add3A_637, %dma_start3A_642, %dma_start3A_643] : memref<32x20x4x128xi32, #tpu.memory_space<hbm>> -> memref<1x1x4x128xi32, #tpu.memory_space<hbm>>
        %dma_start3A_645 = tpu.memref_squeeze %dma_start3A_644 : memref<1x1x4x128xi32, #tpu.memory_space<hbm>> -> memref<4x128xi32, #tpu.memory_space<hbm>>
        tpu.enqueue_dma source(%dma_start3A_645 : memref<4x128xi32, #tpu.memory_space<hbm>>) target(%arg13 : memref<4x128xi32, #tpu.memory_space<vmem>>) target_semaphore(%arg23 : memref<!tpu.dma_semaphore, #tpu.memory_space<semaphore_mem>>)
        %add3A_646 = arith.constant 3 : i32
        %add3A_647 = arith.addi %add3A_94, %add3A_646 : i32
        %dma_start3A_648 = arith.constant 0 : i32
        %dma_start3A_649 = arith.constant 0 : i32
        %dma_start3A_650 = tpu.memref_slice %arg4[%add3A, %add3A_647, %dma_start3A_648, %dma_start3A_649] : memref<32x20x4x128xi32, #tpu.memory_space<hbm>> -> memref<1x1x4x128xi32, #tpu.memory_space<hbm>>
        %dma_start3A_651 = tpu.memref_squeeze %dma_start3A_650 : memref<1x1x4x128xi32, #tpu.memory_space<hbm>> -> memref<4x128xi32, #tpu.memory_space<hbm>>
        %dma_start3A_652 = arith.constant 0 : i32
        %dma_start3A_653 = arith.constant 0 : i32
        %dma_start3A_654 = tpu.memref_slice %arg4[%add3A, %add3A_647, %dma_start3A_652, %dma_start3A_653] : memref<32x20x4x128xi32, #tpu.memory_space<hbm>> -> memref<1x1x4x128xi32, #tpu.memory_space<hbm>>
        %dma_start3A_655 = tpu.memref_squeeze %dma_start3A_654 : memref<1x1x4x128xi32, #tpu.memory_space<hbm>> -> memref<4x128xi32, #tpu.memory_space<hbm>>
        tpu.enqueue_dma source(%dma_start3A_655 : memref<4x128xi32, #tpu.memory_space<hbm>>) target(%arg14 : memref<4x128xi32, #tpu.memory_space<vmem>>) target_semaphore(%arg23 : memref<!tpu.dma_semaphore, #tpu.memory_space<semaphore_mem>>)
      } else {
      }
      %mul3A_224 = arith.constant 4 : i32
      %mul3A_225 = arith.muli %mul3A_224, %scan3A_89 : i32
      %add3A_226 = arith.constant 1 : i32
      %add3A_227 = arith.addi %mul3A_225, %add3A_226 : i32
      %dma_wait3A_228 = arith.constant 0 : i32
      %dma_wait3A_229 = arith.constant 0 : i32
      %dma_wait3A_230 = arith.constant 0 : i32
      %dma_wait3A_231 = tpu.memref_slice %arg3[%add3A, %dma_wait3A_228, %dma_wait3A_229, %dma_wait3A_230] : memref<32x20x4x128xi32, #tpu.memory_space<hbm>> -> memref<1x1x4x128xi32, #tpu.memory_space<hbm>>
      %dma_wait3A_232 = tpu.memref_squeeze %dma_wait3A_231 : memref<1x1x4x128xi32, #tpu.memory_space<hbm>> -> memref<4x128xi32, #tpu.memory_space<hbm>>
      %dma_wait3A_233 = arith.constant 0 : i32
      %dma_wait3A_234 = arith.constant 0 : i32
      %dma_wait3A_235 = tpu.memref_slice %arg3[%add3A, %dma_wait3A_228, %dma_wait3A_233, %dma_wait3A_234] : memref<32x20x4x128xi32, #tpu.memory_space<hbm>> -> memref<1x1x4x128xi32, #tpu.memory_space<hbm>>
      %dma_wait3A_236 = tpu.memref_squeeze %dma_wait3A_235 : memref<1x1x4x128xi32, #tpu.memory_space<hbm>> -> memref<4x128xi32, #tpu.memory_space<hbm>>
      tpu.wait_dma2 semaphore(%arg21 : memref<!tpu.dma_semaphore, #tpu.memory_space<semaphore_mem>>) src(%dma_wait3A_236 : memref<4x128xi32, #tpu.memory_space<hbm>>) dst(%arg9 : memref<4x128xi32, #tpu.memory_space<vmem>>)
      %dma_wait3A_237 = arith.constant 0 : i32
      %dma_wait3A_238 = arith.constant 0 : i32
      %dma_wait3A_239 = arith.constant 0 : i32
      %dma_wait3A_240 = tpu.memref_slice %arg4[%add3A, %dma_wait3A_237, %dma_wait3A_238, %dma_wait3A_239] : memref<32x20x4x128xi32, #tpu.memory_space<hbm>> -> memref<1x1x4x128xi32, #tpu.memory_space<hbm>>
      %dma_wait3A_241 = tpu.memref_squeeze %dma_wait3A_240 : memref<1x1x4x128xi32, #tpu.memory_space<hbm>> -> memref<4x128xi32, #tpu.memory_space<hbm>>
      %dma_wait3A_242 = arith.constant 0 : i32
      %dma_wait3A_243 = arith.constant 0 : i32
      %dma_wait3A_244 = tpu.memref_slice %arg4[%add3A, %dma_wait3A_237, %dma_wait3A_242, %dma_wait3A_243] : memref<32x20x4x128xi32, #tpu.memory_space<hbm>> -> memref<1x1x4x128xi32, #tpu.memory_space<hbm>>
      %dma_wait3A_245 = tpu.memref_squeeze %dma_wait3A_244 : memref<1x1x4x128xi32, #tpu.memory_space<hbm>> -> memref<4x128xi32, #tpu.memory_space<hbm>>
      tpu.wait_dma2 semaphore(%arg21 : memref<!tpu.dma_semaphore, #tpu.memory_space<semaphore_mem>>) src(%dma_wait3A_245 : memref<4x128xi32, #tpu.memory_space<hbm>>) dst(%arg10 : memref<4x128xi32, #tpu.memory_space<vmem>>)
      %gt3A_246 = arith.constant 0 : i32
      %gt3A_247 = arith.cmpi sgt, %add3A_227, %gt3A_246 : i32
      %convert_element_type3A_248 = arith.extui %gt3A_247 : i1 to i32
      %cond3A_249 = arith.constant 0 : i32
      %cond3A_250 = arith.cmpi ne, %convert_element_type3A_248, %cond3A_249 : i32
      scf.if %cond3A_250 {
        %dma_wait3A_636 = arith.constant 0 : i32
        %dma_wait3A_637 = arith.constant 0 : i32
        %dma_wait3A_638 = tpu.memref_slice %arg8[%dma_wait3A_636, %dma_wait3A_637] : memref<4x128xi32, #tpu.memory_space<vmem>> -> memref<1x128xi32, #tpu.memory_space<vmem>>
        %dma_wait3A_639 = tpu.memref_squeeze %dma_wait3A_638 : memref<1x128xi32, #tpu.memory_space<vmem>> -> memref<128xi32, #tpu.memory_space<vmem>>
        %dma_wait3A_640 = arith.constant 0 : i32
        %dma_wait3A_641 = arith.constant 0 : i32
        %dma_wait3A_642 = tpu.memref_slice %arg17[%dma_wait3A_640, %dma_wait3A_641] : memref<10112x128xf32, #tpu.memory_space<vmem_shared>> -> memref<10112x128xf32, #tpu.memory_space<vmem_shared>>
        tpu.wait_indirect_dma semaphore(%arg24 : memref<!tpu.dma_semaphore, #tpu.memory_space<semaphore_mem>>) src(%arg15 : memref<128x128xf32, #tpu.memory_space<vmem>>) dst(%dma_wait3A_642 : memref<10112x128xf32, #tpu.memory_space<vmem_shared>>)
      } else {
      }
      %dma_start3A_251 = arith.constant 0 : i32
      %dma_start3A_252 = arith.constant 0 : i32
      %dma_start3A_253 = tpu.memref_slice %arg9[%dma_start3A_251, %dma_start3A_252] : memref<4x128xi32, #tpu.memory_space<vmem>> -> memref<1x128xi32, #tpu.memory_space<vmem>>
      %dma_start3A_254 = tpu.memref_squeeze %dma_start3A_253 : memref<1x128xi32, #tpu.memory_space<vmem>> -> memref<128xi32, #tpu.memory_space<vmem>>
      %dma_start3A_255 = arith.constant 0 : i32
      %dma_start3A_256 = arith.constant 0 : i32
      %dma_start3A_257 = tpu.memref_slice %arg2[%dma_start3A_255, %dma_start3A_256] : memref<10112x128xf32, #tpu.memory_space<hbm>> -> memref<10112x128xf32, #tpu.memory_space<hbm>>
      tpu.enqueue_indirect_dma source(%dma_start3A_257 : memref<10112x128xf32, #tpu.memory_space<hbm>>) target(%arg15 : memref<128x128xf32, #tpu.memory_space<vmem>>) offsets(%dma_start3A_254 : memref<128xi32, #tpu.memory_space<vmem>>) semaphore(%arg18 : memref<!tpu.dma_semaphore, #tpu.memory_space<semaphore_mem>>)
      %gt3A_258 = arith.constant 0 : i32
      %gt3A_259 = arith.cmpi sgt, %add3A_227, %gt3A_258 : i32
      %convert_element_type3A_260 = arith.extui %gt3A_259 : i1 to i32
      %cond3A_261 = arith.constant 0 : i32
      %cond3A_262 = arith.cmpi ne, %convert_element_type3A_260, %cond3A_261 : i32
      scf.if %cond3A_262 {
        %dma_wait3A_636 = arith.constant 0 : i32
        %dma_wait3A_637 = arith.constant 0 : i32
        %dma_wait3A_638 = tpu.memref_slice %arg8[%dma_wait3A_636, %dma_wait3A_637] : memref<4x128xi32, #tpu.memory_space<vmem>> -> memref<1x128xi32, #tpu.memory_space<vmem>>
        %dma_wait3A_639 = tpu.memref_squeeze %dma_wait3A_638 : memref<1x128xi32, #tpu.memory_space<vmem>> -> memref<128xi32, #tpu.memory_space<vmem>>
        %dma_wait3A_640 = arith.constant 0 : i32
        %dma_wait3A_641 = arith.constant 0 : i32
        %dma_wait3A_642 = tpu.memref_slice %arg17[%dma_wait3A_640, %dma_wait3A_641] : memref<10112x128xf32, #tpu.memory_space<vmem_shared>> -> memref<10112x128xf32, #tpu.memory_space<vmem_shared>>
        tpu.wait_indirect_dma semaphore(%arg25 : memref<!tpu.dma_semaphore, #tpu.memory_space<semaphore_mem>>) src(%arg16 : memref<128x128xf32, #tpu.memory_space<vmem>>) dst(%dma_wait3A_642 : memref<10112x128xf32, #tpu.memory_space<vmem_shared>>)
      } else {
      }
      %dma_start3A_263 = arith.constant 1 : i32
      %dma_start3A_264 = arith.constant 0 : i32
      %dma_start3A_265 = tpu.memref_slice %arg9[%dma_start3A_263, %dma_start3A_264] : memref<4x128xi32, #tpu.memory_space<vmem>> -> memref<1x128xi32, #tpu.memory_space<vmem>>
      %dma_start3A_266 = tpu.memref_squeeze %dma_start3A_265 : memref<1x128xi32, #tpu.memory_space<vmem>> -> memref<128xi32, #tpu.memory_space<vmem>>
      %dma_start3A_267 = arith.constant 0 : i32
      %dma_start3A_268 = arith.constant 0 : i32
      %dma_start3A_269 = tpu.memref_slice %arg2[%dma_start3A_267, %dma_start3A_268] : memref<10112x128xf32, #tpu.memory_space<hbm>> -> memref<10112x128xf32, #tpu.memory_space<hbm>>
      tpu.enqueue_indirect_dma source(%dma_start3A_269 : memref<10112x128xf32, #tpu.memory_space<hbm>>) target(%arg16 : memref<128x128xf32, #tpu.memory_space<vmem>>) offsets(%dma_start3A_266 : memref<128xi32, #tpu.memory_space<vmem>>) semaphore(%arg19 : memref<!tpu.dma_semaphore, #tpu.memory_space<semaphore_mem>>)
      %dma_wait3A_270 = arith.constant 0 : i32
      %dma_wait3A_271 = arith.constant 0 : i32
      %dma_wait3A_272 = tpu.memref_slice %arg9[%dma_wait3A_270, %dma_wait3A_271] : memref<4x128xi32, #tpu.memory_space<vmem>> -> memref<1x128xi32, #tpu.memory_space<vmem>>
      %dma_wait3A_273 = tpu.memref_squeeze %dma_wait3A_272 : memref<1x128xi32, #tpu.memory_space<vmem>> -> memref<128xi32, #tpu.memory_space<vmem>>
      %dma_wait3A_274 = arith.constant 0 : i32
      %dma_wait3A_275 = arith.constant 0 : i32
      %dma_wait3A_276 = tpu.memref_slice %arg2[%dma_wait3A_274, %dma_wait3A_275] : memref<10112x128xf32, #tpu.memory_space<hbm>> -> memref<10112x128xf32, #tpu.memory_space<hbm>>
      tpu.wait_indirect_dma semaphore(%arg18 : memref<!tpu.dma_semaphore, #tpu.memory_space<semaphore_mem>>) src(%dma_wait3A_276 : memref<10112x128xf32, #tpu.memory_space<hbm>>) dst(%arg15 : memref<128x128xf32, #tpu.memory_space<vmem>>)
      %dma_start3A_277 = arith.constant 0 : i32
      %dma_start3A_278 = arith.constant 0 : i32
      %dma_start3A_279 = tpu.memref_slice %arg10[%dma_start3A_277, %dma_start3A_278] : memref<4x128xi32, #tpu.memory_space<vmem>> -> memref<1x128xi32, #tpu.memory_space<vmem>>
      %dma_start3A_280 = tpu.memref_squeeze %dma_start3A_279 : memref<1x128xi32, #tpu.memory_space<vmem>> -> memref<128xi32, #tpu.memory_space<vmem>>
      %dma_start3A_281 = arith.constant 0 : i32
      %dma_start3A_282 = arith.constant 0 : i32
      %dma_start3A_283 = tpu.memref_slice %arg17[%dma_start3A_281, %dma_start3A_282] : memref<10112x128xf32, #tpu.memory_space<vmem_shared>> -> memref<10112x128xf32, #tpu.memory_space<vmem_shared>>
      tpu.enqueue_indirect_dma source(%arg15 : memref<128x128xf32, #tpu.memory_space<vmem>>) target(%dma_start3A_283 : memref<10112x128xf32, #tpu.memory_space<vmem_shared>>) offsets(%dma_start3A_280 : memref<128xi32, #tpu.memory_space<vmem>>) semaphore(%arg24 : memref<!tpu.dma_semaphore, #tpu.memory_space<semaphore_mem>>) {add = true}
      %dma_wait3A_284 = arith.constant 0 : i32
      %dma_wait3A_285 = arith.constant 0 : i32
      %dma_wait3A_286 = tpu.memref_slice %arg8[%dma_wait3A_284, %dma_wait3A_285] : memref<4x128xi32, #tpu.memory_space<vmem>> -> memref<1x128xi32, #tpu.memory_space<vmem>>
      %dma_wait3A_287 = tpu.memref_squeeze %dma_wait3A_286 : memref<1x128xi32, #tpu.memory_space<vmem>> -> memref<128xi32, #tpu.memory_space<vmem>>
      %dma_wait3A_288 = arith.constant 0 : i32
      %dma_wait3A_289 = arith.constant 0 : i32
      %dma_wait3A_290 = tpu.memref_slice %arg17[%dma_wait3A_288, %dma_wait3A_289] : memref<10112x128xf32, #tpu.memory_space<vmem_shared>> -> memref<10112x128xf32, #tpu.memory_space<vmem_shared>>
      tpu.wait_indirect_dma semaphore(%arg24 : memref<!tpu.dma_semaphore, #tpu.memory_space<semaphore_mem>>) src(%arg15 : memref<128x128xf32, #tpu.memory_space<vmem>>) dst(%dma_wait3A_290 : memref<10112x128xf32, #tpu.memory_space<vmem_shared>>)
      %dma_start3A_291 = arith.constant 2 : i32
      %dma_start3A_292 = arith.constant 0 : i32
      %dma_start3A_293 = tpu.memref_slice %arg9[%dma_start3A_291, %dma_start3A_292] : memref<4x128xi32, #tpu.memory_space<vmem>> -> memref<1x128xi32, #tpu.memory_space<vmem>>
      %dma_start3A_294 = tpu.memref_squeeze %dma_start3A_293 : memref<1x128xi32, #tpu.memory_space<vmem>> -> memref<128xi32, #tpu.memory_space<vmem>>
      %dma_start3A_295 = arith.constant 0 : i32
      %dma_start3A_296 = arith.constant 0 : i32
      %dma_start3A_297 = tpu.memref_slice %arg2[%dma_start3A_295, %dma_start3A_296] : memref<10112x128xf32, #tpu.memory_space<hbm>> -> memref<10112x128xf32, #tpu.memory_space<hbm>>
      tpu.enqueue_indirect_dma source(%dma_start3A_297 : memref<10112x128xf32, #tpu.memory_space<hbm>>) target(%arg15 : memref<128x128xf32, #tpu.memory_space<vmem>>) offsets(%dma_start3A_294 : memref<128xi32, #tpu.memory_space<vmem>>) semaphore(%arg18 : memref<!tpu.dma_semaphore, #tpu.memory_space<semaphore_mem>>)
      %dma_wait3A_298 = arith.constant 1 : i32
      %dma_wait3A_299 = arith.constant 0 : i32
      %dma_wait3A_300 = tpu.memref_slice %arg9[%dma_wait3A_298, %dma_wait3A_299] : memref<4x128xi32, #tpu.memory_space<vmem>> -> memref<1x128xi32, #tpu.memory_space<vmem>>
      %dma_wait3A_301 = tpu.memref_squeeze %dma_wait3A_300 : memref<1x128xi32, #tpu.memory_space<vmem>> -> memref<128xi32, #tpu.memory_space<vmem>>
      %dma_wait3A_302 = arith.constant 0 : i32
      %dma_wait3A_303 = arith.constant 0 : i32
      %dma_wait3A_304 = tpu.memref_slice %arg2[%dma_wait3A_302, %dma_wait3A_303] : memref<10112x128xf32, #tpu.memory_space<hbm>> -> memref<10112x128xf32, #tpu.memory_space<hbm>>
      tpu.wait_indirect_dma semaphore(%arg19 : memref<!tpu.dma_semaphore, #tpu.memory_space<semaphore_mem>>) src(%dma_wait3A_304 : memref<10112x128xf32, #tpu.memory_space<hbm>>) dst(%arg16 : memref<128x128xf32, #tpu.memory_space<vmem>>)
      %dma_start3A_305 = arith.constant 1 : i32
      %dma_start3A_306 = arith.constant 0 : i32
      %dma_start3A_307 = tpu.memref_slice %arg10[%dma_start3A_305, %dma_start3A_306] : memref<4x128xi32, #tpu.memory_space<vmem>> -> memref<1x128xi32, #tpu.memory_space<vmem>>
      %dma_start3A_308 = tpu.memref_squeeze %dma_start3A_307 : memref<1x128xi32, #tpu.memory_space<vmem>> -> memref<128xi32, #tpu.memory_space<vmem>>
      %dma_start3A_309 = arith.constant 0 : i32
      %dma_start3A_310 = arith.constant 0 : i32
      %dma_start3A_311 = tpu.memref_slice %arg17[%dma_start3A_309, %dma_start3A_310] : memref<10112x128xf32, #tpu.memory_space<vmem_shared>> -> memref<10112x128xf32, #tpu.memory_space<vmem_shared>>
      tpu.enqueue_indirect_dma source(%arg16 : memref<128x128xf32, #tpu.memory_space<vmem>>) target(%dma_start3A_311 : memref<10112x128xf32, #tpu.memory_space<vmem_shared>>) offsets(%dma_start3A_308 : memref<128xi32, #tpu.memory_space<vmem>>) semaphore(%arg25 : memref<!tpu.dma_semaphore, #tpu.memory_space<semaphore_mem>>) {add = true}
      %dma_wait3A_312 = arith.constant 0 : i32
      %dma_wait3A_313 = arith.constant 0 : i32
      %dma_wait3A_314 = tpu.memref_slice %arg8[%dma_wait3A_312, %dma_wait3A_313] : memref<4x128xi32, #tpu.memory_space<vmem>> -> memref<1x128xi32, #tpu.memory_space<vmem>>
      %dma_wait3A_315 = tpu.memref_squeeze %dma_wait3A_314 : memref<1x128xi32, #tpu.memory_space<vmem>> -> memref<128xi32, #tpu.memory_space<vmem>>
      %dma_wait3A_316 = arith.constant 0 : i32
      %dma_wait3A_317 = arith.constant 0 : i32
      %dma_wait3A_318 = tpu.memref_slice %arg17[%dma_wait3A_316, %dma_wait3A_317] : memref<10112x128xf32, #tpu.memory_space<vmem_shared>> -> memref<10112x128xf32, #tpu.memory_space<vmem_shared>>
      tpu.wait_indirect_dma semaphore(%arg25 : memref<!tpu.dma_semaphore, #tpu.memory_space<semaphore_mem>>) src(%arg16 : memref<128x128xf32, #tpu.memory_space<vmem>>) dst(%dma_wait3A_318 : memref<10112x128xf32, #tpu.memory_space<vmem_shared>>)
      %dma_start3A_319 = arith.constant 3 : i32
      %dma_start3A_320 = arith.constant 0 : i32
      %dma_start3A_321 = tpu.memref_slice %arg9[%dma_start3A_319, %dma_start3A_320] : memref<4x128xi32, #tpu.memory_space<vmem>> -> memref<1x128xi32, #tpu.memory_space<vmem>>
      %dma_start3A_322 = tpu.memref_squeeze %dma_start3A_321 : memref<1x128xi32, #tpu.memory_space<vmem>> -> memref<128xi32, #tpu.memory_space<vmem>>
      %dma_start3A_323 = arith.constant 0 : i32
      %dma_start3A_324 = arith.constant 0 : i32
      %dma_start3A_325 = tpu.memref_slice %arg2[%dma_start3A_323, %dma_start3A_324] : memref<10112x128xf32, #tpu.memory_space<hbm>> -> memref<10112x128xf32, #tpu.memory_space<hbm>>
      tpu.enqueue_indirect_dma source(%dma_start3A_325 : memref<10112x128xf32, #tpu.memory_space<hbm>>) target(%arg16 : memref<128x128xf32, #tpu.memory_space<vmem>>) offsets(%dma_start3A_322 : memref<128xi32, #tpu.memory_space<vmem>>) semaphore(%arg19 : memref<!tpu.dma_semaphore, #tpu.memory_space<semaphore_mem>>)
      %dma_wait3A_326 = arith.constant 2 : i32
      %dma_wait3A_327 = arith.constant 0 : i32
      %dma_wait3A_328 = tpu.memref_slice %arg9[%dma_wait3A_326, %dma_wait3A_327] : memref<4x128xi32, #tpu.memory_space<vmem>> -> memref<1x128xi32, #tpu.memory_space<vmem>>
      %dma_wait3A_329 = tpu.memref_squeeze %dma_wait3A_328 : memref<1x128xi32, #tpu.memory_space<vmem>> -> memref<128xi32, #tpu.memory_space<vmem>>
      %dma_wait3A_330 = arith.constant 0 : i32
      %dma_wait3A_331 = arith.constant 0 : i32
      %dma_wait3A_332 = tpu.memref_slice %arg2[%dma_wait3A_330, %dma_wait3A_331] : memref<10112x128xf32, #tpu.memory_space<hbm>> -> memref<10112x128xf32, #tpu.memory_space<hbm>>
      tpu.wait_indirect_dma semaphore(%arg18 : memref<!tpu.dma_semaphore, #tpu.memory_space<semaphore_mem>>) src(%dma_wait3A_332 : memref<10112x128xf32, #tpu.memory_space<hbm>>) dst(%arg15 : memref<128x128xf32, #tpu.memory_space<vmem>>)
      %dma_start3A_333 = arith.constant 2 : i32
      %dma_start3A_334 = arith.constant 0 : i32
      %dma_start3A_335 = tpu.memref_slice %arg10[%dma_start3A_333, %dma_start3A_334] : memref<4x128xi32, #tpu.memory_space<vmem>> -> memref<1x128xi32, #tpu.memory_space<vmem>>
      %dma_start3A_336 = tpu.memref_squeeze %dma_start3A_335 : memref<1x128xi32, #tpu.memory_space<vmem>> -> memref<128xi32, #tpu.memory_space<vmem>>
      %dma_start3A_337 = arith.constant 0 : i32
      %dma_start3A_338 = arith.constant 0 : i32
      %dma_start3A_339 = tpu.memref_slice %arg17[%dma_start3A_337, %dma_start3A_338] : memref<10112x128xf32, #tpu.memory_space<vmem_shared>> -> memref<10112x128xf32, #tpu.memory_space<vmem_shared>>
      tpu.enqueue_indirect_dma source(%arg15 : memref<128x128xf32, #tpu.memory_space<vmem>>) target(%dma_start3A_339 : memref<10112x128xf32, #tpu.memory_space<vmem_shared>>) offsets(%dma_start3A_336 : memref<128xi32, #tpu.memory_space<vmem>>) semaphore(%arg24 : memref<!tpu.dma_semaphore, #tpu.memory_space<semaphore_mem>>) {add = true}
      %dma_wait3A_340 = arith.constant 3 : i32
      %dma_wait3A_341 = arith.constant 0 : i32
      %dma_wait3A_342 = tpu.memref_slice %arg9[%dma_wait3A_340, %dma_wait3A_341] : memref<4x128xi32, #tpu.memory_space<vmem>> -> memref<1x128xi32, #tpu.memory_space<vmem>>
      %dma_wait3A_343 = tpu.memref_squeeze %dma_wait3A_342 : memref<1x128xi32, #tpu.memory_space<vmem>> -> memref<128xi32, #tpu.memory_space<vmem>>
      %dma_wait3A_344 = arith.constant 0 : i32
      %dma_wait3A_345 = arith.constant 0 : i32
      %dma_wait3A_346 = tpu.memref_slice %arg2[%dma_wait3A_344, %dma_wait3A_345] : memref<10112x128xf32, #tpu.memory_space<hbm>> -> memref<10112x128xf32, #tpu.memory_space<hbm>>
      tpu.wait_indirect_dma semaphore(%arg19 : memref<!tpu.dma_semaphore, #tpu.memory_space<semaphore_mem>>) src(%dma_wait3A_346 : memref<10112x128xf32, #tpu.memory_space<hbm>>) dst(%arg16 : memref<128x128xf32, #tpu.memory_space<vmem>>)
      %dma_start3A_347 = arith.constant 3 : i32
      %dma_start3A_348 = arith.constant 0 : i32
      %dma_start3A_349 = tpu.memref_slice %arg10[%dma_start3A_347, %dma_start3A_348] : memref<4x128xi32, #tpu.memory_space<vmem>> -> memref<1x128xi32, #tpu.memory_space<vmem>>
      %dma_start3A_350 = tpu.memref_squeeze %dma_start3A_349 : memref<1x128xi32, #tpu.memory_space<vmem>> -> memref<128xi32, #tpu.memory_space<vmem>>
      %dma_start3A_351 = arith.constant 0 : i32
      %dma_start3A_352 = arith.constant 0 : i32
      %dma_start3A_353 = tpu.memref_slice %arg17[%dma_start3A_351, %dma_start3A_352] : memref<10112x128xf32, #tpu.memory_space<vmem_shared>> -> memref<10112x128xf32, #tpu.memory_space<vmem_shared>>
      tpu.enqueue_indirect_dma source(%arg16 : memref<128x128xf32, #tpu.memory_space<vmem>>) target(%dma_start3A_353 : memref<10112x128xf32, #tpu.memory_space<vmem_shared>>) offsets(%dma_start3A_350 : memref<128xi32, #tpu.memory_space<vmem>>) semaphore(%arg25 : memref<!tpu.dma_semaphore, #tpu.memory_space<semaphore_mem>>) {add = true}
      %add3A_354 = arith.constant 3 : i32
      %add3A_355 = arith.addi %add3A_227, %add3A_354 : i32
      %lt3A_356 = arith.constant 20 : i32
      %lt3A_357 = arith.cmpi slt, %add3A_355, %lt3A_356 : i32
      %convert_element_type3A_358 = arith.extui %lt3A_357 : i1 to i32
      %cond3A_359 = arith.constant 0 : i32
      %cond3A_360 = arith.cmpi ne, %convert_element_type3A_358, %cond3A_359 : i32
      scf.if %cond3A_360 {
        %add3A_636 = arith.constant 3 : i32
        %add3A_637 = arith.addi %add3A_227, %add3A_636 : i32
        %dma_start3A_638 = arith.constant 0 : i32
        %dma_start3A_639 = arith.constant 0 : i32
        %dma_start3A_640 = tpu.memref_slice %arg3[%add3A, %add3A_637, %dma_start3A_638, %dma_start3A_639] : memref<32x20x4x128xi32, #tpu.memory_space<hbm>> -> memref<1x1x4x128xi32, #tpu.memory_space<hbm>>
        %dma_start3A_641 = tpu.memref_squeeze %dma_start3A_640 : memref<1x1x4x128xi32, #tpu.memory_space<hbm>> -> memref<4x128xi32, #tpu.memory_space<hbm>>
        %dma_start3A_642 = arith.constant 0 : i32
        %dma_start3A_643 = arith.constant 0 : i32
        %dma_start3A_644 = tpu.memref_slice %arg3[%add3A, %add3A_637, %dma_start3A_642, %dma_start3A_643] : memref<32x20x4x128xi32, #tpu.memory_space<hbm>> -> memref<1x1x4x128xi32, #tpu.memory_space<hbm>>
        %dma_start3A_645 = tpu.memref_squeeze %dma_start3A_644 : memref<1x1x4x128xi32, #tpu.memory_space<hbm>> -> memref<4x128xi32, #tpu.memory_space<hbm>>
        tpu.enqueue_dma source(%dma_start3A_645 : memref<4x128xi32, #tpu.memory_space<hbm>>) target(%arg7 : memref<4x128xi32, #tpu.memory_space<vmem>>) target_semaphore(%arg20 : memref<!tpu.dma_semaphore, #tpu.memory_space<semaphore_mem>>)
        %add3A_646 = arith.constant 3 : i32
        %add3A_647 = arith.addi %add3A_227, %add3A_646 : i32
        %dma_start3A_648 = arith.constant 0 : i32
        %dma_start3A_649 = arith.constant 0 : i32
        %dma_start3A_650 = tpu.memref_slice %arg4[%add3A, %add3A_647, %dma_start3A_648, %dma_start3A_649] : memref<32x20x4x128xi32, #tpu.memory_space<hbm>> -> memref<1x1x4x128xi32, #tpu.memory_space<hbm>>
        %dma_start3A_651 = tpu.memref_squeeze %dma_start3A_650 : memref<1x1x4x128xi32, #tpu.memory_space<hbm>> -> memref<4x128xi32, #tpu.memory_space<hbm>>
        %dma_start3A_652 = arith.constant 0 : i32
        %dma_start3A_653 = arith.constant 0 : i32
        %dma_start3A_654 = tpu.memref_slice %arg4[%add3A, %add3A_647, %dma_start3A_652, %dma_start3A_653] : memref<32x20x4x128xi32, #tpu.memory_space<hbm>> -> memref<1x1x4x128xi32, #tpu.memory_space<hbm>>
        %dma_start3A_655 = tpu.memref_squeeze %dma_start3A_654 : memref<1x1x4x128xi32, #tpu.memory_space<hbm>> -> memref<4x128xi32, #tpu.memory_space<hbm>>
        tpu.enqueue_dma source(%dma_start3A_655 : memref<4x128xi32, #tpu.memory_space<hbm>>) target(%arg8 : memref<4x128xi32, #tpu.memory_space<vmem>>) target_semaphore(%arg20 : memref<!tpu.dma_semaphore, #tpu.memory_space<semaphore_mem>>)
      } else {
      }
      %mul3A_361 = arith.constant 4 : i32
      %mul3A_362 = arith.muli %mul3A_361, %scan3A_89 : i32
      %add3A_363 = arith.constant 2 : i32
      %add3A_364 = arith.addi %mul3A_362, %add3A_363 : i32
      %dma_wait3A_365 = arith.constant 0 : i32
      %dma_wait3A_366 = arith.constant 0 : i32
      %dma_wait3A_367 = arith.constant 0 : i32
      %dma_wait3A_368 = tpu.memref_slice %arg3[%add3A, %dma_wait3A_365, %dma_wait3A_366, %dma_wait3A_367] : memref<32x20x4x128xi32, #tpu.memory_space<hbm>> -> memref<1x1x4x128xi32, #tpu.memory_space<hbm>>
      %dma_wait3A_369 = tpu.memref_squeeze %dma_wait3A_368 : memref<1x1x4x128xi32, #tpu.memory_space<hbm>> -> memref<4x128xi32, #tpu.memory_space<hbm>>
      %dma_wait3A_370 = arith.constant 0 : i32
      %dma_wait3A_371 = arith.constant 0 : i32
      %dma_wait3A_372 = tpu.memref_slice %arg3[%add3A, %dma_wait3A_365, %dma_wait3A_370, %dma_wait3A_371] : memref<32x20x4x128xi32, #tpu.memory_space<hbm>> -> memref<1x1x4x128xi32, #tpu.memory_space<hbm>>
      %dma_wait3A_373 = tpu.memref_squeeze %dma_wait3A_372 : memref<1x1x4x128xi32, #tpu.memory_space<hbm>> -> memref<4x128xi32, #tpu.memory_space<hbm>>
      tpu.wait_dma2 semaphore(%arg22 : memref<!tpu.dma_semaphore, #tpu.memory_space<semaphore_mem>>) src(%dma_wait3A_373 : memref<4x128xi32, #tpu.memory_space<hbm>>) dst(%arg11 : memref<4x128xi32, #tpu.memory_space<vmem>>)
      %dma_wait3A_374 = arith.constant 0 : i32
      %dma_wait3A_375 = arith.constant 0 : i32
      %dma_wait3A_376 = arith.constant 0 : i32
      %dma_wait3A_377 = tpu.memref_slice %arg4[%add3A, %dma_wait3A_374, %dma_wait3A_375, %dma_wait3A_376] : memref<32x20x4x128xi32, #tpu.memory_space<hbm>> -> memref<1x1x4x128xi32, #tpu.memory_space<hbm>>
      %dma_wait3A_378 = tpu.memref_squeeze %dma_wait3A_377 : memref<1x1x4x128xi32, #tpu.memory_space<hbm>> -> memref<4x128xi32, #tpu.memory_space<hbm>>
      %dma_wait3A_379 = arith.constant 0 : i32
      %dma_wait3A_380 = arith.constant 0 : i32
      %dma_wait3A_381 = tpu.memref_slice %arg4[%add3A, %dma_wait3A_374, %dma_wait3A_379, %dma_wait3A_380] : memref<32x20x4x128xi32, #tpu.memory_space<hbm>> -> memref<1x1x4x128xi32, #tpu.memory_space<hbm>>
      %dma_wait3A_382 = tpu.memref_squeeze %dma_wait3A_381 : memref<1x1x4x128xi32, #tpu.memory_space<hbm>> -> memref<4x128xi32, #tpu.memory_space<hbm>>
      tpu.wait_dma2 semaphore(%arg22 : memref<!tpu.dma_semaphore, #tpu.memory_space<semaphore_mem>>) src(%dma_wait3A_382 : memref<4x128xi32, #tpu.memory_space<hbm>>) dst(%arg12 : memref<4x128xi32, #tpu.memory_space<vmem>>)
      %gt3A_383 = arith.constant 0 : i32
      %gt3A_384 = arith.cmpi sgt, %add3A_364, %gt3A_383 : i32
      %convert_element_type3A_385 = arith.extui %gt3A_384 : i1 to i32
      %cond3A_386 = arith.constant 0 : i32
      %cond3A_387 = arith.cmpi ne, %convert_element_type3A_385, %cond3A_386 : i32
      scf.if %cond3A_387 {
        %dma_wait3A_636 = arith.constant 0 : i32
        %dma_wait3A_637 = arith.constant 0 : i32
        %dma_wait3A_638 = tpu.memref_slice %arg8[%dma_wait3A_636, %dma_wait3A_637] : memref<4x128xi32, #tpu.memory_space<vmem>> -> memref<1x128xi32, #tpu.memory_space<vmem>>
        %dma_wait3A_639 = tpu.memref_squeeze %dma_wait3A_638 : memref<1x128xi32, #tpu.memory_space<vmem>> -> memref<128xi32, #tpu.memory_space<vmem>>
        %dma_wait3A_640 = arith.constant 0 : i32
        %dma_wait3A_641 = arith.constant 0 : i32
        %dma_wait3A_642 = tpu.memref_slice %arg17[%dma_wait3A_640, %dma_wait3A_641] : memref<10112x128xf32, #tpu.memory_space<vmem_shared>> -> memref<10112x128xf32, #tpu.memory_space<vmem_shared>>
        tpu.wait_indirect_dma semaphore(%arg24 : memref<!tpu.dma_semaphore, #tpu.memory_space<semaphore_mem>>) src(%arg15 : memref<128x128xf32, #tpu.memory_space<vmem>>) dst(%dma_wait3A_642 : memref<10112x128xf32, #tpu.memory_space<vmem_shared>>)
      } else {
      }
      %dma_start3A_388 = arith.constant 0 : i32
      %dma_start3A_389 = arith.constant 0 : i32
      %dma_start3A_390 = tpu.memref_slice %arg11[%dma_start3A_388, %dma_start3A_389] : memref<4x128xi32, #tpu.memory_space<vmem>> -> memref<1x128xi32, #tpu.memory_space<vmem>>
      %dma_start3A_391 = tpu.memref_squeeze %dma_start3A_390 : memref<1x128xi32, #tpu.memory_space<vmem>> -> memref<128xi32, #tpu.memory_space<vmem>>
      %dma_start3A_392 = arith.constant 0 : i32
      %dma_start3A_393 = arith.constant 0 : i32
      %dma_start3A_394 = tpu.memref_slice %arg2[%dma_start3A_392, %dma_start3A_393] : memref<10112x128xf32, #tpu.memory_space<hbm>> -> memref<10112x128xf32, #tpu.memory_space<hbm>>
      tpu.enqueue_indirect_dma source(%dma_start3A_394 : memref<10112x128xf32, #tpu.memory_space<hbm>>) target(%arg15 : memref<128x128xf32, #tpu.memory_space<vmem>>) offsets(%dma_start3A_391 : memref<128xi32, #tpu.memory_space<vmem>>) semaphore(%arg18 : memref<!tpu.dma_semaphore, #tpu.memory_space<semaphore_mem>>)
      %gt3A_395 = arith.constant 0 : i32
      %gt3A_396 = arith.cmpi sgt, %add3A_364, %gt3A_395 : i32
      %convert_element_type3A_397 = arith.extui %gt3A_396 : i1 to i32
      %cond3A_398 = arith.constant 0 : i32
      %cond3A_399 = arith.cmpi ne, %convert_element_type3A_397, %cond3A_398 : i32
      scf.if %cond3A_399 {
        %dma_wait3A_636 = arith.constant 0 : i32
        %dma_wait3A_637 = arith.constant 0 : i32
        %dma_wait3A_638 = tpu.memref_slice %arg8[%dma_wait3A_636, %dma_wait3A_637] : memref<4x128xi32, #tpu.memory_space<vmem>> -> memref<1x128xi32, #tpu.memory_space<vmem>>
        %dma_wait3A_639 = tpu.memref_squeeze %dma_wait3A_638 : memref<1x128xi32, #tpu.memory_space<vmem>> -> memref<128xi32, #tpu.memory_space<vmem>>
        %dma_wait3A_640 = arith.constant 0 : i32
        %dma_wait3A_641 = arith.constant 0 : i32
        %dma_wait3A_642 = tpu.memref_slice %arg17[%dma_wait3A_640, %dma_wait3A_641] : memref<10112x128xf32, #tpu.memory_space<vmem_shared>> -> memref<10112x128xf32, #tpu.memory_space<vmem_shared>>
        tpu.wait_indirect_dma semaphore(%arg25 : memref<!tpu.dma_semaphore, #tpu.memory_space<semaphore_mem>>) src(%arg16 : memref<128x128xf32, #tpu.memory_space<vmem>>) dst(%dma_wait3A_642 : memref<10112x128xf32, #tpu.memory_space<vmem_shared>>)
      } else {
      }
      %dma_start3A_400 = arith.constant 1 : i32
      %dma_start3A_401 = arith.constant 0 : i32
      %dma_start3A_402 = tpu.memref_slice %arg11[%dma_start3A_400, %dma_start3A_401] : memref<4x128xi32, #tpu.memory_space<vmem>> -> memref<1x128xi32, #tpu.memory_space<vmem>>
      %dma_start3A_403 = tpu.memref_squeeze %dma_start3A_402 : memref<1x128xi32, #tpu.memory_space<vmem>> -> memref<128xi32, #tpu.memory_space<vmem>>
      %dma_start3A_404 = arith.constant 0 : i32
      %dma_start3A_405 = arith.constant 0 : i32
      %dma_start3A_406 = tpu.memref_slice %arg2[%dma_start3A_404, %dma_start3A_405] : memref<10112x128xf32, #tpu.memory_space<hbm>> -> memref<10112x128xf32, #tpu.memory_space<hbm>>
      tpu.enqueue_indirect_dma source(%dma_start3A_406 : memref<10112x128xf32, #tpu.memory_space<hbm>>) target(%arg16 : memref<128x128xf32, #tpu.memory_space<vmem>>) offsets(%dma_start3A_403 : memref<128xi32, #tpu.memory_space<vmem>>) semaphore(%arg19 : memref<!tpu.dma_semaphore, #tpu.memory_space<semaphore_mem>>)
      %dma_wait3A_407 = arith.constant 0 : i32
      %dma_wait3A_408 = arith.constant 0 : i32
      %dma_wait3A_409 = tpu.memref_slice %arg11[%dma_wait3A_407, %dma_wait3A_408] : memref<4x128xi32, #tpu.memory_space<vmem>> -> memref<1x128xi32, #tpu.memory_space<vmem>>
      %dma_wait3A_410 = tpu.memref_squeeze %dma_wait3A_409 : memref<1x128xi32, #tpu.memory_space<vmem>> -> memref<128xi32, #tpu.memory_space<vmem>>
      %dma_wait3A_411 = arith.constant 0 : i32
      %dma_wait3A_412 = arith.constant 0 : i32
      %dma_wait3A_413 = tpu.memref_slice %arg2[%dma_wait3A_411, %dma_wait3A_412] : memref<10112x128xf32, #tpu.memory_space<hbm>> -> memref<10112x128xf32, #tpu.memory_space<hbm>>
      tpu.wait_indirect_dma semaphore(%arg18 : memref<!tpu.dma_semaphore, #tpu.memory_space<semaphore_mem>>) src(%dma_wait3A_413 : memref<10112x128xf32, #tpu.memory_space<hbm>>) dst(%arg15 : memref<128x128xf32, #tpu.memory_space<vmem>>)
      %dma_start3A_414 = arith.constant 0 : i32
      %dma_start3A_415 = arith.constant 0 : i32
      %dma_start3A_416 = tpu.memref_slice %arg12[%dma_start3A_414, %dma_start3A_415] : memref<4x128xi32, #tpu.memory_space<vmem>> -> memref<1x128xi32, #tpu.memory_space<vmem>>
      %dma_start3A_417 = tpu.memref_squeeze %dma_start3A_416 : memref<1x128xi32, #tpu.memory_space<vmem>> -> memref<128xi32, #tpu.memory_space<vmem>>
      %dma_start3A_418 = arith.constant 0 : i32
      %dma_start3A_419 = arith.constant 0 : i32
      %dma_start3A_420 = tpu.memref_slice %arg17[%dma_start3A_418, %dma_start3A_419] : memref<10112x128xf32, #tpu.memory_space<vmem_shared>> -> memref<10112x128xf32, #tpu.memory_space<vmem_shared>>
      tpu.enqueue_indirect_dma source(%arg15 : memref<128x128xf32, #tpu.memory_space<vmem>>) target(%dma_start3A_420 : memref<10112x128xf32, #tpu.memory_space<vmem_shared>>) offsets(%dma_start3A_417 : memref<128xi32, #tpu.memory_space<vmem>>) semaphore(%arg24 : memref<!tpu.dma_semaphore, #tpu.memory_space<semaphore_mem>>) {add = true}
      %dma_wait3A_421 = arith.constant 0 : i32
      %dma_wait3A_422 = arith.constant 0 : i32
      %dma_wait3A_423 = tpu.memref_slice %arg8[%dma_wait3A_421, %dma_wait3A_422] : memref<4x128xi32, #tpu.memory_space<vmem>> -> memref<1x128xi32, #tpu.memory_space<vmem>>
      %dma_wait3A_424 = tpu.memref_squeeze %dma_wait3A_423 : memref<1x128xi32, #tpu.memory_space<vmem>> -> memref<128xi32, #tpu.memory_space<vmem>>
      %dma_wait3A_425 = arith.constant 0 : i32
      %dma_wait3A_426 = arith.constant 0 : i32
      %dma_wait3A_427 = tpu.memref_slice %arg17[%dma_wait3A_425, %dma_wait3A_426] : memref<10112x128xf32, #tpu.memory_space<vmem_shared>> -> memref<10112x128xf32, #tpu.memory_space<vmem_shared>>
      tpu.wait_indirect_dma semaphore(%arg24 : memref<!tpu.dma_semaphore, #tpu.memory_space<semaphore_mem>>) src(%arg15 : memref<128x128xf32, #tpu.memory_space<vmem>>) dst(%dma_wait3A_427 : memref<10112x128xf32, #tpu.memory_space<vmem_shared>>)
      %dma_start3A_428 = arith.constant 2 : i32
      %dma_start3A_429 = arith.constant 0 : i32
      %dma_start3A_430 = tpu.memref_slice %arg11[%dma_start3A_428, %dma_start3A_429] : memref<4x128xi32, #tpu.memory_space<vmem>> -> memref<1x128xi32, #tpu.memory_space<vmem>>
      %dma_start3A_431 = tpu.memref_squeeze %dma_start3A_430 : memref<1x128xi32, #tpu.memory_space<vmem>> -> memref<128xi32, #tpu.memory_space<vmem>>
      %dma_start3A_432 = arith.constant 0 : i32
      %dma_start3A_433 = arith.constant 0 : i32
      %dma_start3A_434 = tpu.memref_slice %arg2[%dma_start3A_432, %dma_start3A_433] : memref<10112x128xf32, #tpu.memory_space<hbm>> -> memref<10112x128xf32, #tpu.memory_space<hbm>>
      tpu.enqueue_indirect_dma source(%dma_start3A_434 : memref<10112x128xf32, #tpu.memory_space<hbm>>) target(%arg15 : memref<128x128xf32, #tpu.memory_space<vmem>>) offsets(%dma_start3A_431 : memref<128xi32, #tpu.memory_space<vmem>>) semaphore(%arg18 : memref<!tpu.dma_semaphore, #tpu.memory_space<semaphore_mem>>)
      %dma_wait3A_435 = arith.constant 1 : i32
      %dma_wait3A_436 = arith.constant 0 : i32
      %dma_wait3A_437 = tpu.memref_slice %arg11[%dma_wait3A_435, %dma_wait3A_436] : memref<4x128xi32, #tpu.memory_space<vmem>> -> memref<1x128xi32, #tpu.memory_space<vmem>>
      %dma_wait3A_438 = tpu.memref_squeeze %dma_wait3A_437 : memref<1x128xi32, #tpu.memory_space<vmem>> -> memref<128xi32, #tpu.memory_space<vmem>>
      %dma_wait3A_439 = arith.constant 0 : i32
      %dma_wait3A_440 = arith.constant 0 : i32
      %dma_wait3A_441 = tpu.memref_slice %arg2[%dma_wait3A_439, %dma_wait3A_440] : memref<10112x128xf32, #tpu.memory_space<hbm>> -> memref<10112x128xf32, #tpu.memory_space<hbm>>
      tpu.wait_indirect_dma semaphore(%arg19 : memref<!tpu.dma_semaphore, #tpu.memory_space<semaphore_mem>>) src(%dma_wait3A_441 : memref<10112x128xf32, #tpu.memory_space<hbm>>) dst(%arg16 : memref<128x128xf32, #tpu.memory_space<vmem>>)
      %dma_start3A_442 = arith.constant 1 : i32
      %dma_start3A_443 = arith.constant 0 : i32
      %dma_start3A_444 = tpu.memref_slice %arg12[%dma_start3A_442, %dma_start3A_443] : memref<4x128xi32, #tpu.memory_space<vmem>> -> memref<1x128xi32, #tpu.memory_space<vmem>>
      %dma_start3A_445 = tpu.memref_squeeze %dma_start3A_444 : memref<1x128xi32, #tpu.memory_space<vmem>> -> memref<128xi32, #tpu.memory_space<vmem>>
      %dma_start3A_446 = arith.constant 0 : i32
      %dma_start3A_447 = arith.constant 0 : i32
      %dma_start3A_448 = tpu.memref_slice %arg17[%dma_start3A_446, %dma_start3A_447] : memref<10112x128xf32, #tpu.memory_space<vmem_shared>> -> memref<10112x128xf32, #tpu.memory_space<vmem_shared>>
      tpu.enqueue_indirect_dma source(%arg16 : memref<128x128xf32, #tpu.memory_space<vmem>>) target(%dma_start3A_448 : memref<10112x128xf32, #tpu.memory_space<vmem_shared>>) offsets(%dma_start3A_445 : memref<128xi32, #tpu.memory_space<vmem>>) semaphore(%arg25 : memref<!tpu.dma_semaphore, #tpu.memory_space<semaphore_mem>>) {add = true}
      %dma_wait3A_449 = arith.constant 0 : i32
      %dma_wait3A_450 = arith.constant 0 : i32
      %dma_wait3A_451 = tpu.memref_slice %arg8[%dma_wait3A_449, %dma_wait3A_450] : memref<4x128xi32, #tpu.memory_space<vmem>> -> memref<1x128xi32, #tpu.memory_space<vmem>>
      %dma_wait3A_452 = tpu.memref_squeeze %dma_wait3A_451 : memref<1x128xi32, #tpu.memory_space<vmem>> -> memref<128xi32, #tpu.memory_space<vmem>>
      %dma_wait3A_453 = arith.constant 0 : i32
      %dma_wait3A_454 = arith.constant 0 : i32
      %dma_wait3A_455 = tpu.memref_slice %arg17[%dma_wait3A_453, %dma_wait3A_454] : memref<10112x128xf32, #tpu.memory_space<vmem_shared>> -> memref<10112x128xf32, #tpu.memory_space<vmem_shared>>
      tpu.wait_indirect_dma semaphore(%arg25 : memref<!tpu.dma_semaphore, #tpu.memory_space<semaphore_mem>>) src(%arg16 : memref<128x128xf32, #tpu.memory_space<vmem>>) dst(%dma_wait3A_455 : memref<10112x128xf32, #tpu.memory_space<vmem_shared>>)
      %dma_start3A_456 = arith.constant 3 : i32
      %dma_start3A_457 = arith.constant 0 : i32
      %dma_start3A_458 = tpu.memref_slice %arg11[%dma_start3A_456, %dma_start3A_457] : memref<4x128xi32, #tpu.memory_space<vmem>> -> memref<1x128xi32, #tpu.memory_space<vmem>>
      %dma_start3A_459 = tpu.memref_squeeze %dma_start3A_458 : memref<1x128xi32, #tpu.memory_space<vmem>> -> memref<128xi32, #tpu.memory_space<vmem>>
      %dma_start3A_460 = arith.constant 0 : i32
      %dma_start3A_461 = arith.constant 0 : i32
      %dma_start3A_462 = tpu.memref_slice %arg2[%dma_start3A_460, %dma_start3A_461] : memref<10112x128xf32, #tpu.memory_space<hbm>> -> memref<10112x128xf32, #tpu.memory_space<hbm>>
      tpu.enqueue_indirect_dma source(%dma_start3A_462 : memref<10112x128xf32, #tpu.memory_space<hbm>>) target(%arg16 : memref<128x128xf32, #tpu.memory_space<vmem>>) offsets(%dma_start3A_459 : memref<128xi32, #tpu.memory_space<vmem>>) semaphore(%arg19 : memref<!tpu.dma_semaphore, #tpu.memory_space<semaphore_mem>>)
      %dma_wait3A_463 = arith.constant 2 : i32
      %dma_wait3A_464 = arith.constant 0 : i32
      %dma_wait3A_465 = tpu.memref_slice %arg11[%dma_wait3A_463, %dma_wait3A_464] : memref<4x128xi32, #tpu.memory_space<vmem>> -> memref<1x128xi32, #tpu.memory_space<vmem>>
      %dma_wait3A_466 = tpu.memref_squeeze %dma_wait3A_465 : memref<1x128xi32, #tpu.memory_space<vmem>> -> memref<128xi32, #tpu.memory_space<vmem>>
      %dma_wait3A_467 = arith.constant 0 : i32
      %dma_wait3A_468 = arith.constant 0 : i32
      %dma_wait3A_469 = tpu.memref_slice %arg2[%dma_wait3A_467, %dma_wait3A_468] : memref<10112x128xf32, #tpu.memory_space<hbm>> -> memref<10112x128xf32, #tpu.memory_space<hbm>>
      tpu.wait_indirect_dma semaphore(%arg18 : memref<!tpu.dma_semaphore, #tpu.memory_space<semaphore_mem>>) src(%dma_wait3A_469 : memref<10112x128xf32, #tpu.memory_space<hbm>>) dst(%arg15 : memref<128x128xf32, #tpu.memory_space<vmem>>)
      %dma_start3A_470 = arith.constant 2 : i32
      %dma_start3A_471 = arith.constant 0 : i32
      %dma_start3A_472 = tpu.memref_slice %arg12[%dma_start3A_470, %dma_start3A_471] : memref<4x128xi32, #tpu.memory_space<vmem>> -> memref<1x128xi32, #tpu.memory_space<vmem>>
      %dma_start3A_473 = tpu.memref_squeeze %dma_start3A_472 : memref<1x128xi32, #tpu.memory_space<vmem>> -> memref<128xi32, #tpu.memory_space<vmem>>
      %dma_start3A_474 = arith.constant 0 : i32
      %dma_start3A_475 = arith.constant 0 : i32
      %dma_start3A_476 = tpu.memref_slice %arg17[%dma_start3A_474, %dma_start3A_475] : memref<10112x128xf32, #tpu.memory_space<vmem_shared>> -> memref<10112x128xf32, #tpu.memory_space<vmem_shared>>
      tpu.enqueue_indirect_dma source(%arg15 : memref<128x128xf32, #tpu.memory_space<vmem>>) target(%dma_start3A_476 : memref<10112x128xf32, #tpu.memory_space<vmem_shared>>) offsets(%dma_start3A_473 : memref<128xi32, #tpu.memory_space<vmem>>) semaphore(%arg24 : memref<!tpu.dma_semaphore, #tpu.memory_space<semaphore_mem>>) {add = true}
      %dma_wait3A_477 = arith.constant 3 : i32
      %dma_wait3A_478 = arith.constant 0 : i32
      %dma_wait3A_479 = tpu.memref_slice %arg11[%dma_wait3A_477, %dma_wait3A_478] : memref<4x128xi32, #tpu.memory_space<vmem>> -> memref<1x128xi32, #tpu.memory_space<vmem>>
      %dma_wait3A_480 = tpu.memref_squeeze %dma_wait3A_479 : memref<1x128xi32, #tpu.memory_space<vmem>> -> memref<128xi32, #tpu.memory_space<vmem>>
      %dma_wait3A_481 = arith.constant 0 : i32
      %dma_wait3A_482 = arith.constant 0 : i32
      %dma_wait3A_483 = tpu.memref_slice %arg2[%dma_wait3A_481, %dma_wait3A_482] : memref<10112x128xf32, #tpu.memory_space<hbm>> -> memref<10112x128xf32, #tpu.memory_space<hbm>>
      tpu.wait_indirect_dma semaphore(%arg19 : memref<!tpu.dma_semaphore, #tpu.memory_space<semaphore_mem>>) src(%dma_wait3A_483 : memref<10112x128xf32, #tpu.memory_space<hbm>>) dst(%arg16 : memref<128x128xf32, #tpu.memory_space<vmem>>)
      %dma_start3A_484 = arith.constant 3 : i32
      %dma_start3A_485 = arith.constant 0 : i32
      %dma_start3A_486 = tpu.memref_slice %arg12[%dma_start3A_484, %dma_start3A_485] : memref<4x128xi32, #tpu.memory_space<vmem>> -> memref<1x128xi32, #tpu.memory_space<vmem>>
      %dma_start3A_487 = tpu.memref_squeeze %dma_start3A_486 : memref<1x128xi32, #tpu.memory_space<vmem>> -> memref<128xi32, #tpu.memory_space<vmem>>
      %dma_start3A_488 = arith.constant 0 : i32
      %dma_start3A_489 = arith.constant 0 : i32
      %dma_start3A_490 = tpu.memref_slice %arg17[%dma_start3A_488, %dma_start3A_489] : memref<10112x128xf32, #tpu.memory_space<vmem_shared>> -> memref<10112x128xf32, #tpu.memory_space<vmem_shared>>
      tpu.enqueue_indirect_dma source(%arg16 : memref<128x128xf32, #tpu.memory_space<vmem>>) target(%dma_start3A_490 : memref<10112x128xf32, #tpu.memory_space<vmem_shared>>) offsets(%dma_start3A_487 : memref<128xi32, #tpu.memory_space<vmem>>) semaphore(%arg25 : memref<!tpu.dma_semaphore, #tpu.memory_space<semaphore_mem>>) {add = true}
      %add3A_491 = arith.constant 3 : i32
      %add3A_492 = arith.addi %add3A_364, %add3A_491 : i32
      %lt3A_493 = arith.constant 20 : i32
      %lt3A_494 = arith.cmpi slt, %add3A_492, %lt3A_493 : i32
      %convert_element_type3A_495 = arith.extui %lt3A_494 : i1 to i32
      %cond3A_496 = arith.constant 0 : i32
      %cond3A_497 = arith.cmpi ne, %convert_element_type3A_495, %cond3A_496 : i32
      scf.if %cond3A_497 {
        %add3A_636 = arith.constant 3 : i32
        %add3A_637 = arith.addi %add3A_364, %add3A_636 : i32
        %dma_start3A_638 = arith.constant 0 : i32
        %dma_start3A_639 = arith.constant 0 : i32
        %dma_start3A_640 = tpu.memref_slice %arg3[%add3A, %add3A_637, %dma_start3A_638, %dma_start3A_639] : memref<32x20x4x128xi32, #tpu.memory_space<hbm>> -> memref<1x1x4x128xi32, #tpu.memory_space<hbm>>
        %dma_start3A_641 = tpu.memref_squeeze %dma_start3A_640 : memref<1x1x4x128xi32, #tpu.memory_space<hbm>> -> memref<4x128xi32, #tpu.memory_space<hbm>>
        %dma_start3A_642 = arith.constant 0 : i32
        %dma_start3A_643 = arith.constant 0 : i32
        %dma_start3A_644 = tpu.memref_slice %arg3[%add3A, %add3A_637, %dma_start3A_642, %dma_start3A_643] : memref<32x20x4x128xi32, #tpu.memory_space<hbm>> -> memref<1x1x4x128xi32, #tpu.memory_space<hbm>>
        %dma_start3A_645 = tpu.memref_squeeze %dma_start3A_644 : memref<1x1x4x128xi32, #tpu.memory_space<hbm>> -> memref<4x128xi32, #tpu.memory_space<hbm>>
        tpu.enqueue_dma source(%dma_start3A_645 : memref<4x128xi32, #tpu.memory_space<hbm>>) target(%arg9 : memref<4x128xi32, #tpu.memory_space<vmem>>) target_semaphore(%arg21 : memref<!tpu.dma_semaphore, #tpu.memory_space<semaphore_mem>>)
        %add3A_646 = arith.constant 3 : i32
        %add3A_647 = arith.addi %add3A_364, %add3A_646 : i32
        %dma_start3A_648 = arith.constant 0 : i32
        %dma_start3A_649 = arith.constant 0 : i32
        %dma_start3A_650 = tpu.memref_slice %arg4[%add3A, %add3A_647, %dma_start3A_648, %dma_start3A_649] : memref<32x20x4x128xi32, #tpu.memory_space<hbm>> -> memref<1x1x4x128xi32, #tpu.memory_space<hbm>>
        %dma_start3A_651 = tpu.memref_squeeze %dma_start3A_650 : memref<1x1x4x128xi32, #tpu.memory_space<hbm>> -> memref<4x128xi32, #tpu.memory_space<hbm>>
        %dma_start3A_652 = arith.constant 0 : i32
        %dma_start3A_653 = arith.constant 0 : i32
        %dma_start3A_654 = tpu.memref_slice %arg4[%add3A, %add3A_647, %dma_start3A_652, %dma_start3A_653] : memref<32x20x4x128xi32, #tpu.memory_space<hbm>> -> memref<1x1x4x128xi32, #tpu.memory_space<hbm>>
        %dma_start3A_655 = tpu.memref_squeeze %dma_start3A_654 : memref<1x1x4x128xi32, #tpu.memory_space<hbm>> -> memref<4x128xi32, #tpu.memory_space<hbm>>
        tpu.enqueue_dma source(%dma_start3A_655 : memref<4x128xi32, #tpu.memory_space<hbm>>) target(%arg10 : memref<4x128xi32, #tpu.memory_space<vmem>>) target_semaphore(%arg21 : memref<!tpu.dma_semaphore, #tpu.memory_space<semaphore_mem>>)
      } else {
      }
      %mul3A_498 = arith.constant 4 : i32
      %mul3A_499 = arith.muli %mul3A_498, %scan3A_89 : i32
      %add3A_500 = arith.constant 3 : i32
      %add3A_501 = arith.addi %mul3A_499, %add3A_500 : i32
      %dma_wait3A_502 = arith.constant 0 : i32
      %dma_wait3A_503 = arith.constant 0 : i32
      %dma_wait3A_504 = arith.constant 0 : i32
      %dma_wait3A_505 = tpu.memref_slice %arg3[%add3A, %dma_wait3A_502, %dma_wait3A_503, %dma_wait3A_504] : memref<32x20x4x128xi32, #tpu.memory_space<hbm>> -> memref<1x1x4x128xi32, #tpu.memory_space<hbm>>
      %dma_wait3A_506 = tpu.memref_squeeze %dma_wait3A_505 : memref<1x1x4x128xi32, #tpu.memory_space<hbm>> -> memref<4x128xi32, #tpu.memory_space<hbm>>
      %dma_wait3A_507 = arith.constant 0 : i32
      %dma_wait3A_508 = arith.constant 0 : i32
      %dma_wait3A_509 = tpu.memref_slice %arg3[%add3A, %dma_wait3A_502, %dma_wait3A_507, %dma_wait3A_508] : memref<32x20x4x128xi32, #tpu.memory_space<hbm>> -> memref<1x1x4x128xi32, #tpu.memory_space<hbm>>
      %dma_wait3A_510 = tpu.memref_squeeze %dma_wait3A_509 : memref<1x1x4x128xi32, #tpu.memory_space<hbm>> -> memref<4x128xi32, #tpu.memory_space<hbm>>
      tpu.wait_dma2 semaphore(%arg23 : memref<!tpu.dma_semaphore, #tpu.memory_space<semaphore_mem>>) src(%dma_wait3A_510 : memref<4x128xi32, #tpu.memory_space<hbm>>) dst(%arg13 : memref<4x128xi32, #tpu.memory_space<vmem>>)
      %dma_wait3A_511 = arith.constant 0 : i32
      %dma_wait3A_512 = arith.constant 0 : i32
      %dma_wait3A_513 = arith.constant 0 : i32
      %dma_wait3A_514 = tpu.memref_slice %arg4[%add3A, %dma_wait3A_511, %dma_wait3A_512, %dma_wait3A_513] : memref<32x20x4x128xi32, #tpu.memory_space<hbm>> -> memref<1x1x4x128xi32, #tpu.memory_space<hbm>>
      %dma_wait3A_515 = tpu.memref_squeeze %dma_wait3A_514 : memref<1x1x4x128xi32, #tpu.memory_space<hbm>> -> memref<4x128xi32, #tpu.memory_space<hbm>>
      %dma_wait3A_516 = arith.constant 0 : i32
      %dma_wait3A_517 = arith.constant 0 : i32
      %dma_wait3A_518 = tpu.memref_slice %arg4[%add3A, %dma_wait3A_511, %dma_wait3A_516, %dma_wait3A_517] : memref<32x20x4x128xi32, #tpu.memory_space<hbm>> -> memref<1x1x4x128xi32, #tpu.memory_space<hbm>>
      %dma_wait3A_519 = tpu.memref_squeeze %dma_wait3A_518 : memref<1x1x4x128xi32, #tpu.memory_space<hbm>> -> memref<4x128xi32, #tpu.memory_space<hbm>>
      tpu.wait_dma2 semaphore(%arg23 : memref<!tpu.dma_semaphore, #tpu.memory_space<semaphore_mem>>) src(%dma_wait3A_519 : memref<4x128xi32, #tpu.memory_space<hbm>>) dst(%arg14 : memref<4x128xi32, #tpu.memory_space<vmem>>)
      %gt3A_520 = arith.constant 0 : i32
      %gt3A_521 = arith.cmpi sgt, %add3A_501, %gt3A_520 : i32
      %convert_element_type3A_522 = arith.extui %gt3A_521 : i1 to i32
      %cond3A_523 = arith.constant 0 : i32
      %cond3A_524 = arith.cmpi ne, %convert_element_type3A_522, %cond3A_523 : i32
      scf.if %cond3A_524 {
        %dma_wait3A_636 = arith.constant 0 : i32
        %dma_wait3A_637 = arith.constant 0 : i32
        %dma_wait3A_638 = tpu.memref_slice %arg8[%dma_wait3A_636, %dma_wait3A_637] : memref<4x128xi32, #tpu.memory_space<vmem>> -> memref<1x128xi32, #tpu.memory_space<vmem>>
        %dma_wait3A_639 = tpu.memref_squeeze %dma_wait3A_638 : memref<1x128xi32, #tpu.memory_space<vmem>> -> memref<128xi32, #tpu.memory_space<vmem>>
        %dma_wait3A_640 = arith.constant 0 : i32
        %dma_wait3A_641 = arith.constant 0 : i32
        %dma_wait3A_642 = tpu.memref_slice %arg17[%dma_wait3A_640, %dma_wait3A_641] : memref<10112x128xf32, #tpu.memory_space<vmem_shared>> -> memref<10112x128xf32, #tpu.memory_space<vmem_shared>>
        tpu.wait_indirect_dma semaphore(%arg24 : memref<!tpu.dma_semaphore, #tpu.memory_space<semaphore_mem>>) src(%arg15 : memref<128x128xf32, #tpu.memory_space<vmem>>) dst(%dma_wait3A_642 : memref<10112x128xf32, #tpu.memory_space<vmem_shared>>)
      } else {
      }
      %dma_start3A_525 = arith.constant 0 : i32
      %dma_start3A_526 = arith.constant 0 : i32
      %dma_start3A_527 = tpu.memref_slice %arg13[%dma_start3A_525, %dma_start3A_526] : memref<4x128xi32, #tpu.memory_space<vmem>> -> memref<1x128xi32, #tpu.memory_space<vmem>>
      %dma_start3A_528 = tpu.memref_squeeze %dma_start3A_527 : memref<1x128xi32, #tpu.memory_space<vmem>> -> memref<128xi32, #tpu.memory_space<vmem>>
      %dma_start3A_529 = arith.constant 0 : i32
      %dma_start3A_530 = arith.constant 0 : i32
      %dma_start3A_531 = tpu.memref_slice %arg2[%dma_start3A_529, %dma_start3A_530] : memref<10112x128xf32, #tpu.memory_space<hbm>> -> memref<10112x128xf32, #tpu.memory_space<hbm>>
      tpu.enqueue_indirect_dma source(%dma_start3A_531 : memref<10112x128xf32, #tpu.memory_space<hbm>>) target(%arg15 : memref<128x128xf32, #tpu.memory_space<vmem>>) offsets(%dma_start3A_528 : memref<128xi32, #tpu.memory_space<vmem>>) semaphore(%arg18 : memref<!tpu.dma_semaphore, #tpu.memory_space<semaphore_mem>>)
      %gt3A_532 = arith.constant 0 : i32
      %gt3A_533 = arith.cmpi sgt, %add3A_501, %gt3A_532 : i32
      %convert_element_type3A_534 = arith.extui %gt3A_533 : i1 to i32
      %cond3A_535 = arith.constant 0 : i32
      %cond3A_536 = arith.cmpi ne, %convert_element_type3A_534, %cond3A_535 : i32
      scf.if %cond3A_536 {
        %dma_wait3A_636 = arith.constant 0 : i32
        %dma_wait3A_637 = arith.constant 0 : i32
        %dma_wait3A_638 = tpu.memref_slice %arg8[%dma_wait3A_636, %dma_wait3A_637] : memref<4x128xi32, #tpu.memory_space<vmem>> -> memref<1x128xi32, #tpu.memory_space<vmem>>
        %dma_wait3A_639 = tpu.memref_squeeze %dma_wait3A_638 : memref<1x128xi32, #tpu.memory_space<vmem>> -> memref<128xi32, #tpu.memory_space<vmem>>
        %dma_wait3A_640 = arith.constant 0 : i32
        %dma_wait3A_641 = arith.constant 0 : i32
        %dma_wait3A_642 = tpu.memref_slice %arg17[%dma_wait3A_640, %dma_wait3A_641] : memref<10112x128xf32, #tpu.memory_space<vmem_shared>> -> memref<10112x128xf32, #tpu.memory_space<vmem_shared>>
        tpu.wait_indirect_dma semaphore(%arg25 : memref<!tpu.dma_semaphore, #tpu.memory_space<semaphore_mem>>) src(%arg16 : memref<128x128xf32, #tpu.memory_space<vmem>>) dst(%dma_wait3A_642 : memref<10112x128xf32, #tpu.memory_space<vmem_shared>>)
      } else {
      }
      %dma_start3A_537 = arith.constant 1 : i32
      %dma_start3A_538 = arith.constant 0 : i32
      %dma_start3A_539 = tpu.memref_slice %arg13[%dma_start3A_537, %dma_start3A_538] : memref<4x128xi32, #tpu.memory_space<vmem>> -> memref<1x128xi32, #tpu.memory_space<vmem>>
      %dma_start3A_540 = tpu.memref_squeeze %dma_start3A_539 : memref<1x128xi32, #tpu.memory_space<vmem>> -> memref<128xi32, #tpu.memory_space<vmem>>
      %dma_start3A_541 = arith.constant 0 : i32
      %dma_start3A_542 = arith.constant 0 : i32
      %dma_start3A_543 = tpu.memref_slice %arg2[%dma_start3A_541, %dma_start3A_542] : memref<10112x128xf32, #tpu.memory_space<hbm>> -> memref<10112x128xf32, #tpu.memory_space<hbm>>
      tpu.enqueue_indirect_dma source(%dma_start3A_543 : memref<10112x128xf32, #tpu.memory_space<hbm>>) target(%arg16 : memref<128x128xf32, #tpu.memory_space<vmem>>) offsets(%dma_start3A_540 : memref<128xi32, #tpu.memory_space<vmem>>) semaphore(%arg19 : memref<!tpu.dma_semaphore, #tpu.memory_space<semaphore_mem>>)
      %dma_wait3A_544 = arith.constant 0 : i32
      %dma_wait3A_545 = arith.constant 0 : i32
      %dma_wait3A_546 = tpu.memref_slice %arg13[%dma_wait3A_544, %dma_wait3A_545] : memref<4x128xi32, #tpu.memory_space<vmem>> -> memref<1x128xi32, #tpu.memory_space<vmem>>
      %dma_wait3A_547 = tpu.memref_squeeze %dma_wait3A_546 : memref<1x128xi32, #tpu.memory_space<vmem>> -> memref<128xi32, #tpu.memory_space<vmem>>
      %dma_wait3A_548 = arith.constant 0 : i32
      %dma_wait3A_549 = arith.constant 0 : i32
      %dma_wait3A_550 = tpu.memref_slice %arg2[%dma_wait3A_548, %dma_wait3A_549] : memref<10112x128xf32, #tpu.memory_space<hbm>> -> memref<10112x128xf32, #tpu.memory_space<hbm>>
      tpu.wait_indirect_dma semaphore(%arg18 : memref<!tpu.dma_semaphore, #tpu.memory_space<semaphore_mem>>) src(%dma_wait3A_550 : memref<10112x128xf32, #tpu.memory_space<hbm>>) dst(%arg15 : memref<128x128xf32, #tpu.memory_space<vmem>>)
      %dma_start3A_551 = arith.constant 0 : i32
      %dma_start3A_552 = arith.constant 0 : i32
      %dma_start3A_553 = tpu.memref_slice %arg14[%dma_start3A_551, %dma_start3A_552] : memref<4x128xi32, #tpu.memory_space<vmem>> -> memref<1x128xi32, #tpu.memory_space<vmem>>
      %dma_start3A_554 = tpu.memref_squeeze %dma_start3A_553 : memref<1x128xi32, #tpu.memory_space<vmem>> -> memref<128xi32, #tpu.memory_space<vmem>>
      %dma_start3A_555 = arith.constant 0 : i32
      %dma_start3A_556 = arith.constant 0 : i32
      %dma_start3A_557 = tpu.memref_slice %arg17[%dma_start3A_555, %dma_start3A_556] : memref<10112x128xf32, #tpu.memory_space<vmem_shared>> -> memref<10112x128xf32, #tpu.memory_space<vmem_shared>>
      tpu.enqueue_indirect_dma source(%arg15 : memref<128x128xf32, #tpu.memory_space<vmem>>) target(%dma_start3A_557 : memref<10112x128xf32, #tpu.memory_space<vmem_shared>>) offsets(%dma_start3A_554 : memref<128xi32, #tpu.memory_space<vmem>>) semaphore(%arg24 : memref<!tpu.dma_semaphore, #tpu.memory_space<semaphore_mem>>) {add = true}
      %dma_wait3A_558 = arith.constant 0 : i32
      %dma_wait3A_559 = arith.constant 0 : i32
      %dma_wait3A_560 = tpu.memref_slice %arg8[%dma_wait3A_558, %dma_wait3A_559] : memref<4x128xi32, #tpu.memory_space<vmem>> -> memref<1x128xi32, #tpu.memory_space<vmem>>
      %dma_wait3A_561 = tpu.memref_squeeze %dma_wait3A_560 : memref<1x128xi32, #tpu.memory_space<vmem>> -> memref<128xi32, #tpu.memory_space<vmem>>
      %dma_wait3A_562 = arith.constant 0 : i32
      %dma_wait3A_563 = arith.constant 0 : i32
      %dma_wait3A_564 = tpu.memref_slice %arg17[%dma_wait3A_562, %dma_wait3A_563] : memref<10112x128xf32, #tpu.memory_space<vmem_shared>> -> memref<10112x128xf32, #tpu.memory_space<vmem_shared>>
      tpu.wait_indirect_dma semaphore(%arg24 : memref<!tpu.dma_semaphore, #tpu.memory_space<semaphore_mem>>) src(%arg15 : memref<128x128xf32, #tpu.memory_space<vmem>>) dst(%dma_wait3A_564 : memref<10112x128xf32, #tpu.memory_space<vmem_shared>>)
      %dma_start3A_565 = arith.constant 2 : i32
      %dma_start3A_566 = arith.constant 0 : i32
      %dma_start3A_567 = tpu.memref_slice %arg13[%dma_start3A_565, %dma_start3A_566] : memref<4x128xi32, #tpu.memory_space<vmem>> -> memref<1x128xi32, #tpu.memory_space<vmem>>
      %dma_start3A_568 = tpu.memref_squeeze %dma_start3A_567 : memref<1x128xi32, #tpu.memory_space<vmem>> -> memref<128xi32, #tpu.memory_space<vmem>>
      %dma_start3A_569 = arith.constant 0 : i32
      %dma_start3A_570 = arith.constant 0 : i32
      %dma_start3A_571 = tpu.memref_slice %arg2[%dma_start3A_569, %dma_start3A_570] : memref<10112x128xf32, #tpu.memory_space<hbm>> -> memref<10112x128xf32, #tpu.memory_space<hbm>>
      tpu.enqueue_indirect_dma source(%dma_start3A_571 : memref<10112x128xf32, #tpu.memory_space<hbm>>) target(%arg15 : memref<128x128xf32, #tpu.memory_space<vmem>>) offsets(%dma_start3A_568 : memref<128xi32, #tpu.memory_space<vmem>>) semaphore(%arg18 : memref<!tpu.dma_semaphore, #tpu.memory_space<semaphore_mem>>)
      %dma_wait3A_572 = arith.constant 1 : i32
      %dma_wait3A_573 = arith.constant 0 : i32
      %dma_wait3A_574 = tpu.memref_slice %arg13[%dma_wait3A_572, %dma_wait3A_573] : memref<4x128xi32, #tpu.memory_space<vmem>> -> memref<1x128xi32, #tpu.memory_space<vmem>>
      %dma_wait3A_575 = tpu.memref_squeeze %dma_wait3A_574 : memref<1x128xi32, #tpu.memory_space<vmem>> -> memref<128xi32, #tpu.memory_space<vmem>>
      %dma_wait3A_576 = arith.constant 0 : i32
      %dma_wait3A_577 = arith.constant 0 : i32
      %dma_wait3A_578 = tpu.memref_slice %arg2[%dma_wait3A_576, %dma_wait3A_577] : memref<10112x128xf32, #tpu.memory_space<hbm>> -> memref<10112x128xf32, #tpu.memory_space<hbm>>
      tpu.wait_indirect_dma semaphore(%arg19 : memref<!tpu.dma_semaphore, #tpu.memory_space<semaphore_mem>>) src(%dma_wait3A_578 : memref<10112x128xf32, #tpu.memory_space<hbm>>) dst(%arg16 : memref<128x128xf32, #tpu.memory_space<vmem>>)
      %dma_start3A_579 = arith.constant 1 : i32
      %dma_start3A_580 = arith.constant 0 : i32
      %dma_start3A_581 = tpu.memref_slice %arg14[%dma_start3A_579, %dma_start3A_580] : memref<4x128xi32, #tpu.memory_space<vmem>> -> memref<1x128xi32, #tpu.memory_space<vmem>>
      %dma_start3A_582 = tpu.memref_squeeze %dma_start3A_581 : memref<1x128xi32, #tpu.memory_space<vmem>> -> memref<128xi32, #tpu.memory_space<vmem>>
      %dma_start3A_583 = arith.constant 0 : i32
      %dma_start3A_584 = arith.constant 0 : i32
      %dma_start3A_585 = tpu.memref_slice %arg17[%dma_start3A_583, %dma_start3A_584] : memref<10112x128xf32, #tpu.memory_space<vmem_shared>> -> memref<10112x128xf32, #tpu.memory_space<vmem_shared>>
      tpu.enqueue_indirect_dma source(%arg16 : memref<128x128xf32, #tpu.memory_space<vmem>>) target(%dma_start3A_585 : memref<10112x128xf32, #tpu.memory_space<vmem_shared>>) offsets(%dma_start3A_582 : memref<128xi32, #tpu.memory_space<vmem>>) semaphore(%arg25 : memref<!tpu.dma_semaphore, #tpu.memory_space<semaphore_mem>>) {add = true}
      %dma_wait3A_586 = arith.constant 0 : i32
      %dma_wait3A_587 = arith.constant 0 : i32
      %dma_wait3A_588 = tpu.memref_slice %arg8[%dma_wait3A_586, %dma_wait3A_587] : memref<4x128xi32, #tpu.memory_space<vmem>> -> memref<1x128xi32, #tpu.memory_space<vmem>>
      %dma_wait3A_589 = tpu.memref_squeeze %dma_wait3A_588 : memref<1x128xi32, #tpu.memory_space<vmem>> -> memref<128xi32, #tpu.memory_space<vmem>>
      %dma_wait3A_590 = arith.constant 0 : i32
      %dma_wait3A_591 = arith.constant 0 : i32
      %dma_wait3A_592 = tpu.memref_slice %arg17[%dma_wait3A_590, %dma_wait3A_591] : memref<10112x128xf32, #tpu.memory_space<vmem_shared>> -> memref<10112x128xf32, #tpu.memory_space<vmem_shared>>
      tpu.wait_indirect_dma semaphore(%arg25 : memref<!tpu.dma_semaphore, #tpu.memory_space<semaphore_mem>>) src(%arg16 : memref<128x128xf32, #tpu.memory_space<vmem>>) dst(%dma_wait3A_592 : memref<10112x128xf32, #tpu.memory_space<vmem_shared>>)
      %dma_start3A_593 = arith.constant 3 : i32
      %dma_start3A_594 = arith.constant 0 : i32
      %dma_start3A_595 = tpu.memref_slice %arg13[%dma_start3A_593, %dma_start3A_594] : memref<4x128xi32, #tpu.memory_space<vmem>> -> memref<1x128xi32, #tpu.memory_space<vmem>>
      %dma_start3A_596 = tpu.memref_squeeze %dma_start3A_595 : memref<1x128xi32, #tpu.memory_space<vmem>> -> memref<128xi32, #tpu.memory_space<vmem>>
      %dma_start3A_597 = arith.constant 0 : i32
      %dma_start3A_598 = arith.constant 0 : i32
      %dma_start3A_599 = tpu.memref_slice %arg2[%dma_start3A_597, %dma_start3A_598] : memref<10112x128xf32, #tpu.memory_space<hbm>> -> memref<10112x128xf32, #tpu.memory_space<hbm>>
      tpu.enqueue_indirect_dma source(%dma_start3A_599 : memref<10112x128xf32, #tpu.memory_space<hbm>>) target(%arg16 : memref<128x128xf32, #tpu.memory_space<vmem>>) offsets(%dma_start3A_596 : memref<128xi32, #tpu.memory_space<vmem>>) semaphore(%arg19 : memref<!tpu.dma_semaphore, #tpu.memory_space<semaphore_mem>>)
      %dma_wait3A_600 = arith.constant 2 : i32
      %dma_wait3A_601 = arith.constant 0 : i32
      %dma_wait3A_602 = tpu.memref_slice %arg13[%dma_wait3A_600, %dma_wait3A_601] : memref<4x128xi32, #tpu.memory_space<vmem>> -> memref<1x128xi32, #tpu.memory_space<vmem>>
      %dma_wait3A_603 = tpu.memref_squeeze %dma_wait3A_602 : memref<1x128xi32, #tpu.memory_space<vmem>> -> memref<128xi32, #tpu.memory_space<vmem>>
      %dma_wait3A_604 = arith.constant 0 : i32
      %dma_wait3A_605 = arith.constant 0 : i32
      %dma_wait3A_606 = tpu.memref_slice %arg2[%dma_wait3A_604, %dma_wait3A_605] : memref<10112x128xf32, #tpu.memory_space<hbm>> -> memref<10112x128xf32, #tpu.memory_space<hbm>>
      tpu.wait_indirect_dma semaphore(%arg18 : memref<!tpu.dma_semaphore, #tpu.memory_space<semaphore_mem>>) src(%dma_wait3A_606 : memref<10112x128xf32, #tpu.memory_space<hbm>>) dst(%arg15 : memref<128x128xf32, #tpu.memory_space<vmem>>)
      %dma_start3A_607 = arith.constant 2 : i32
      %dma_start3A_608 = arith.constant 0 : i32
      %dma_start3A_609 = tpu.memref_slice %arg14[%dma_start3A_607, %dma_start3A_608] : memref<4x128xi32, #tpu.memory_space<vmem>> -> memref<1x128xi32, #tpu.memory_space<vmem>>
      %dma_start3A_610 = tpu.memref_squeeze %dma_start3A_609 : memref<1x128xi32, #tpu.memory_space<vmem>> -> memref<128xi32, #tpu.memory_space<vmem>>
      %dma_start3A_611 = arith.constant 0 : i32
      %dma_start3A_612 = arith.constant 0 : i32
      %dma_start3A_613 = tpu.memref_slice %arg17[%dma_start3A_611, %dma_start3A_612] : memref<10112x128xf32, #tpu.memory_space<vmem_shared>> -> memref<10112x128xf32, #tpu.memory_space<vmem_shared>>
      tpu.enqueue_indirect_dma source(%arg15 : memref<128x128xf32, #tpu.memory_space<vmem>>) target(%dma_start3A_613 : memref<10112x128xf32, #tpu.memory_space<vmem_shared>>) offsets(%dma_start3A_610 : memref<128xi32, #tpu.memory_space<vmem>>) semaphore(%arg24 : memref<!tpu.dma_semaphore, #tpu.memory_space<semaphore_mem>>) {add = true}
      %dma_wait3A_614 = arith.constant 3 : i32
      %dma_wait3A_615 = arith.constant 0 : i32
      %dma_wait3A_616 = tpu.memref_slice %arg13[%dma_wait3A_614, %dma_wait3A_615] : memref<4x128xi32, #tpu.memory_space<vmem>> -> memref<1x128xi32, #tpu.memory_space<vmem>>
      %dma_wait3A_617 = tpu.memref_squeeze %dma_wait3A_616 : memref<1x128xi32, #tpu.memory_space<vmem>> -> memref<128xi32, #tpu.memory_space<vmem>>
      %dma_wait3A_618 = arith.constant 0 : i32
      %dma_wait3A_619 = arith.constant 0 : i32
      %dma_wait3A_620 = tpu.memref_slice %arg2[%dma_wait3A_618, %dma_wait3A_619] : memref<10112x128xf32, #tpu.memory_space<hbm>> -> memref<10112x128xf32, #tpu.memory_space<hbm>>
      tpu.wait_indirect_dma semaphore(%arg19 : memref<!tpu.dma_semaphore, #tpu.memory_space<semaphore_mem>>) src(%dma_wait3A_620 : memref<10112x128xf32, #tpu.memory_space<hbm>>) dst(%arg16 : memref<128x128xf32, #tpu.memory_space<vmem>>)
      %dma_start3A_621 = arith.constant 3 : i32
      %dma_start3A_622 = arith.constant 0 : i32
      %dma_start3A_623 = tpu.memref_slice %arg14[%dma_start3A_621, %dma_start3A_622] : memref<4x128xi32, #tpu.memory_space<vmem>> -> memref<1x128xi32, #tpu.memory_space<vmem>>
      %dma_start3A_624 = tpu.memref_squeeze %dma_start3A_623 : memref<1x128xi32, #tpu.memory_space<vmem>> -> memref<128xi32, #tpu.memory_space<vmem>>
      %dma_start3A_625 = arith.constant 0 : i32
      %dma_start3A_626 = arith.constant 0 : i32
      %dma_start3A_627 = tpu.memref_slice %arg17[%dma_start3A_625, %dma_start3A_626] : memref<10112x128xf32, #tpu.memory_space<vmem_shared>> -> memref<10112x128xf32, #tpu.memory_space<vmem_shared>>
      tpu.enqueue_indirect_dma source(%arg16 : memref<128x128xf32, #tpu.memory_space<vmem>>) target(%dma_start3A_627 : memref<10112x128xf32, #tpu.memory_space<vmem_shared>>) offsets(%dma_start3A_624 : memref<128xi32, #tpu.memory_space<vmem>>) semaphore(%arg25 : memref<!tpu.dma_semaphore, #tpu.memory_space<semaphore_mem>>) {add = true}
      %add3A_628 = arith.constant 3 : i32
      %add3A_629 = arith.addi %add3A_501, %add3A_628 : i32
      %lt3A_630 = arith.constant 20 : i32
      %lt3A_631 = arith.cmpi slt, %add3A_629, %lt3A_630 : i32
      %convert_element_type3A_632 = arith.extui %lt3A_631 : i1 to i32
      %cond3A_633 = arith.constant 0 : i32
      %cond3A_634 = arith.cmpi ne, %convert_element_type3A_632, %cond3A_633 : i32
      scf.if %cond3A_634 {
        %add3A_636 = arith.constant 3 : i32
        %add3A_637 = arith.addi %add3A_501, %add3A_636 : i32
        %dma_start3A_638 = arith.constant 0 : i32
        %dma_start3A_639 = arith.constant 0 : i32
        %dma_start3A_640 = tpu.memref_slice %arg3[%add3A, %add3A_637, %dma_start3A_638, %dma_start3A_639] : memref<32x20x4x128xi32, #tpu.memory_space<hbm>> -> memref<1x1x4x128xi32, #tpu.memory_space<hbm>>
        %dma_start3A_641 = tpu.memref_squeeze %dma_start3A_640 : memref<1x1x4x128xi32, #tpu.memory_space<hbm>> -> memref<4x128xi32, #tpu.memory_space<hbm>>
        %dma_start3A_642 = arith.constant 0 : i32
        %dma_start3A_643 = arith.constant 0 : i32
        %dma_start3A_644 = tpu.memref_slice %arg3[%add3A, %add3A_637, %dma_start3A_642, %dma_start3A_643] : memref<32x20x4x128xi32, #tpu.memory_space<hbm>> -> memref<1x1x4x128xi32, #tpu.memory_space<hbm>>
        %dma_start3A_645 = tpu.memref_squeeze %dma_start3A_644 : memref<1x1x4x128xi32, #tpu.memory_space<hbm>> -> memref<4x128xi32, #tpu.memory_space<hbm>>
        tpu.enqueue_dma source(%dma_start3A_645 : memref<4x128xi32, #tpu.memory_space<hbm>>) target(%arg11 : memref<4x128xi32, #tpu.memory_space<vmem>>) target_semaphore(%arg22 : memref<!tpu.dma_semaphore, #tpu.memory_space<semaphore_mem>>)
        %add3A_646 = arith.constant 3 : i32
        %add3A_647 = arith.addi %add3A_501, %add3A_646 : i32
        %dma_start3A_648 = arith.constant 0 : i32
        %dma_start3A_649 = arith.constant 0 : i32
        %dma_start3A_650 = tpu.memref_slice %arg4[%add3A, %add3A_647, %dma_start3A_648, %dma_start3A_649] : memref<32x20x4x128xi32, #tpu.memory_space<hbm>> -> memref<1x1x4x128xi32, #tpu.memory_space<hbm>>
        %dma_start3A_651 = tpu.memref_squeeze %dma_start3A_650 : memref<1x1x4x128xi32, #tpu.memory_space<hbm>> -> memref<4x128xi32, #tpu.memory_space<hbm>>
        %dma_start3A_652 = arith.constant 0 : i32
        %dma_start3A_653 = arith.constant 0 : i32
        %dma_start3A_654 = tpu.memref_slice %arg4[%add3A, %add3A_647, %dma_start3A_652, %dma_start3A_653] : memref<32x20x4x128xi32, #tpu.memory_space<hbm>> -> memref<1x1x4x128xi32, #tpu.memory_space<hbm>>
        %dma_start3A_655 = tpu.memref_squeeze %dma_start3A_654 : memref<1x1x4x128xi32, #tpu.memory_space<hbm>> -> memref<4x128xi32, #tpu.memory_space<hbm>>
        tpu.enqueue_dma source(%dma_start3A_655 : memref<4x128xi32, #tpu.memory_space<hbm>>) target(%arg12 : memref<4x128xi32, #tpu.memory_space<vmem>>) target_semaphore(%arg22 : memref<!tpu.dma_semaphore, #tpu.memory_space<semaphore_mem>>)
      } else {
      }
      %scan3A_635 = arith.constant 0 : i32
      scf.yield %scan3A_635 : i32
    }
    %scan3A_70 = arith.constant 5 : i32
    %dma_wait3A = arith.constant 0 : i32
    %dma_wait3A_71 = arith.constant 0 : i32
    %dma_wait3A_72 = tpu.memref_slice %arg8[%dma_wait3A, %dma_wait3A_71] : memref<4x128xi32, #tpu.memory_space<vmem>> -> memref<1x128xi32, #tpu.memory_space<vmem>>
    %dma_wait3A_73 = tpu.memref_squeeze %dma_wait3A_72 : memref<1x128xi32, #tpu.memory_space<vmem>> -> memref<128xi32, #tpu.memory_space<vmem>>
    %dma_wait3A_74 = arith.constant 0 : i32
    %dma_wait3A_75 = arith.constant 0 : i32
    %dma_wait3A_76 = tpu.memref_slice %arg17[%dma_wait3A_74, %dma_wait3A_75] : memref<10112x128xf32, #tpu.memory_space<vmem_shared>> -> memref<10112x128xf32, #tpu.memory_space<vmem_shared>>
    tpu.wait_indirect_dma semaphore(%arg24 : memref<!tpu.dma_semaphore, #tpu.memory_space<semaphore_mem>>) src(%arg15 : memref<128x128xf32, #tpu.memory_space<vmem>>) dst(%dma_wait3A_76 : memref<10112x128xf32, #tpu.memory_space<vmem_shared>>)
    %dma_wait3A_77 = arith.constant 0 : i32
    %dma_wait3A_78 = arith.constant 0 : i32
    %dma_wait3A_79 = tpu.memref_slice %arg8[%dma_wait3A_77, %dma_wait3A_78] : memref<4x128xi32, #tpu.memory_space<vmem>> -> memref<1x128xi32, #tpu.memory_space<vmem>>
    %dma_wait3A_80 = tpu.memref_squeeze %dma_wait3A_79 : memref<1x128xi32, #tpu.memory_space<vmem>> -> memref<128xi32, #tpu.memory_space<vmem>>
    %dma_wait3A_81 = arith.constant 0 : i32
    %dma_wait3A_82 = arith.constant 0 : i32
    %dma_wait3A_83 = tpu.memref_slice %arg17[%dma_wait3A_81, %dma_wait3A_82] : memref<10112x128xf32, #tpu.memory_space<vmem_shared>> -> memref<10112x128xf32, #tpu.memory_space<vmem_shared>>
    tpu.wait_indirect_dma semaphore(%arg25 : memref<!tpu.dma_semaphore, #tpu.memory_space<semaphore_mem>>) src(%arg16 : memref<128x128xf32, #tpu.memory_space<vmem>>) dst(%dma_wait3A_83 : memref<10112x128xf32, #tpu.memory_space<vmem_shared>>)
    %barrier3A_84 = arith.constant 0 : index
    tpu.barrier barrier_id(%barrier3A_84)
    %mul3A_85 = arith.constant 632 : i32
    %mul3A_86 = arith.muli %arg1, %mul3A_85 : i32
    %mul3A_87 = arith.constant 632 : i32
    %mul3A_88 = arith.muli %arg1, %mul3A_87 : i32
    "tpu.region"() ({
      %run_scoped3A = tpu.sem_alloc : memref<!tpu.dma_semaphore, #tpu.memory_space<semaphore_mem>>
      %dma_start3A_89 = arith.constant 0 : i32
      %dma_start3A_90 = tpu.memref_slice %arg6[%arg0, %mul3A_88, %dma_start3A_89] : memref<2x10112x128xf32, #tpu.memory_space<hbm>> -> memref<1x632x128xf32, #tpu.memory_space<hbm>>
      %dma_start3A_91 = tpu.memref_squeeze %dma_start3A_90 : memref<1x632x128xf32, #tpu.memory_space<hbm>> -> memref<632x128xf32, #tpu.memory_space<hbm>>
      %dma_start3A_92 = arith.constant 0 : i32
      %dma_start3A_93 = tpu.memref_slice %arg17[%mul3A_86, %dma_start3A_92] : memref<10112x128xf32, #tpu.memory_space<vmem_shared>> -> memref<632x128xf32, #tpu.memory_space<vmem_shared>>
      tpu.enqueue_dma source(%dma_start3A_93 : memref<632x128xf32, #tpu.memory_space<vmem_shared>>) target(%dma_start3A_91 : memref<632x128xf32, #tpu.memory_space<hbm>>) target_semaphore(%run_scoped3A : memref<!tpu.dma_semaphore, #tpu.memory_space<semaphore_mem>>)
      %dma_wait3A_94 = arith.constant 0 : i32
      %dma_wait3A_95 = tpu.memref_slice %arg6[%arg0, %mul3A_88, %dma_wait3A_94] : memref<2x10112x128xf32, #tpu.memory_space<hbm>> -> memref<1x632x128xf32, #tpu.memory_space<hbm>>
      %dma_wait3A_96 = tpu.memref_squeeze %dma_wait3A_95 : memref<1x632x128xf32, #tpu.memory_space<hbm>> -> memref<632x128xf32, #tpu.memory_space<hbm>>
      %dma_wait3A_97 = arith.constant 0 : i32
      %dma_wait3A_98 = tpu.memref_slice %arg17[%mul3A_86, %dma_wait3A_97] : memref<10112x128xf32, #tpu.memory_space<vmem_shared>> -> memref<632x128xf32, #tpu.memory_space<vmem_shared>>
      tpu.wait_dma2 semaphore(%run_scoped3A : memref<!tpu.dma_semaphore, #tpu.memory_space<semaphore_mem>>) src(%dma_wait3A_98 : memref<632x128xf32, #tpu.memory_space<vmem_shared>>) dst(%dma_wait3A_96 : memref<632x128xf32, #tpu.memory_space<hbm>>)
      tpu.yield
    }) : () -> ()
    return
  }
}

#map = affine_map<(d0, d1) -> (0, 0, 0, 0)>
#map1 = affine_map<(d0, d1) -> (0)>
module attributes {stable_mosaic.version = 14 : i64} {
  func.func @deg_kernel(%arg0: i32, %arg1: i32, %arg2: memref<32x20x4x128xi32, #tpu.memory_space<hbm>>, %arg3: memref<32x20x4x128xi32, #tpu.memory_space<hbm>>, %arg4: memref<128xf32, #tpu.memory_space<hbm>>, %arg5: memref<10240xf32, #tpu.memory_space<hbm>>, %arg6: memref<10240xf32, #tpu.memory_space<hbm>>, %arg7: memref<10240xf32, #tpu.memory_space<hbm>>, %arg8: memref<10240xf32, #tpu.memory_space<hbm>>, %arg9: memref<4x128xi32, #tpu.memory_space<vmem>>, %arg10: memref<4x128xi32, #tpu.memory_space<vmem>>, %arg11: memref<4x128xi32, #tpu.memory_space<vmem>>, %arg12: memref<4x128xi32, #tpu.memory_space<vmem>>, %arg13: memref<128xf32, #tpu.memory_space<vmem>>, %arg14: memref<640xf32, #tpu.memory_space<vmem>>, %arg15: memref<10240xf32, #tpu.memory_space<vmem_shared>>, %arg16: memref<10240xf32, #tpu.memory_space<vmem_shared>>, %arg17: memref<!tpu.dma_semaphore, #tpu.memory_space<semaphore_mem>>, %arg18: memref<!tpu.dma_semaphore, #tpu.memory_space<semaphore_mem>>, %arg19: memref<!tpu.dma_semaphore, #tpu.memory_space<semaphore_mem>>) attributes {dimension_semantics = [#tpu.dimension_semantics<core_parallel>, #tpu.dimension_semantics<subcore_parallel>], iteration_bounds = array<i64: 2, 16>, scalar_prefetch = 0 : i64, scratch_operands = 11 : i64, tpu.core_type = #tpu.core_type<sc_vector_subcore>, window_params = [{transform_indices = #map}, {transform_indices = #map}, {transform_indices = #map1}, {transform_indices = #map1}, {transform_indices = #map1}, {transform_indices = #map1}, {transform_indices = #map1}]} {
    %mul3A = arith.constant 2 : i32
    %mul3A_0 = arith.muli %arg1, %mul3A : i32
    %add3A = arith.addi %mul3A_0, %arg0 : i32
    %dma_start3A = arith.constant 0 : i32
    %dma_start3A_1 = arith.constant 0 : i32
    %dma_start3A_2 = arith.constant 0 : i32
    %dma_start3A_3 = tpu.memref_slice %arg2[%add3A, %dma_start3A, %dma_start3A_1, %dma_start3A_2] : memref<32x20x4x128xi32, #tpu.memory_space<hbm>> -> memref<1x1x4x128xi32, #tpu.memory_space<hbm>>
    %dma_start3A_4 = tpu.memref_squeeze %dma_start3A_3 : memref<1x1x4x128xi32, #tpu.memory_space<hbm>> -> memref<4x128xi32, #tpu.memory_space<hbm>>
    %dma_start3A_5 = arith.constant 0 : i32
    %dma_start3A_6 = arith.constant 0 : i32
    %dma_start3A_7 = tpu.memref_slice %arg2[%add3A, %dma_start3A, %dma_start3A_5, %dma_start3A_6] : memref<32x20x4x128xi32, #tpu.memory_space<hbm>> -> memref<1x1x4x128xi32, #tpu.memory_space<hbm>>
    %dma_start3A_8 = tpu.memref_squeeze %dma_start3A_7 : memref<1x1x4x128xi32, #tpu.memory_space<hbm>> -> memref<4x128xi32, #tpu.memory_space<hbm>>
    tpu.enqueue_dma source(%dma_start3A_8 : memref<4x128xi32, #tpu.memory_space<hbm>>) target(%arg9 : memref<4x128xi32, #tpu.memory_space<vmem>>) target_semaphore(%arg17 : memref<!tpu.dma_semaphore, #tpu.memory_space<semaphore_mem>>)
    %dma_start3A_9 = arith.constant 0 : i32
    %dma_start3A_10 = arith.constant 0 : i32
    %dma_start3A_11 = arith.constant 0 : i32
    %dma_start3A_12 = tpu.memref_slice %arg3[%add3A, %dma_start3A_9, %dma_start3A_10, %dma_start3A_11] : memref<32x20x4x128xi32, #tpu.memory_space<hbm>> -> memref<1x1x4x128xi32, #tpu.memory_space<hbm>>
    %dma_start3A_13 = tpu.memref_squeeze %dma_start3A_12 : memref<1x1x4x128xi32, #tpu.memory_space<hbm>> -> memref<4x128xi32, #tpu.memory_space<hbm>>
    %dma_start3A_14 = arith.constant 0 : i32
    %dma_start3A_15 = arith.constant 0 : i32
    %dma_start3A_16 = tpu.memref_slice %arg3[%add3A, %dma_start3A_9, %dma_start3A_14, %dma_start3A_15] : memref<32x20x4x128xi32, #tpu.memory_space<hbm>> -> memref<1x1x4x128xi32, #tpu.memory_space<hbm>>
    %dma_start3A_17 = tpu.memref_squeeze %dma_start3A_16 : memref<1x1x4x128xi32, #tpu.memory_space<hbm>> -> memref<4x128xi32, #tpu.memory_space<hbm>>
    tpu.enqueue_dma source(%dma_start3A_17 : memref<4x128xi32, #tpu.memory_space<hbm>>) target(%arg10 : memref<4x128xi32, #tpu.memory_space<vmem>>) target_semaphore(%arg17 : memref<!tpu.dma_semaphore, #tpu.memory_space<semaphore_mem>>)
    %dma_start3A_18 = arith.constant 1 : i32
    %dma_start3A_19 = arith.constant 0 : i32
    %dma_start3A_20 = arith.constant 0 : i32
    %dma_start3A_21 = tpu.memref_slice %arg2[%add3A, %dma_start3A_18, %dma_start3A_19, %dma_start3A_20] : memref<32x20x4x128xi32, #tpu.memory_space<hbm>> -> memref<1x1x4x128xi32, #tpu.memory_space<hbm>>
    %dma_start3A_22 = tpu.memref_squeeze %dma_start3A_21 : memref<1x1x4x128xi32, #tpu.memory_space<hbm>> -> memref<4x128xi32, #tpu.memory_space<hbm>>
    %dma_start3A_23 = arith.constant 0 : i32
    %dma_start3A_24 = arith.constant 0 : i32
    %dma_start3A_25 = tpu.memref_slice %arg2[%add3A, %dma_start3A_18, %dma_start3A_23, %dma_start3A_24] : memref<32x20x4x128xi32, #tpu.memory_space<hbm>> -> memref<1x1x4x128xi32, #tpu.memory_space<hbm>>
    %dma_start3A_26 = tpu.memref_squeeze %dma_start3A_25 : memref<1x1x4x128xi32, #tpu.memory_space<hbm>> -> memref<4x128xi32, #tpu.memory_space<hbm>>
    tpu.enqueue_dma source(%dma_start3A_26 : memref<4x128xi32, #tpu.memory_space<hbm>>) target(%arg11 : memref<4x128xi32, #tpu.memory_space<vmem>>) target_semaphore(%arg18 : memref<!tpu.dma_semaphore, #tpu.memory_space<semaphore_mem>>)
    %dma_start3A_27 = arith.constant 1 : i32
    %dma_start3A_28 = arith.constant 0 : i32
    %dma_start3A_29 = arith.constant 0 : i32
    %dma_start3A_30 = tpu.memref_slice %arg3[%add3A, %dma_start3A_27, %dma_start3A_28, %dma_start3A_29] : memref<32x20x4x128xi32, #tpu.memory_space<hbm>> -> memref<1x1x4x128xi32, #tpu.memory_space<hbm>>
    %dma_start3A_31 = tpu.memref_squeeze %dma_start3A_30 : memref<1x1x4x128xi32, #tpu.memory_space<hbm>> -> memref<4x128xi32, #tpu.memory_space<hbm>>
    %dma_start3A_32 = arith.constant 0 : i32
    %dma_start3A_33 = arith.constant 0 : i32
    %dma_start3A_34 = tpu.memref_slice %arg3[%add3A, %dma_start3A_27, %dma_start3A_32, %dma_start3A_33] : memref<32x20x4x128xi32, #tpu.memory_space<hbm>> -> memref<1x1x4x128xi32, #tpu.memory_space<hbm>>
    %dma_start3A_35 = tpu.memref_squeeze %dma_start3A_34 : memref<1x1x4x128xi32, #tpu.memory_space<hbm>> -> memref<4x128xi32, #tpu.memory_space<hbm>>
    tpu.enqueue_dma source(%dma_start3A_35 : memref<4x128xi32, #tpu.memory_space<hbm>>) target(%arg12 : memref<4x128xi32, #tpu.memory_space<vmem>>) target_semaphore(%arg18 : memref<!tpu.dma_semaphore, #tpu.memory_space<semaphore_mem>>)
    "tpu.region"() ({
      %run_scoped3A = tpu.sem_alloc : memref<!tpu.dma_semaphore, #tpu.memory_space<semaphore_mem>>
      tpu.enqueue_dma source(%arg4 : memref<128xf32, #tpu.memory_space<hbm>>) target(%arg13 : memref<128xf32, #tpu.memory_space<vmem>>) target_semaphore(%run_scoped3A : memref<!tpu.dma_semaphore, #tpu.memory_space<semaphore_mem>>)
      tpu.wait_dma2 semaphore(%run_scoped3A : memref<!tpu.dma_semaphore, #tpu.memory_space<semaphore_mem>>) src(%arg4 : memref<128xf32, #tpu.memory_space<hbm>>) dst(%arg13 : memref<128xf32, #tpu.memory_space<vmem>>)
      tpu.yield
    }) : () -> ()
    %scan3A = arith.constant 0 : i32
    %scan3A_36 = arith.constant 0 : i32
    %scan3A_37 = arith.constant 40 : i32
    %scan3A_38 = arith.addi %scan3A_36, %scan3A_37 : i32
    %scan3A_39 = arith.constant 1 : i32
    %scan3A_40 = scf.for %scan3A_61 = %scan3A_36 to %scan3A_38 step %scan3A_39 iter_args(%scan3A_62 = %scan3A) -> (i32)  : i32 {
      %broadcast_in_dim3A = arith.constant 0.000000e+00 : f32
      %broadcast_in_dim3A_63 = vector.broadcast %broadcast_in_dim3A : f32 to vector<16xf32>
      %mul3A_64 = arith.constant 16 : i32
      %mul3A_65 = arith.muli %scan3A_61, %mul3A_64 : i32
      %swap3A = arith.index_cast %mul3A_65 : i32 to index
      %swap3A_66 = tpu.vector_load %arg14[%swap3A] {strides = array<i32>} : memref<640xf32, #tpu.memory_space<vmem>>, vector<16xf32>,
      %swap3A_67 = vector.shape_cast %swap3A_66 : vector<16xf32> to vector<16xf32>
      %swap3A_68 = vector.shape_cast %broadcast_in_dim3A_63 : vector<16xf32> to vector<16xf32>
      tpu.vector_store %arg14[%swap3A], %swap3A_68 {strides = array<i32>} : memref<640xf32, #tpu.memory_space<vmem>>, vector<16xf32>,
      %scan3A_69 = arith.constant 0 : i32
      scf.yield %scan3A_69 : i32
    }
    %scan3A_41 = arith.constant 40 : i32
    %mul3A_42 = arith.constant 640 : i32
    %mul3A_43 = arith.muli %arg1, %mul3A_42 : i32
    "tpu.region"() ({
      %run_scoped3A = tpu.sem_alloc : memref<!tpu.dma_semaphore, #tpu.memory_space<semaphore_mem>>
      %dma_start3A_61 = arith.constant 0 : i32
      %dma_start3A_62 = tpu.memref_slice %arg14[%dma_start3A_61] : memref<640xf32, #tpu.memory_space<vmem>> -> memref<640xf32, #tpu.memory_space<vmem>>
      %dma_start3A_63 = tpu.memref_slice %arg15[%mul3A_43] : memref<10240xf32, #tpu.memory_space<vmem_shared>> -> memref<640xf32, #tpu.memory_space<vmem_shared>>
      %dma_start3A_64 = tpu.memref_slice %arg15[%mul3A_43] : memref<10240xf32, #tpu.memory_space<vmem_shared>> -> memref<640xf32, #tpu.memory_space<vmem_shared>>
      %dma_start3A_65 = arith.constant 0 : i32
      %dma_start3A_66 = tpu.memref_slice %arg14[%dma_start3A_65] : memref<640xf32, #tpu.memory_space<vmem>> -> memref<640xf32, #tpu.memory_space<vmem>>
      tpu.enqueue_dma source(%dma_start3A_66 : memref<640xf32, #tpu.memory_space<vmem>>) target(%dma_start3A_64 : memref<640xf32, #tpu.memory_space<vmem_shared>>) target_semaphore(%run_scoped3A : memref<!tpu.dma_semaphore, #tpu.memory_space<semaphore_mem>>)
      %dma_wait3A = arith.constant 0 : i32
      %dma_wait3A_67 = tpu.memref_slice %arg14[%dma_wait3A] : memref<640xf32, #tpu.memory_space<vmem>> -> memref<640xf32, #tpu.memory_space<vmem>>
      %dma_wait3A_68 = tpu.memref_slice %arg15[%mul3A_43] : memref<10240xf32, #tpu.memory_space<vmem_shared>> -> memref<640xf32, #tpu.memory_space<vmem_shared>>
      %dma_wait3A_69 = tpu.memref_slice %arg15[%mul3A_43] : memref<10240xf32, #tpu.memory_space<vmem_shared>> -> memref<640xf32, #tpu.memory_space<vmem_shared>>
      %dma_wait3A_70 = arith.constant 0 : i32
      %dma_wait3A_71 = tpu.memref_slice %arg14[%dma_wait3A_70] : memref<640xf32, #tpu.memory_space<vmem>> -> memref<640xf32, #tpu.memory_space<vmem>>
      tpu.wait_dma2 semaphore(%run_scoped3A : memref<!tpu.dma_semaphore, #tpu.memory_space<semaphore_mem>>) src(%dma_wait3A_71 : memref<640xf32, #tpu.memory_space<vmem>>) dst(%dma_wait3A_69 : memref<640xf32, #tpu.memory_space<vmem_shared>>)
      tpu.yield
    }) : () -> ()
    %mul3A_44 = arith.constant 640 : i32
    %mul3A_45 = arith.muli %arg1, %mul3A_44 : i32
    "tpu.region"() ({
      %run_scoped3A = tpu.sem_alloc : memref<!tpu.dma_semaphore, #tpu.memory_space<semaphore_mem>>
      %dma_start3A_61 = arith.constant 0 : i32
      %dma_start3A_62 = tpu.memref_slice %arg14[%dma_start3A_61] : memref<640xf32, #tpu.memory_space<vmem>> -> memref<640xf32, #tpu.memory_space<vmem>>
      %dma_start3A_63 = tpu.memref_slice %arg16[%mul3A_45] : memref<10240xf32, #tpu.memory_space<vmem_shared>> -> memref<640xf32, #tpu.memory_space<vmem_shared>>
      %dma_start3A_64 = tpu.memref_slice %arg16[%mul3A_45] : memref<10240xf32, #tpu.memory_space<vmem_shared>> -> memref<640xf32, #tpu.memory_space<vmem_shared>>
      %dma_start3A_65 = arith.constant 0 : i32
      %dma_start3A_66 = tpu.memref_slice %arg14[%dma_start3A_65] : memref<640xf32, #tpu.memory_space<vmem>> -> memref<640xf32, #tpu.memory_space<vmem>>
      tpu.enqueue_dma source(%dma_start3A_66 : memref<640xf32, #tpu.memory_space<vmem>>) target(%dma_start3A_64 : memref<640xf32, #tpu.memory_space<vmem_shared>>) target_semaphore(%run_scoped3A : memref<!tpu.dma_semaphore, #tpu.memory_space<semaphore_mem>>)
      %dma_wait3A = arith.constant 0 : i32
      %dma_wait3A_67 = tpu.memref_slice %arg14[%dma_wait3A] : memref<640xf32, #tpu.memory_space<vmem>> -> memref<640xf32, #tpu.memory_space<vmem>>
      %dma_wait3A_68 = tpu.memref_slice %arg16[%mul3A_45] : memref<10240xf32, #tpu.memory_space<vmem_shared>> -> memref<640xf32, #tpu.memory_space<vmem_shared>>
      %dma_wait3A_69 = tpu.memref_slice %arg16[%mul3A_45] : memref<10240xf32, #tpu.memory_space<vmem_shared>> -> memref<640xf32, #tpu.memory_space<vmem_shared>>
      %dma_wait3A_70 = arith.constant 0 : i32
      %dma_wait3A_71 = tpu.memref_slice %arg14[%dma_wait3A_70] : memref<640xf32, #tpu.memory_space<vmem>> -> memref<640xf32, #tpu.memory_space<vmem>>
      tpu.wait_dma2 semaphore(%run_scoped3A : memref<!tpu.dma_semaphore, #tpu.memory_space<semaphore_mem>>) src(%dma_wait3A_71 : memref<640xf32, #tpu.memory_space<vmem>>) dst(%dma_wait3A_69 : memref<640xf32, #tpu.memory_space<vmem_shared>>)
      tpu.yield
    }) : () -> ()
    %barrier3A = arith.constant 0 : index
    tpu.barrier barrier_id(%barrier3A)
    %scan3A_46 = arith.constant 0 : i32
    %scan3A_47 = arith.constant 0 : i32
    %scan3A_48 = arith.constant 10 : i32
    %scan3A_49 = arith.addi %scan3A_47, %scan3A_48 : i32
    %scan3A_50 = arith.constant 1 : i32
    %scan3A_51 = scf.for %scan3A_61 = %scan3A_47 to %scan3A_49 step %scan3A_50 iter_args(%scan3A_62 = %scan3A_46) -> (i32)  : i32 {
      %mul3A_63 = arith.constant 2 : i32
      %mul3A_64 = arith.muli %mul3A_63, %scan3A_61 : i32
      %dma_wait3A = arith.constant 0 : i32
      %dma_wait3A_65 = arith.constant 0 : i32
      %dma_wait3A_66 = arith.constant 0 : i32
      %dma_wait3A_67 = tpu.memref_slice %arg2[%add3A, %dma_wait3A, %dma_wait3A_65, %dma_wait3A_66] : memref<32x20x4x128xi32, #tpu.memory_space<hbm>> -> memref<1x1x4x128xi32, #tpu.memory_space<hbm>>
      %dma_wait3A_68 = tpu.memref_squeeze %dma_wait3A_67 : memref<1x1x4x128xi32, #tpu.memory_space<hbm>> -> memref<4x128xi32, #tpu.memory_space<hbm>>
      %dma_wait3A_69 = arith.constant 0 : i32
      %dma_wait3A_70 = arith.constant 0 : i32
      %dma_wait3A_71 = tpu.memref_slice %arg2[%add3A, %dma_wait3A, %dma_wait3A_69, %dma_wait3A_70] : memref<32x20x4x128xi32, #tpu.memory_space<hbm>> -> memref<1x1x4x128xi32, #tpu.memory_space<hbm>>
      %dma_wait3A_72 = tpu.memref_squeeze %dma_wait3A_71 : memref<1x1x4x128xi32, #tpu.memory_space<hbm>> -> memref<4x128xi32, #tpu.memory_space<hbm>>
      tpu.wait_dma2 semaphore(%arg17 : memref<!tpu.dma_semaphore, #tpu.memory_space<semaphore_mem>>) src(%dma_wait3A_72 : memref<4x128xi32, #tpu.memory_space<hbm>>) dst(%arg9 : memref<4x128xi32, #tpu.memory_space<vmem>>)
      %dma_wait3A_73 = arith.constant 0 : i32
      %dma_wait3A_74 = arith.constant 0 : i32
      %dma_wait3A_75 = arith.constant 0 : i32
      %dma_wait3A_76 = tpu.memref_slice %arg3[%add3A, %dma_wait3A_73, %dma_wait3A_74, %dma_wait3A_75] : memref<32x20x4x128xi32, #tpu.memory_space<hbm>> -> memref<1x1x4x128xi32, #tpu.memory_space<hbm>>
      %dma_wait3A_77 = tpu.memref_squeeze %dma_wait3A_76 : memref<1x1x4x128xi32, #tpu.memory_space<hbm>> -> memref<4x128xi32, #tpu.memory_space<hbm>>
      %dma_wait3A_78 = arith.constant 0 : i32
      %dma_wait3A_79 = arith.constant 0 : i32
      %dma_wait3A_80 = tpu.memref_slice %arg3[%add3A, %dma_wait3A_73, %dma_wait3A_78, %dma_wait3A_79] : memref<32x20x4x128xi32, #tpu.memory_space<hbm>> -> memref<1x1x4x128xi32, #tpu.memory_space<hbm>>
      %dma_wait3A_81 = tpu.memref_squeeze %dma_wait3A_80 : memref<1x1x4x128xi32, #tpu.memory_space<hbm>> -> memref<4x128xi32, #tpu.memory_space<hbm>>
      tpu.wait_dma2 semaphore(%arg17 : memref<!tpu.dma_semaphore, #tpu.memory_space<semaphore_mem>>) src(%dma_wait3A_81 : memref<4x128xi32, #tpu.memory_space<hbm>>) dst(%arg10 : memref<4x128xi32, #tpu.memory_space<vmem>>)
      %dma_start3A_82 = arith.constant 0 : i32
      %dma_start3A_83 = arith.constant 0 : i32
      %dma_start3A_84 = tpu.memref_slice %arg9[%dma_start3A_82, %dma_start3A_83] : memref<4x128xi32, #tpu.memory_space<vmem>> -> memref<1x128xi32, #tpu.memory_space<vmem>>
      %dma_start3A_85 = tpu.memref_squeeze %dma_start3A_84 : memref<1x128xi32, #tpu.memory_space<vmem>> -> memref<128xi32, #tpu.memory_space<vmem>>
      %dma_start3A_86 = arith.constant 0 : i32
      %dma_start3A_87 = tpu.memref_slice %arg15[%dma_start3A_86] : memref<10240xf32, #tpu.memory_space<vmem_shared>> -> memref<10240xf32, #tpu.memory_space<vmem_shared>>
      tpu.enqueue_indirect_dma source(%arg13 : memref<128xf32, #tpu.memory_space<vmem>>) target(%dma_start3A_87 : memref<10240xf32, #tpu.memory_space<vmem_shared>>) offsets(%dma_start3A_85 : memref<128xi32, #tpu.memory_space<vmem>>) semaphore(%arg19 : memref<!tpu.dma_semaphore, #tpu.memory_space<semaphore_mem>>) {add = true}
      %dma_start3A_88 = arith.constant 0 : i32
      %dma_start3A_89 = arith.constant 0 : i32
      %dma_start3A_90 = tpu.memref_slice %arg10[%dma_start3A_88, %dma_start3A_89] : memref<4x128xi32, #tpu.memory_space<vmem>> -> memref<1x128xi32, #tpu.memory_space<vmem>>
      %dma_start3A_91 = tpu.memref_squeeze %dma_start3A_90 : memref<1x128xi32, #tpu.memory_space<vmem>> -> memref<128xi32, #tpu.memory_space<vmem>>
      %dma_start3A_92 = arith.constant 0 : i32
      %dma_start3A_93 = tpu.memref_slice %arg16[%dma_start3A_92] : memref<10240xf32, #tpu.memory_space<vmem_shared>> -> memref<10240xf32, #tpu.memory_space<vmem_shared>>
      tpu.enqueue_indirect_dma source(%arg13 : memref<128xf32, #tpu.memory_space<vmem>>) target(%dma_start3A_93 : memref<10240xf32, #tpu.memory_space<vmem_shared>>) offsets(%dma_start3A_91 : memref<128xi32, #tpu.memory_space<vmem>>) semaphore(%arg19 : memref<!tpu.dma_semaphore, #tpu.memory_space<semaphore_mem>>) {add = true}
      %dma_start3A_94 = arith.constant 1 : i32
      %dma_start3A_95 = arith.constant 0 : i32
      %dma_start3A_96 = tpu.memref_slice %arg9[%dma_start3A_94, %dma_start3A_95] : memref<4x128xi32, #tpu.memory_space<vmem>> -> memref<1x128xi32, #tpu.memory_space<vmem>>
      %dma_start3A_97 = tpu.memref_squeeze %dma_start3A_96 : memref<1x128xi32, #tpu.memory_space<vmem>> -> memref<128xi32, #tpu.memory_space<vmem>>
      %dma_start3A_98 = arith.constant 0 : i32
      %dma_start3A_99 = tpu.memref_slice %arg15[%dma_start3A_98] : memref<10240xf32, #tpu.memory_space<vmem_shared>> -> memref<10240xf32, #tpu.memory_space<vmem_shared>>
      tpu.enqueue_indirect_dma source(%arg13 : memref<128xf32, #tpu.memory_space<vmem>>) target(%dma_start3A_99 : memref<10240xf32, #tpu.memory_space<vmem_shared>>) offsets(%dma_start3A_97 : memref<128xi32, #tpu.memory_space<vmem>>) semaphore(%arg19 : memref<!tpu.dma_semaphore, #tpu.memory_space<semaphore_mem>>) {add = true}
      %dma_start3A_100 = arith.constant 1 : i32
      %dma_start3A_101 = arith.constant 0 : i32
      %dma_start3A_102 = tpu.memref_slice %arg10[%dma_start3A_100, %dma_start3A_101] : memref<4x128xi32, #tpu.memory_space<vmem>> -> memref<1x128xi32, #tpu.memory_space<vmem>>
      %dma_start3A_103 = tpu.memref_squeeze %dma_start3A_102 : memref<1x128xi32, #tpu.memory_space<vmem>> -> memref<128xi32, #tpu.memory_space<vmem>>
      %dma_start3A_104 = arith.constant 0 : i32
      %dma_start3A_105 = tpu.memref_slice %arg16[%dma_start3A_104] : memref<10240xf32, #tpu.memory_space<vmem_shared>> -> memref<10240xf32, #tpu.memory_space<vmem_shared>>
      tpu.enqueue_indirect_dma source(%arg13 : memref<128xf32, #tpu.memory_space<vmem>>) target(%dma_start3A_105 : memref<10240xf32, #tpu.memory_space<vmem_shared>>) offsets(%dma_start3A_103 : memref<128xi32, #tpu.memory_space<vmem>>) semaphore(%arg19 : memref<!tpu.dma_semaphore, #tpu.memory_space<semaphore_mem>>) {add = true}
      %dma_start3A_106 = arith.constant 2 : i32
      %dma_start3A_107 = arith.constant 0 : i32
      %dma_start3A_108 = tpu.memref_slice %arg9[%dma_start3A_106, %dma_start3A_107] : memref<4x128xi32, #tpu.memory_space<vmem>> -> memref<1x128xi32, #tpu.memory_space<vmem>>
      %dma_start3A_109 = tpu.memref_squeeze %dma_start3A_108 : memref<1x128xi32, #tpu.memory_space<vmem>> -> memref<128xi32, #tpu.memory_space<vmem>>
      %dma_start3A_110 = arith.constant 0 : i32
      %dma_start3A_111 = tpu.memref_slice %arg15[%dma_start3A_110] : memref<10240xf32, #tpu.memory_space<vmem_shared>> -> memref<10240xf32, #tpu.memory_space<vmem_shared>>
      tpu.enqueue_indirect_dma source(%arg13 : memref<128xf32, #tpu.memory_space<vmem>>) target(%dma_start3A_111 : memref<10240xf32, #tpu.memory_space<vmem_shared>>) offsets(%dma_start3A_109 : memref<128xi32, #tpu.memory_space<vmem>>) semaphore(%arg19 : memref<!tpu.dma_semaphore, #tpu.memory_space<semaphore_mem>>) {add = true}
      %dma_start3A_112 = arith.constant 2 : i32
      %dma_start3A_113 = arith.constant 0 : i32
      %dma_start3A_114 = tpu.memref_slice %arg10[%dma_start3A_112, %dma_start3A_113] : memref<4x128xi32, #tpu.memory_space<vmem>> -> memref<1x128xi32, #tpu.memory_space<vmem>>
      %dma_start3A_115 = tpu.memref_squeeze %dma_start3A_114 : memref<1x128xi32, #tpu.memory_space<vmem>> -> memref<128xi32, #tpu.memory_space<vmem>>
      %dma_start3A_116 = arith.constant 0 : i32
      %dma_start3A_117 = tpu.memref_slice %arg16[%dma_start3A_116] : memref<10240xf32, #tpu.memory_space<vmem_shared>> -> memref<10240xf32, #tpu.memory_space<vmem_shared>>
      tpu.enqueue_indirect_dma source(%arg13 : memref<128xf32, #tpu.memory_space<vmem>>) target(%dma_start3A_117 : memref<10240xf32, #tpu.memory_space<vmem_shared>>) offsets(%dma_start3A_115 : memref<128xi32, #tpu.memory_space<vmem>>) semaphore(%arg19 : memref<!tpu.dma_semaphore, #tpu.memory_space<semaphore_mem>>) {add = true}
      %dma_start3A_118 = arith.constant 3 : i32
      %dma_start3A_119 = arith.constant 0 : i32
      %dma_start3A_120 = tpu.memref_slice %arg9[%dma_start3A_118, %dma_start3A_119] : memref<4x128xi32, #tpu.memory_space<vmem>> -> memref<1x128xi32, #tpu.memory_space<vmem>>
      %dma_start3A_121 = tpu.memref_squeeze %dma_start3A_120 : memref<1x128xi32, #tpu.memory_space<vmem>> -> memref<128xi32, #tpu.memory_space<vmem>>
      %dma_start3A_122 = arith.constant 0 : i32
      %dma_start3A_123 = tpu.memref_slice %arg15[%dma_start3A_122] : memref<10240xf32, #tpu.memory_space<vmem_shared>> -> memref<10240xf32, #tpu.memory_space<vmem_shared>>
      tpu.enqueue_indirect_dma source(%arg13 : memref<128xf32, #tpu.memory_space<vmem>>) target(%dma_start3A_123 : memref<10240xf32, #tpu.memory_space<vmem_shared>>) offsets(%dma_start3A_121 : memref<128xi32, #tpu.memory_space<vmem>>) semaphore(%arg19 : memref<!tpu.dma_semaphore, #tpu.memory_space<semaphore_mem>>) {add = true}
      %dma_start3A_124 = arith.constant 3 : i32
      %dma_start3A_125 = arith.constant 0 : i32
      %dma_start3A_126 = tpu.memref_slice %arg10[%dma_start3A_124, %dma_start3A_125] : memref<4x128xi32, #tpu.memory_space<vmem>> -> memref<1x128xi32, #tpu.memory_space<vmem>>
      %dma_start3A_127 = tpu.memref_squeeze %dma_start3A_126 : memref<1x128xi32, #tpu.memory_space<vmem>> -> memref<128xi32, #tpu.memory_space<vmem>>
      %dma_start3A_128 = arith.constant 0 : i32
      %dma_start3A_129 = tpu.memref_slice %arg16[%dma_start3A_128] : memref<10240xf32, #tpu.memory_space<vmem_shared>> -> memref<10240xf32, #tpu.memory_space<vmem_shared>>
      tpu.enqueue_indirect_dma source(%arg13 : memref<128xf32, #tpu.memory_space<vmem>>) target(%dma_start3A_129 : memref<10240xf32, #tpu.memory_space<vmem_shared>>) offsets(%dma_start3A_127 : memref<128xi32, #tpu.memory_space<vmem>>) semaphore(%arg19 : memref<!tpu.dma_semaphore, #tpu.memory_space<semaphore_mem>>) {add = true}
      %dma_wait3A_130 = arith.constant 0 : i32
      %dma_wait3A_131 = arith.constant 0 : i32
      %dma_wait3A_132 = tpu.memref_slice %arg9[%dma_wait3A_130, %dma_wait3A_131] : memref<4x128xi32, #tpu.memory_space<vmem>> -> memref<1x128xi32, #tpu.memory_space<vmem>>
      %dma_wait3A_133 = tpu.memref_squeeze %dma_wait3A_132 : memref<1x128xi32, #tpu.memory_space<vmem>> -> memref<128xi32, #tpu.memory_space<vmem>>
      %dma_wait3A_134 = arith.constant 0 : i32
      %dma_wait3A_135 = tpu.memref_slice %arg15[%dma_wait3A_134] : memref<10240xf32, #tpu.memory_space<vmem_shared>> -> memref<10240xf32, #tpu.memory_space<vmem_shared>>
      tpu.wait_indirect_dma semaphore(%arg19 : memref<!tpu.dma_semaphore, #tpu.memory_space<semaphore_mem>>) src(%arg13 : memref<128xf32, #tpu.memory_space<vmem>>) dst(%dma_wait3A_135 : memref<10240xf32, #tpu.memory_space<vmem_shared>>)
      %dma_wait3A_136 = arith.constant 0 : i32
      %dma_wait3A_137 = arith.constant 0 : i32
      %dma_wait3A_138 = tpu.memref_slice %arg10[%dma_wait3A_136, %dma_wait3A_137] : memref<4x128xi32, #tpu.memory_space<vmem>> -> memref<1x128xi32, #tpu.memory_space<vmem>>
      %dma_wait3A_139 = tpu.memref_squeeze %dma_wait3A_138 : memref<1x128xi32, #tpu.memory_space<vmem>> -> memref<128xi32, #tpu.memory_space<vmem>>
      %dma_wait3A_140 = arith.constant 0 : i32
      %dma_wait3A_141 = tpu.memref_slice %arg16[%dma_wait3A_140] : memref<10240xf32, #tpu.memory_space<vmem_shared>> -> memref<10240xf32, #tpu.memory_space<vmem_shared>>
      tpu.wait_indirect_dma semaphore(%arg19 : memref<!tpu.dma_semaphore, #tpu.memory_space<semaphore_mem>>) src(%arg13 : memref<128xf32, #tpu.memory_space<vmem>>) dst(%dma_wait3A_141 : memref<10240xf32, #tpu.memory_space<vmem_shared>>)
      %dma_wait3A_142 = arith.constant 0 : i32
      %dma_wait3A_143 = arith.constant 0 : i32
      %dma_wait3A_144 = tpu.memref_slice %arg9[%dma_wait3A_142, %dma_wait3A_143] : memref<4x128xi32, #tpu.memory_space<vmem>> -> memref<1x128xi32, #tpu.memory_space<vmem>>
      %dma_wait3A_145 = tpu.memref_squeeze %dma_wait3A_144 : memref<1x128xi32, #tpu.memory_space<vmem>> -> memref<128xi32, #tpu.memory_space<vmem>>
      %dma_wait3A_146 = arith.constant 0 : i32
      %dma_wait3A_147 = tpu.memref_slice %arg15[%dma_wait3A_146] : memref<10240xf32, #tpu.memory_space<vmem_shared>> -> memref<10240xf32, #tpu.memory_space<vmem_shared>>
      tpu.wait_indirect_dma semaphore(%arg19 : memref<!tpu.dma_semaphore, #tpu.memory_space<semaphore_mem>>) src(%arg13 : memref<128xf32, #tpu.memory_space<vmem>>) dst(%dma_wait3A_147 : memref<10240xf32, #tpu.memory_space<vmem_shared>>)
      %dma_wait3A_148 = arith.constant 0 : i32
      %dma_wait3A_149 = arith.constant 0 : i32
      %dma_wait3A_150 = tpu.memref_slice %arg10[%dma_wait3A_148, %dma_wait3A_149] : memref<4x128xi32, #tpu.memory_space<vmem>> -> memref<1x128xi32, #tpu.memory_space<vmem>>
      %dma_wait3A_151 = tpu.memref_squeeze %dma_wait3A_150 : memref<1x128xi32, #tpu.memory_space<vmem>> -> memref<128xi32, #tpu.memory_space<vmem>>
      %dma_wait3A_152 = arith.constant 0 : i32
      %dma_wait3A_153 = tpu.memref_slice %arg16[%dma_wait3A_152] : memref<10240xf32, #tpu.memory_space<vmem_shared>> -> memref<10240xf32, #tpu.memory_space<vmem_shared>>
      tpu.wait_indirect_dma semaphore(%arg19 : memref<!tpu.dma_semaphore, #tpu.memory_space<semaphore_mem>>) src(%arg13 : memref<128xf32, #tpu.memory_space<vmem>>) dst(%dma_wait3A_153 : memref<10240xf32, #tpu.memory_space<vmem_shared>>)
      %dma_wait3A_154 = arith.constant 0 : i32
      %dma_wait3A_155 = arith.constant 0 : i32
      %dma_wait3A_156 = tpu.memref_slice %arg9[%dma_wait3A_154, %dma_wait3A_155] : memref<4x128xi32, #tpu.memory_space<vmem>> -> memref<1x128xi32, #tpu.memory_space<vmem>>
      %dma_wait3A_157 = tpu.memref_squeeze %dma_wait3A_156 : memref<1x128xi32, #tpu.memory_space<vmem>> -> memref<128xi32, #tpu.memory_space<vmem>>
      %dma_wait3A_158 = arith.constant 0 : i32
      %dma_wait3A_159 = tpu.memref_slice %arg15[%dma_wait3A_158] : memref<10240xf32, #tpu.memory_space<vmem_shared>> -> memref<10240xf32, #tpu.memory_space<vmem_shared>>
      tpu.wait_indirect_dma semaphore(%arg19 : memref<!tpu.dma_semaphore, #tpu.memory_space<semaphore_mem>>) src(%arg13 : memref<128xf32, #tpu.memory_space<vmem>>) dst(%dma_wait3A_159 : memref<10240xf32, #tpu.memory_space<vmem_shared>>)
      %dma_wait3A_160 = arith.constant 0 : i32
      %dma_wait3A_161 = arith.constant 0 : i32
      %dma_wait3A_162 = tpu.memref_slice %arg10[%dma_wait3A_160, %dma_wait3A_161] : memref<4x128xi32, #tpu.memory_space<vmem>> -> memref<1x128xi32, #tpu.memory_space<vmem>>
      %dma_wait3A_163 = tpu.memref_squeeze %dma_wait3A_162 : memref<1x128xi32, #tpu.memory_space<vmem>> -> memref<128xi32, #tpu.memory_space<vmem>>
      %dma_wait3A_164 = arith.constant 0 : i32
      %dma_wait3A_165 = tpu.memref_slice %arg16[%dma_wait3A_164] : memref<10240xf32, #tpu.memory_space<vmem_shared>> -> memref<10240xf32, #tpu.memory_space<vmem_shared>>
      tpu.wait_indirect_dma semaphore(%arg19 : memref<!tpu.dma_semaphore, #tpu.memory_space<semaphore_mem>>) src(%arg13 : memref<128xf32, #tpu.memory_space<vmem>>) dst(%dma_wait3A_165 : memref<10240xf32, #tpu.memory_space<vmem_shared>>)
      %dma_wait3A_166 = arith.constant 0 : i32
      %dma_wait3A_167 = arith.constant 0 : i32
      %dma_wait3A_168 = tpu.memref_slice %arg9[%dma_wait3A_166, %dma_wait3A_167] : memref<4x128xi32, #tpu.memory_space<vmem>> -> memref<1x128xi32, #tpu.memory_space<vmem>>
      %dma_wait3A_169 = tpu.memref_squeeze %dma_wait3A_168 : memref<1x128xi32, #tpu.memory_space<vmem>> -> memref<128xi32, #tpu.memory_space<vmem>>
      %dma_wait3A_170 = arith.constant 0 : i32
      %dma_wait3A_171 = tpu.memref_slice %arg15[%dma_wait3A_170] : memref<10240xf32, #tpu.memory_space<vmem_shared>> -> memref<10240xf32, #tpu.memory_space<vmem_shared>>
      tpu.wait_indirect_dma semaphore(%arg19 : memref<!tpu.dma_semaphore, #tpu.memory_space<semaphore_mem>>) src(%arg13 : memref<128xf32, #tpu.memory_space<vmem>>) dst(%dma_wait3A_171 : memref<10240xf32, #tpu.memory_space<vmem_shared>>)
      %dma_wait3A_172 = arith.constant 0 : i32
      %dma_wait3A_173 = arith.constant 0 : i32
      %dma_wait3A_174 = tpu.memref_slice %arg10[%dma_wait3A_172, %dma_wait3A_173] : memref<4x128xi32, #tpu.memory_space<vmem>> -> memref<1x128xi32, #tpu.memory_space<vmem>>
      %dma_wait3A_175 = tpu.memref_squeeze %dma_wait3A_174 : memref<1x128xi32, #tpu.memory_space<vmem>> -> memref<128xi32, #tpu.memory_space<vmem>>
      %dma_wait3A_176 = arith.constant 0 : i32
      %dma_wait3A_177 = tpu.memref_slice %arg16[%dma_wait3A_176] : memref<10240xf32, #tpu.memory_space<vmem_shared>> -> memref<10240xf32, #tpu.memory_space<vmem_shared>>
      tpu.wait_indirect_dma semaphore(%arg19 : memref<!tpu.dma_semaphore, #tpu.memory_space<semaphore_mem>>) src(%arg13 : memref<128xf32, #tpu.memory_space<vmem>>) dst(%dma_wait3A_177 : memref<10240xf32, #tpu.memory_space<vmem_shared>>)
      %add3A_178 = arith.constant 2 : i32
      %add3A_179 = arith.addi %mul3A_64, %add3A_178 : i32
      %lt3A = arith.constant 20 : i32
      %lt3A_180 = arith.cmpi slt, %add3A_179, %lt3A : i32
      %convert_element_type3A_181 = arith.extui %lt3A_180 : i1 to i32
      %cond3A_182 = arith.constant 0 : i32
      %cond3A_183 = arith.cmpi ne, %convert_element_type3A_181, %cond3A_182 : i32
      scf.if %cond3A_183 {
        %add3A_310 = arith.constant 2 : i32
        %add3A_311 = arith.addi %mul3A_64, %add3A_310 : i32
        %dma_start3A_312 = arith.constant 0 : i32
        %dma_start3A_313 = arith.constant 0 : i32
        %dma_start3A_314 = tpu.memref_slice %arg2[%add3A, %add3A_311, %dma_start3A_312, %dma_start3A_313] : memref<32x20x4x128xi32, #tpu.memory_space<hbm>> -> memref<1x1x4x128xi32, #tpu.memory_space<hbm>>
        %dma_start3A_315 = tpu.memref_squeeze %dma_start3A_314 : memref<1x1x4x128xi32, #tpu.memory_space<hbm>> -> memref<4x128xi32, #tpu.memory_space<hbm>>
        %dma_start3A_316 = arith.constant 0 : i32
        %dma_start3A_317 = arith.constant 0 : i32
        %dma_start3A_318 = tpu.memref_slice %arg2[%add3A, %add3A_311, %dma_start3A_316, %dma_start3A_317] : memref<32x20x4x128xi32, #tpu.memory_space<hbm>> -> memref<1x1x4x128xi32, #tpu.memory_space<hbm>>
        %dma_start3A_319 = tpu.memref_squeeze %dma_start3A_318 : memref<1x1x4x128xi32, #tpu.memory_space<hbm>> -> memref<4x128xi32, #tpu.memory_space<hbm>>
        tpu.enqueue_dma source(%dma_start3A_319 : memref<4x128xi32, #tpu.memory_space<hbm>>) target(%arg9 : memref<4x128xi32, #tpu.memory_space<vmem>>) target_semaphore(%arg17 : memref<!tpu.dma_semaphore, #tpu.memory_space<semaphore_mem>>)
        %add3A_320 = arith.constant 2 : i32
        %add3A_321 = arith.addi %mul3A_64, %add3A_320 : i32
        %dma_start3A_322 = arith.constant 0 : i32
        %dma_start3A_323 = arith.constant 0 : i32
        %dma_start3A_324 = tpu.memref_slice %arg3[%add3A, %add3A_321, %dma_start3A_322, %dma_start3A_323] : memref<32x20x4x128xi32, #tpu.memory_space<hbm>> -> memref<1x1x4x128xi32, #tpu.memory_space<hbm>>
        %dma_start3A_325 = tpu.memref_squeeze %dma_start3A_324 : memref<1x1x4x128xi32, #tpu.memory_space<hbm>> -> memref<4x128xi32, #tpu.memory_space<hbm>>
        %dma_start3A_326 = arith.constant 0 : i32
        %dma_start3A_327 = arith.constant 0 : i32
        %dma_start3A_328 = tpu.memref_slice %arg3[%add3A, %add3A_321, %dma_start3A_326, %dma_start3A_327] : memref<32x20x4x128xi32, #tpu.memory_space<hbm>> -> memref<1x1x4x128xi32, #tpu.memory_space<hbm>>
        %dma_start3A_329 = tpu.memref_squeeze %dma_start3A_328 : memref<1x1x4x128xi32, #tpu.memory_space<hbm>> -> memref<4x128xi32, #tpu.memory_space<hbm>>
        tpu.enqueue_dma source(%dma_start3A_329 : memref<4x128xi32, #tpu.memory_space<hbm>>) target(%arg10 : memref<4x128xi32, #tpu.memory_space<vmem>>) target_semaphore(%arg17 : memref<!tpu.dma_semaphore, #tpu.memory_space<semaphore_mem>>)
      } else {
      }
      %mul3A_184 = arith.constant 2 : i32
      %mul3A_185 = arith.muli %mul3A_184, %scan3A_61 : i32
      %add3A_186 = arith.constant 1 : i32
      %add3A_187 = arith.addi %mul3A_185, %add3A_186 : i32
      %dma_wait3A_188 = arith.constant 0 : i32
      %dma_wait3A_189 = arith.constant 0 : i32
      %dma_wait3A_190 = arith.constant 0 : i32
      %dma_wait3A_191 = tpu.memref_slice %arg2[%add3A, %dma_wait3A_188, %dma_wait3A_189, %dma_wait3A_190] : memref<32x20x4x128xi32, #tpu.memory_space<hbm>> -> memref<1x1x4x128xi32, #tpu.memory_space<hbm>>
      %dma_wait3A_192 = tpu.memref_squeeze %dma_wait3A_191 : memref<1x1x4x128xi32, #tpu.memory_space<hbm>> -> memref<4x128xi32, #tpu.memory_space<hbm>>
      %dma_wait3A_193 = arith.constant 0 : i32
      %dma_wait3A_194 = arith.constant 0 : i32
      %dma_wait3A_195 = tpu.memref_slice %arg2[%add3A, %dma_wait3A_188, %dma_wait3A_193, %dma_wait3A_194] : memref<32x20x4x128xi32, #tpu.memory_space<hbm>> -> memref<1x1x4x128xi32, #tpu.memory_space<hbm>>
      %dma_wait3A_196 = tpu.memref_squeeze %dma_wait3A_195 : memref<1x1x4x128xi32, #tpu.memory_space<hbm>> -> memref<4x128xi32, #tpu.memory_space<hbm>>
      tpu.wait_dma2 semaphore(%arg18 : memref<!tpu.dma_semaphore, #tpu.memory_space<semaphore_mem>>) src(%dma_wait3A_196 : memref<4x128xi32, #tpu.memory_space<hbm>>) dst(%arg11 : memref<4x128xi32, #tpu.memory_space<vmem>>)
      %dma_wait3A_197 = arith.constant 0 : i32
      %dma_wait3A_198 = arith.constant 0 : i32
      %dma_wait3A_199 = arith.constant 0 : i32
      %dma_wait3A_200 = tpu.memref_slice %arg3[%add3A, %dma_wait3A_197, %dma_wait3A_198, %dma_wait3A_199] : memref<32x20x4x128xi32, #tpu.memory_space<hbm>> -> memref<1x1x4x128xi32, #tpu.memory_space<hbm>>
      %dma_wait3A_201 = tpu.memref_squeeze %dma_wait3A_200 : memref<1x1x4x128xi32, #tpu.memory_space<hbm>> -> memref<4x128xi32, #tpu.memory_space<hbm>>
      %dma_wait3A_202 = arith.constant 0 : i32
      %dma_wait3A_203 = arith.constant 0 : i32
      %dma_wait3A_204 = tpu.memref_slice %arg3[%add3A, %dma_wait3A_197, %dma_wait3A_202, %dma_wait3A_203] : memref<32x20x4x128xi32, #tpu.memory_space<hbm>> -> memref<1x1x4x128xi32, #tpu.memory_space<hbm>>
      %dma_wait3A_205 = tpu.memref_squeeze %dma_wait3A_204 : memref<1x1x4x128xi32, #tpu.memory_space<hbm>> -> memref<4x128xi32, #tpu.memory_space<hbm>>
      tpu.wait_dma2 semaphore(%arg18 : memref<!tpu.dma_semaphore, #tpu.memory_space<semaphore_mem>>) src(%dma_wait3A_205 : memref<4x128xi32, #tpu.memory_space<hbm>>) dst(%arg12 : memref<4x128xi32, #tpu.memory_space<vmem>>)
      %dma_start3A_206 = arith.constant 0 : i32
      %dma_start3A_207 = arith.constant 0 : i32
      %dma_start3A_208 = tpu.memref_slice %arg11[%dma_start3A_206, %dma_start3A_207] : memref<4x128xi32, #tpu.memory_space<vmem>> -> memref<1x128xi32, #tpu.memory_space<vmem>>
      %dma_start3A_209 = tpu.memref_squeeze %dma_start3A_208 : memref<1x128xi32, #tpu.memory_space<vmem>> -> memref<128xi32, #tpu.memory_space<vmem>>
      %dma_start3A_210 = arith.constant 0 : i32
      %dma_start3A_211 = tpu.memref_slice %arg15[%dma_start3A_210] : memref<10240xf32, #tpu.memory_space<vmem_shared>> -> memref<10240xf32, #tpu.memory_space<vmem_shared>>
      tpu.enqueue_indirect_dma source(%arg13 : memref<128xf32, #tpu.memory_space<vmem>>) target(%dma_start3A_211 : memref<10240xf32, #tpu.memory_space<vmem_shared>>) offsets(%dma_start3A_209 : memref<128xi32, #tpu.memory_space<vmem>>) semaphore(%arg19 : memref<!tpu.dma_semaphore, #tpu.memory_space<semaphore_mem>>) {add = true}
      %dma_start3A_212 = arith.constant 0 : i32
      %dma_start3A_213 = arith.constant 0 : i32
      %dma_start3A_214 = tpu.memref_slice %arg12[%dma_start3A_212, %dma_start3A_213] : memref<4x128xi32, #tpu.memory_space<vmem>> -> memref<1x128xi32, #tpu.memory_space<vmem>>
      %dma_start3A_215 = tpu.memref_squeeze %dma_start3A_214 : memref<1x128xi32, #tpu.memory_space<vmem>> -> memref<128xi32, #tpu.memory_space<vmem>>
      %dma_start3A_216 = arith.constant 0 : i32
      %dma_start3A_217 = tpu.memref_slice %arg16[%dma_start3A_216] : memref<10240xf32, #tpu.memory_space<vmem_shared>> -> memref<10240xf32, #tpu.memory_space<vmem_shared>>
      tpu.enqueue_indirect_dma source(%arg13 : memref<128xf32, #tpu.memory_space<vmem>>) target(%dma_start3A_217 : memref<10240xf32, #tpu.memory_space<vmem_shared>>) offsets(%dma_start3A_215 : memref<128xi32, #tpu.memory_space<vmem>>) semaphore(%arg19 : memref<!tpu.dma_semaphore, #tpu.memory_space<semaphore_mem>>) {add = true}
      %dma_start3A_218 = arith.constant 1 : i32
      %dma_start3A_219 = arith.constant 0 : i32
      %dma_start3A_220 = tpu.memref_slice %arg11[%dma_start3A_218, %dma_start3A_219] : memref<4x128xi32, #tpu.memory_space<vmem>> -> memref<1x128xi32, #tpu.memory_space<vmem>>
      %dma_start3A_221 = tpu.memref_squeeze %dma_start3A_220 : memref<1x128xi32, #tpu.memory_space<vmem>> -> memref<128xi32, #tpu.memory_space<vmem>>
      %dma_start3A_222 = arith.constant 0 : i32
      %dma_start3A_223 = tpu.memref_slice %arg15[%dma_start3A_222] : memref<10240xf32, #tpu.memory_space<vmem_shared>> -> memref<10240xf32, #tpu.memory_space<vmem_shared>>
      tpu.enqueue_indirect_dma source(%arg13 : memref<128xf32, #tpu.memory_space<vmem>>) target(%dma_start3A_223 : memref<10240xf32, #tpu.memory_space<vmem_shared>>) offsets(%dma_start3A_221 : memref<128xi32, #tpu.memory_space<vmem>>) semaphore(%arg19 : memref<!tpu.dma_semaphore, #tpu.memory_space<semaphore_mem>>) {add = true}
      %dma_start3A_224 = arith.constant 1 : i32
      %dma_start3A_225 = arith.constant 0 : i32
      %dma_start3A_226 = tpu.memref_slice %arg12[%dma_start3A_224, %dma_start3A_225] : memref<4x128xi32, #tpu.memory_space<vmem>> -> memref<1x128xi32, #tpu.memory_space<vmem>>
      %dma_start3A_227 = tpu.memref_squeeze %dma_start3A_226 : memref<1x128xi32, #tpu.memory_space<vmem>> -> memref<128xi32, #tpu.memory_space<vmem>>
      %dma_start3A_228 = arith.constant 0 : i32
      %dma_start3A_229 = tpu.memref_slice %arg16[%dma_start3A_228] : memref<10240xf32, #tpu.memory_space<vmem_shared>> -> memref<10240xf32, #tpu.memory_space<vmem_shared>>
      tpu.enqueue_indirect_dma source(%arg13 : memref<128xf32, #tpu.memory_space<vmem>>) target(%dma_start3A_229 : memref<10240xf32, #tpu.memory_space<vmem_shared>>) offsets(%dma_start3A_227 : memref<128xi32, #tpu.memory_space<vmem>>) semaphore(%arg19 : memref<!tpu.dma_semaphore, #tpu.memory_space<semaphore_mem>>) {add = true}
      %dma_start3A_230 = arith.constant 2 : i32
      %dma_start3A_231 = arith.constant 0 : i32
      %dma_start3A_232 = tpu.memref_slice %arg11[%dma_start3A_230, %dma_start3A_231] : memref<4x128xi32, #tpu.memory_space<vmem>> -> memref<1x128xi32, #tpu.memory_space<vmem>>
      %dma_start3A_233 = tpu.memref_squeeze %dma_start3A_232 : memref<1x128xi32, #tpu.memory_space<vmem>> -> memref<128xi32, #tpu.memory_space<vmem>>
      %dma_start3A_234 = arith.constant 0 : i32
      %dma_start3A_235 = tpu.memref_slice %arg15[%dma_start3A_234] : memref<10240xf32, #tpu.memory_space<vmem_shared>> -> memref<10240xf32, #tpu.memory_space<vmem_shared>>
      tpu.enqueue_indirect_dma source(%arg13 : memref<128xf32, #tpu.memory_space<vmem>>) target(%dma_start3A_235 : memref<10240xf32, #tpu.memory_space<vmem_shared>>) offsets(%dma_start3A_233 : memref<128xi32, #tpu.memory_space<vmem>>) semaphore(%arg19 : memref<!tpu.dma_semaphore, #tpu.memory_space<semaphore_mem>>) {add = true}
      %dma_start3A_236 = arith.constant 2 : i32
      %dma_start3A_237 = arith.constant 0 : i32
      %dma_start3A_238 = tpu.memref_slice %arg12[%dma_start3A_236, %dma_start3A_237] : memref<4x128xi32, #tpu.memory_space<vmem>> -> memref<1x128xi32, #tpu.memory_space<vmem>>
      %dma_start3A_239 = tpu.memref_squeeze %dma_start3A_238 : memref<1x128xi32, #tpu.memory_space<vmem>> -> memref<128xi32, #tpu.memory_space<vmem>>
      %dma_start3A_240 = arith.constant 0 : i32
      %dma_start3A_241 = tpu.memref_slice %arg16[%dma_start3A_240] : memref<10240xf32, #tpu.memory_space<vmem_shared>> -> memref<10240xf32, #tpu.memory_space<vmem_shared>>
      tpu.enqueue_indirect_dma source(%arg13 : memref<128xf32, #tpu.memory_space<vmem>>) target(%dma_start3A_241 : memref<10240xf32, #tpu.memory_space<vmem_shared>>) offsets(%dma_start3A_239 : memref<128xi32, #tpu.memory_space<vmem>>) semaphore(%arg19 : memref<!tpu.dma_semaphore, #tpu.memory_space<semaphore_mem>>) {add = true}
      %dma_start3A_242 = arith.constant 3 : i32
      %dma_start3A_243 = arith.constant 0 : i32
      %dma_start3A_244 = tpu.memref_slice %arg11[%dma_start3A_242, %dma_start3A_243] : memref<4x128xi32, #tpu.memory_space<vmem>> -> memref<1x128xi32, #tpu.memory_space<vmem>>
      %dma_start3A_245 = tpu.memref_squeeze %dma_start3A_244 : memref<1x128xi32, #tpu.memory_space<vmem>> -> memref<128xi32, #tpu.memory_space<vmem>>
      %dma_start3A_246 = arith.constant 0 : i32
      %dma_start3A_247 = tpu.memref_slice %arg15[%dma_start3A_246] : memref<10240xf32, #tpu.memory_space<vmem_shared>> -> memref<10240xf32, #tpu.memory_space<vmem_shared>>
      tpu.enqueue_indirect_dma source(%arg13 : memref<128xf32, #tpu.memory_space<vmem>>) target(%dma_start3A_247 : memref<10240xf32, #tpu.memory_space<vmem_shared>>) offsets(%dma_start3A_245 : memref<128xi32, #tpu.memory_space<vmem>>) semaphore(%arg19 : memref<!tpu.dma_semaphore, #tpu.memory_space<semaphore_mem>>) {add = true}
      %dma_start3A_248 = arith.constant 3 : i32
      %dma_start3A_249 = arith.constant 0 : i32
      %dma_start3A_250 = tpu.memref_slice %arg12[%dma_start3A_248, %dma_start3A_249] : memref<4x128xi32, #tpu.memory_space<vmem>> -> memref<1x128xi32, #tpu.memory_space<vmem>>
      %dma_start3A_251 = tpu.memref_squeeze %dma_start3A_250 : memref<1x128xi32, #tpu.memory_space<vmem>> -> memref<128xi32, #tpu.memory_space<vmem>>
      %dma_start3A_252 = arith.constant 0 : i32
      %dma_start3A_253 = tpu.memref_slice %arg16[%dma_start3A_252] : memref<10240xf32, #tpu.memory_space<vmem_shared>> -> memref<10240xf32, #tpu.memory_space<vmem_shared>>
      tpu.enqueue_indirect_dma source(%arg13 : memref<128xf32, #tpu.memory_space<vmem>>) target(%dma_start3A_253 : memref<10240xf32, #tpu.memory_space<vmem_shared>>) offsets(%dma_start3A_251 : memref<128xi32, #tpu.memory_space<vmem>>) semaphore(%arg19 : memref<!tpu.dma_semaphore, #tpu.memory_space<semaphore_mem>>) {add = true}
      %dma_wait3A_254 = arith.constant 0 : i32
      %dma_wait3A_255 = arith.constant 0 : i32
      %dma_wait3A_256 = tpu.memref_slice %arg11[%dma_wait3A_254, %dma_wait3A_255] : memref<4x128xi32, #tpu.memory_space<vmem>> -> memref<1x128xi32, #tpu.memory_space<vmem>>
      %dma_wait3A_257 = tpu.memref_squeeze %dma_wait3A_256 : memref<1x128xi32, #tpu.memory_space<vmem>> -> memref<128xi32, #tpu.memory_space<vmem>>
      %dma_wait3A_258 = arith.constant 0 : i32
      %dma_wait3A_259 = tpu.memref_slice %arg15[%dma_wait3A_258] : memref<10240xf32, #tpu.memory_space<vmem_shared>> -> memref<10240xf32, #tpu.memory_space<vmem_shared>>
      tpu.wait_indirect_dma semaphore(%arg19 : memref<!tpu.dma_semaphore, #tpu.memory_space<semaphore_mem>>) src(%arg13 : memref<128xf32, #tpu.memory_space<vmem>>) dst(%dma_wait3A_259 : memref<10240xf32, #tpu.memory_space<vmem_shared>>)
      %dma_wait3A_260 = arith.constant 0 : i32
      %dma_wait3A_261 = arith.constant 0 : i32
      %dma_wait3A_262 = tpu.memref_slice %arg12[%dma_wait3A_260, %dma_wait3A_261] : memref<4x128xi32, #tpu.memory_space<vmem>> -> memref<1x128xi32, #tpu.memory_space<vmem>>
      %dma_wait3A_263 = tpu.memref_squeeze %dma_wait3A_262 : memref<1x128xi32, #tpu.memory_space<vmem>> -> memref<128xi32, #tpu.memory_space<vmem>>
      %dma_wait3A_264 = arith.constant 0 : i32
      %dma_wait3A_265 = tpu.memref_slice %arg16[%dma_wait3A_264] : memref<10240xf32, #tpu.memory_space<vmem_shared>> -> memref<10240xf32, #tpu.memory_space<vmem_shared>>
      tpu.wait_indirect_dma semaphore(%arg19 : memref<!tpu.dma_semaphore, #tpu.memory_space<semaphore_mem>>) src(%arg13 : memref<128xf32, #tpu.memory_space<vmem>>) dst(%dma_wait3A_265 : memref<10240xf32, #tpu.memory_space<vmem_shared>>)
      %dma_wait3A_266 = arith.constant 0 : i32
      %dma_wait3A_267 = arith.constant 0 : i32
      %dma_wait3A_268 = tpu.memref_slice %arg11[%dma_wait3A_266, %dma_wait3A_267] : memref<4x128xi32, #tpu.memory_space<vmem>> -> memref<1x128xi32, #tpu.memory_space<vmem>>
      %dma_wait3A_269 = tpu.memref_squeeze %dma_wait3A_268 : memref<1x128xi32, #tpu.memory_space<vmem>> -> memref<128xi32, #tpu.memory_space<vmem>>
      %dma_wait3A_270 = arith.constant 0 : i32
      %dma_wait3A_271 = tpu.memref_slice %arg15[%dma_wait3A_270] : memref<10240xf32, #tpu.memory_space<vmem_shared>> -> memref<10240xf32, #tpu.memory_space<vmem_shared>>
      tpu.wait_indirect_dma semaphore(%arg19 : memref<!tpu.dma_semaphore, #tpu.memory_space<semaphore_mem>>) src(%arg13 : memref<128xf32, #tpu.memory_space<vmem>>) dst(%dma_wait3A_271 : memref<10240xf32, #tpu.memory_space<vmem_shared>>)
      %dma_wait3A_272 = arith.constant 0 : i32
      %dma_wait3A_273 = arith.constant 0 : i32
      %dma_wait3A_274 = tpu.memref_slice %arg12[%dma_wait3A_272, %dma_wait3A_273] : memref<4x128xi32, #tpu.memory_space<vmem>> -> memref<1x128xi32, #tpu.memory_space<vmem>>
      %dma_wait3A_275 = tpu.memref_squeeze %dma_wait3A_274 : memref<1x128xi32, #tpu.memory_space<vmem>> -> memref<128xi32, #tpu.memory_space<vmem>>
      %dma_wait3A_276 = arith.constant 0 : i32
      %dma_wait3A_277 = tpu.memref_slice %arg16[%dma_wait3A_276] : memref<10240xf32, #tpu.memory_space<vmem_shared>> -> memref<10240xf32, #tpu.memory_space<vmem_shared>>
      tpu.wait_indirect_dma semaphore(%arg19 : memref<!tpu.dma_semaphore, #tpu.memory_space<semaphore_mem>>) src(%arg13 : memref<128xf32, #tpu.memory_space<vmem>>) dst(%dma_wait3A_277 : memref<10240xf32, #tpu.memory_space<vmem_shared>>)
      %dma_wait3A_278 = arith.constant 0 : i32
      %dma_wait3A_279 = arith.constant 0 : i32
      %dma_wait3A_280 = tpu.memref_slice %arg11[%dma_wait3A_278, %dma_wait3A_279] : memref<4x128xi32, #tpu.memory_space<vmem>> -> memref<1x128xi32, #tpu.memory_space<vmem>>
      %dma_wait3A_281 = tpu.memref_squeeze %dma_wait3A_280 : memref<1x128xi32, #tpu.memory_space<vmem>> -> memref<128xi32, #tpu.memory_space<vmem>>
      %dma_wait3A_282 = arith.constant 0 : i32
      %dma_wait3A_283 = tpu.memref_slice %arg15[%dma_wait3A_282] : memref<10240xf32, #tpu.memory_space<vmem_shared>> -> memref<10240xf32, #tpu.memory_space<vmem_shared>>
      tpu.wait_indirect_dma semaphore(%arg19 : memref<!tpu.dma_semaphore, #tpu.memory_space<semaphore_mem>>) src(%arg13 : memref<128xf32, #tpu.memory_space<vmem>>) dst(%dma_wait3A_283 : memref<10240xf32, #tpu.memory_space<vmem_shared>>)
      %dma_wait3A_284 = arith.constant 0 : i32
      %dma_wait3A_285 = arith.constant 0 : i32
      %dma_wait3A_286 = tpu.memref_slice %arg12[%dma_wait3A_284, %dma_wait3A_285] : memref<4x128xi32, #tpu.memory_space<vmem>> -> memref<1x128xi32, #tpu.memory_space<vmem>>
      %dma_wait3A_287 = tpu.memref_squeeze %dma_wait3A_286 : memref<1x128xi32, #tpu.memory_space<vmem>> -> memref<128xi32, #tpu.memory_space<vmem>>
      %dma_wait3A_288 = arith.constant 0 : i32
      %dma_wait3A_289 = tpu.memref_slice %arg16[%dma_wait3A_288] : memref<10240xf32, #tpu.memory_space<vmem_shared>> -> memref<10240xf32, #tpu.memory_space<vmem_shared>>
      tpu.wait_indirect_dma semaphore(%arg19 : memref<!tpu.dma_semaphore, #tpu.memory_space<semaphore_mem>>) src(%arg13 : memref<128xf32, #tpu.memory_space<vmem>>) dst(%dma_wait3A_289 : memref<10240xf32, #tpu.memory_space<vmem_shared>>)
      %dma_wait3A_290 = arith.constant 0 : i32
      %dma_wait3A_291 = arith.constant 0 : i32
      %dma_wait3A_292 = tpu.memref_slice %arg11[%dma_wait3A_290, %dma_wait3A_291] : memref<4x128xi32, #tpu.memory_space<vmem>> -> memref<1x128xi32, #tpu.memory_space<vmem>>
      %dma_wait3A_293 = tpu.memref_squeeze %dma_wait3A_292 : memref<1x128xi32, #tpu.memory_space<vmem>> -> memref<128xi32, #tpu.memory_space<vmem>>
      %dma_wait3A_294 = arith.constant 0 : i32
      %dma_wait3A_295 = tpu.memref_slice %arg15[%dma_wait3A_294] : memref<10240xf32, #tpu.memory_space<vmem_shared>> -> memref<10240xf32, #tpu.memory_space<vmem_shared>>
      tpu.wait_indirect_dma semaphore(%arg19 : memref<!tpu.dma_semaphore, #tpu.memory_space<semaphore_mem>>) src(%arg13 : memref<128xf32, #tpu.memory_space<vmem>>) dst(%dma_wait3A_295 : memref<10240xf32, #tpu.memory_space<vmem_shared>>)
      %dma_wait3A_296 = arith.constant 0 : i32
      %dma_wait3A_297 = arith.constant 0 : i32
      %dma_wait3A_298 = tpu.memref_slice %arg12[%dma_wait3A_296, %dma_wait3A_297] : memref<4x128xi32, #tpu.memory_space<vmem>> -> memref<1x128xi32, #tpu.memory_space<vmem>>
      %dma_wait3A_299 = tpu.memref_squeeze %dma_wait3A_298 : memref<1x128xi32, #tpu.memory_space<vmem>> -> memref<128xi32, #tpu.memory_space<vmem>>
      %dma_wait3A_300 = arith.constant 0 : i32
      %dma_wait3A_301 = tpu.memref_slice %arg16[%dma_wait3A_300] : memref<10240xf32, #tpu.memory_space<vmem_shared>> -> memref<10240xf32, #tpu.memory_space<vmem_shared>>
      tpu.wait_indirect_dma semaphore(%arg19 : memref<!tpu.dma_semaphore, #tpu.memory_space<semaphore_mem>>) src(%arg13 : memref<128xf32, #tpu.memory_space<vmem>>) dst(%dma_wait3A_301 : memref<10240xf32, #tpu.memory_space<vmem_shared>>)
      %add3A_302 = arith.constant 2 : i32
      %add3A_303 = arith.addi %add3A_187, %add3A_302 : i32
      %lt3A_304 = arith.constant 20 : i32
      %lt3A_305 = arith.cmpi slt, %add3A_303, %lt3A_304 : i32
      %convert_element_type3A_306 = arith.extui %lt3A_305 : i1 to i32
      %cond3A_307 = arith.constant 0 : i32
      %cond3A_308 = arith.cmpi ne, %convert_element_type3A_306, %cond3A_307 : i32
      scf.if %cond3A_308 {
        %add3A_310 = arith.constant 2 : i32
        %add3A_311 = arith.addi %add3A_187, %add3A_310 : i32
        %dma_start3A_312 = arith.constant 0 : i32
        %dma_start3A_313 = arith.constant 0 : i32
        %dma_start3A_314 = tpu.memref_slice %arg2[%add3A, %add3A_311, %dma_start3A_312, %dma_start3A_313] : memref<32x20x4x128xi32, #tpu.memory_space<hbm>> -> memref<1x1x4x128xi32, #tpu.memory_space<hbm>>
        %dma_start3A_315 = tpu.memref_squeeze %dma_start3A_314 : memref<1x1x4x128xi32, #tpu.memory_space<hbm>> -> memref<4x128xi32, #tpu.memory_space<hbm>>
        %dma_start3A_316 = arith.constant 0 : i32
        %dma_start3A_317 = arith.constant 0 : i32
        %dma_start3A_318 = tpu.memref_slice %arg2[%add3A, %add3A_311, %dma_start3A_316, %dma_start3A_317] : memref<32x20x4x128xi32, #tpu.memory_space<hbm>> -> memref<1x1x4x128xi32, #tpu.memory_space<hbm>>
        %dma_start3A_319 = tpu.memref_squeeze %dma_start3A_318 : memref<1x1x4x128xi32, #tpu.memory_space<hbm>> -> memref<4x128xi32, #tpu.memory_space<hbm>>
        tpu.enqueue_dma source(%dma_start3A_319 : memref<4x128xi32, #tpu.memory_space<hbm>>) target(%arg11 : memref<4x128xi32, #tpu.memory_space<vmem>>) target_semaphore(%arg18 : memref<!tpu.dma_semaphore, #tpu.memory_space<semaphore_mem>>)
        %add3A_320 = arith.constant 2 : i32
        %add3A_321 = arith.addi %add3A_187, %add3A_320 : i32
        %dma_start3A_322 = arith.constant 0 : i32
        %dma_start3A_323 = arith.constant 0 : i32
        %dma_start3A_324 = tpu.memref_slice %arg3[%add3A, %add3A_321, %dma_start3A_322, %dma_start3A_323] : memref<32x20x4x128xi32, #tpu.memory_space<hbm>> -> memref<1x1x4x128xi32, #tpu.memory_space<hbm>>
        %dma_start3A_325 = tpu.memref_squeeze %dma_start3A_324 : memref<1x1x4x128xi32, #tpu.memory_space<hbm>> -> memref<4x128xi32, #tpu.memory_space<hbm>>
        %dma_start3A_326 = arith.constant 0 : i32
        %dma_start3A_327 = arith.constant 0 : i32
        %dma_start3A_328 = tpu.memref_slice %arg3[%add3A, %add3A_321, %dma_start3A_326, %dma_start3A_327] : memref<32x20x4x128xi32, #tpu.memory_space<hbm>> -> memref<1x1x4x128xi32, #tpu.memory_space<hbm>>
        %dma_start3A_329 = tpu.memref_squeeze %dma_start3A_328 : memref<1x1x4x128xi32, #tpu.memory_space<hbm>> -> memref<4x128xi32, #tpu.memory_space<hbm>>
        tpu.enqueue_dma source(%dma_start3A_329 : memref<4x128xi32, #tpu.memory_space<hbm>>) target(%arg12 : memref<4x128xi32, #tpu.memory_space<vmem>>) target_semaphore(%arg18 : memref<!tpu.dma_semaphore, #tpu.memory_space<semaphore_mem>>)
      } else {
      }
      %scan3A_309 = arith.constant 0 : i32
      scf.yield %scan3A_309 : i32
    }
    %scan3A_52 = arith.constant 10 : i32
    %barrier3A_53 = arith.constant 0 : index
    tpu.barrier barrier_id(%barrier3A_53)
    %eq3A = arith.constant 0 : i32
    %eq3A_54 = arith.cmpi eq, %arg0, %eq3A : i32
    %convert_element_type3A = arith.extui %eq3A_54 : i1 to i32
    %cond3A = arith.constant 0 : i32
    %cond3A_55 = arith.cmpi ne, %convert_element_type3A, %cond3A : i32
    scf.if %cond3A_55 {
      %mul3A_61 = arith.constant 640 : i32
      %mul3A_62 = arith.muli %arg1, %mul3A_61 : i32
      %mul3A_63 = arith.constant 640 : i32
      %mul3A_64 = arith.muli %arg1, %mul3A_63 : i32
      "tpu.region"() ({
        %run_scoped3A = tpu.sem_alloc : memref<!tpu.dma_semaphore, #tpu.memory_space<semaphore_mem>>
        %dma_start3A_69 = tpu.memref_slice %arg5[%mul3A_64] : memref<10240xf32, #tpu.memory_space<hbm>> -> memref<640xf32, #tpu.memory_space<hbm>>
        %dma_start3A_70 = tpu.memref_slice %arg15[%mul3A_62] : memref<10240xf32, #tpu.memory_space<vmem_shared>> -> memref<640xf32, #tpu.memory_space<vmem_shared>>
        tpu.enqueue_dma source(%dma_start3A_70 : memref<640xf32, #tpu.memory_space<vmem_shared>>) target(%dma_start3A_69 : memref<640xf32, #tpu.memory_space<hbm>>) target_semaphore(%run_scoped3A : memref<!tpu.dma_semaphore, #tpu.memory_space<semaphore_mem>>)
        %dma_wait3A = tpu.memref_slice %arg5[%mul3A_64] : memref<10240xf32, #tpu.memory_space<hbm>> -> memref<640xf32, #tpu.memory_space<hbm>>
        %dma_wait3A_71 = tpu.memref_slice %arg15[%mul3A_62] : memref<10240xf32, #tpu.memory_space<vmem_shared>> -> memref<640xf32, #tpu.memory_space<vmem_shared>>
        tpu.wait_dma2 semaphore(%run_scoped3A : memref<!tpu.dma_semaphore, #tpu.memory_space<semaphore_mem>>) src(%dma_wait3A_71 : memref<640xf32, #tpu.memory_space<vmem_shared>>) dst(%dma_wait3A : memref<640xf32, #tpu.memory_space<hbm>>)
        tpu.yield
      }) : () -> ()
      %mul3A_65 = arith.constant 640 : i32
      %mul3A_66 = arith.muli %arg1, %mul3A_65 : i32
      %mul3A_67 = arith.constant 640 : i32
      %mul3A_68 = arith.muli %arg1, %mul3A_67 : i32
      "tpu.region"() ({
        %run_scoped3A = tpu.sem_alloc : memref<!tpu.dma_semaphore, #tpu.memory_space<semaphore_mem>>
        %dma_start3A_69 = tpu.memref_slice %arg7[%mul3A_68] : memref<10240xf32, #tpu.memory_space<hbm>> -> memref<640xf32, #tpu.memory_space<hbm>>
        %dma_start3A_70 = tpu.memref_slice %arg16[%mul3A_66] : memref<10240xf32, #tpu.memory_space<vmem_shared>> -> memref<640xf32, #tpu.memory_space<vmem_shared>>
        tpu.enqueue_dma source(%dma_start3A_70 : memref<640xf32, #tpu.memory_space<vmem_shared>>) target(%dma_start3A_69 : memref<640xf32, #tpu.memory_space<hbm>>) target_semaphore(%run_scoped3A : memref<!tpu.dma_semaphore, #tpu.memory_space<semaphore_mem>>)
        %dma_wait3A = tpu.memref_slice %arg7[%mul3A_68] : memref<10240xf32, #tpu.memory_space<hbm>> -> memref<640xf32, #tpu.memory_space<hbm>>
        %dma_wait3A_71 = tpu.memref_slice %arg16[%mul3A_66] : memref<10240xf32, #tpu.memory_space<vmem_shared>> -> memref<640xf32, #tpu.memory_space<vmem_shared>>
        tpu.wait_dma2 semaphore(%run_scoped3A : memref<!tpu.dma_semaphore, #tpu.memory_space<semaphore_mem>>) src(%dma_wait3A_71 : memref<640xf32, #tpu.memory_space<vmem_shared>>) dst(%dma_wait3A : memref<640xf32, #tpu.memory_space<hbm>>)
        tpu.yield
      }) : () -> ()
    } else {
    }
    %eq3A_56 = arith.constant 1 : i32
    %eq3A_57 = arith.cmpi eq, %arg0, %eq3A_56 : i32
    %convert_element_type3A_58 = arith.extui %eq3A_57 : i1 to i32
    %cond3A_59 = arith.constant 0 : i32
    %cond3A_60 = arith.cmpi ne, %convert_element_type3A_58, %cond3A_59 : i32
    scf.if %cond3A_60 {
      %mul3A_61 = arith.constant 640 : i32
      %mul3A_62 = arith.muli %arg1, %mul3A_61 : i32
      %mul3A_63 = arith.constant 640 : i32
      %mul3A_64 = arith.muli %arg1, %mul3A_63 : i32
      "tpu.region"() ({
        %run_scoped3A = tpu.sem_alloc : memref<!tpu.dma_semaphore, #tpu.memory_space<semaphore_mem>>
        %dma_start3A_69 = tpu.memref_slice %arg6[%mul3A_64] : memref<10240xf32, #tpu.memory_space<hbm>> -> memref<640xf32, #tpu.memory_space<hbm>>
        %dma_start3A_70 = tpu.memref_slice %arg15[%mul3A_62] : memref<10240xf32, #tpu.memory_space<vmem_shared>> -> memref<640xf32, #tpu.memory_space<vmem_shared>>
        tpu.enqueue_dma source(%dma_start3A_70 : memref<640xf32, #tpu.memory_space<vmem_shared>>) target(%dma_start3A_69 : memref<640xf32, #tpu.memory_space<hbm>>) target_semaphore(%run_scoped3A : memref<!tpu.dma_semaphore, #tpu.memory_space<semaphore_mem>>)
        %dma_wait3A = tpu.memref_slice %arg6[%mul3A_64] : memref<10240xf32, #tpu.memory_space<hbm>> -> memref<640xf32, #tpu.memory_space<hbm>>
        %dma_wait3A_71 = tpu.memref_slice %arg15[%mul3A_62] : memref<10240xf32, #tpu.memory_space<vmem_shared>> -> memref<640xf32, #tpu.memory_space<vmem_shared>>
        tpu.wait_dma2 semaphore(%run_scoped3A : memref<!tpu.dma_semaphore, #tpu.memory_space<semaphore_mem>>) src(%dma_wait3A_71 : memref<640xf32, #tpu.memory_space<vmem_shared>>) dst(%dma_wait3A : memref<640xf32, #tpu.memory_space<hbm>>)
        tpu.yield
      }) : () -> ()
      %mul3A_65 = arith.constant 640 : i32
      %mul3A_66 = arith.muli %arg1, %mul3A_65 : i32
      %mul3A_67 = arith.constant 640 : i32
      %mul3A_68 = arith.muli %arg1, %mul3A_67 : i32
      "tpu.region"() ({
        %run_scoped3A = tpu.sem_alloc : memref<!tpu.dma_semaphore, #tpu.memory_space<semaphore_mem>>
        %dma_start3A_69 = tpu.memref_slice %arg8[%mul3A_68] : memref<10240xf32, #tpu.memory_space<hbm>> -> memref<640xf32, #tpu.memory_space<hbm>>
        %dma_start3A_70 = tpu.memref_slice %arg16[%mul3A_66] : memref<10240xf32, #tpu.memory_space<vmem_shared>> -> memref<640xf32, #tpu.memory_space<vmem_shared>>
        tpu.enqueue_dma source(%dma_start3A_70 : memref<640xf32, #tpu.memory_space<vmem_shared>>) target(%dma_start3A_69 : memref<640xf32, #tpu.memory_space<hbm>>) target_semaphore(%run_scoped3A : memref<!tpu.dma_semaphore, #tpu.memory_space<semaphore_mem>>)
        %dma_wait3A = tpu.memref_slice %arg8[%mul3A_68] : memref<10240xf32, #tpu.memory_space<hbm>> -> memref<640xf32, #tpu.memory_space<hbm>>
        %dma_wait3A_71 = tpu.memref_slice %arg16[%mul3A_66] : memref<10240xf32, #tpu.memory_space<vmem_shared>> -> memref<640xf32, #tpu.memory_space<vmem_shared>>
        tpu.wait_dma2 semaphore(%run_scoped3A : memref<!tpu.dma_semaphore, #tpu.memory_space<semaphore_mem>>) src(%dma_wait3A_71 : memref<640xf32, #tpu.memory_space<vmem_shared>>) dst(%dma_wait3A : memref<640xf32, #tpu.memory_space<hbm>>)
        tpu.yield
      }) : () -> ()
    } else {
    }
    return
  }
}

#map = affine_map<(d0, d1) -> (0, 0)>
#map1 = affine_map<(d0, d1) -> (0, 0, 0, 0)>
#map2 = affine_map<(d0, d1) -> (0, 0, 0)>
module attributes {stable_mosaic.version = 14 : i64} {
  func.func @spmm_kernel(%arg0: i32, %arg1: i32, %arg2: memref<10112x128xf32, #tpu.memory_space<hbm>>, %arg3: memref<32x20x4x128xi32, #tpu.memory_space<hbm>>, %arg4: memref<32x20x4x128xi32, #tpu.memory_space<hbm>>, %arg5: memref<128x128xf32, #tpu.memory_space<hbm>>, %arg6: memref<2x10112x128xf32, #tpu.memory_space<hbm>>, %arg7: memref<4x128xi32, #tpu.memory_space<vmem>>, %arg8: memref<4x128xi32, #tpu.memory_space<vmem>>, %arg9: memref<4x128xi32, #tpu.memory_space<vmem>>, %arg10: memref<4x128xi32, #tpu.memory_space<vmem>>, %arg11: memref<4x128xi32, #tpu.memory_space<vmem>>, %arg12: memref<4x128xi32, #tpu.memory_space<vmem>>, %arg13: memref<4x128xi32, #tpu.memory_space<vmem>>, %arg14: memref<4x128xi32, #tpu.memory_space<vmem>>, %arg15: memref<128x128xf32, #tpu.memory_space<vmem>>, %arg16: memref<128x128xf32, #tpu.memory_space<vmem>>, %arg17: memref<10112x128xf32, #tpu.memory_space<vmem_shared>>, %arg18: memref<!tpu.dma_semaphore, #tpu.memory_space<semaphore_mem>>, %arg19: memref<!tpu.dma_semaphore, #tpu.memory_space<semaphore_mem>>, %arg20: memref<!tpu.dma_semaphore, #tpu.memory_space<semaphore_mem>>, %arg21: memref<!tpu.dma_semaphore, #tpu.memory_space<semaphore_mem>>, %arg22: memref<!tpu.dma_semaphore, #tpu.memory_space<semaphore_mem>>, %arg23: memref<!tpu.dma_semaphore, #tpu.memory_space<semaphore_mem>>, %arg24: memref<!tpu.dma_semaphore, #tpu.memory_space<semaphore_mem>>, %arg25: memref<!tpu.dma_semaphore, #tpu.memory_space<semaphore_mem>>) attributes {dimension_semantics = [#tpu.dimension_semantics<core_parallel>, #tpu.dimension_semantics<subcore_parallel>], iteration_bounds = array<i64: 2, 16>, scalar_prefetch = 0 : i64, scratch_operands = 19 : i64, tpu.core_type = #tpu.core_type<sc_vector_subcore>, window_params = [{transform_indices = #map}, {transform_indices = #map1}, {transform_indices = #map1}, {transform_indices = #map}, {transform_indices = #map2}]} {
    %mul3A = arith.constant 2 : i32
    %mul3A_0 = arith.muli %arg1, %mul3A : i32
    %add3A = arith.addi %mul3A_0, %arg0 : i32
    %dma_start3A = arith.constant 0 : i32
    %dma_start3A_1 = arith.constant 0 : i32
    %dma_start3A_2 = arith.constant 0 : i32
    %dma_start3A_3 = tpu.memref_slice %arg3[%add3A, %dma_start3A, %dma_start3A_1, %dma_start3A_2] : memref<32x20x4x128xi32, #tpu.memory_space<hbm>> -> memref<1x1x4x128xi32, #tpu.memory_space<hbm>>
    %dma_start3A_4 = tpu.memref_squeeze %dma_start3A_3 : memref<1x1x4x128xi32, #tpu.memory_space<hbm>> -> memref<4x128xi32, #tpu.memory_space<hbm>>
    %dma_start3A_5 = arith.constant 0 : i32
    %dma_start3A_6 = arith.constant 0 : i32
    %dma_start3A_7 = tpu.memref_slice %arg3[%add3A, %dma_start3A, %dma_start3A_5, %dma_start3A_6] : memref<32x20x4x128xi32, #tpu.memory_space<hbm>> -> memref<1x1x4x128xi32, #tpu.memory_space<hbm>>
    %dma_start3A_8 = tpu.memref_squeeze %dma_start3A_7 : memref<1x1x4x128xi32, #tpu.memory_space<hbm>> -> memref<4x128xi32, #tpu.memory_space<hbm>>
    tpu.enqueue_dma source(%dma_start3A_8 : memref<4x128xi32, #tpu.memory_space<hbm>>) target(%arg7 : memref<4x128xi32, #tpu.memory_space<vmem>>) target_semaphore(%arg20 : memref<!tpu.dma_semaphore, #tpu.memory_space<semaphore_mem>>)
    %dma_start3A_9 = arith.constant 0 : i32
    %dma_start3A_10 = arith.constant 0 : i32
    %dma_start3A_11 = arith.constant 0 : i32
    %dma_start3A_12 = tpu.memref_slice %arg4[%add3A, %dma_start3A_9, %dma_start3A_10, %dma_start3A_11] : memref<32x20x4x128xi32, #tpu.memory_space<hbm>> -> memref<1x1x4x128xi32, #tpu.memory_space<hbm>>
    %dma_start3A_13 = tpu.memref_squeeze %dma_start3A_12 : memref<1x1x4x128xi32, #tpu.memory_space<hbm>> -> memref<4x128xi32, #tpu.memory_space<hbm>>
    %dma_start3A_14 = arith.constant 0 : i32
    %dma_start3A_15 = arith.constant 0 : i32
    %dma_start3A_16 = tpu.memref_slice %arg4[%add3A, %dma_start3A_9, %dma_start3A_14, %dma_start3A_15] : memref<32x20x4x128xi32, #tpu.memory_space<hbm>> -> memref<1x1x4x128xi32, #tpu.memory_space<hbm>>
    %dma_start3A_17 = tpu.memref_squeeze %dma_start3A_16 : memref<1x1x4x128xi32, #tpu.memory_space<hbm>> -> memref<4x128xi32, #tpu.memory_space<hbm>>
    tpu.enqueue_dma source(%dma_start3A_17 : memref<4x128xi32, #tpu.memory_space<hbm>>) target(%arg8 : memref<4x128xi32, #tpu.memory_space<vmem>>) target_semaphore(%arg20 : memref<!tpu.dma_semaphore, #tpu.memory_space<semaphore_mem>>)
    %dma_start3A_18 = arith.constant 1 : i32
    %dma_start3A_19 = arith.constant 0 : i32
    %dma_start3A_20 = arith.constant 0 : i32
    %dma_start3A_21 = tpu.memref_slice %arg3[%add3A, %dma_start3A_18, %dma_start3A_19, %dma_start3A_20] : memref<32x20x4x128xi32, #tpu.memory_space<hbm>> -> memref<1x1x4x128xi32, #tpu.memory_space<hbm>>
    %dma_start3A_22 = tpu.memref_squeeze %dma_start3A_21 : memref<1x1x4x128xi32, #tpu.memory_space<hbm>> -> memref<4x128xi32, #tpu.memory_space<hbm>>
    %dma_start3A_23 = arith.constant 0 : i32
    %dma_start3A_24 = arith.constant 0 : i32
    %dma_start3A_25 = tpu.memref_slice %arg3[%add3A, %dma_start3A_18, %dma_start3A_23, %dma_start3A_24] : memref<32x20x4x128xi32, #tpu.memory_space<hbm>> -> memref<1x1x4x128xi32, #tpu.memory_space<hbm>>
    %dma_start3A_26 = tpu.memref_squeeze %dma_start3A_25 : memref<1x1x4x128xi32, #tpu.memory_space<hbm>> -> memref<4x128xi32, #tpu.memory_space<hbm>>
    tpu.enqueue_dma source(%dma_start3A_26 : memref<4x128xi32, #tpu.memory_space<hbm>>) target(%arg9 : memref<4x128xi32, #tpu.memory_space<vmem>>) target_semaphore(%arg21 : memref<!tpu.dma_semaphore, #tpu.memory_space<semaphore_mem>>)
    %dma_start3A_27 = arith.constant 1 : i32
    %dma_start3A_28 = arith.constant 0 : i32
    %dma_start3A_29 = arith.constant 0 : i32
    %dma_start3A_30 = tpu.memref_slice %arg4[%add3A, %dma_start3A_27, %dma_start3A_28, %dma_start3A_29] : memref<32x20x4x128xi32, #tpu.memory_space<hbm>> -> memref<1x1x4x128xi32, #tpu.memory_space<hbm>>
    %dma_start3A_31 = tpu.memref_squeeze %dma_start3A_30 : memref<1x1x4x128xi32, #tpu.memory_space<hbm>> -> memref<4x128xi32, #tpu.memory_space<hbm>>
    %dma_start3A_32 = arith.constant 0 : i32
    %dma_start3A_33 = arith.constant 0 : i32
    %dma_start3A_34 = tpu.memref_slice %arg4[%add3A, %dma_start3A_27, %dma_start3A_32, %dma_start3A_33] : memref<32x20x4x128xi32, #tpu.memory_space<hbm>> -> memref<1x1x4x128xi32, #tpu.memory_space<hbm>>
    %dma_start3A_35 = tpu.memref_squeeze %dma_start3A_34 : memref<1x1x4x128xi32, #tpu.memory_space<hbm>> -> memref<4x128xi32, #tpu.memory_space<hbm>>
    tpu.enqueue_dma source(%dma_start3A_35 : memref<4x128xi32, #tpu.memory_space<hbm>>) target(%arg10 : memref<4x128xi32, #tpu.memory_space<vmem>>) target_semaphore(%arg21 : memref<!tpu.dma_semaphore, #tpu.memory_space<semaphore_mem>>)
    %dma_start3A_36 = arith.constant 2 : i32
    %dma_start3A_37 = arith.constant 0 : i32
    %dma_start3A_38 = arith.constant 0 : i32
    %dma_start3A_39 = tpu.memref_slice %arg3[%add3A, %dma_start3A_36, %dma_start3A_37, %dma_start3A_38] : memref<32x20x4x128xi32, #tpu.memory_space<hbm>> -> memref<1x1x4x128xi32, #tpu.memory_space<hbm>>
    %dma_start3A_40 = tpu.memref_squeeze %dma_start3A_39 : memref<1x1x4x128xi32, #tpu.memory_space<hbm>> -> memref<4x128xi32, #tpu.memory_space<hbm>>
    %dma_start3A_41 = arith.constant 0 : i32
    %dma_start3A_42 = arith.constant 0 : i32
    %dma_start3A_43 = tpu.memref_slice %arg3[%add3A, %dma_start3A_36, %dma_start3A_41, %dma_start3A_42] : memref<32x20x4x128xi32, #tpu.memory_space<hbm>> -> memref<1x1x4x128xi32, #tpu.memory_space<hbm>>
    %dma_start3A_44 = tpu.memref_squeeze %dma_start3A_43 : memref<1x1x4x128xi32, #tpu.memory_space<hbm>> -> memref<4x128xi32, #tpu.memory_space<hbm>>
    tpu.enqueue_dma source(%dma_start3A_44 : memref<4x128xi32, #tpu.memory_space<hbm>>) target(%arg11 : memref<4x128xi32, #tpu.memory_space<vmem>>) target_semaphore(%arg22 : memref<!tpu.dma_semaphore, #tpu.memory_space<semaphore_mem>>)
    %dma_start3A_45 = arith.constant 2 : i32
    %dma_start3A_46 = arith.constant 0 : i32
    %dma_start3A_47 = arith.constant 0 : i32
    %dma_start3A_48 = tpu.memref_slice %arg4[%add3A, %dma_start3A_45, %dma_start3A_46, %dma_start3A_47] : memref<32x20x4x128xi32, #tpu.memory_space<hbm>> -> memref<1x1x4x128xi32, #tpu.memory_space<hbm>>
    %dma_start3A_49 = tpu.memref_squeeze %dma_start3A_48 : memref<1x1x4x128xi32, #tpu.memory_space<hbm>> -> memref<4x128xi32, #tpu.memory_space<hbm>>
    %dma_start3A_50 = arith.constant 0 : i32
    %dma_start3A_51 = arith.constant 0 : i32
    %dma_start3A_52 = tpu.memref_slice %arg4[%add3A, %dma_start3A_45, %dma_start3A_50, %dma_start3A_51] : memref<32x20x4x128xi32, #tpu.memory_space<hbm>> -> memref<1x1x4x128xi32, #tpu.memory_space<hbm>>
    %dma_start3A_53 = tpu.memref_squeeze %dma_start3A_52 : memref<1x1x4x128xi32, #tpu.memory_space<hbm>> -> memref<4x128xi32, #tpu.memory_space<hbm>>
    tpu.enqueue_dma source(%dma_start3A_53 : memref<4x128xi32, #tpu.memory_space<hbm>>) target(%arg12 : memref<4x128xi32, #tpu.memory_space<vmem>>) target_semaphore(%arg22 : memref<!tpu.dma_semaphore, #tpu.memory_space<semaphore_mem>>)
    %scan3A = arith.constant 0 : i32
    %scan3A_54 = arith.constant 0 : i32
    %scan3A_55 = arith.constant 4 : i32
    %scan3A_56 = arith.addi %scan3A_54, %scan3A_55 : i32
    %scan3A_57 = arith.constant 1 : i32
    %scan3A_58 = scf.for %scan3A_89 = %scan3A_54 to %scan3A_56 step %scan3A_57 iter_args(%scan3A_90 = %scan3A) -> (i32)  : i32 {
      %mul3A_91 = arith.constant 632 : i32
      %mul3A_92 = arith.muli %arg1, %mul3A_91 : i32
      %mul3A_93 = arith.constant 128 : i32
      %mul3A_94 = arith.muli %scan3A_89, %mul3A_93 : i32
      %add3A_95 = arith.addi %mul3A_92, %mul3A_94 : i32
      "tpu.region"() ({
        %run_scoped3A = tpu.sem_alloc : memref<!tpu.dma_semaphore, #tpu.memory_space<semaphore_mem>>
        %dma_start3A_97 = arith.constant 0 : i32
        %dma_start3A_98 = tpu.memref_slice %arg17[%add3A_95, %dma_start3A_97] : memref<10112x128xf32, #tpu.memory_space<vmem_shared>> -> memref<128x128xf32, #tpu.memory_space<vmem_shared>>
        tpu.enqueue_dma source(%arg5 : memref<128x128xf32, #tpu.memory_space<hbm>>) target(%dma_start3A_98 : memref<128x128xf32, #tpu.memory_space<vmem_shared>>) target_semaphore(%run_scoped3A : memref<!tpu.dma_semaphore, #tpu.memory_space<semaphore_mem>>)
        %dma_wait3A_99 = arith.constant 0 : i32
        %dma_wait3A_100 = tpu.memref_slice %arg17[%add3A_95, %dma_wait3A_99] : memref<10112x128xf32, #tpu.memory_space<vmem_shared>> -> memref<128x128xf32, #tpu.memory_space<vmem_shared>>
        tpu.wait_dma2 semaphore(%run_scoped3A : memref<!tpu.dma_semaphore, #tpu.memory_space<semaphore_mem>>) src(%arg5 : memref<128x128xf32, #tpu.memory_space<hbm>>) dst(%dma_wait3A_100 : memref<128x128xf32, #tpu.memory_space<vmem_shared>>)
        tpu.yield
      }) : () -> ()
      %scan3A_96 = arith.constant 0 : i32
      scf.yield %scan3A_96 : i32
    }
    %scan3A_59 = arith.constant 4 : i32
    %mul3A_60 = arith.constant 632 : i32
    %mul3A_61 = arith.muli %arg1, %mul3A_60 : i32
    %add3A_62 = arith.constant 512 : i32
    %add3A_63 = arith.addi %mul3A_61, %add3A_62 : i32
    "tpu.region"() ({
      %run_scoped3A = tpu.sem_alloc : memref<!tpu.dma_semaphore, #tpu.memory_space<semaphore_mem>>
      %dma_start3A_89 = arith.constant 0 : i32
      %dma_start3A_90 = tpu.memref_slice %arg17[%add3A_63, %dma_start3A_89] : memref<10112x128xf32, #tpu.memory_space<vmem_shared>> -> memref<120x128xf32, #tpu.memory_space<vmem_shared>>
      %dma_start3A_91 = arith.constant 0 : i32
      %dma_start3A_92 = arith.constant 0 : i32
      %dma_start3A_93 = tpu.memref_slice %arg5[%dma_start3A_91, %dma_start3A_92] : memref<128x128xf32, #tpu.memory_space<hbm>> -> memref<120x128xf32, #tpu.memory_space<hbm>>
      tpu.enqueue_dma source(%dma_start3A_93 : memref<120x128xf32, #tpu.memory_space<hbm>>) target(%dma_start3A_90 : memref<120x128xf32, #tpu.memory_space<vmem_shared>>) target_semaphore(%run_scoped3A : memref<!tpu.dma_semaphore, #tpu.memory_space<semaphore_mem>>)
      %dma_wait3A_94 = arith.constant 0 : i32
      %dma_wait3A_95 = tpu.memref_slice %arg17[%add3A_63, %dma_wait3A_94] : memref<10112x128xf32, #tpu.memory_space<vmem_shared>> -> memref<120x128xf32, #tpu.memory_space<vmem_shared>>
      %dma_wait3A_96 = arith.constant 0 : i32
      %dma_wait3A_97 = arith.constant 0 : i32
      %dma_wait3A_98 = tpu.memref_slice %arg5[%dma_wait3A_96, %dma_wait3A_97] : memref<128x128xf32, #tpu.memory_space<hbm>> -> memref<120x128xf32, #tpu.memory_space<hbm>>
      tpu.wait_dma2 semaphore(%run_scoped3A : memref<!tpu.dma_semaphore, #tpu.memory_space<semaphore_mem>>) src(%dma_wait3A_98 : memref<120x128xf32, #tpu.memory_space<hbm>>) dst(%dma_wait3A_95 : memref<120x128xf32, #tpu.memory_space<vmem_shared>>)
      tpu.yield
    }) : () -> ()
    %barrier3A = arith.constant 0 : index
    tpu.barrier barrier_id(%barrier3A)
    %scan3A_64 = arith.constant 0 : i32
    %scan3A_65 = arith.constant 0 : i32
    %scan3A_66 = arith.constant 5 : i32
    %scan3A_67 = arith.addi %scan3A_65, %scan3A_66 : i32
    %scan3A_68 = arith.constant 1 : i32
    %scan3A_69 = scf.for %scan3A_89 = %scan3A_65 to %scan3A_67 step %scan3A_68 iter_args(%scan3A_90 = %scan3A_64) -> (i32)  : i32 {
      %mul3A_91 = arith.constant 4 : i32
      %mul3A_92 = arith.muli %mul3A_91, %scan3A_89 : i32
      %add3A_93 = arith.constant 0 : i32
      %add3A_94 = arith.addi %mul3A_92, %add3A_93 : i32
      %dma_wait3A_95 = arith.constant 0 : i32
      %dma_wait3A_96 = arith.constant 0 : i32
      %dma_wait3A_97 = arith.constant 0 : i32
      %dma_wait3A_98 = tpu.memref_slice %arg3[%add3A, %dma_wait3A_95, %dma_wait3A_96, %dma_wait3A_97] : memref<32x20x4x128xi32, #tpu.memory_space<hbm>> -> memref<1x1x4x128xi32, #tpu.memory_space<hbm>>
      %dma_wait3A_99 = tpu.memref_squeeze %dma_wait3A_98 : memref<1x1x4x128xi32, #tpu.memory_space<hbm>> -> memref<4x128xi32, #tpu.memory_space<hbm>>
      %dma_wait3A_100 = arith.constant 0 : i32
      %dma_wait3A_101 = arith.constant 0 : i32
      %dma_wait3A_102 = tpu.memref_slice %arg3[%add3A, %dma_wait3A_95, %dma_wait3A_100, %dma_wait3A_101] : memref<32x20x4x128xi32, #tpu.memory_space<hbm>> -> memref<1x1x4x128xi32, #tpu.memory_space<hbm>>
      %dma_wait3A_103 = tpu.memref_squeeze %dma_wait3A_102 : memref<1x1x4x128xi32, #tpu.memory_space<hbm>> -> memref<4x128xi32, #tpu.memory_space<hbm>>
      tpu.wait_dma2 semaphore(%arg20 : memref<!tpu.dma_semaphore, #tpu.memory_space<semaphore_mem>>) src(%dma_wait3A_103 : memref<4x128xi32, #tpu.memory_space<hbm>>) dst(%arg7 : memref<4x128xi32, #tpu.memory_space<vmem>>)
      %dma_wait3A_104 = arith.constant 0 : i32
      %dma_wait3A_105 = arith.constant 0 : i32
      %dma_wait3A_106 = arith.constant 0 : i32
      %dma_wait3A_107 = tpu.memref_slice %arg4[%add3A, %dma_wait3A_104, %dma_wait3A_105, %dma_wait3A_106] : memref<32x20x4x128xi32, #tpu.memory_space<hbm>> -> memref<1x1x4x128xi32, #tpu.memory_space<hbm>>
      %dma_wait3A_108 = tpu.memref_squeeze %dma_wait3A_107 : memref<1x1x4x128xi32, #tpu.memory_space<hbm>> -> memref<4x128xi32, #tpu.memory_space<hbm>>
      %dma_wait3A_109 = arith.constant 0 : i32
      %dma_wait3A_110 = arith.constant 0 : i32
      %dma_wait3A_111 = tpu.memref_slice %arg4[%add3A, %dma_wait3A_104, %dma_wait3A_109, %dma_wait3A_110] : memref<32x20x4x128xi32, #tpu.memory_space<hbm>> -> memref<1x1x4x128xi32, #tpu.memory_space<hbm>>
      %dma_wait3A_112 = tpu.memref_squeeze %dma_wait3A_111 : memref<1x1x4x128xi32, #tpu.memory_space<hbm>> -> memref<4x128xi32, #tpu.memory_space<hbm>>
      tpu.wait_dma2 semaphore(%arg20 : memref<!tpu.dma_semaphore, #tpu.memory_space<semaphore_mem>>) src(%dma_wait3A_112 : memref<4x128xi32, #tpu.memory_space<hbm>>) dst(%arg8 : memref<4x128xi32, #tpu.memory_space<vmem>>)
      %gt3A = arith.constant 0 : i32
      %gt3A_113 = arith.cmpi sgt, %add3A_94, %gt3A : i32
      %convert_element_type3A = arith.extui %gt3A_113 : i1 to i32
      %cond3A = arith.constant 0 : i32
      %cond3A_114 = arith.cmpi ne, %convert_element_type3A, %cond3A : i32
      scf.if %cond3A_114 {
        %dma_wait3A_636 = arith.constant 0 : i32
        %dma_wait3A_637 = arith.constant 0 : i32
        %dma_wait3A_638 = tpu.memref_slice %arg8[%dma_wait3A_636, %dma_wait3A_637] : memref<4x128xi32, #tpu.memory_space<vmem>> -> memref<1x128xi32, #tpu.memory_space<vmem>>
        %dma_wait3A_639 = tpu.memref_squeeze %dma_wait3A_638 : memref<1x128xi32, #tpu.memory_space<vmem>> -> memref<128xi32, #tpu.memory_space<vmem>>
        %dma_wait3A_640 = arith.constant 0 : i32
        %dma_wait3A_641 = arith.constant 0 : i32
        %dma_wait3A_642 = tpu.memref_slice %arg17[%dma_wait3A_640, %dma_wait3A_641] : memref<10112x128xf32, #tpu.memory_space<vmem_shared>> -> memref<10112x128xf32, #tpu.memory_space<vmem_shared>>
        tpu.wait_indirect_dma semaphore(%arg24 : memref<!tpu.dma_semaphore, #tpu.memory_space<semaphore_mem>>) src(%arg15 : memref<128x128xf32, #tpu.memory_space<vmem>>) dst(%dma_wait3A_642 : memref<10112x128xf32, #tpu.memory_space<vmem_shared>>)
      } else {
      }
      %dma_start3A_115 = arith.constant 0 : i32
      %dma_start3A_116 = arith.constant 0 : i32
      %dma_start3A_117 = tpu.memref_slice %arg7[%dma_start3A_115, %dma_start3A_116] : memref<4x128xi32, #tpu.memory_space<vmem>> -> memref<1x128xi32, #tpu.memory_space<vmem>>
      %dma_start3A_118 = tpu.memref_squeeze %dma_start3A_117 : memref<1x128xi32, #tpu.memory_space<vmem>> -> memref<128xi32, #tpu.memory_space<vmem>>
      %dma_start3A_119 = arith.constant 0 : i32
      %dma_start3A_120 = arith.constant 0 : i32
      %dma_start3A_121 = tpu.memref_slice %arg2[%dma_start3A_119, %dma_start3A_120] : memref<10112x128xf32, #tpu.memory_space<hbm>> -> memref<10112x128xf32, #tpu.memory_space<hbm>>
      tpu.enqueue_indirect_dma source(%dma_start3A_121 : memref<10112x128xf32, #tpu.memory_space<hbm>>) target(%arg15 : memref<128x128xf32, #tpu.memory_space<vmem>>) offsets(%dma_start3A_118 : memref<128xi32, #tpu.memory_space<vmem>>) semaphore(%arg18 : memref<!tpu.dma_semaphore, #tpu.memory_space<semaphore_mem>>)
      %gt3A_122 = arith.constant 0 : i32
      %gt3A_123 = arith.cmpi sgt, %add3A_94, %gt3A_122 : i32
      %convert_element_type3A_124 = arith.extui %gt3A_123 : i1 to i32
      %cond3A_125 = arith.constant 0 : i32
      %cond3A_126 = arith.cmpi ne, %convert_element_type3A_124, %cond3A_125 : i32
      scf.if %cond3A_126 {
        %dma_wait3A_636 = arith.constant 0 : i32
        %dma_wait3A_637 = arith.constant 0 : i32
        %dma_wait3A_638 = tpu.memref_slice %arg8[%dma_wait3A_636, %dma_wait3A_637] : memref<4x128xi32, #tpu.memory_space<vmem>> -> memref<1x128xi32, #tpu.memory_space<vmem>>
        %dma_wait3A_639 = tpu.memref_squeeze %dma_wait3A_638 : memref<1x128xi32, #tpu.memory_space<vmem>> -> memref<128xi32, #tpu.memory_space<vmem>>
        %dma_wait3A_640 = arith.constant 0 : i32
        %dma_wait3A_641 = arith.constant 0 : i32
        %dma_wait3A_642 = tpu.memref_slice %arg17[%dma_wait3A_640, %dma_wait3A_641] : memref<10112x128xf32, #tpu.memory_space<vmem_shared>> -> memref<10112x128xf32, #tpu.memory_space<vmem_shared>>
        tpu.wait_indirect_dma semaphore(%arg25 : memref<!tpu.dma_semaphore, #tpu.memory_space<semaphore_mem>>) src(%arg16 : memref<128x128xf32, #tpu.memory_space<vmem>>) dst(%dma_wait3A_642 : memref<10112x128xf32, #tpu.memory_space<vmem_shared>>)
      } else {
      }
      %dma_start3A_127 = arith.constant 1 : i32
      %dma_start3A_128 = arith.constant 0 : i32
      %dma_start3A_129 = tpu.memref_slice %arg7[%dma_start3A_127, %dma_start3A_128] : memref<4x128xi32, #tpu.memory_space<vmem>> -> memref<1x128xi32, #tpu.memory_space<vmem>>
      %dma_start3A_130 = tpu.memref_squeeze %dma_start3A_129 : memref<1x128xi32, #tpu.memory_space<vmem>> -> memref<128xi32, #tpu.memory_space<vmem>>
      %dma_start3A_131 = arith.constant 0 : i32
      %dma_start3A_132 = arith.constant 0 : i32
      %dma_start3A_133 = tpu.memref_slice %arg2[%dma_start3A_131, %dma_start3A_132] : memref<10112x128xf32, #tpu.memory_space<hbm>> -> memref<10112x128xf32, #tpu.memory_space<hbm>>
      tpu.enqueue_indirect_dma source(%dma_start3A_133 : memref<10112x128xf32, #tpu.memory_space<hbm>>) target(%arg16 : memref<128x128xf32, #tpu.memory_space<vmem>>) offsets(%dma_start3A_130 : memref<128xi32, #tpu.memory_space<vmem>>) semaphore(%arg19 : memref<!tpu.dma_semaphore, #tpu.memory_space<semaphore_mem>>)
      %dma_wait3A_134 = arith.constant 0 : i32
      %dma_wait3A_135 = arith.constant 0 : i32
      %dma_wait3A_136 = tpu.memref_slice %arg7[%dma_wait3A_134, %dma_wait3A_135] : memref<4x128xi32, #tpu.memory_space<vmem>> -> memref<1x128xi32, #tpu.memory_space<vmem>>
      %dma_wait3A_137 = tpu.memref_squeeze %dma_wait3A_136 : memref<1x128xi32, #tpu.memory_space<vmem>> -> memref<128xi32, #tpu.memory_space<vmem>>
      %dma_wait3A_138 = arith.constant 0 : i32
      %dma_wait3A_139 = arith.constant 0 : i32
      %dma_wait3A_140 = tpu.memref_slice %arg2[%dma_wait3A_138, %dma_wait3A_139] : memref<10112x128xf32, #tpu.memory_space<hbm>> -> memref<10112x128xf32, #tpu.memory_space<hbm>>
      tpu.wait_indirect_dma semaphore(%arg18 : memref<!tpu.dma_semaphore, #tpu.memory_space<semaphore_mem>>) src(%dma_wait3A_140 : memref<10112x128xf32, #tpu.memory_space<hbm>>) dst(%arg15 : memref<128x128xf32, #tpu.memory_space<vmem>>)
      %dma_start3A_141 = arith.constant 0 : i32
      %dma_start3A_142 = arith.constant 0 : i32
      %dma_start3A_143 = tpu.memref_slice %arg8[%dma_start3A_141, %dma_start3A_142] : memref<4x128xi32, #tpu.memory_space<vmem>> -> memref<1x128xi32, #tpu.memory_space<vmem>>
      %dma_start3A_144 = tpu.memref_squeeze %dma_start3A_143 : memref<1x128xi32, #tpu.memory_space<vmem>> -> memref<128xi32, #tpu.memory_space<vmem>>
      %dma_start3A_145 = arith.constant 0 : i32
      %dma_start3A_146 = arith.constant 0 : i32
      %dma_start3A_147 = tpu.memref_slice %arg17[%dma_start3A_145, %dma_start3A_146] : memref<10112x128xf32, #tpu.memory_space<vmem_shared>> -> memref<10112x128xf32, #tpu.memory_space<vmem_shared>>
      tpu.enqueue_indirect_dma source(%arg15 : memref<128x128xf32, #tpu.memory_space<vmem>>) target(%dma_start3A_147 : memref<10112x128xf32, #tpu.memory_space<vmem_shared>>) offsets(%dma_start3A_144 : memref<128xi32, #tpu.memory_space<vmem>>) semaphore(%arg24 : memref<!tpu.dma_semaphore, #tpu.memory_space<semaphore_mem>>) {add = true}
      %dma_wait3A_148 = arith.constant 0 : i32
      %dma_wait3A_149 = arith.constant 0 : i32
      %dma_wait3A_150 = tpu.memref_slice %arg8[%dma_wait3A_148, %dma_wait3A_149] : memref<4x128xi32, #tpu.memory_space<vmem>> -> memref<1x128xi32, #tpu.memory_space<vmem>>
      %dma_wait3A_151 = tpu.memref_squeeze %dma_wait3A_150 : memref<1x128xi32, #tpu.memory_space<vmem>> -> memref<128xi32, #tpu.memory_space<vmem>>
      %dma_wait3A_152 = arith.constant 0 : i32
      %dma_wait3A_153 = arith.constant 0 : i32
      %dma_wait3A_154 = tpu.memref_slice %arg17[%dma_wait3A_152, %dma_wait3A_153] : memref<10112x128xf32, #tpu.memory_space<vmem_shared>> -> memref<10112x128xf32, #tpu.memory_space<vmem_shared>>
      tpu.wait_indirect_dma semaphore(%arg24 : memref<!tpu.dma_semaphore, #tpu.memory_space<semaphore_mem>>) src(%arg15 : memref<128x128xf32, #tpu.memory_space<vmem>>) dst(%dma_wait3A_154 : memref<10112x128xf32, #tpu.memory_space<vmem_shared>>)
      %dma_start3A_155 = arith.constant 2 : i32
      %dma_start3A_156 = arith.constant 0 : i32
      %dma_start3A_157 = tpu.memref_slice %arg7[%dma_start3A_155, %dma_start3A_156] : memref<4x128xi32, #tpu.memory_space<vmem>> -> memref<1x128xi32, #tpu.memory_space<vmem>>
      %dma_start3A_158 = tpu.memref_squeeze %dma_start3A_157 : memref<1x128xi32, #tpu.memory_space<vmem>> -> memref<128xi32, #tpu.memory_space<vmem>>
      %dma_start3A_159 = arith.constant 0 : i32
      %dma_start3A_160 = arith.constant 0 : i32
      %dma_start3A_161 = tpu.memref_slice %arg2[%dma_start3A_159, %dma_start3A_160] : memref<10112x128xf32, #tpu.memory_space<hbm>> -> memref<10112x128xf32, #tpu.memory_space<hbm>>
      tpu.enqueue_indirect_dma source(%dma_start3A_161 : memref<10112x128xf32, #tpu.memory_space<hbm>>) target(%arg15 : memref<128x128xf32, #tpu.memory_space<vmem>>) offsets(%dma_start3A_158 : memref<128xi32, #tpu.memory_space<vmem>>) semaphore(%arg18 : memref<!tpu.dma_semaphore, #tpu.memory_space<semaphore_mem>>)
      %dma_wait3A_162 = arith.constant 1 : i32
      %dma_wait3A_163 = arith.constant 0 : i32
      %dma_wait3A_164 = tpu.memref_slice %arg7[%dma_wait3A_162, %dma_wait3A_163] : memref<4x128xi32, #tpu.memory_space<vmem>> -> memref<1x128xi32, #tpu.memory_space<vmem>>
      %dma_wait3A_165 = tpu.memref_squeeze %dma_wait3A_164 : memref<1x128xi32, #tpu.memory_space<vmem>> -> memref<128xi32, #tpu.memory_space<vmem>>
      %dma_wait3A_166 = arith.constant 0 : i32
      %dma_wait3A_167 = arith.constant 0 : i32
      %dma_wait3A_168 = tpu.memref_slice %arg2[%dma_wait3A_166, %dma_wait3A_167] : memref<10112x128xf32, #tpu.memory_space<hbm>> -> memref<10112x128xf32, #tpu.memory_space<hbm>>
      tpu.wait_indirect_dma semaphore(%arg19 : memref<!tpu.dma_semaphore, #tpu.memory_space<semaphore_mem>>) src(%dma_wait3A_168 : memref<10112x128xf32, #tpu.memory_space<hbm>>) dst(%arg16 : memref<128x128xf32, #tpu.memory_space<vmem>>)
      %dma_start3A_169 = arith.constant 1 : i32
      %dma_start3A_170 = arith.constant 0 : i32
      %dma_start3A_171 = tpu.memref_slice %arg8[%dma_start3A_169, %dma_start3A_170] : memref<4x128xi32, #tpu.memory_space<vmem>> -> memref<1x128xi32, #tpu.memory_space<vmem>>
      %dma_start3A_172 = tpu.memref_squeeze %dma_start3A_171 : memref<1x128xi32, #tpu.memory_space<vmem>> -> memref<128xi32, #tpu.memory_space<vmem>>
      %dma_start3A_173 = arith.constant 0 : i32
      %dma_start3A_174 = arith.constant 0 : i32
      %dma_start3A_175 = tpu.memref_slice %arg17[%dma_start3A_173, %dma_start3A_174] : memref<10112x128xf32, #tpu.memory_space<vmem_shared>> -> memref<10112x128xf32, #tpu.memory_space<vmem_shared>>
      tpu.enqueue_indirect_dma source(%arg16 : memref<128x128xf32, #tpu.memory_space<vmem>>) target(%dma_start3A_175 : memref<10112x128xf32, #tpu.memory_space<vmem_shared>>) offsets(%dma_start3A_172 : memref<128xi32, #tpu.memory_space<vmem>>) semaphore(%arg25 : memref<!tpu.dma_semaphore, #tpu.memory_space<semaphore_mem>>) {add = true}
      %dma_wait3A_176 = arith.constant 0 : i32
      %dma_wait3A_177 = arith.constant 0 : i32
      %dma_wait3A_178 = tpu.memref_slice %arg8[%dma_wait3A_176, %dma_wait3A_177] : memref<4x128xi32, #tpu.memory_space<vmem>> -> memref<1x128xi32, #tpu.memory_space<vmem>>
      %dma_wait3A_179 = tpu.memref_squeeze %dma_wait3A_178 : memref<1x128xi32, #tpu.memory_space<vmem>> -> memref<128xi32, #tpu.memory_space<vmem>>
      %dma_wait3A_180 = arith.constant 0 : i32
      %dma_wait3A_181 = arith.constant 0 : i32
      %dma_wait3A_182 = tpu.memref_slice %arg17[%dma_wait3A_180, %dma_wait3A_181] : memref<10112x128xf32, #tpu.memory_space<vmem_shared>> -> memref<10112x128xf32, #tpu.memory_space<vmem_shared>>
      tpu.wait_indirect_dma semaphore(%arg25 : memref<!tpu.dma_semaphore, #tpu.memory_space<semaphore_mem>>) src(%arg16 : memref<128x128xf32, #tpu.memory_space<vmem>>) dst(%dma_wait3A_182 : memref<10112x128xf32, #tpu.memory_space<vmem_shared>>)
      %dma_start3A_183 = arith.constant 3 : i32
      %dma_start3A_184 = arith.constant 0 : i32
      %dma_start3A_185 = tpu.memref_slice %arg7[%dma_start3A_183, %dma_start3A_184] : memref<4x128xi32, #tpu.memory_space<vmem>> -> memref<1x128xi32, #tpu.memory_space<vmem>>
      %dma_start3A_186 = tpu.memref_squeeze %dma_start3A_185 : memref<1x128xi32, #tpu.memory_space<vmem>> -> memref<128xi32, #tpu.memory_space<vmem>>
      %dma_start3A_187 = arith.constant 0 : i32
      %dma_start3A_188 = arith.constant 0 : i32
      %dma_start3A_189 = tpu.memref_slice %arg2[%dma_start3A_187, %dma_start3A_188] : memref<10112x128xf32, #tpu.memory_space<hbm>> -> memref<10112x128xf32, #tpu.memory_space<hbm>>
      tpu.enqueue_indirect_dma source(%dma_start3A_189 : memref<10112x128xf32, #tpu.memory_space<hbm>>) target(%arg16 : memref<128x128xf32, #tpu.memory_space<vmem>>) offsets(%dma_start3A_186 : memref<128xi32, #tpu.memory_space<vmem>>) semaphore(%arg19 : memref<!tpu.dma_semaphore, #tpu.memory_space<semaphore_mem>>)
      %dma_wait3A_190 = arith.constant 2 : i32
      %dma_wait3A_191 = arith.constant 0 : i32
      %dma_wait3A_192 = tpu.memref_slice %arg7[%dma_wait3A_190, %dma_wait3A_191] : memref<4x128xi32, #tpu.memory_space<vmem>> -> memref<1x128xi32, #tpu.memory_space<vmem>>
      %dma_wait3A_193 = tpu.memref_squeeze %dma_wait3A_192 : memref<1x128xi32, #tpu.memory_space<vmem>> -> memref<128xi32, #tpu.memory_space<vmem>>
      %dma_wait3A_194 = arith.constant 0 : i32
      %dma_wait3A_195 = arith.constant 0 : i32
      %dma_wait3A_196 = tpu.memref_slice %arg2[%dma_wait3A_194, %dma_wait3A_195] : memref<10112x128xf32, #tpu.memory_space<hbm>> -> memref<10112x128xf32, #tpu.memory_space<hbm>>
      tpu.wait_indirect_dma semaphore(%arg18 : memref<!tpu.dma_semaphore, #tpu.memory_space<semaphore_mem>>) src(%dma_wait3A_196 : memref<10112x128xf32, #tpu.memory_space<hbm>>) dst(%arg15 : memref<128x128xf32, #tpu.memory_space<vmem>>)
      %dma_start3A_197 = arith.constant 2 : i32
      %dma_start3A_198 = arith.constant 0 : i32
      %dma_start3A_199 = tpu.memref_slice %arg8[%dma_start3A_197, %dma_start3A_198] : memref<4x128xi32, #tpu.memory_space<vmem>> -> memref<1x128xi32, #tpu.memory_space<vmem>>
      %dma_start3A_200 = tpu.memref_squeeze %dma_start3A_199 : memref<1x128xi32, #tpu.memory_space<vmem>> -> memref<128xi32, #tpu.memory_space<vmem>>
      %dma_start3A_201 = arith.constant 0 : i32
      %dma_start3A_202 = arith.constant 0 : i32
      %dma_start3A_203 = tpu.memref_slice %arg17[%dma_start3A_201, %dma_start3A_202] : memref<10112x128xf32, #tpu.memory_space<vmem_shared>> -> memref<10112x128xf32, #tpu.memory_space<vmem_shared>>
      tpu.enqueue_indirect_dma source(%arg15 : memref<128x128xf32, #tpu.memory_space<vmem>>) target(%dma_start3A_203 : memref<10112x128xf32, #tpu.memory_space<vmem_shared>>) offsets(%dma_start3A_200 : memref<128xi32, #tpu.memory_space<vmem>>) semaphore(%arg24 : memref<!tpu.dma_semaphore, #tpu.memory_space<semaphore_mem>>) {add = true}
      %dma_wait3A_204 = arith.constant 3 : i32
      %dma_wait3A_205 = arith.constant 0 : i32
      %dma_wait3A_206 = tpu.memref_slice %arg7[%dma_wait3A_204, %dma_wait3A_205] : memref<4x128xi32, #tpu.memory_space<vmem>> -> memref<1x128xi32, #tpu.memory_space<vmem>>
      %dma_wait3A_207 = tpu.memref_squeeze %dma_wait3A_206 : memref<1x128xi32, #tpu.memory_space<vmem>> -> memref<128xi32, #tpu.memory_space<vmem>>
      %dma_wait3A_208 = arith.constant 0 : i32
      %dma_wait3A_209 = arith.constant 0 : i32
      %dma_wait3A_210 = tpu.memref_slice %arg2[%dma_wait3A_208, %dma_wait3A_209] : memref<10112x128xf32, #tpu.memory_space<hbm>> -> memref<10112x128xf32, #tpu.memory_space<hbm>>
      tpu.wait_indirect_dma semaphore(%arg19 : memref<!tpu.dma_semaphore, #tpu.memory_space<semaphore_mem>>) src(%dma_wait3A_210 : memref<10112x128xf32, #tpu.memory_space<hbm>>) dst(%arg16 : memref<128x128xf32, #tpu.memory_space<vmem>>)
      %dma_start3A_211 = arith.constant 3 : i32
      %dma_start3A_212 = arith.constant 0 : i32
      %dma_start3A_213 = tpu.memref_slice %arg8[%dma_start3A_211, %dma_start3A_212] : memref<4x128xi32, #tpu.memory_space<vmem>> -> memref<1x128xi32, #tpu.memory_space<vmem>>
      %dma_start3A_214 = tpu.memref_squeeze %dma_start3A_213 : memref<1x128xi32, #tpu.memory_space<vmem>> -> memref<128xi32, #tpu.memory_space<vmem>>
      %dma_start3A_215 = arith.constant 0 : i32
      %dma_start3A_216 = arith.constant 0 : i32
      %dma_start3A_217 = tpu.memref_slice %arg17[%dma_start3A_215, %dma_start3A_216] : memref<10112x128xf32, #tpu.memory_space<vmem_shared>> -> memref<10112x128xf32, #tpu.memory_space<vmem_shared>>
      tpu.enqueue_indirect_dma source(%arg16 : memref<128x128xf32, #tpu.memory_space<vmem>>) target(%dma_start3A_217 : memref<10112x128xf32, #tpu.memory_space<vmem_shared>>) offsets(%dma_start3A_214 : memref<128xi32, #tpu.memory_space<vmem>>) semaphore(%arg25 : memref<!tpu.dma_semaphore, #tpu.memory_space<semaphore_mem>>) {add = true}
      %add3A_218 = arith.constant 3 : i32
      %add3A_219 = arith.addi %add3A_94, %add3A_218 : i32
      %lt3A = arith.constant 20 : i32
      %lt3A_220 = arith.cmpi slt, %add3A_219, %lt3A : i32
      %convert_element_type3A_221 = arith.extui %lt3A_220 : i1 to i32
      %cond3A_222 = arith.constant 0 : i32
      %cond3A_223 = arith.cmpi ne, %convert_element_type3A_221, %cond3A_222 : i32
      scf.if %cond3A_223 {
        %add3A_636 = arith.constant 3 : i32
        %add3A_637 = arith.addi %add3A_94, %add3A_636 : i32
        %dma_start3A_638 = arith.constant 0 : i32
        %dma_start3A_639 = arith.constant 0 : i32
        %dma_start3A_640 = tpu.memref_slice %arg3[%add3A, %add3A_637, %dma_start3A_638, %dma_start3A_639] : memref<32x20x4x128xi32, #tpu.memory_space<hbm>> -> memref<1x1x4x128xi32, #tpu.memory_space<hbm>>
        %dma_start3A_641 = tpu.memref_squeeze %dma_start3A_640 : memref<1x1x4x128xi32, #tpu.memory_space<hbm>> -> memref<4x128xi32, #tpu.memory_space<hbm>>
        %dma_start3A_642 = arith.constant 0 : i32
        %dma_start3A_643 = arith.constant 0 : i32
        %dma_start3A_644 = tpu.memref_slice %arg3[%add3A, %add3A_637, %dma_start3A_642, %dma_start3A_643] : memref<32x20x4x128xi32, #tpu.memory_space<hbm>> -> memref<1x1x4x128xi32, #tpu.memory_space<hbm>>
        %dma_start3A_645 = tpu.memref_squeeze %dma_start3A_644 : memref<1x1x4x128xi32, #tpu.memory_space<hbm>> -> memref<4x128xi32, #tpu.memory_space<hbm>>
        tpu.enqueue_dma source(%dma_start3A_645 : memref<4x128xi32, #tpu.memory_space<hbm>>) target(%arg13 : memref<4x128xi32, #tpu.memory_space<vmem>>) target_semaphore(%arg23 : memref<!tpu.dma_semaphore, #tpu.memory_space<semaphore_mem>>)
        %add3A_646 = arith.constant 3 : i32
        %add3A_647 = arith.addi %add3A_94, %add3A_646 : i32
        %dma_start3A_648 = arith.constant 0 : i32
        %dma_start3A_649 = arith.constant 0 : i32
        %dma_start3A_650 = tpu.memref_slice %arg4[%add3A, %add3A_647, %dma_start3A_648, %dma_start3A_649] : memref<32x20x4x128xi32, #tpu.memory_space<hbm>> -> memref<1x1x4x128xi32, #tpu.memory_space<hbm>>
        %dma_start3A_651 = tpu.memref_squeeze %dma_start3A_650 : memref<1x1x4x128xi32, #tpu.memory_space<hbm>> -> memref<4x128xi32, #tpu.memory_space<hbm>>
        %dma_start3A_652 = arith.constant 0 : i32
        %dma_start3A_653 = arith.constant 0 : i32
        %dma_start3A_654 = tpu.memref_slice %arg4[%add3A, %add3A_647, %dma_start3A_652, %dma_start3A_653] : memref<32x20x4x128xi32, #tpu.memory_space<hbm>> -> memref<1x1x4x128xi32, #tpu.memory_space<hbm>>
        %dma_start3A_655 = tpu.memref_squeeze %dma_start3A_654 : memref<1x1x4x128xi32, #tpu.memory_space<hbm>> -> memref<4x128xi32, #tpu.memory_space<hbm>>
        tpu.enqueue_dma source(%dma_start3A_655 : memref<4x128xi32, #tpu.memory_space<hbm>>) target(%arg14 : memref<4x128xi32, #tpu.memory_space<vmem>>) target_semaphore(%arg23 : memref<!tpu.dma_semaphore, #tpu.memory_space<semaphore_mem>>)
      } else {
      }
      %mul3A_224 = arith.constant 4 : i32
      %mul3A_225 = arith.muli %mul3A_224, %scan3A_89 : i32
      %add3A_226 = arith.constant 1 : i32
      %add3A_227 = arith.addi %mul3A_225, %add3A_226 : i32
      %dma_wait3A_228 = arith.constant 0 : i32
      %dma_wait3A_229 = arith.constant 0 : i32
      %dma_wait3A_230 = arith.constant 0 : i32
      %dma_wait3A_231 = tpu.memref_slice %arg3[%add3A, %dma_wait3A_228, %dma_wait3A_229, %dma_wait3A_230] : memref<32x20x4x128xi32, #tpu.memory_space<hbm>> -> memref<1x1x4x128xi32, #tpu.memory_space<hbm>>
      %dma_wait3A_232 = tpu.memref_squeeze %dma_wait3A_231 : memref<1x1x4x128xi32, #tpu.memory_space<hbm>> -> memref<4x128xi32, #tpu.memory_space<hbm>>
      %dma_wait3A_233 = arith.constant 0 : i32
      %dma_wait3A_234 = arith.constant 0 : i32
      %dma_wait3A_235 = tpu.memref_slice %arg3[%add3A, %dma_wait3A_228, %dma_wait3A_233, %dma_wait3A_234] : memref<32x20x4x128xi32, #tpu.memory_space<hbm>> -> memref<1x1x4x128xi32, #tpu.memory_space<hbm>>
      %dma_wait3A_236 = tpu.memref_squeeze %dma_wait3A_235 : memref<1x1x4x128xi32, #tpu.memory_space<hbm>> -> memref<4x128xi32, #tpu.memory_space<hbm>>
      tpu.wait_dma2 semaphore(%arg21 : memref<!tpu.dma_semaphore, #tpu.memory_space<semaphore_mem>>) src(%dma_wait3A_236 : memref<4x128xi32, #tpu.memory_space<hbm>>) dst(%arg9 : memref<4x128xi32, #tpu.memory_space<vmem>>)
      %dma_wait3A_237 = arith.constant 0 : i32
      %dma_wait3A_238 = arith.constant 0 : i32
      %dma_wait3A_239 = arith.constant 0 : i32
      %dma_wait3A_240 = tpu.memref_slice %arg4[%add3A, %dma_wait3A_237, %dma_wait3A_238, %dma_wait3A_239] : memref<32x20x4x128xi32, #tpu.memory_space<hbm>> -> memref<1x1x4x128xi32, #tpu.memory_space<hbm>>
      %dma_wait3A_241 = tpu.memref_squeeze %dma_wait3A_240 : memref<1x1x4x128xi32, #tpu.memory_space<hbm>> -> memref<4x128xi32, #tpu.memory_space<hbm>>
      %dma_wait3A_242 = arith.constant 0 : i32
      %dma_wait3A_243 = arith.constant 0 : i32
      %dma_wait3A_244 = tpu.memref_slice %arg4[%add3A, %dma_wait3A_237, %dma_wait3A_242, %dma_wait3A_243] : memref<32x20x4x128xi32, #tpu.memory_space<hbm>> -> memref<1x1x4x128xi32, #tpu.memory_space<hbm>>
      %dma_wait3A_245 = tpu.memref_squeeze %dma_wait3A_244 : memref<1x1x4x128xi32, #tpu.memory_space<hbm>> -> memref<4x128xi32, #tpu.memory_space<hbm>>
      tpu.wait_dma2 semaphore(%arg21 : memref<!tpu.dma_semaphore, #tpu.memory_space<semaphore_mem>>) src(%dma_wait3A_245 : memref<4x128xi32, #tpu.memory_space<hbm>>) dst(%arg10 : memref<4x128xi32, #tpu.memory_space<vmem>>)
      %gt3A_246 = arith.constant 0 : i32
      %gt3A_247 = arith.cmpi sgt, %add3A_227, %gt3A_246 : i32
      %convert_element_type3A_248 = arith.extui %gt3A_247 : i1 to i32
      %cond3A_249 = arith.constant 0 : i32
      %cond3A_250 = arith.cmpi ne, %convert_element_type3A_248, %cond3A_249 : i32
      scf.if %cond3A_250 {
        %dma_wait3A_636 = arith.constant 0 : i32
        %dma_wait3A_637 = arith.constant 0 : i32
        %dma_wait3A_638 = tpu.memref_slice %arg8[%dma_wait3A_636, %dma_wait3A_637] : memref<4x128xi32, #tpu.memory_space<vmem>> -> memref<1x128xi32, #tpu.memory_space<vmem>>
        %dma_wait3A_639 = tpu.memref_squeeze %dma_wait3A_638 : memref<1x128xi32, #tpu.memory_space<vmem>> -> memref<128xi32, #tpu.memory_space<vmem>>
        %dma_wait3A_640 = arith.constant 0 : i32
        %dma_wait3A_641 = arith.constant 0 : i32
        %dma_wait3A_642 = tpu.memref_slice %arg17[%dma_wait3A_640, %dma_wait3A_641] : memref<10112x128xf32, #tpu.memory_space<vmem_shared>> -> memref<10112x128xf32, #tpu.memory_space<vmem_shared>>
        tpu.wait_indirect_dma semaphore(%arg24 : memref<!tpu.dma_semaphore, #tpu.memory_space<semaphore_mem>>) src(%arg15 : memref<128x128xf32, #tpu.memory_space<vmem>>) dst(%dma_wait3A_642 : memref<10112x128xf32, #tpu.memory_space<vmem_shared>>)
      } else {
      }
      %dma_start3A_251 = arith.constant 0 : i32
      %dma_start3A_252 = arith.constant 0 : i32
      %dma_start3A_253 = tpu.memref_slice %arg9[%dma_start3A_251, %dma_start3A_252] : memref<4x128xi32, #tpu.memory_space<vmem>> -> memref<1x128xi32, #tpu.memory_space<vmem>>
      %dma_start3A_254 = tpu.memref_squeeze %dma_start3A_253 : memref<1x128xi32, #tpu.memory_space<vmem>> -> memref<128xi32, #tpu.memory_space<vmem>>
      %dma_start3A_255 = arith.constant 0 : i32
      %dma_start3A_256 = arith.constant 0 : i32
      %dma_start3A_257 = tpu.memref_slice %arg2[%dma_start3A_255, %dma_start3A_256] : memref<10112x128xf32, #tpu.memory_space<hbm>> -> memref<10112x128xf32, #tpu.memory_space<hbm>>
      tpu.enqueue_indirect_dma source(%dma_start3A_257 : memref<10112x128xf32, #tpu.memory_space<hbm>>) target(%arg15 : memref<128x128xf32, #tpu.memory_space<vmem>>) offsets(%dma_start3A_254 : memref<128xi32, #tpu.memory_space<vmem>>) semaphore(%arg18 : memref<!tpu.dma_semaphore, #tpu.memory_space<semaphore_mem>>)
      %gt3A_258 = arith.constant 0 : i32
      %gt3A_259 = arith.cmpi sgt, %add3A_227, %gt3A_258 : i32
      %convert_element_type3A_260 = arith.extui %gt3A_259 : i1 to i32
      %cond3A_261 = arith.constant 0 : i32
      %cond3A_262 = arith.cmpi ne, %convert_element_type3A_260, %cond3A_261 : i32
      scf.if %cond3A_262 {
        %dma_wait3A_636 = arith.constant 0 : i32
        %dma_wait3A_637 = arith.constant 0 : i32
        %dma_wait3A_638 = tpu.memref_slice %arg8[%dma_wait3A_636, %dma_wait3A_637] : memref<4x128xi32, #tpu.memory_space<vmem>> -> memref<1x128xi32, #tpu.memory_space<vmem>>
        %dma_wait3A_639 = tpu.memref_squeeze %dma_wait3A_638 : memref<1x128xi32, #tpu.memory_space<vmem>> -> memref<128xi32, #tpu.memory_space<vmem>>
        %dma_wait3A_640 = arith.constant 0 : i32
        %dma_wait3A_641 = arith.constant 0 : i32
        %dma_wait3A_642 = tpu.memref_slice %arg17[%dma_wait3A_640, %dma_wait3A_641] : memref<10112x128xf32, #tpu.memory_space<vmem_shared>> -> memref<10112x128xf32, #tpu.memory_space<vmem_shared>>
        tpu.wait_indirect_dma semaphore(%arg25 : memref<!tpu.dma_semaphore, #tpu.memory_space<semaphore_mem>>) src(%arg16 : memref<128x128xf32, #tpu.memory_space<vmem>>) dst(%dma_wait3A_642 : memref<10112x128xf32, #tpu.memory_space<vmem_shared>>)
      } else {
      }
      %dma_start3A_263 = arith.constant 1 : i32
      %dma_start3A_264 = arith.constant 0 : i32
      %dma_start3A_265 = tpu.memref_slice %arg9[%dma_start3A_263, %dma_start3A_264] : memref<4x128xi32, #tpu.memory_space<vmem>> -> memref<1x128xi32, #tpu.memory_space<vmem>>
      %dma_start3A_266 = tpu.memref_squeeze %dma_start3A_265 : memref<1x128xi32, #tpu.memory_space<vmem>> -> memref<128xi32, #tpu.memory_space<vmem>>
      %dma_start3A_267 = arith.constant 0 : i32
      %dma_start3A_268 = arith.constant 0 : i32
      %dma_start3A_269 = tpu.memref_slice %arg2[%dma_start3A_267, %dma_start3A_268] : memref<10112x128xf32, #tpu.memory_space<hbm>> -> memref<10112x128xf32, #tpu.memory_space<hbm>>
      tpu.enqueue_indirect_dma source(%dma_start3A_269 : memref<10112x128xf32, #tpu.memory_space<hbm>>) target(%arg16 : memref<128x128xf32, #tpu.memory_space<vmem>>) offsets(%dma_start3A_266 : memref<128xi32, #tpu.memory_space<vmem>>) semaphore(%arg19 : memref<!tpu.dma_semaphore, #tpu.memory_space<semaphore_mem>>)
      %dma_wait3A_270 = arith.constant 0 : i32
      %dma_wait3A_271 = arith.constant 0 : i32
      %dma_wait3A_272 = tpu.memref_slice %arg9[%dma_wait3A_270, %dma_wait3A_271] : memref<4x128xi32, #tpu.memory_space<vmem>> -> memref<1x128xi32, #tpu.memory_space<vmem>>
      %dma_wait3A_273 = tpu.memref_squeeze %dma_wait3A_272 : memref<1x128xi32, #tpu.memory_space<vmem>> -> memref<128xi32, #tpu.memory_space<vmem>>
      %dma_wait3A_274 = arith.constant 0 : i32
      %dma_wait3A_275 = arith.constant 0 : i32
      %dma_wait3A_276 = tpu.memref_slice %arg2[%dma_wait3A_274, %dma_wait3A_275] : memref<10112x128xf32, #tpu.memory_space<hbm>> -> memref<10112x128xf32, #tpu.memory_space<hbm>>
      tpu.wait_indirect_dma semaphore(%arg18 : memref<!tpu.dma_semaphore, #tpu.memory_space<semaphore_mem>>) src(%dma_wait3A_276 : memref<10112x128xf32, #tpu.memory_space<hbm>>) dst(%arg15 : memref<128x128xf32, #tpu.memory_space<vmem>>)
      %dma_start3A_277 = arith.constant 0 : i32
      %dma_start3A_278 = arith.constant 0 : i32
      %dma_start3A_279 = tpu.memref_slice %arg10[%dma_start3A_277, %dma_start3A_278] : memref<4x128xi32, #tpu.memory_space<vmem>> -> memref<1x128xi32, #tpu.memory_space<vmem>>
      %dma_start3A_280 = tpu.memref_squeeze %dma_start3A_279 : memref<1x128xi32, #tpu.memory_space<vmem>> -> memref<128xi32, #tpu.memory_space<vmem>>
      %dma_start3A_281 = arith.constant 0 : i32
      %dma_start3A_282 = arith.constant 0 : i32
      %dma_start3A_283 = tpu.memref_slice %arg17[%dma_start3A_281, %dma_start3A_282] : memref<10112x128xf32, #tpu.memory_space<vmem_shared>> -> memref<10112x128xf32, #tpu.memory_space<vmem_shared>>
      tpu.enqueue_indirect_dma source(%arg15 : memref<128x128xf32, #tpu.memory_space<vmem>>) target(%dma_start3A_283 : memref<10112x128xf32, #tpu.memory_space<vmem_shared>>) offsets(%dma_start3A_280 : memref<128xi32, #tpu.memory_space<vmem>>) semaphore(%arg24 : memref<!tpu.dma_semaphore, #tpu.memory_space<semaphore_mem>>) {add = true}
      %dma_wait3A_284 = arith.constant 0 : i32
      %dma_wait3A_285 = arith.constant 0 : i32
      %dma_wait3A_286 = tpu.memref_slice %arg8[%dma_wait3A_284, %dma_wait3A_285] : memref<4x128xi32, #tpu.memory_space<vmem>> -> memref<1x128xi32, #tpu.memory_space<vmem>>
      %dma_wait3A_287 = tpu.memref_squeeze %dma_wait3A_286 : memref<1x128xi32, #tpu.memory_space<vmem>> -> memref<128xi32, #tpu.memory_space<vmem>>
      %dma_wait3A_288 = arith.constant 0 : i32
      %dma_wait3A_289 = arith.constant 0 : i32
      %dma_wait3A_290 = tpu.memref_slice %arg17[%dma_wait3A_288, %dma_wait3A_289] : memref<10112x128xf32, #tpu.memory_space<vmem_shared>> -> memref<10112x128xf32, #tpu.memory_space<vmem_shared>>
      tpu.wait_indirect_dma semaphore(%arg24 : memref<!tpu.dma_semaphore, #tpu.memory_space<semaphore_mem>>) src(%arg15 : memref<128x128xf32, #tpu.memory_space<vmem>>) dst(%dma_wait3A_290 : memref<10112x128xf32, #tpu.memory_space<vmem_shared>>)
      %dma_start3A_291 = arith.constant 2 : i32
      %dma_start3A_292 = arith.constant 0 : i32
      %dma_start3A_293 = tpu.memref_slice %arg9[%dma_start3A_291, %dma_start3A_292] : memref<4x128xi32, #tpu.memory_space<vmem>> -> memref<1x128xi32, #tpu.memory_space<vmem>>
      %dma_start3A_294 = tpu.memref_squeeze %dma_start3A_293 : memref<1x128xi32, #tpu.memory_space<vmem>> -> memref<128xi32, #tpu.memory_space<vmem>>
      %dma_start3A_295 = arith.constant 0 : i32
      %dma_start3A_296 = arith.constant 0 : i32
      %dma_start3A_297 = tpu.memref_slice %arg2[%dma_start3A_295, %dma_start3A_296] : memref<10112x128xf32, #tpu.memory_space<hbm>> -> memref<10112x128xf32, #tpu.memory_space<hbm>>
      tpu.enqueue_indirect_dma source(%dma_start3A_297 : memref<10112x128xf32, #tpu.memory_space<hbm>>) target(%arg15 : memref<128x128xf32, #tpu.memory_space<vmem>>) offsets(%dma_start3A_294 : memref<128xi32, #tpu.memory_space<vmem>>) semaphore(%arg18 : memref<!tpu.dma_semaphore, #tpu.memory_space<semaphore_mem>>)
      %dma_wait3A_298 = arith.constant 1 : i32
      %dma_wait3A_299 = arith.constant 0 : i32
      %dma_wait3A_300 = tpu.memref_slice %arg9[%dma_wait3A_298, %dma_wait3A_299] : memref<4x128xi32, #tpu.memory_space<vmem>> -> memref<1x128xi32, #tpu.memory_space<vmem>>
      %dma_wait3A_301 = tpu.memref_squeeze %dma_wait3A_300 : memref<1x128xi32, #tpu.memory_space<vmem>> -> memref<128xi32, #tpu.memory_space<vmem>>
      %dma_wait3A_302 = arith.constant 0 : i32
      %dma_wait3A_303 = arith.constant 0 : i32
      %dma_wait3A_304 = tpu.memref_slice %arg2[%dma_wait3A_302, %dma_wait3A_303] : memref<10112x128xf32, #tpu.memory_space<hbm>> -> memref<10112x128xf32, #tpu.memory_space<hbm>>
      tpu.wait_indirect_dma semaphore(%arg19 : memref<!tpu.dma_semaphore, #tpu.memory_space<semaphore_mem>>) src(%dma_wait3A_304 : memref<10112x128xf32, #tpu.memory_space<hbm>>) dst(%arg16 : memref<128x128xf32, #tpu.memory_space<vmem>>)
      %dma_start3A_305 = arith.constant 1 : i32
      %dma_start3A_306 = arith.constant 0 : i32
      %dma_start3A_307 = tpu.memref_slice %arg10[%dma_start3A_305, %dma_start3A_306] : memref<4x128xi32, #tpu.memory_space<vmem>> -> memref<1x128xi32, #tpu.memory_space<vmem>>
      %dma_start3A_308 = tpu.memref_squeeze %dma_start3A_307 : memref<1x128xi32, #tpu.memory_space<vmem>> -> memref<128xi32, #tpu.memory_space<vmem>>
      %dma_start3A_309 = arith.constant 0 : i32
      %dma_start3A_310 = arith.constant 0 : i32
      %dma_start3A_311 = tpu.memref_slice %arg17[%dma_start3A_309, %dma_start3A_310] : memref<10112x128xf32, #tpu.memory_space<vmem_shared>> -> memref<10112x128xf32, #tpu.memory_space<vmem_shared>>
      tpu.enqueue_indirect_dma source(%arg16 : memref<128x128xf32, #tpu.memory_space<vmem>>) target(%dma_start3A_311 : memref<10112x128xf32, #tpu.memory_space<vmem_shared>>) offsets(%dma_start3A_308 : memref<128xi32, #tpu.memory_space<vmem>>) semaphore(%arg25 : memref<!tpu.dma_semaphore, #tpu.memory_space<semaphore_mem>>) {add = true}
      %dma_wait3A_312 = arith.constant 0 : i32
      %dma_wait3A_313 = arith.constant 0 : i32
      %dma_wait3A_314 = tpu.memref_slice %arg8[%dma_wait3A_312, %dma_wait3A_313] : memref<4x128xi32, #tpu.memory_space<vmem>> -> memref<1x128xi32, #tpu.memory_space<vmem>>
      %dma_wait3A_315 = tpu.memref_squeeze %dma_wait3A_314 : memref<1x128xi32, #tpu.memory_space<vmem>> -> memref<128xi32, #tpu.memory_space<vmem>>
      %dma_wait3A_316 = arith.constant 0 : i32
      %dma_wait3A_317 = arith.constant 0 : i32
      %dma_wait3A_318 = tpu.memref_slice %arg17[%dma_wait3A_316, %dma_wait3A_317] : memref<10112x128xf32, #tpu.memory_space<vmem_shared>> -> memref<10112x128xf32, #tpu.memory_space<vmem_shared>>
      tpu.wait_indirect_dma semaphore(%arg25 : memref<!tpu.dma_semaphore, #tpu.memory_space<semaphore_mem>>) src(%arg16 : memref<128x128xf32, #tpu.memory_space<vmem>>) dst(%dma_wait3A_318 : memref<10112x128xf32, #tpu.memory_space<vmem_shared>>)
      %dma_start3A_319 = arith.constant 3 : i32
      %dma_start3A_320 = arith.constant 0 : i32
      %dma_start3A_321 = tpu.memref_slice %arg9[%dma_start3A_319, %dma_start3A_320] : memref<4x128xi32, #tpu.memory_space<vmem>> -> memref<1x128xi32, #tpu.memory_space<vmem>>
      %dma_start3A_322 = tpu.memref_squeeze %dma_start3A_321 : memref<1x128xi32, #tpu.memory_space<vmem>> -> memref<128xi32, #tpu.memory_space<vmem>>
      %dma_start3A_323 = arith.constant 0 : i32
      %dma_start3A_324 = arith.constant 0 : i32
      %dma_start3A_325 = tpu.memref_slice %arg2[%dma_start3A_323, %dma_start3A_324] : memref<10112x128xf32, #tpu.memory_space<hbm>> -> memref<10112x128xf32, #tpu.memory_space<hbm>>
      tpu.enqueue_indirect_dma source(%dma_start3A_325 : memref<10112x128xf32, #tpu.memory_space<hbm>>) target(%arg16 : memref<128x128xf32, #tpu.memory_space<vmem>>) offsets(%dma_start3A_322 : memref<128xi32, #tpu.memory_space<vmem>>) semaphore(%arg19 : memref<!tpu.dma_semaphore, #tpu.memory_space<semaphore_mem>>)
      %dma_wait3A_326 = arith.constant 2 : i32
      %dma_wait3A_327 = arith.constant 0 : i32
      %dma_wait3A_328 = tpu.memref_slice %arg9[%dma_wait3A_326, %dma_wait3A_327] : memref<4x128xi32, #tpu.memory_space<vmem>> -> memref<1x128xi32, #tpu.memory_space<vmem>>
      %dma_wait3A_329 = tpu.memref_squeeze %dma_wait3A_328 : memref<1x128xi32, #tpu.memory_space<vmem>> -> memref<128xi32, #tpu.memory_space<vmem>>
      %dma_wait3A_330 = arith.constant 0 : i32
      %dma_wait3A_331 = arith.constant 0 : i32
      %dma_wait3A_332 = tpu.memref_slice %arg2[%dma_wait3A_330, %dma_wait3A_331] : memref<10112x128xf32, #tpu.memory_space<hbm>> -> memref<10112x128xf32, #tpu.memory_space<hbm>>
      tpu.wait_indirect_dma semaphore(%arg18 : memref<!tpu.dma_semaphore, #tpu.memory_space<semaphore_mem>>) src(%dma_wait3A_332 : memref<10112x128xf32, #tpu.memory_space<hbm>>) dst(%arg15 : memref<128x128xf32, #tpu.memory_space<vmem>>)
      %dma_start3A_333 = arith.constant 2 : i32
      %dma_start3A_334 = arith.constant 0 : i32
      %dma_start3A_335 = tpu.memref_slice %arg10[%dma_start3A_333, %dma_start3A_334] : memref<4x128xi32, #tpu.memory_space<vmem>> -> memref<1x128xi32, #tpu.memory_space<vmem>>
      %dma_start3A_336 = tpu.memref_squeeze %dma_start3A_335 : memref<1x128xi32, #tpu.memory_space<vmem>> -> memref<128xi32, #tpu.memory_space<vmem>>
      %dma_start3A_337 = arith.constant 0 : i32
      %dma_start3A_338 = arith.constant 0 : i32
      %dma_start3A_339 = tpu.memref_slice %arg17[%dma_start3A_337, %dma_start3A_338] : memref<10112x128xf32, #tpu.memory_space<vmem_shared>> -> memref<10112x128xf32, #tpu.memory_space<vmem_shared>>
      tpu.enqueue_indirect_dma source(%arg15 : memref<128x128xf32, #tpu.memory_space<vmem>>) target(%dma_start3A_339 : memref<10112x128xf32, #tpu.memory_space<vmem_shared>>) offsets(%dma_start3A_336 : memref<128xi32, #tpu.memory_space<vmem>>) semaphore(%arg24 : memref<!tpu.dma_semaphore, #tpu.memory_space<semaphore_mem>>) {add = true}
      %dma_wait3A_340 = arith.constant 3 : i32
      %dma_wait3A_341 = arith.constant 0 : i32
      %dma_wait3A_342 = tpu.memref_slice %arg9[%dma_wait3A_340, %dma_wait3A_341] : memref<4x128xi32, #tpu.memory_space<vmem>> -> memref<1x128xi32, #tpu.memory_space<vmem>>
      %dma_wait3A_343 = tpu.memref_squeeze %dma_wait3A_342 : memref<1x128xi32, #tpu.memory_space<vmem>> -> memref<128xi32, #tpu.memory_space<vmem>>
      %dma_wait3A_344 = arith.constant 0 : i32
      %dma_wait3A_345 = arith.constant 0 : i32
      %dma_wait3A_346 = tpu.memref_slice %arg2[%dma_wait3A_344, %dma_wait3A_345] : memref<10112x128xf32, #tpu.memory_space<hbm>> -> memref<10112x128xf32, #tpu.memory_space<hbm>>
      tpu.wait_indirect_dma semaphore(%arg19 : memref<!tpu.dma_semaphore, #tpu.memory_space<semaphore_mem>>) src(%dma_wait3A_346 : memref<10112x128xf32, #tpu.memory_space<hbm>>) dst(%arg16 : memref<128x128xf32, #tpu.memory_space<vmem>>)
      %dma_start3A_347 = arith.constant 3 : i32
      %dma_start3A_348 = arith.constant 0 : i32
      %dma_start3A_349 = tpu.memref_slice %arg10[%dma_start3A_347, %dma_start3A_348] : memref<4x128xi32, #tpu.memory_space<vmem>> -> memref<1x128xi32, #tpu.memory_space<vmem>>
      %dma_start3A_350 = tpu.memref_squeeze %dma_start3A_349 : memref<1x128xi32, #tpu.memory_space<vmem>> -> memref<128xi32, #tpu.memory_space<vmem>>
      %dma_start3A_351 = arith.constant 0 : i32
      %dma_start3A_352 = arith.constant 0 : i32
      %dma_start3A_353 = tpu.memref_slice %arg17[%dma_start3A_351, %dma_start3A_352] : memref<10112x128xf32, #tpu.memory_space<vmem_shared>> -> memref<10112x128xf32, #tpu.memory_space<vmem_shared>>
      tpu.enqueue_indirect_dma source(%arg16 : memref<128x128xf32, #tpu.memory_space<vmem>>) target(%dma_start3A_353 : memref<10112x128xf32, #tpu.memory_space<vmem_shared>>) offsets(%dma_start3A_350 : memref<128xi32, #tpu.memory_space<vmem>>) semaphore(%arg25 : memref<!tpu.dma_semaphore, #tpu.memory_space<semaphore_mem>>) {add = true}
      %add3A_354 = arith.constant 3 : i32
      %add3A_355 = arith.addi %add3A_227, %add3A_354 : i32
      %lt3A_356 = arith.constant 20 : i32
      %lt3A_357 = arith.cmpi slt, %add3A_355, %lt3A_356 : i32
      %convert_element_type3A_358 = arith.extui %lt3A_357 : i1 to i32
      %cond3A_359 = arith.constant 0 : i32
      %cond3A_360 = arith.cmpi ne, %convert_element_type3A_358, %cond3A_359 : i32
      scf.if %cond3A_360 {
        %add3A_636 = arith.constant 3 : i32
        %add3A_637 = arith.addi %add3A_227, %add3A_636 : i32
        %dma_start3A_638 = arith.constant 0 : i32
        %dma_start3A_639 = arith.constant 0 : i32
        %dma_start3A_640 = tpu.memref_slice %arg3[%add3A, %add3A_637, %dma_start3A_638, %dma_start3A_639] : memref<32x20x4x128xi32, #tpu.memory_space<hbm>> -> memref<1x1x4x128xi32, #tpu.memory_space<hbm>>
        %dma_start3A_641 = tpu.memref_squeeze %dma_start3A_640 : memref<1x1x4x128xi32, #tpu.memory_space<hbm>> -> memref<4x128xi32, #tpu.memory_space<hbm>>
        %dma_start3A_642 = arith.constant 0 : i32
        %dma_start3A_643 = arith.constant 0 : i32
        %dma_start3A_644 = tpu.memref_slice %arg3[%add3A, %add3A_637, %dma_start3A_642, %dma_start3A_643] : memref<32x20x4x128xi32, #tpu.memory_space<hbm>> -> memref<1x1x4x128xi32, #tpu.memory_space<hbm>>
        %dma_start3A_645 = tpu.memref_squeeze %dma_start3A_644 : memref<1x1x4x128xi32, #tpu.memory_space<hbm>> -> memref<4x128xi32, #tpu.memory_space<hbm>>
        tpu.enqueue_dma source(%dma_start3A_645 : memref<4x128xi32, #tpu.memory_space<hbm>>) target(%arg7 : memref<4x128xi32, #tpu.memory_space<vmem>>) target_semaphore(%arg20 : memref<!tpu.dma_semaphore, #tpu.memory_space<semaphore_mem>>)
        %add3A_646 = arith.constant 3 : i32
        %add3A_647 = arith.addi %add3A_227, %add3A_646 : i32
        %dma_start3A_648 = arith.constant 0 : i32
        %dma_start3A_649 = arith.constant 0 : i32
        %dma_start3A_650 = tpu.memref_slice %arg4[%add3A, %add3A_647, %dma_start3A_648, %dma_start3A_649] : memref<32x20x4x128xi32, #tpu.memory_space<hbm>> -> memref<1x1x4x128xi32, #tpu.memory_space<hbm>>
        %dma_start3A_651 = tpu.memref_squeeze %dma_start3A_650 : memref<1x1x4x128xi32, #tpu.memory_space<hbm>> -> memref<4x128xi32, #tpu.memory_space<hbm>>
        %dma_start3A_652 = arith.constant 0 : i32
        %dma_start3A_653 = arith.constant 0 : i32
        %dma_start3A_654 = tpu.memref_slice %arg4[%add3A, %add3A_647, %dma_start3A_652, %dma_start3A_653] : memref<32x20x4x128xi32, #tpu.memory_space<hbm>> -> memref<1x1x4x128xi32, #tpu.memory_space<hbm>>
        %dma_start3A_655 = tpu.memref_squeeze %dma_start3A_654 : memref<1x1x4x128xi32, #tpu.memory_space<hbm>> -> memref<4x128xi32, #tpu.memory_space<hbm>>
        tpu.enqueue_dma source(%dma_start3A_655 : memref<4x128xi32, #tpu.memory_space<hbm>>) target(%arg8 : memref<4x128xi32, #tpu.memory_space<vmem>>) target_semaphore(%arg20 : memref<!tpu.dma_semaphore, #tpu.memory_space<semaphore_mem>>)
      } else {
      }
      %mul3A_361 = arith.constant 4 : i32
      %mul3A_362 = arith.muli %mul3A_361, %scan3A_89 : i32
      %add3A_363 = arith.constant 2 : i32
      %add3A_364 = arith.addi %mul3A_362, %add3A_363 : i32
      %dma_wait3A_365 = arith.constant 0 : i32
      %dma_wait3A_366 = arith.constant 0 : i32
      %dma_wait3A_367 = arith.constant 0 : i32
      %dma_wait3A_368 = tpu.memref_slice %arg3[%add3A, %dma_wait3A_365, %dma_wait3A_366, %dma_wait3A_367] : memref<32x20x4x128xi32, #tpu.memory_space<hbm>> -> memref<1x1x4x128xi32, #tpu.memory_space<hbm>>
      %dma_wait3A_369 = tpu.memref_squeeze %dma_wait3A_368 : memref<1x1x4x128xi32, #tpu.memory_space<hbm>> -> memref<4x128xi32, #tpu.memory_space<hbm>>
      %dma_wait3A_370 = arith.constant 0 : i32
      %dma_wait3A_371 = arith.constant 0 : i32
      %dma_wait3A_372 = tpu.memref_slice %arg3[%add3A, %dma_wait3A_365, %dma_wait3A_370, %dma_wait3A_371] : memref<32x20x4x128xi32, #tpu.memory_space<hbm>> -> memref<1x1x4x128xi32, #tpu.memory_space<hbm>>
      %dma_wait3A_373 = tpu.memref_squeeze %dma_wait3A_372 : memref<1x1x4x128xi32, #tpu.memory_space<hbm>> -> memref<4x128xi32, #tpu.memory_space<hbm>>
      tpu.wait_dma2 semaphore(%arg22 : memref<!tpu.dma_semaphore, #tpu.memory_space<semaphore_mem>>) src(%dma_wait3A_373 : memref<4x128xi32, #tpu.memory_space<hbm>>) dst(%arg11 : memref<4x128xi32, #tpu.memory_space<vmem>>)
      %dma_wait3A_374 = arith.constant 0 : i32
      %dma_wait3A_375 = arith.constant 0 : i32
      %dma_wait3A_376 = arith.constant 0 : i32
      %dma_wait3A_377 = tpu.memref_slice %arg4[%add3A, %dma_wait3A_374, %dma_wait3A_375, %dma_wait3A_376] : memref<32x20x4x128xi32, #tpu.memory_space<hbm>> -> memref<1x1x4x128xi32, #tpu.memory_space<hbm>>
      %dma_wait3A_378 = tpu.memref_squeeze %dma_wait3A_377 : memref<1x1x4x128xi32, #tpu.memory_space<hbm>> -> memref<4x128xi32, #tpu.memory_space<hbm>>
      %dma_wait3A_379 = arith.constant 0 : i32
      %dma_wait3A_380 = arith.constant 0 : i32
      %dma_wait3A_381 = tpu.memref_slice %arg4[%add3A, %dma_wait3A_374, %dma_wait3A_379, %dma_wait3A_380] : memref<32x20x4x128xi32, #tpu.memory_space<hbm>> -> memref<1x1x4x128xi32, #tpu.memory_space<hbm>>
      %dma_wait3A_382 = tpu.memref_squeeze %dma_wait3A_381 : memref<1x1x4x128xi32, #tpu.memory_space<hbm>> -> memref<4x128xi32, #tpu.memory_space<hbm>>
      tpu.wait_dma2 semaphore(%arg22 : memref<!tpu.dma_semaphore, #tpu.memory_space<semaphore_mem>>) src(%dma_wait3A_382 : memref<4x128xi32, #tpu.memory_space<hbm>>) dst(%arg12 : memref<4x128xi32, #tpu.memory_space<vmem>>)
      %gt3A_383 = arith.constant 0 : i32
      %gt3A_384 = arith.cmpi sgt, %add3A_364, %gt3A_383 : i32
      %convert_element_type3A_385 = arith.extui %gt3A_384 : i1 to i32
      %cond3A_386 = arith.constant 0 : i32
      %cond3A_387 = arith.cmpi ne, %convert_element_type3A_385, %cond3A_386 : i32
      scf.if %cond3A_387 {
        %dma_wait3A_636 = arith.constant 0 : i32
        %dma_wait3A_637 = arith.constant 0 : i32
        %dma_wait3A_638 = tpu.memref_slice %arg8[%dma_wait3A_636, %dma_wait3A_637] : memref<4x128xi32, #tpu.memory_space<vmem>> -> memref<1x128xi32, #tpu.memory_space<vmem>>
        %dma_wait3A_639 = tpu.memref_squeeze %dma_wait3A_638 : memref<1x128xi32, #tpu.memory_space<vmem>> -> memref<128xi32, #tpu.memory_space<vmem>>
        %dma_wait3A_640 = arith.constant 0 : i32
        %dma_wait3A_641 = arith.constant 0 : i32
        %dma_wait3A_642 = tpu.memref_slice %arg17[%dma_wait3A_640, %dma_wait3A_641] : memref<10112x128xf32, #tpu.memory_space<vmem_shared>> -> memref<10112x128xf32, #tpu.memory_space<vmem_shared>>
        tpu.wait_indirect_dma semaphore(%arg24 : memref<!tpu.dma_semaphore, #tpu.memory_space<semaphore_mem>>) src(%arg15 : memref<128x128xf32, #tpu.memory_space<vmem>>) dst(%dma_wait3A_642 : memref<10112x128xf32, #tpu.memory_space<vmem_shared>>)
      } else {
      }
      %dma_start3A_388 = arith.constant 0 : i32
      %dma_start3A_389 = arith.constant 0 : i32
      %dma_start3A_390 = tpu.memref_slice %arg11[%dma_start3A_388, %dma_start3A_389] : memref<4x128xi32, #tpu.memory_space<vmem>> -> memref<1x128xi32, #tpu.memory_space<vmem>>
      %dma_start3A_391 = tpu.memref_squeeze %dma_start3A_390 : memref<1x128xi32, #tpu.memory_space<vmem>> -> memref<128xi32, #tpu.memory_space<vmem>>
      %dma_start3A_392 = arith.constant 0 : i32
      %dma_start3A_393 = arith.constant 0 : i32
      %dma_start3A_394 = tpu.memref_slice %arg2[%dma_start3A_392, %dma_start3A_393] : memref<10112x128xf32, #tpu.memory_space<hbm>> -> memref<10112x128xf32, #tpu.memory_space<hbm>>
      tpu.enqueue_indirect_dma source(%dma_start3A_394 : memref<10112x128xf32, #tpu.memory_space<hbm>>) target(%arg15 : memref<128x128xf32, #tpu.memory_space<vmem>>) offsets(%dma_start3A_391 : memref<128xi32, #tpu.memory_space<vmem>>) semaphore(%arg18 : memref<!tpu.dma_semaphore, #tpu.memory_space<semaphore_mem>>)
      %gt3A_395 = arith.constant 0 : i32
      %gt3A_396 = arith.cmpi sgt, %add3A_364, %gt3A_395 : i32
      %convert_element_type3A_397 = arith.extui %gt3A_396 : i1 to i32
      %cond3A_398 = arith.constant 0 : i32
      %cond3A_399 = arith.cmpi ne, %convert_element_type3A_397, %cond3A_398 : i32
      scf.if %cond3A_399 {
        %dma_wait3A_636 = arith.constant 0 : i32
        %dma_wait3A_637 = arith.constant 0 : i32
        %dma_wait3A_638 = tpu.memref_slice %arg8[%dma_wait3A_636, %dma_wait3A_637] : memref<4x128xi32, #tpu.memory_space<vmem>> -> memref<1x128xi32, #tpu.memory_space<vmem>>
        %dma_wait3A_639 = tpu.memref_squeeze %dma_wait3A_638 : memref<1x128xi32, #tpu.memory_space<vmem>> -> memref<128xi32, #tpu.memory_space<vmem>>
        %dma_wait3A_640 = arith.constant 0 : i32
        %dma_wait3A_641 = arith.constant 0 : i32
        %dma_wait3A_642 = tpu.memref_slice %arg17[%dma_wait3A_640, %dma_wait3A_641] : memref<10112x128xf32, #tpu.memory_space<vmem_shared>> -> memref<10112x128xf32, #tpu.memory_space<vmem_shared>>
        tpu.wait_indirect_dma semaphore(%arg25 : memref<!tpu.dma_semaphore, #tpu.memory_space<semaphore_mem>>) src(%arg16 : memref<128x128xf32, #tpu.memory_space<vmem>>) dst(%dma_wait3A_642 : memref<10112x128xf32, #tpu.memory_space<vmem_shared>>)
      } else {
      }
      %dma_start3A_400 = arith.constant 1 : i32
      %dma_start3A_401 = arith.constant 0 : i32
      %dma_start3A_402 = tpu.memref_slice %arg11[%dma_start3A_400, %dma_start3A_401] : memref<4x128xi32, #tpu.memory_space<vmem>> -> memref<1x128xi32, #tpu.memory_space<vmem>>
      %dma_start3A_403 = tpu.memref_squeeze %dma_start3A_402 : memref<1x128xi32, #tpu.memory_space<vmem>> -> memref<128xi32, #tpu.memory_space<vmem>>
      %dma_start3A_404 = arith.constant 0 : i32
      %dma_start3A_405 = arith.constant 0 : i32
      %dma_start3A_406 = tpu.memref_slice %arg2[%dma_start3A_404, %dma_start3A_405] : memref<10112x128xf32, #tpu.memory_space<hbm>> -> memref<10112x128xf32, #tpu.memory_space<hbm>>
      tpu.enqueue_indirect_dma source(%dma_start3A_406 : memref<10112x128xf32, #tpu.memory_space<hbm>>) target(%arg16 : memref<128x128xf32, #tpu.memory_space<vmem>>) offsets(%dma_start3A_403 : memref<128xi32, #tpu.memory_space<vmem>>) semaphore(%arg19 : memref<!tpu.dma_semaphore, #tpu.memory_space<semaphore_mem>>)
      %dma_wait3A_407 = arith.constant 0 : i32
      %dma_wait3A_408 = arith.constant 0 : i32
      %dma_wait3A_409 = tpu.memref_slice %arg11[%dma_wait3A_407, %dma_wait3A_408] : memref<4x128xi32, #tpu.memory_space<vmem>> -> memref<1x128xi32, #tpu.memory_space<vmem>>
      %dma_wait3A_410 = tpu.memref_squeeze %dma_wait3A_409 : memref<1x128xi32, #tpu.memory_space<vmem>> -> memref<128xi32, #tpu.memory_space<vmem>>
      %dma_wait3A_411 = arith.constant 0 : i32
      %dma_wait3A_412 = arith.constant 0 : i32
      %dma_wait3A_413 = tpu.memref_slice %arg2[%dma_wait3A_411, %dma_wait3A_412] : memref<10112x128xf32, #tpu.memory_space<hbm>> -> memref<10112x128xf32, #tpu.memory_space<hbm>>
      tpu.wait_indirect_dma semaphore(%arg18 : memref<!tpu.dma_semaphore, #tpu.memory_space<semaphore_mem>>) src(%dma_wait3A_413 : memref<10112x128xf32, #tpu.memory_space<hbm>>) dst(%arg15 : memref<128x128xf32, #tpu.memory_space<vmem>>)
      %dma_start3A_414 = arith.constant 0 : i32
      %dma_start3A_415 = arith.constant 0 : i32
      %dma_start3A_416 = tpu.memref_slice %arg12[%dma_start3A_414, %dma_start3A_415] : memref<4x128xi32, #tpu.memory_space<vmem>> -> memref<1x128xi32, #tpu.memory_space<vmem>>
      %dma_start3A_417 = tpu.memref_squeeze %dma_start3A_416 : memref<1x128xi32, #tpu.memory_space<vmem>> -> memref<128xi32, #tpu.memory_space<vmem>>
      %dma_start3A_418 = arith.constant 0 : i32
      %dma_start3A_419 = arith.constant 0 : i32
      %dma_start3A_420 = tpu.memref_slice %arg17[%dma_start3A_418, %dma_start3A_419] : memref<10112x128xf32, #tpu.memory_space<vmem_shared>> -> memref<10112x128xf32, #tpu.memory_space<vmem_shared>>
      tpu.enqueue_indirect_dma source(%arg15 : memref<128x128xf32, #tpu.memory_space<vmem>>) target(%dma_start3A_420 : memref<10112x128xf32, #tpu.memory_space<vmem_shared>>) offsets(%dma_start3A_417 : memref<128xi32, #tpu.memory_space<vmem>>) semaphore(%arg24 : memref<!tpu.dma_semaphore, #tpu.memory_space<semaphore_mem>>) {add = true}
      %dma_wait3A_421 = arith.constant 0 : i32
      %dma_wait3A_422 = arith.constant 0 : i32
      %dma_wait3A_423 = tpu.memref_slice %arg8[%dma_wait3A_421, %dma_wait3A_422] : memref<4x128xi32, #tpu.memory_space<vmem>> -> memref<1x128xi32, #tpu.memory_space<vmem>>
      %dma_wait3A_424 = tpu.memref_squeeze %dma_wait3A_423 : memref<1x128xi32, #tpu.memory_space<vmem>> -> memref<128xi32, #tpu.memory_space<vmem>>
      %dma_wait3A_425 = arith.constant 0 : i32
      %dma_wait3A_426 = arith.constant 0 : i32
      %dma_wait3A_427 = tpu.memref_slice %arg17[%dma_wait3A_425, %dma_wait3A_426] : memref<10112x128xf32, #tpu.memory_space<vmem_shared>> -> memref<10112x128xf32, #tpu.memory_space<vmem_shared>>
      tpu.wait_indirect_dma semaphore(%arg24 : memref<!tpu.dma_semaphore, #tpu.memory_space<semaphore_mem>>) src(%arg15 : memref<128x128xf32, #tpu.memory_space<vmem>>) dst(%dma_wait3A_427 : memref<10112x128xf32, #tpu.memory_space<vmem_shared>>)
      %dma_start3A_428 = arith.constant 2 : i32
      %dma_start3A_429 = arith.constant 0 : i32
      %dma_start3A_430 = tpu.memref_slice %arg11[%dma_start3A_428, %dma_start3A_429] : memref<4x128xi32, #tpu.memory_space<vmem>> -> memref<1x128xi32, #tpu.memory_space<vmem>>
      %dma_start3A_431 = tpu.memref_squeeze %dma_start3A_430 : memref<1x128xi32, #tpu.memory_space<vmem>> -> memref<128xi32, #tpu.memory_space<vmem>>
      %dma_start3A_432 = arith.constant 0 : i32
      %dma_start3A_433 = arith.constant 0 : i32
      %dma_start3A_434 = tpu.memref_slice %arg2[%dma_start3A_432, %dma_start3A_433] : memref<10112x128xf32, #tpu.memory_space<hbm>> -> memref<10112x128xf32, #tpu.memory_space<hbm>>
      tpu.enqueue_indirect_dma source(%dma_start3A_434 : memref<10112x128xf32, #tpu.memory_space<hbm>>) target(%arg15 : memref<128x128xf32, #tpu.memory_space<vmem>>) offsets(%dma_start3A_431 : memref<128xi32, #tpu.memory_space<vmem>>) semaphore(%arg18 : memref<!tpu.dma_semaphore, #tpu.memory_space<semaphore_mem>>)
      %dma_wait3A_435 = arith.constant 1 : i32
      %dma_wait3A_436 = arith.constant 0 : i32
      %dma_wait3A_437 = tpu.memref_slice %arg11[%dma_wait3A_435, %dma_wait3A_436] : memref<4x128xi32, #tpu.memory_space<vmem>> -> memref<1x128xi32, #tpu.memory_space<vmem>>
      %dma_wait3A_438 = tpu.memref_squeeze %dma_wait3A_437 : memref<1x128xi32, #tpu.memory_space<vmem>> -> memref<128xi32, #tpu.memory_space<vmem>>
      %dma_wait3A_439 = arith.constant 0 : i32
      %dma_wait3A_440 = arith.constant 0 : i32
      %dma_wait3A_441 = tpu.memref_slice %arg2[%dma_wait3A_439, %dma_wait3A_440] : memref<10112x128xf32, #tpu.memory_space<hbm>> -> memref<10112x128xf32, #tpu.memory_space<hbm>>
      tpu.wait_indirect_dma semaphore(%arg19 : memref<!tpu.dma_semaphore, #tpu.memory_space<semaphore_mem>>) src(%dma_wait3A_441 : memref<10112x128xf32, #tpu.memory_space<hbm>>) dst(%arg16 : memref<128x128xf32, #tpu.memory_space<vmem>>)
      %dma_start3A_442 = arith.constant 1 : i32
      %dma_start3A_443 = arith.constant 0 : i32
      %dma_start3A_444 = tpu.memref_slice %arg12[%dma_start3A_442, %dma_start3A_443] : memref<4x128xi32, #tpu.memory_space<vmem>> -> memref<1x128xi32, #tpu.memory_space<vmem>>
      %dma_start3A_445 = tpu.memref_squeeze %dma_start3A_444 : memref<1x128xi32, #tpu.memory_space<vmem>> -> memref<128xi32, #tpu.memory_space<vmem>>
      %dma_start3A_446 = arith.constant 0 : i32
      %dma_start3A_447 = arith.constant 0 : i32
      %dma_start3A_448 = tpu.memref_slice %arg17[%dma_start3A_446, %dma_start3A_447] : memref<10112x128xf32, #tpu.memory_space<vmem_shared>> -> memref<10112x128xf32, #tpu.memory_space<vmem_shared>>
      tpu.enqueue_indirect_dma source(%arg16 : memref<128x128xf32, #tpu.memory_space<vmem>>) target(%dma_start3A_448 : memref<10112x128xf32, #tpu.memory_space<vmem_shared>>) offsets(%dma_start3A_445 : memref<128xi32, #tpu.memory_space<vmem>>) semaphore(%arg25 : memref<!tpu.dma_semaphore, #tpu.memory_space<semaphore_mem>>) {add = true}
      %dma_wait3A_449 = arith.constant 0 : i32
      %dma_wait3A_450 = arith.constant 0 : i32
      %dma_wait3A_451 = tpu.memref_slice %arg8[%dma_wait3A_449, %dma_wait3A_450] : memref<4x128xi32, #tpu.memory_space<vmem>> -> memref<1x128xi32, #tpu.memory_space<vmem>>
      %dma_wait3A_452 = tpu.memref_squeeze %dma_wait3A_451 : memref<1x128xi32, #tpu.memory_space<vmem>> -> memref<128xi32, #tpu.memory_space<vmem>>
      %dma_wait3A_453 = arith.constant 0 : i32
      %dma_wait3A_454 = arith.constant 0 : i32
      %dma_wait3A_455 = tpu.memref_slice %arg17[%dma_wait3A_453, %dma_wait3A_454] : memref<10112x128xf32, #tpu.memory_space<vmem_shared>> -> memref<10112x128xf32, #tpu.memory_space<vmem_shared>>
      tpu.wait_indirect_dma semaphore(%arg25 : memref<!tpu.dma_semaphore, #tpu.memory_space<semaphore_mem>>) src(%arg16 : memref<128x128xf32, #tpu.memory_space<vmem>>) dst(%dma_wait3A_455 : memref<10112x128xf32, #tpu.memory_space<vmem_shared>>)
      %dma_start3A_456 = arith.constant 3 : i32
      %dma_start3A_457 = arith.constant 0 : i32
      %dma_start3A_458 = tpu.memref_slice %arg11[%dma_start3A_456, %dma_start3A_457] : memref<4x128xi32, #tpu.memory_space<vmem>> -> memref<1x128xi32, #tpu.memory_space<vmem>>
      %dma_start3A_459 = tpu.memref_squeeze %dma_start3A_458 : memref<1x128xi32, #tpu.memory_space<vmem>> -> memref<128xi32, #tpu.memory_space<vmem>>
      %dma_start3A_460 = arith.constant 0 : i32
      %dma_start3A_461 = arith.constant 0 : i32
      %dma_start3A_462 = tpu.memref_slice %arg2[%dma_start3A_460, %dma_start3A_461] : memref<10112x128xf32, #tpu.memory_space<hbm>> -> memref<10112x128xf32, #tpu.memory_space<hbm>>
      tpu.enqueue_indirect_dma source(%dma_start3A_462 : memref<10112x128xf32, #tpu.memory_space<hbm>>) target(%arg16 : memref<128x128xf32, #tpu.memory_space<vmem>>) offsets(%dma_start3A_459 : memref<128xi32, #tpu.memory_space<vmem>>) semaphore(%arg19 : memref<!tpu.dma_semaphore, #tpu.memory_space<semaphore_mem>>)
      %dma_wait3A_463 = arith.constant 2 : i32
      %dma_wait3A_464 = arith.constant 0 : i32
      %dma_wait3A_465 = tpu.memref_slice %arg11[%dma_wait3A_463, %dma_wait3A_464] : memref<4x128xi32, #tpu.memory_space<vmem>> -> memref<1x128xi32, #tpu.memory_space<vmem>>
      %dma_wait3A_466 = tpu.memref_squeeze %dma_wait3A_465 : memref<1x128xi32, #tpu.memory_space<vmem>> -> memref<128xi32, #tpu.memory_space<vmem>>
      %dma_wait3A_467 = arith.constant 0 : i32
      %dma_wait3A_468 = arith.constant 0 : i32
      %dma_wait3A_469 = tpu.memref_slice %arg2[%dma_wait3A_467, %dma_wait3A_468] : memref<10112x128xf32, #tpu.memory_space<hbm>> -> memref<10112x128xf32, #tpu.memory_space<hbm>>
      tpu.wait_indirect_dma semaphore(%arg18 : memref<!tpu.dma_semaphore, #tpu.memory_space<semaphore_mem>>) src(%dma_wait3A_469 : memref<10112x128xf32, #tpu.memory_space<hbm>>) dst(%arg15 : memref<128x128xf32, #tpu.memory_space<vmem>>)
      %dma_start3A_470 = arith.constant 2 : i32
      %dma_start3A_471 = arith.constant 0 : i32
      %dma_start3A_472 = tpu.memref_slice %arg12[%dma_start3A_470, %dma_start3A_471] : memref<4x128xi32, #tpu.memory_space<vmem>> -> memref<1x128xi32, #tpu.memory_space<vmem>>
      %dma_start3A_473 = tpu.memref_squeeze %dma_start3A_472 : memref<1x128xi32, #tpu.memory_space<vmem>> -> memref<128xi32, #tpu.memory_space<vmem>>
      %dma_start3A_474 = arith.constant 0 : i32
      %dma_start3A_475 = arith.constant 0 : i32
      %dma_start3A_476 = tpu.memref_slice %arg17[%dma_start3A_474, %dma_start3A_475] : memref<10112x128xf32, #tpu.memory_space<vmem_shared>> -> memref<10112x128xf32, #tpu.memory_space<vmem_shared>>
      tpu.enqueue_indirect_dma source(%arg15 : memref<128x128xf32, #tpu.memory_space<vmem>>) target(%dma_start3A_476 : memref<10112x128xf32, #tpu.memory_space<vmem_shared>>) offsets(%dma_start3A_473 : memref<128xi32, #tpu.memory_space<vmem>>) semaphore(%arg24 : memref<!tpu.dma_semaphore, #tpu.memory_space<semaphore_mem>>) {add = true}
      %dma_wait3A_477 = arith.constant 3 : i32
      %dma_wait3A_478 = arith.constant 0 : i32
      %dma_wait3A_479 = tpu.memref_slice %arg11[%dma_wait3A_477, %dma_wait3A_478] : memref<4x128xi32, #tpu.memory_space<vmem>> -> memref<1x128xi32, #tpu.memory_space<vmem>>
      %dma_wait3A_480 = tpu.memref_squeeze %dma_wait3A_479 : memref<1x128xi32, #tpu.memory_space<vmem>> -> memref<128xi32, #tpu.memory_space<vmem>>
      %dma_wait3A_481 = arith.constant 0 : i32
      %dma_wait3A_482 = arith.constant 0 : i32
      %dma_wait3A_483 = tpu.memref_slice %arg2[%dma_wait3A_481, %dma_wait3A_482] : memref<10112x128xf32, #tpu.memory_space<hbm>> -> memref<10112x128xf32, #tpu.memory_space<hbm>>
      tpu.wait_indirect_dma semaphore(%arg19 : memref<!tpu.dma_semaphore, #tpu.memory_space<semaphore_mem>>) src(%dma_wait3A_483 : memref<10112x128xf32, #tpu.memory_space<hbm>>) dst(%arg16 : memref<128x128xf32, #tpu.memory_space<vmem>>)
      %dma_start3A_484 = arith.constant 3 : i32
      %dma_start3A_485 = arith.constant 0 : i32
      %dma_start3A_486 = tpu.memref_slice %arg12[%dma_start3A_484, %dma_start3A_485] : memref<4x128xi32, #tpu.memory_space<vmem>> -> memref<1x128xi32, #tpu.memory_space<vmem>>
      %dma_start3A_487 = tpu.memref_squeeze %dma_start3A_486 : memref<1x128xi32, #tpu.memory_space<vmem>> -> memref<128xi32, #tpu.memory_space<vmem>>
      %dma_start3A_488 = arith.constant 0 : i32
      %dma_start3A_489 = arith.constant 0 : i32
      %dma_start3A_490 = tpu.memref_slice %arg17[%dma_start3A_488, %dma_start3A_489] : memref<10112x128xf32, #tpu.memory_space<vmem_shared>> -> memref<10112x128xf32, #tpu.memory_space<vmem_shared>>
      tpu.enqueue_indirect_dma source(%arg16 : memref<128x128xf32, #tpu.memory_space<vmem>>) target(%dma_start3A_490 : memref<10112x128xf32, #tpu.memory_space<vmem_shared>>) offsets(%dma_start3A_487 : memref<128xi32, #tpu.memory_space<vmem>>) semaphore(%arg25 : memref<!tpu.dma_semaphore, #tpu.memory_space<semaphore_mem>>) {add = true}
      %add3A_491 = arith.constant 3 : i32
      %add3A_492 = arith.addi %add3A_364, %add3A_491 : i32
      %lt3A_493 = arith.constant 20 : i32
      %lt3A_494 = arith.cmpi slt, %add3A_492, %lt3A_493 : i32
      %convert_element_type3A_495 = arith.extui %lt3A_494 : i1 to i32
      %cond3A_496 = arith.constant 0 : i32
      %cond3A_497 = arith.cmpi ne, %convert_element_type3A_495, %cond3A_496 : i32
      scf.if %cond3A_497 {
        %add3A_636 = arith.constant 3 : i32
        %add3A_637 = arith.addi %add3A_364, %add3A_636 : i32
        %dma_start3A_638 = arith.constant 0 : i32
        %dma_start3A_639 = arith.constant 0 : i32
        %dma_start3A_640 = tpu.memref_slice %arg3[%add3A, %add3A_637, %dma_start3A_638, %dma_start3A_639] : memref<32x20x4x128xi32, #tpu.memory_space<hbm>> -> memref<1x1x4x128xi32, #tpu.memory_space<hbm>>
        %dma_start3A_641 = tpu.memref_squeeze %dma_start3A_640 : memref<1x1x4x128xi32, #tpu.memory_space<hbm>> -> memref<4x128xi32, #tpu.memory_space<hbm>>
        %dma_start3A_642 = arith.constant 0 : i32
        %dma_start3A_643 = arith.constant 0 : i32
        %dma_start3A_644 = tpu.memref_slice %arg3[%add3A, %add3A_637, %dma_start3A_642, %dma_start3A_643] : memref<32x20x4x128xi32, #tpu.memory_space<hbm>> -> memref<1x1x4x128xi32, #tpu.memory_space<hbm>>
        %dma_start3A_645 = tpu.memref_squeeze %dma_start3A_644 : memref<1x1x4x128xi32, #tpu.memory_space<hbm>> -> memref<4x128xi32, #tpu.memory_space<hbm>>
        tpu.enqueue_dma source(%dma_start3A_645 : memref<4x128xi32, #tpu.memory_space<hbm>>) target(%arg9 : memref<4x128xi32, #tpu.memory_space<vmem>>) target_semaphore(%arg21 : memref<!tpu.dma_semaphore, #tpu.memory_space<semaphore_mem>>)
        %add3A_646 = arith.constant 3 : i32
        %add3A_647 = arith.addi %add3A_364, %add3A_646 : i32
        %dma_start3A_648 = arith.constant 0 : i32
        %dma_start3A_649 = arith.constant 0 : i32
        %dma_start3A_650 = tpu.memref_slice %arg4[%add3A, %add3A_647, %dma_start3A_648, %dma_start3A_649] : memref<32x20x4x128xi32, #tpu.memory_space<hbm>> -> memref<1x1x4x128xi32, #tpu.memory_space<hbm>>
        %dma_start3A_651 = tpu.memref_squeeze %dma_start3A_650 : memref<1x1x4x128xi32, #tpu.memory_space<hbm>> -> memref<4x128xi32, #tpu.memory_space<hbm>>
        %dma_start3A_652 = arith.constant 0 : i32
        %dma_start3A_653 = arith.constant 0 : i32
        %dma_start3A_654 = tpu.memref_slice %arg4[%add3A, %add3A_647, %dma_start3A_652, %dma_start3A_653] : memref<32x20x4x128xi32, #tpu.memory_space<hbm>> -> memref<1x1x4x128xi32, #tpu.memory_space<hbm>>
        %dma_start3A_655 = tpu.memref_squeeze %dma_start3A_654 : memref<1x1x4x128xi32, #tpu.memory_space<hbm>> -> memref<4x128xi32, #tpu.memory_space<hbm>>
        tpu.enqueue_dma source(%dma_start3A_655 : memref<4x128xi32, #tpu.memory_space<hbm>>) target(%arg10 : memref<4x128xi32, #tpu.memory_space<vmem>>) target_semaphore(%arg21 : memref<!tpu.dma_semaphore, #tpu.memory_space<semaphore_mem>>)
      } else {
      }
      %mul3A_498 = arith.constant 4 : i32
      %mul3A_499 = arith.muli %mul3A_498, %scan3A_89 : i32
      %add3A_500 = arith.constant 3 : i32
      %add3A_501 = arith.addi %mul3A_499, %add3A_500 : i32
      %dma_wait3A_502 = arith.constant 0 : i32
      %dma_wait3A_503 = arith.constant 0 : i32
      %dma_wait3A_504 = arith.constant 0 : i32
      %dma_wait3A_505 = tpu.memref_slice %arg3[%add3A, %dma_wait3A_502, %dma_wait3A_503, %dma_wait3A_504] : memref<32x20x4x128xi32, #tpu.memory_space<hbm>> -> memref<1x1x4x128xi32, #tpu.memory_space<hbm>>
      %dma_wait3A_506 = tpu.memref_squeeze %dma_wait3A_505 : memref<1x1x4x128xi32, #tpu.memory_space<hbm>> -> memref<4x128xi32, #tpu.memory_space<hbm>>
      %dma_wait3A_507 = arith.constant 0 : i32
      %dma_wait3A_508 = arith.constant 0 : i32
      %dma_wait3A_509 = tpu.memref_slice %arg3[%add3A, %dma_wait3A_502, %dma_wait3A_507, %dma_wait3A_508] : memref<32x20x4x128xi32, #tpu.memory_space<hbm>> -> memref<1x1x4x128xi32, #tpu.memory_space<hbm>>
      %dma_wait3A_510 = tpu.memref_squeeze %dma_wait3A_509 : memref<1x1x4x128xi32, #tpu.memory_space<hbm>> -> memref<4x128xi32, #tpu.memory_space<hbm>>
      tpu.wait_dma2 semaphore(%arg23 : memref<!tpu.dma_semaphore, #tpu.memory_space<semaphore_mem>>) src(%dma_wait3A_510 : memref<4x128xi32, #tpu.memory_space<hbm>>) dst(%arg13 : memref<4x128xi32, #tpu.memory_space<vmem>>)
      %dma_wait3A_511 = arith.constant 0 : i32
      %dma_wait3A_512 = arith.constant 0 : i32
      %dma_wait3A_513 = arith.constant 0 : i32
      %dma_wait3A_514 = tpu.memref_slice %arg4[%add3A, %dma_wait3A_511, %dma_wait3A_512, %dma_wait3A_513] : memref<32x20x4x128xi32, #tpu.memory_space<hbm>> -> memref<1x1x4x128xi32, #tpu.memory_space<hbm>>
      %dma_wait3A_515 = tpu.memref_squeeze %dma_wait3A_514 : memref<1x1x4x128xi32, #tpu.memory_space<hbm>> -> memref<4x128xi32, #tpu.memory_space<hbm>>
      %dma_wait3A_516 = arith.constant 0 : i32
      %dma_wait3A_517 = arith.constant 0 : i32
      %dma_wait3A_518 = tpu.memref_slice %arg4[%add3A, %dma_wait3A_511, %dma_wait3A_516, %dma_wait3A_517] : memref<32x20x4x128xi32, #tpu.memory_space<hbm>> -> memref<1x1x4x128xi32, #tpu.memory_space<hbm>>
      %dma_wait3A_519 = tpu.memref_squeeze %dma_wait3A_518 : memref<1x1x4x128xi32, #tpu.memory_space<hbm>> -> memref<4x128xi32, #tpu.memory_space<hbm>>
      tpu.wait_dma2 semaphore(%arg23 : memref<!tpu.dma_semaphore, #tpu.memory_space<semaphore_mem>>) src(%dma_wait3A_519 : memref<4x128xi32, #tpu.memory_space<hbm>>) dst(%arg14 : memref<4x128xi32, #tpu.memory_space<vmem>>)
      %gt3A_520 = arith.constant 0 : i32
      %gt3A_521 = arith.cmpi sgt, %add3A_501, %gt3A_520 : i32
      %convert_element_type3A_522 = arith.extui %gt3A_521 : i1 to i32
      %cond3A_523 = arith.constant 0 : i32
      %cond3A_524 = arith.cmpi ne, %convert_element_type3A_522, %cond3A_523 : i32
      scf.if %cond3A_524 {
        %dma_wait3A_636 = arith.constant 0 : i32
        %dma_wait3A_637 = arith.constant 0 : i32
        %dma_wait3A_638 = tpu.memref_slice %arg8[%dma_wait3A_636, %dma_wait3A_637] : memref<4x128xi32, #tpu.memory_space<vmem>> -> memref<1x128xi32, #tpu.memory_space<vmem>>
        %dma_wait3A_639 = tpu.memref_squeeze %dma_wait3A_638 : memref<1x128xi32, #tpu.memory_space<vmem>> -> memref<128xi32, #tpu.memory_space<vmem>>
        %dma_wait3A_640 = arith.constant 0 : i32
        %dma_wait3A_641 = arith.constant 0 : i32
        %dma_wait3A_642 = tpu.memref_slice %arg17[%dma_wait3A_640, %dma_wait3A_641] : memref<10112x128xf32, #tpu.memory_space<vmem_shared>> -> memref<10112x128xf32, #tpu.memory_space<vmem_shared>>
        tpu.wait_indirect_dma semaphore(%arg24 : memref<!tpu.dma_semaphore, #tpu.memory_space<semaphore_mem>>) src(%arg15 : memref<128x128xf32, #tpu.memory_space<vmem>>) dst(%dma_wait3A_642 : memref<10112x128xf32, #tpu.memory_space<vmem_shared>>)
      } else {
      }
      %dma_start3A_525 = arith.constant 0 : i32
      %dma_start3A_526 = arith.constant 0 : i32
      %dma_start3A_527 = tpu.memref_slice %arg13[%dma_start3A_525, %dma_start3A_526] : memref<4x128xi32, #tpu.memory_space<vmem>> -> memref<1x128xi32, #tpu.memory_space<vmem>>
      %dma_start3A_528 = tpu.memref_squeeze %dma_start3A_527 : memref<1x128xi32, #tpu.memory_space<vmem>> -> memref<128xi32, #tpu.memory_space<vmem>>
      %dma_start3A_529 = arith.constant 0 : i32
      %dma_start3A_530 = arith.constant 0 : i32
      %dma_start3A_531 = tpu.memref_slice %arg2[%dma_start3A_529, %dma_start3A_530] : memref<10112x128xf32, #tpu.memory_space<hbm>> -> memref<10112x128xf32, #tpu.memory_space<hbm>>
      tpu.enqueue_indirect_dma source(%dma_start3A_531 : memref<10112x128xf32, #tpu.memory_space<hbm>>) target(%arg15 : memref<128x128xf32, #tpu.memory_space<vmem>>) offsets(%dma_start3A_528 : memref<128xi32, #tpu.memory_space<vmem>>) semaphore(%arg18 : memref<!tpu.dma_semaphore, #tpu.memory_space<semaphore_mem>>)
      %gt3A_532 = arith.constant 0 : i32
      %gt3A_533 = arith.cmpi sgt, %add3A_501, %gt3A_532 : i32
      %convert_element_type3A_534 = arith.extui %gt3A_533 : i1 to i32
      %cond3A_535 = arith.constant 0 : i32
      %cond3A_536 = arith.cmpi ne, %convert_element_type3A_534, %cond3A_535 : i32
      scf.if %cond3A_536 {
        %dma_wait3A_636 = arith.constant 0 : i32
        %dma_wait3A_637 = arith.constant 0 : i32
        %dma_wait3A_638 = tpu.memref_slice %arg8[%dma_wait3A_636, %dma_wait3A_637] : memref<4x128xi32, #tpu.memory_space<vmem>> -> memref<1x128xi32, #tpu.memory_space<vmem>>
        %dma_wait3A_639 = tpu.memref_squeeze %dma_wait3A_638 : memref<1x128xi32, #tpu.memory_space<vmem>> -> memref<128xi32, #tpu.memory_space<vmem>>
        %dma_wait3A_640 = arith.constant 0 : i32
        %dma_wait3A_641 = arith.constant 0 : i32
        %dma_wait3A_642 = tpu.memref_slice %arg17[%dma_wait3A_640, %dma_wait3A_641] : memref<10112x128xf32, #tpu.memory_space<vmem_shared>> -> memref<10112x128xf32, #tpu.memory_space<vmem_shared>>
        tpu.wait_indirect_dma semaphore(%arg25 : memref<!tpu.dma_semaphore, #tpu.memory_space<semaphore_mem>>) src(%arg16 : memref<128x128xf32, #tpu.memory_space<vmem>>) dst(%dma_wait3A_642 : memref<10112x128xf32, #tpu.memory_space<vmem_shared>>)
      } else {
      }
      %dma_start3A_537 = arith.constant 1 : i32
      %dma_start3A_538 = arith.constant 0 : i32
      %dma_start3A_539 = tpu.memref_slice %arg13[%dma_start3A_537, %dma_start3A_538] : memref<4x128xi32, #tpu.memory_space<vmem>> -> memref<1x128xi32, #tpu.memory_space<vmem>>
      %dma_start3A_540 = tpu.memref_squeeze %dma_start3A_539 : memref<1x128xi32, #tpu.memory_space<vmem>> -> memref<128xi32, #tpu.memory_space<vmem>>
      %dma_start3A_541 = arith.constant 0 : i32
      %dma_start3A_542 = arith.constant 0 : i32
      %dma_start3A_543 = tpu.memref_slice %arg2[%dma_start3A_541, %dma_start3A_542] : memref<10112x128xf32, #tpu.memory_space<hbm>> -> memref<10112x128xf32, #tpu.memory_space<hbm>>
      tpu.enqueue_indirect_dma source(%dma_start3A_543 : memref<10112x128xf32, #tpu.memory_space<hbm>>) target(%arg16 : memref<128x128xf32, #tpu.memory_space<vmem>>) offsets(%dma_start3A_540 : memref<128xi32, #tpu.memory_space<vmem>>) semaphore(%arg19 : memref<!tpu.dma_semaphore, #tpu.memory_space<semaphore_mem>>)
      %dma_wait3A_544 = arith.constant 0 : i32
      %dma_wait3A_545 = arith.constant 0 : i32
      %dma_wait3A_546 = tpu.memref_slice %arg13[%dma_wait3A_544, %dma_wait3A_545] : memref<4x128xi32, #tpu.memory_space<vmem>> -> memref<1x128xi32, #tpu.memory_space<vmem>>
      %dma_wait3A_547 = tpu.memref_squeeze %dma_wait3A_546 : memref<1x128xi32, #tpu.memory_space<vmem>> -> memref<128xi32, #tpu.memory_space<vmem>>
      %dma_wait3A_548 = arith.constant 0 : i32
      %dma_wait3A_549 = arith.constant 0 : i32
      %dma_wait3A_550 = tpu.memref_slice %arg2[%dma_wait3A_548, %dma_wait3A_549] : memref<10112x128xf32, #tpu.memory_space<hbm>> -> memref<10112x128xf32, #tpu.memory_space<hbm>>
      tpu.wait_indirect_dma semaphore(%arg18 : memref<!tpu.dma_semaphore, #tpu.memory_space<semaphore_mem>>) src(%dma_wait3A_550 : memref<10112x128xf32, #tpu.memory_space<hbm>>) dst(%arg15 : memref<128x128xf32, #tpu.memory_space<vmem>>)
      %dma_start3A_551 = arith.constant 0 : i32
      %dma_start3A_552 = arith.constant 0 : i32
      %dma_start3A_553 = tpu.memref_slice %arg14[%dma_start3A_551, %dma_start3A_552] : memref<4x128xi32, #tpu.memory_space<vmem>> -> memref<1x128xi32, #tpu.memory_space<vmem>>
      %dma_start3A_554 = tpu.memref_squeeze %dma_start3A_553 : memref<1x128xi32, #tpu.memory_space<vmem>> -> memref<128xi32, #tpu.memory_space<vmem>>
      %dma_start3A_555 = arith.constant 0 : i32
      %dma_start3A_556 = arith.constant 0 : i32
      %dma_start3A_557 = tpu.memref_slice %arg17[%dma_start3A_555, %dma_start3A_556] : memref<10112x128xf32, #tpu.memory_space<vmem_shared>> -> memref<10112x128xf32, #tpu.memory_space<vmem_shared>>
      tpu.enqueue_indirect_dma source(%arg15 : memref<128x128xf32, #tpu.memory_space<vmem>>) target(%dma_start3A_557 : memref<10112x128xf32, #tpu.memory_space<vmem_shared>>) offsets(%dma_start3A_554 : memref<128xi32, #tpu.memory_space<vmem>>) semaphore(%arg24 : memref<!tpu.dma_semaphore, #tpu.memory_space<semaphore_mem>>) {add = true}
      %dma_wait3A_558 = arith.constant 0 : i32
      %dma_wait3A_559 = arith.constant 0 : i32
      %dma_wait3A_560 = tpu.memref_slice %arg8[%dma_wait3A_558, %dma_wait3A_559] : memref<4x128xi32, #tpu.memory_space<vmem>> -> memref<1x128xi32, #tpu.memory_space<vmem>>
      %dma_wait3A_561 = tpu.memref_squeeze %dma_wait3A_560 : memref<1x128xi32, #tpu.memory_space<vmem>> -> memref<128xi32, #tpu.memory_space<vmem>>
      %dma_wait3A_562 = arith.constant 0 : i32
      %dma_wait3A_563 = arith.constant 0 : i32
      %dma_wait3A_564 = tpu.memref_slice %arg17[%dma_wait3A_562, %dma_wait3A_563] : memref<10112x128xf32, #tpu.memory_space<vmem_shared>> -> memref<10112x128xf32, #tpu.memory_space<vmem_shared>>
      tpu.wait_indirect_dma semaphore(%arg24 : memref<!tpu.dma_semaphore, #tpu.memory_space<semaphore_mem>>) src(%arg15 : memref<128x128xf32, #tpu.memory_space<vmem>>) dst(%dma_wait3A_564 : memref<10112x128xf32, #tpu.memory_space<vmem_shared>>)
      %dma_start3A_565 = arith.constant 2 : i32
      %dma_start3A_566 = arith.constant 0 : i32
      %dma_start3A_567 = tpu.memref_slice %arg13[%dma_start3A_565, %dma_start3A_566] : memref<4x128xi32, #tpu.memory_space<vmem>> -> memref<1x128xi32, #tpu.memory_space<vmem>>
      %dma_start3A_568 = tpu.memref_squeeze %dma_start3A_567 : memref<1x128xi32, #tpu.memory_space<vmem>> -> memref<128xi32, #tpu.memory_space<vmem>>
      %dma_start3A_569 = arith.constant 0 : i32
      %dma_start3A_570 = arith.constant 0 : i32
      %dma_start3A_571 = tpu.memref_slice %arg2[%dma_start3A_569, %dma_start3A_570] : memref<10112x128xf32, #tpu.memory_space<hbm>> -> memref<10112x128xf32, #tpu.memory_space<hbm>>
      tpu.enqueue_indirect_dma source(%dma_start3A_571 : memref<10112x128xf32, #tpu.memory_space<hbm>>) target(%arg15 : memref<128x128xf32, #tpu.memory_space<vmem>>) offsets(%dma_start3A_568 : memref<128xi32, #tpu.memory_space<vmem>>) semaphore(%arg18 : memref<!tpu.dma_semaphore, #tpu.memory_space<semaphore_mem>>)
      %dma_wait3A_572 = arith.constant 1 : i32
      %dma_wait3A_573 = arith.constant 0 : i32
      %dma_wait3A_574 = tpu.memref_slice %arg13[%dma_wait3A_572, %dma_wait3A_573] : memref<4x128xi32, #tpu.memory_space<vmem>> -> memref<1x128xi32, #tpu.memory_space<vmem>>
      %dma_wait3A_575 = tpu.memref_squeeze %dma_wait3A_574 : memref<1x128xi32, #tpu.memory_space<vmem>> -> memref<128xi32, #tpu.memory_space<vmem>>
      %dma_wait3A_576 = arith.constant 0 : i32
      %dma_wait3A_577 = arith.constant 0 : i32
      %dma_wait3A_578 = tpu.memref_slice %arg2[%dma_wait3A_576, %dma_wait3A_577] : memref<10112x128xf32, #tpu.memory_space<hbm>> -> memref<10112x128xf32, #tpu.memory_space<hbm>>
      tpu.wait_indirect_dma semaphore(%arg19 : memref<!tpu.dma_semaphore, #tpu.memory_space<semaphore_mem>>) src(%dma_wait3A_578 : memref<10112x128xf32, #tpu.memory_space<hbm>>) dst(%arg16 : memref<128x128xf32, #tpu.memory_space<vmem>>)
      %dma_start3A_579 = arith.constant 1 : i32
      %dma_start3A_580 = arith.constant 0 : i32
      %dma_start3A_581 = tpu.memref_slice %arg14[%dma_start3A_579, %dma_start3A_580] : memref<4x128xi32, #tpu.memory_space<vmem>> -> memref<1x128xi32, #tpu.memory_space<vmem>>
      %dma_start3A_582 = tpu.memref_squeeze %dma_start3A_581 : memref<1x128xi32, #tpu.memory_space<vmem>> -> memref<128xi32, #tpu.memory_space<vmem>>
      %dma_start3A_583 = arith.constant 0 : i32
      %dma_start3A_584 = arith.constant 0 : i32
      %dma_start3A_585 = tpu.memref_slice %arg17[%dma_start3A_583, %dma_start3A_584] : memref<10112x128xf32, #tpu.memory_space<vmem_shared>> -> memref<10112x128xf32, #tpu.memory_space<vmem_shared>>
      tpu.enqueue_indirect_dma source(%arg16 : memref<128x128xf32, #tpu.memory_space<vmem>>) target(%dma_start3A_585 : memref<10112x128xf32, #tpu.memory_space<vmem_shared>>) offsets(%dma_start3A_582 : memref<128xi32, #tpu.memory_space<vmem>>) semaphore(%arg25 : memref<!tpu.dma_semaphore, #tpu.memory_space<semaphore_mem>>) {add = true}
      %dma_wait3A_586 = arith.constant 0 : i32
      %dma_wait3A_587 = arith.constant 0 : i32
      %dma_wait3A_588 = tpu.memref_slice %arg8[%dma_wait3A_586, %dma_wait3A_587] : memref<4x128xi32, #tpu.memory_space<vmem>> -> memref<1x128xi32, #tpu.memory_space<vmem>>
      %dma_wait3A_589 = tpu.memref_squeeze %dma_wait3A_588 : memref<1x128xi32, #tpu.memory_space<vmem>> -> memref<128xi32, #tpu.memory_space<vmem>>
      %dma_wait3A_590 = arith.constant 0 : i32
      %dma_wait3A_591 = arith.constant 0 : i32
      %dma_wait3A_592 = tpu.memref_slice %arg17[%dma_wait3A_590, %dma_wait3A_591] : memref<10112x128xf32, #tpu.memory_space<vmem_shared>> -> memref<10112x128xf32, #tpu.memory_space<vmem_shared>>
      tpu.wait_indirect_dma semaphore(%arg25 : memref<!tpu.dma_semaphore, #tpu.memory_space<semaphore_mem>>) src(%arg16 : memref<128x128xf32, #tpu.memory_space<vmem>>) dst(%dma_wait3A_592 : memref<10112x128xf32, #tpu.memory_space<vmem_shared>>)
      %dma_start3A_593 = arith.constant 3 : i32
      %dma_start3A_594 = arith.constant 0 : i32
      %dma_start3A_595 = tpu.memref_slice %arg13[%dma_start3A_593, %dma_start3A_594] : memref<4x128xi32, #tpu.memory_space<vmem>> -> memref<1x128xi32, #tpu.memory_space<vmem>>
      %dma_start3A_596 = tpu.memref_squeeze %dma_start3A_595 : memref<1x128xi32, #tpu.memory_space<vmem>> -> memref<128xi32, #tpu.memory_space<vmem>>
      %dma_start3A_597 = arith.constant 0 : i32
      %dma_start3A_598 = arith.constant 0 : i32
      %dma_start3A_599 = tpu.memref_slice %arg2[%dma_start3A_597, %dma_start3A_598] : memref<10112x128xf32, #tpu.memory_space<hbm>> -> memref<10112x128xf32, #tpu.memory_space<hbm>>
      tpu.enqueue_indirect_dma source(%dma_start3A_599 : memref<10112x128xf32, #tpu.memory_space<hbm>>) target(%arg16 : memref<128x128xf32, #tpu.memory_space<vmem>>) offsets(%dma_start3A_596 : memref<128xi32, #tpu.memory_space<vmem>>) semaphore(%arg19 : memref<!tpu.dma_semaphore, #tpu.memory_space<semaphore_mem>>)
      %dma_wait3A_600 = arith.constant 2 : i32
      %dma_wait3A_601 = arith.constant 0 : i32
      %dma_wait3A_602 = tpu.memref_slice %arg13[%dma_wait3A_600, %dma_wait3A_601] : memref<4x128xi32, #tpu.memory_space<vmem>> -> memref<1x128xi32, #tpu.memory_space<vmem>>
      %dma_wait3A_603 = tpu.memref_squeeze %dma_wait3A_602 : memref<1x128xi32, #tpu.memory_space<vmem>> -> memref<128xi32, #tpu.memory_space<vmem>>
      %dma_wait3A_604 = arith.constant 0 : i32
      %dma_wait3A_605 = arith.constant 0 : i32
      %dma_wait3A_606 = tpu.memref_slice %arg2[%dma_wait3A_604, %dma_wait3A_605] : memref<10112x128xf32, #tpu.memory_space<hbm>> -> memref<10112x128xf32, #tpu.memory_space<hbm>>
      tpu.wait_indirect_dma semaphore(%arg18 : memref<!tpu.dma_semaphore, #tpu.memory_space<semaphore_mem>>) src(%dma_wait3A_606 : memref<10112x128xf32, #tpu.memory_space<hbm>>) dst(%arg15 : memref<128x128xf32, #tpu.memory_space<vmem>>)
      %dma_start3A_607 = arith.constant 2 : i32
      %dma_start3A_608 = arith.constant 0 : i32
      %dma_start3A_609 = tpu.memref_slice %arg14[%dma_start3A_607, %dma_start3A_608] : memref<4x128xi32, #tpu.memory_space<vmem>> -> memref<1x128xi32, #tpu.memory_space<vmem>>
      %dma_start3A_610 = tpu.memref_squeeze %dma_start3A_609 : memref<1x128xi32, #tpu.memory_space<vmem>> -> memref<128xi32, #tpu.memory_space<vmem>>
      %dma_start3A_611 = arith.constant 0 : i32
      %dma_start3A_612 = arith.constant 0 : i32
      %dma_start3A_613 = tpu.memref_slice %arg17[%dma_start3A_611, %dma_start3A_612] : memref<10112x128xf32, #tpu.memory_space<vmem_shared>> -> memref<10112x128xf32, #tpu.memory_space<vmem_shared>>
      tpu.enqueue_indirect_dma source(%arg15 : memref<128x128xf32, #tpu.memory_space<vmem>>) target(%dma_start3A_613 : memref<10112x128xf32, #tpu.memory_space<vmem_shared>>) offsets(%dma_start3A_610 : memref<128xi32, #tpu.memory_space<vmem>>) semaphore(%arg24 : memref<!tpu.dma_semaphore, #tpu.memory_space<semaphore_mem>>) {add = true}
      %dma_wait3A_614 = arith.constant 3 : i32
      %dma_wait3A_615 = arith.constant 0 : i32
      %dma_wait3A_616 = tpu.memref_slice %arg13[%dma_wait3A_614, %dma_wait3A_615] : memref<4x128xi32, #tpu.memory_space<vmem>> -> memref<1x128xi32, #tpu.memory_space<vmem>>
      %dma_wait3A_617 = tpu.memref_squeeze %dma_wait3A_616 : memref<1x128xi32, #tpu.memory_space<vmem>> -> memref<128xi32, #tpu.memory_space<vmem>>
      %dma_wait3A_618 = arith.constant 0 : i32
      %dma_wait3A_619 = arith.constant 0 : i32
      %dma_wait3A_620 = tpu.memref_slice %arg2[%dma_wait3A_618, %dma_wait3A_619] : memref<10112x128xf32, #tpu.memory_space<hbm>> -> memref<10112x128xf32, #tpu.memory_space<hbm>>
      tpu.wait_indirect_dma semaphore(%arg19 : memref<!tpu.dma_semaphore, #tpu.memory_space<semaphore_mem>>) src(%dma_wait3A_620 : memref<10112x128xf32, #tpu.memory_space<hbm>>) dst(%arg16 : memref<128x128xf32, #tpu.memory_space<vmem>>)
      %dma_start3A_621 = arith.constant 3 : i32
      %dma_start3A_622 = arith.constant 0 : i32
      %dma_start3A_623 = tpu.memref_slice %arg14[%dma_start3A_621, %dma_start3A_622] : memref<4x128xi32, #tpu.memory_space<vmem>> -> memref<1x128xi32, #tpu.memory_space<vmem>>
      %dma_start3A_624 = tpu.memref_squeeze %dma_start3A_623 : memref<1x128xi32, #tpu.memory_space<vmem>> -> memref<128xi32, #tpu.memory_space<vmem>>
      %dma_start3A_625 = arith.constant 0 : i32
      %dma_start3A_626 = arith.constant 0 : i32
      %dma_start3A_627 = tpu.memref_slice %arg17[%dma_start3A_625, %dma_start3A_626] : memref<10112x128xf32, #tpu.memory_space<vmem_shared>> -> memref<10112x128xf32, #tpu.memory_space<vmem_shared>>
      tpu.enqueue_indirect_dma source(%arg16 : memref<128x128xf32, #tpu.memory_space<vmem>>) target(%dma_start3A_627 : memref<10112x128xf32, #tpu.memory_space<vmem_shared>>) offsets(%dma_start3A_624 : memref<128xi32, #tpu.memory_space<vmem>>) semaphore(%arg25 : memref<!tpu.dma_semaphore, #tpu.memory_space<semaphore_mem>>) {add = true}
      %add3A_628 = arith.constant 3 : i32
      %add3A_629 = arith.addi %add3A_501, %add3A_628 : i32
      %lt3A_630 = arith.constant 20 : i32
      %lt3A_631 = arith.cmpi slt, %add3A_629, %lt3A_630 : i32
      %convert_element_type3A_632 = arith.extui %lt3A_631 : i1 to i32
      %cond3A_633 = arith.constant 0 : i32
      %cond3A_634 = arith.cmpi ne, %convert_element_type3A_632, %cond3A_633 : i32
      scf.if %cond3A_634 {
        %add3A_636 = arith.constant 3 : i32
        %add3A_637 = arith.addi %add3A_501, %add3A_636 : i32
        %dma_start3A_638 = arith.constant 0 : i32
        %dma_start3A_639 = arith.constant 0 : i32
        %dma_start3A_640 = tpu.memref_slice %arg3[%add3A, %add3A_637, %dma_start3A_638, %dma_start3A_639] : memref<32x20x4x128xi32, #tpu.memory_space<hbm>> -> memref<1x1x4x128xi32, #tpu.memory_space<hbm>>
        %dma_start3A_641 = tpu.memref_squeeze %dma_start3A_640 : memref<1x1x4x128xi32, #tpu.memory_space<hbm>> -> memref<4x128xi32, #tpu.memory_space<hbm>>
        %dma_start3A_642 = arith.constant 0 : i32
        %dma_start3A_643 = arith.constant 0 : i32
        %dma_start3A_644 = tpu.memref_slice %arg3[%add3A, %add3A_637, %dma_start3A_642, %dma_start3A_643] : memref<32x20x4x128xi32, #tpu.memory_space<hbm>> -> memref<1x1x4x128xi32, #tpu.memory_space<hbm>>
        %dma_start3A_645 = tpu.memref_squeeze %dma_start3A_644 : memref<1x1x4x128xi32, #tpu.memory_space<hbm>> -> memref<4x128xi32, #tpu.memory_space<hbm>>
        tpu.enqueue_dma source(%dma_start3A_645 : memref<4x128xi32, #tpu.memory_space<hbm>>) target(%arg11 : memref<4x128xi32, #tpu.memory_space<vmem>>) target_semaphore(%arg22 : memref<!tpu.dma_semaphore, #tpu.memory_space<semaphore_mem>>)
        %add3A_646 = arith.constant 3 : i32
        %add3A_647 = arith.addi %add3A_501, %add3A_646 : i32
        %dma_start3A_648 = arith.constant 0 : i32
        %dma_start3A_649 = arith.constant 0 : i32
        %dma_start3A_650 = tpu.memref_slice %arg4[%add3A, %add3A_647, %dma_start3A_648, %dma_start3A_649] : memref<32x20x4x128xi32, #tpu.memory_space<hbm>> -> memref<1x1x4x128xi32, #tpu.memory_space<hbm>>
        %dma_start3A_651 = tpu.memref_squeeze %dma_start3A_650 : memref<1x1x4x128xi32, #tpu.memory_space<hbm>> -> memref<4x128xi32, #tpu.memory_space<hbm>>
        %dma_start3A_652 = arith.constant 0 : i32
        %dma_start3A_653 = arith.constant 0 : i32
        %dma_start3A_654 = tpu.memref_slice %arg4[%add3A, %add3A_647, %dma_start3A_652, %dma_start3A_653] : memref<32x20x4x128xi32, #tpu.memory_space<hbm>> -> memref<1x1x4x128xi32, #tpu.memory_space<hbm>>
        %dma_start3A_655 = tpu.memref_squeeze %dma_start3A_654 : memref<1x1x4x128xi32, #tpu.memory_space<hbm>> -> memref<4x128xi32, #tpu.memory_space<hbm>>
        tpu.enqueue_dma source(%dma_start3A_655 : memref<4x128xi32, #tpu.memory_space<hbm>>) target(%arg12 : memref<4x128xi32, #tpu.memory_space<vmem>>) target_semaphore(%arg22 : memref<!tpu.dma_semaphore, #tpu.memory_space<semaphore_mem>>)
      } else {
      }
      %scan3A_635 = arith.constant 0 : i32
      scf.yield %scan3A_635 : i32
    }
    %scan3A_70 = arith.constant 5 : i32
    %dma_wait3A = arith.constant 0 : i32
    %dma_wait3A_71 = arith.constant 0 : i32
    %dma_wait3A_72 = tpu.memref_slice %arg8[%dma_wait3A, %dma_wait3A_71] : memref<4x128xi32, #tpu.memory_space<vmem>> -> memref<1x128xi32, #tpu.memory_space<vmem>>
    %dma_wait3A_73 = tpu.memref_squeeze %dma_wait3A_72 : memref<1x128xi32, #tpu.memory_space<vmem>> -> memref<128xi32, #tpu.memory_space<vmem>>
    %dma_wait3A_74 = arith.constant 0 : i32
    %dma_wait3A_75 = arith.constant 0 : i32
    %dma_wait3A_76 = tpu.memref_slice %arg17[%dma_wait3A_74, %dma_wait3A_75] : memref<10112x128xf32, #tpu.memory_space<vmem_shared>> -> memref<10112x128xf32, #tpu.memory_space<vmem_shared>>
    tpu.wait_indirect_dma semaphore(%arg24 : memref<!tpu.dma_semaphore, #tpu.memory_space<semaphore_mem>>) src(%arg15 : memref<128x128xf32, #tpu.memory_space<vmem>>) dst(%dma_wait3A_76 : memref<10112x128xf32, #tpu.memory_space<vmem_shared>>)
    %dma_wait3A_77 = arith.constant 0 : i32
    %dma_wait3A_78 = arith.constant 0 : i32
    %dma_wait3A_79 = tpu.memref_slice %arg8[%dma_wait3A_77, %dma_wait3A_78] : memref<4x128xi32, #tpu.memory_space<vmem>> -> memref<1x128xi32, #tpu.memory_space<vmem>>
    %dma_wait3A_80 = tpu.memref_squeeze %dma_wait3A_79 : memref<1x128xi32, #tpu.memory_space<vmem>> -> memref<128xi32, #tpu.memory_space<vmem>>
    %dma_wait3A_81 = arith.constant 0 : i32
    %dma_wait3A_82 = arith.constant 0 : i32
    %dma_wait3A_83 = tpu.memref_slice %arg17[%dma_wait3A_81, %dma_wait3A_82] : memref<10112x128xf32, #tpu.memory_space<vmem_shared>> -> memref<10112x128xf32, #tpu.memory_space<vmem_shared>>
    tpu.wait_indirect_dma semaphore(%arg25 : memref<!tpu.dma_semaphore, #tpu.memory_space<semaphore_mem>>) src(%arg16 : memref<128x128xf32, #tpu.memory_space<vmem>>) dst(%dma_wait3A_83 : memref<10112x128xf32, #tpu.memory_space<vmem_shared>>)
    %barrier3A_84 = arith.constant 0 : index
    tpu.barrier barrier_id(%barrier3A_84)
    %mul3A_85 = arith.constant 632 : i32
    %mul3A_86 = arith.muli %arg1, %mul3A_85 : i32
    %mul3A_87 = arith.constant 632 : i32
    %mul3A_88 = arith.muli %arg1, %mul3A_87 : i32
    "tpu.region"() ({
      %run_scoped3A = tpu.sem_alloc : memref<!tpu.dma_semaphore, #tpu.memory_space<semaphore_mem>>
      %dma_start3A_89 = arith.constant 0 : i32
      %dma_start3A_90 = tpu.memref_slice %arg6[%arg0, %mul3A_88, %dma_start3A_89] : memref<2x10112x128xf32, #tpu.memory_space<hbm>> -> memref<1x632x128xf32, #tpu.memory_space<hbm>>
      %dma_start3A_91 = tpu.memref_squeeze %dma_start3A_90 : memref<1x632x128xf32, #tpu.memory_space<hbm>> -> memref<632x128xf32, #tpu.memory_space<hbm>>
      %dma_start3A_92 = arith.constant 0 : i32
      %dma_start3A_93 = tpu.memref_slice %arg17[%mul3A_86, %dma_start3A_92] : memref<10112x128xf32, #tpu.memory_space<vmem_shared>> -> memref<632x128xf32, #tpu.memory_space<vmem_shared>>
      tpu.enqueue_dma source(%dma_start3A_93 : memref<632x128xf32, #tpu.memory_space<vmem_shared>>) target(%dma_start3A_91 : memref<632x128xf32, #tpu.memory_space<hbm>>) target_semaphore(%run_scoped3A : memref<!tpu.dma_semaphore, #tpu.memory_space<semaphore_mem>>)
      %dma_wait3A_94 = arith.constant 0 : i32
      %dma_wait3A_95 = tpu.memref_slice %arg6[%arg0, %mul3A_88, %dma_wait3A_94] : memref<2x10112x128xf32, #tpu.memory_space<hbm>> -> memref<1x632x128xf32, #tpu.memory_space<hbm>>
      %dma_wait3A_96 = tpu.memref_squeeze %dma_wait3A_95 : memref<1x632x128xf32, #tpu.memory_space<hbm>> -> memref<632x128xf32, #tpu.memory_space<hbm>>
      %dma_wait3A_97 = arith.constant 0 : i32
      %dma_wait3A_98 = tpu.memref_slice %arg17[%mul3A_86, %dma_wait3A_97] : memref<10112x128xf32, #tpu.memory_space<vmem_shared>> -> memref<632x128xf32, #tpu.memory_space<vmem_shared>>
      tpu.wait_dma2 semaphore(%run_scoped3A : memref<!tpu.dma_semaphore, #tpu.memory_space<semaphore_mem>>) src(%dma_wait3A_98 : memref<632x128xf32, #tpu.memory_space<vmem_shared>>) dst(%dma_wait3A_96 : memref<632x128xf32, #tpu.memory_space<hbm>>)
      tpu.yield
    }) : () -> ()
    return
  }
}

module attributes {stable_mosaic.version = 14 : i64} {
  func.func @body(%arg0: memref<10240xf32, #tpu.memory_space<vmem>>, %arg1: memref<10240xf32, #tpu.memory_space<vmem>>, %arg2: memref<10240xf32, #tpu.memory_space<vmem>>, %arg3: memref<10240xf32, #tpu.memory_space<vmem>>, %arg4: memref<10000x128xf32, #tpu.memory_space<vmem>>, %arg5: memref<128x128xf32, #tpu.memory_space<vmem>>, %arg6: memref<10112x128xf32, #tpu.memory_space<vmem>>, %arg7: memref<10000xf32, #tpu.memory_space<vmem>>, %arg8: memref<10000xf32, #tpu.memory_space<vmem>>) attributes {dimension_semantics = [], scalar_prefetch = 0 : i64, scratch_operands = 0 : i64, tpu.core_type = #tpu.core_type<tc>} {
    %get3A = arith.constant 0 : index
    %get3A_0 = vector.load %arg0[%get3A] : memref<10240xf32, #tpu.memory_space<vmem>>, vector<10240xf32>
    %get3A_1 = arith.constant 0 : index
    %get3A_2 = vector.load %arg1[%get3A_1] : memref<10240xf32, #tpu.memory_space<vmem>>, vector<10240xf32>
    %add3A = arith.addf %get3A_0, %get3A_2 : vector<10240xf32>
    %get3A_3 = arith.constant 0 : index
    %get3A_4 = vector.load %arg2[%get3A_3] : memref<10240xf32, #tpu.memory_space<vmem>>, vector<10240xf32>
    %get3A_5 = arith.constant 0 : index
    %get3A_6 = vector.load %arg3[%get3A_5] : memref<10240xf32, #tpu.memory_space<vmem>>, vector<10240xf32>
    %add3A_7 = arith.addf %get3A_4, %get3A_6 : vector<10240xf32>
    %gt3A = arith.constant 0.000000e+00 : f32
    %gt3A_8 = vector.broadcast %gt3A : f32 to vector<10240xf32>
    %gt3A_9 = arith.cmpf ogt, %add3A, %gt3A_8 : vector<10240xf32>
    %max3A = arith.constant 1.000000e+00 : f32
    %max3A_10 = vector.broadcast %max3A : f32 to vector<10240xf32>
    %max3A_11 = arith.maximumf %add3A, %max3A_10 : vector<10240xf32>
    %rsqrt3A = math.rsqrt %max3A_11 : vector<10240xf32>
    %jit3A = arith.constant 0.000000e+00 : f32
    %broadcast_in_dim3A = vector.broadcast %jit3A : f32 to vector<10240xf32>
    %select_n3A = arith.select %gt3A_9, %rsqrt3A, %broadcast_in_dim3A : vector<10240xi1>, vector<10240xf32>
    %slice3A = vector.extract_strided_slice %select_n3A {offsets = [0], sizes = [10000], strides = [1]} : vector<10240xf32> to vector<10000xf32>
    %gt3A_12 = arith.constant 0.000000e+00 : f32
    %gt3A_13 = vector.broadcast %gt3A_12 : f32 to vector<10240xf32>
    %gt3A_14 = arith.cmpf ogt, %add3A_7, %gt3A_13 : vector<10240xf32>
    %max3A_15 = arith.constant 1.000000e+00 : f32
    %max3A_16 = vector.broadcast %max3A_15 : f32 to vector<10240xf32>
    %max3A_17 = arith.maximumf %add3A_7, %max3A_16 : vector<10240xf32>
    %rsqrt3A_18 = math.rsqrt %max3A_17 : vector<10240xf32>
    %jit3A_19 = arith.constant 0.000000e+00 : f32
    %broadcast_in_dim3A_20 = vector.broadcast %jit3A_19 : f32 to vector<10240xf32>
    %select_n3A_21 = arith.select %gt3A_14, %rsqrt3A_18, %broadcast_in_dim3A_20 : vector<10240xi1>, vector<10240xf32>
    %slice3A_22 = vector.extract_strided_slice %select_n3A_21 {offsets = [0], sizes = [10000], strides = [1]} : vector<10240xf32> to vector<10000xf32>
    %get3A_23 = arith.constant 0 : index
    %get3A_24 = arith.constant 0 : index
    %get3A_25 = vector.load %arg4[%get3A_23, %get3A_24] : memref<10000x128xf32, #tpu.memory_space<vmem>>, vector<10000x128xf32>
    %get3A_26 = arith.constant 0 : index
    %get3A_27 = arith.constant 0 : index
    %get3A_28 = vector.load %arg5[%get3A_26, %get3A_27] : memref<128x128xf32, #tpu.memory_space<vmem>>, vector<128x128xf32>
    %dot_general3A = arith.constant dense<0.000000e+00> : vector<10000x128xf32>
    %dot_general3A_29 = tpu.matmul %get3A_25, %get3A_28, %dot_general3A {dimension_numbers = #tpu.dot_dimension_numbers<[1], [0], [0], [1], [0, 0, 1, 1], [], []>, transpose_lhs_hint = false} : vector<10000x128xf32>, vector<128x128xf32>, vector<10000x128xf32> -> vector<10000x128xf32>
    %broadcast_in_dim3A_30 = vector.shape_cast %slice3A : vector<10000xf32> to vector<10000x1xf32>
    %mul3A = vector.broadcast %broadcast_in_dim3A_30 : vector<10000x1xf32> to vector<10000x128xf32>
    %mul3A_31 = arith.mulf %dot_general3A_29, %mul3A : vector<10000x128xf32>
    %broadcast_in_dim3A_32 = arith.constant 0.000000e+00 : f32
    %broadcast_in_dim3A_33 = vector.broadcast %broadcast_in_dim3A_32 : f32 to vector<112x128xf32>
    %concatenate3A = tpu.concatenate %mul3A_31, %broadcast_in_dim3A_33 in 0 : vector<10000x128xf32>, vector<112x128xf32> -> vector<10112x128xf32>
    %swap3A = arith.constant 0 : index
    %swap3A_34 = arith.constant 0 : index
    %swap3A_35 = vector.load %arg6[%swap3A, %swap3A_34] : memref<10112x128xf32, #tpu.memory_space<vmem>>, vector<10112x128xf32>
    tpu.vector_store %arg6[%swap3A, %swap3A_34], %concatenate3A {strides = array<i32>} : memref<10112x128xf32, #tpu.memory_space<vmem>>, vector<10112x128xf32>,
    %swap3A_36 = arith.constant 0 : index
    %swap3A_37 = vector.load %arg7[%swap3A_36] : memref<10000xf32, #tpu.memory_space<vmem>>, vector<10000xf32>
    tpu.vector_store %arg7[%swap3A_36], %slice3A {strides = array<i32>} : memref<10000xf32, #tpu.memory_space<vmem>>, vector<10000xf32>,
    %swap3A_38 = arith.constant 0 : index
    %swap3A_39 = vector.load %arg8[%swap3A_38] : memref<10000xf32, #tpu.memory_space<vmem>>, vector<10000xf32>
    tpu.vector_store %arg8[%swap3A_38], %slice3A_22 {strides = array<i32>} : memref<10000xf32, #tpu.memory_space<vmem>>, vector<10000xf32>,
    return
  }
}

module attributes {stable_mosaic.version = 14 : i64} {
  func.func @body(%arg0: memref<2x10112x128xf32, #tpu.memory_space<vmem>>, %arg1: memref<10000xf32, #tpu.memory_space<vmem>>, %arg2: memref<10000xf32, #tpu.memory_space<vmem>>, %arg3: memref<1x128xf32, #tpu.memory_space<vmem>>, %arg4: memref<128x128xf32, #tpu.memory_space<vmem>>, %arg5: memref<10112x128xf32, #tpu.memory_space<vmem>>) attributes {dimension_semantics = [], scalar_prefetch = 0 : i64, scratch_operands = 0 : i64, tpu.core_type = #tpu.core_type<tc>} {
    %get3A = arith.constant 0 : index
    %get3A_0 = arith.constant 0 : index
    %get3A_1 = arith.constant 0 : index
    %get3A_2 = vector.load %arg0[%get3A, %get3A_0, %get3A_1] : memref<2x10112x128xf32, #tpu.memory_space<vmem>>, vector<1x10000x128xf32>
    %get3A_3 = vector.shape_cast %get3A_2 : vector<1x10000x128xf32> to vector<10000x128xf32>
    %get3A_4 = arith.constant 1 : index
    %get3A_5 = arith.constant 0 : index
    %get3A_6 = arith.constant 0 : index
    %get3A_7 = vector.load %arg0[%get3A_4, %get3A_5, %get3A_6] : memref<2x10112x128xf32, #tpu.memory_space<vmem>>, vector<1x10000x128xf32>
    %get3A_8 = vector.shape_cast %get3A_7 : vector<1x10000x128xf32> to vector<10000x128xf32>
    %add3A = arith.addf %get3A_3, %get3A_8 : vector<10000x128xf32>
    %get3A_9 = arith.constant 0 : index
    %get3A_10 = vector.load %arg1[%get3A_9] : memref<10000xf32, #tpu.memory_space<vmem>>, vector<10000xf32>
    %broadcast_in_dim3A = vector.shape_cast %get3A_10 : vector<10000xf32> to vector<10000x1xf32>
    %mul3A = vector.broadcast %broadcast_in_dim3A : vector<10000x1xf32> to vector<10000x128xf32>
    %mul3A_11 = arith.mulf %add3A, %mul3A : vector<10000x128xf32>
    %get3A_12 = arith.constant 0 : index
    %get3A_13 = arith.constant 0 : index
    %get3A_14 = vector.load %arg3[%get3A_12, %get3A_13] : memref<1x128xf32, #tpu.memory_space<vmem>>, vector<1x128xf32>
    %add3A_15 = vector.broadcast %get3A_14 : vector<1x128xf32> to vector<10000x128xf32>
    %add3A_16 = arith.addf %mul3A_11, %add3A_15 : vector<10000x128xf32>
    %mul3A_17 = arith.constant 5.000000e-01 : f32
    %mul3A_18 = vector.broadcast %mul3A_17 : f32 to vector<10000x128xf32>
    %mul3A_19 = arith.mulf %mul3A_18, %add3A_16 : vector<10000x128xf32>
    %mul3A_20 = arith.constant 0.707106769 : f32
    %mul3A_21 = vector.broadcast %mul3A_20 : f32 to vector<10000x128xf32>
    %mul3A_22 = arith.mulf %add3A_16, %mul3A_21 : vector<10000x128xf32>
    %erf3A = math.erf %mul3A_22 : vector<10000x128xf32>
    %add3A_23 = arith.constant 1.000000e+00 : f32
    %add3A_24 = vector.broadcast %add3A_23 : f32 to vector<10000x128xf32>
    %add3A_25 = arith.addf %add3A_24, %erf3A : vector<10000x128xf32>
    %mul3A_26 = arith.mulf %mul3A_19, %add3A_25 : vector<10000x128xf32>
    %get3A_27 = arith.constant 0 : index
    %get3A_28 = arith.constant 0 : index
    %get3A_29 = vector.load %arg4[%get3A_27, %get3A_28] : memref<128x128xf32, #tpu.memory_space<vmem>>, vector<128x128xf32>
    %dot_general3A = arith.constant dense<0.000000e+00> : vector<10000x128xf32>
    %dot_general3A_30 = tpu.matmul %mul3A_26, %get3A_29, %dot_general3A {dimension_numbers = #tpu.dot_dimension_numbers<[1], [0], [0], [1], [0, 0, 1, 1], [], []>, transpose_lhs_hint = false} : vector<10000x128xf32>, vector<128x128xf32>, vector<10000x128xf32> -> vector<10000x128xf32>
    %get3A_31 = arith.constant 0 : index
    %get3A_32 = vector.load %arg2[%get3A_31] : memref<10000xf32, #tpu.memory_space<vmem>>, vector<10000xf32>
    %broadcast_in_dim3A_33 = vector.shape_cast %get3A_32 : vector<10000xf32> to vector<10000x1xf32>
    %mul3A_34 = vector.broadcast %broadcast_in_dim3A_33 : vector<10000x1xf32> to vector<10000x128xf32>
    %mul3A_35 = arith.mulf %dot_general3A_30, %mul3A_34 : vector<10000x128xf32>
    %broadcast_in_dim3A_36 = arith.constant 0.000000e+00 : f32
    %broadcast_in_dim3A_37 = vector.broadcast %broadcast_in_dim3A_36 : f32 to vector<112x128xf32>
    %concatenate3A = tpu.concatenate %mul3A_35, %broadcast_in_dim3A_37 in 0 : vector<10000x128xf32>, vector<112x128xf32> -> vector<10112x128xf32>
    %swap3A = arith.constant 0 : index
    %swap3A_38 = arith.constant 0 : index
    %swap3A_39 = vector.load %arg5[%swap3A, %swap3A_38] : memref<10112x128xf32, #tpu.memory_space<vmem>>, vector<10112x128xf32>
    tpu.vector_store %arg5[%swap3A, %swap3A_38], %concatenate3A {strides = array<i32>} : memref<10112x128xf32, #tpu.memory_space<vmem>>, vector<10112x128xf32>,
    return
  }
}

module attributes {stable_mosaic.version = 14 : i64} {
  func.func @body(%arg0: memref<2x10112x128xf32, #tpu.memory_space<vmem>>, %arg1: memref<10000xf32, #tpu.memory_space<vmem>>, %arg2: memref<1x128xf32, #tpu.memory_space<vmem>>, %arg3: memref<1280x1xf32, #tpu.memory_space<vmem>>, %arg4: memref<1x1xf32, #tpu.memory_space<vmem>>, %arg5: memref<1000x1xf32, #tpu.memory_space<vmem>>) attributes {dimension_semantics = [], scalar_prefetch = 0 : i64, scratch_operands = 0 : i64, tpu.core_type = #tpu.core_type<tc>} {
    %get3A = arith.constant 0 : index
    %get3A_0 = arith.constant 0 : index
    %get3A_1 = arith.constant 0 : index
    %get3A_2 = vector.load %arg0[%get3A, %get3A_0, %get3A_1] : memref<2x10112x128xf32, #tpu.memory_space<vmem>>, vector<1x10000x128xf32>
    %get3A_3 = vector.shape_cast %get3A_2 : vector<1x10000x128xf32> to vector<10000x128xf32>
    %get3A_4 = arith.constant 1 : index
    %get3A_5 = arith.constant 0 : index
    %get3A_6 = arith.constant 0 : index
    %get3A_7 = vector.load %arg0[%get3A_4, %get3A_5, %get3A_6] : memref<2x10112x128xf32, #tpu.memory_space<vmem>>, vector<1x10000x128xf32>
    %get3A_8 = vector.shape_cast %get3A_7 : vector<1x10000x128xf32> to vector<10000x128xf32>
    %add3A = arith.addf %get3A_3, %get3A_8 : vector<10000x128xf32>
    %get3A_9 = arith.constant 0 : index
    %get3A_10 = vector.load %arg1[%get3A_9] : memref<10000xf32, #tpu.memory_space<vmem>>, vector<10000xf32>
    %broadcast_in_dim3A = vector.shape_cast %get3A_10 : vector<10000xf32> to vector<10000x1xf32>
    %mul3A = vector.broadcast %broadcast_in_dim3A : vector<10000x1xf32> to vector<10000x128xf32>
    %mul3A_11 = arith.mulf %add3A, %mul3A : vector<10000x128xf32>
    %get3A_12 = arith.constant 0 : index
    %get3A_13 = arith.constant 0 : index
    %get3A_14 = vector.load %arg2[%get3A_12, %get3A_13] : memref<1x128xf32, #tpu.memory_space<vmem>>, vector<1x128xf32>
    %add3A_15 = vector.broadcast %get3A_14 : vector<1x128xf32> to vector<10000x128xf32>
    %add3A_16 = arith.addf %mul3A_11, %add3A_15 : vector<10000x128xf32>
    %mul3A_17 = arith.constant 5.000000e-01 : f32
    %mul3A_18 = vector.broadcast %mul3A_17 : f32 to vector<10000x128xf32>
    %mul3A_19 = arith.mulf %mul3A_18, %add3A_16 : vector<10000x128xf32>
    %mul3A_20 = arith.constant 0.707106769 : f32
    %mul3A_21 = vector.broadcast %mul3A_20 : f32 to vector<10000x128xf32>
    %mul3A_22 = arith.mulf %add3A_16, %mul3A_21 : vector<10000x128xf32>
    %erf3A = math.erf %mul3A_22 : vector<10000x128xf32>
    %add3A_23 = arith.constant 1.000000e+00 : f32
    %add3A_24 = vector.broadcast %add3A_23 : f32 to vector<10000x128xf32>
    %add3A_25 = arith.addf %add3A_24, %erf3A : vector<10000x128xf32>
    %mul3A_26 = arith.mulf %mul3A_19, %add3A_25 : vector<10000x128xf32>
    %reshape3A = vector.shape_cast %mul3A_26 : vector<10000x128xf32> to vector<1000x1280xf32>
    %get3A_27 = arith.constant 0 : index
    %get3A_28 = arith.constant 0 : index
    %get3A_29 = vector.load %arg3[%get3A_27, %get3A_28] : memref<1280x1xf32, #tpu.memory_space<vmem>>, vector<1280x1xf32>
    %dot_general3A = arith.constant dense<0.000000e+00> : vector<1000x1xf32>
    %dot_general3A_30 = tpu.matmul %reshape3A, %get3A_29, %dot_general3A {dimension_numbers = #tpu.dot_dimension_numbers<[1], [0], [0], [1], [0, 0, 1, 1], [], []>, transpose_lhs_hint = false} : vector<1000x1280xf32>, vector<1280x1xf32>, vector<1000x1xf32> -> vector<1000x1xf32>
    %get3A_31 = arith.constant 0 : index
    %get3A_32 = arith.constant 0 : index
    %get3A_33 = vector.load %arg4[%get3A_31, %get3A_32] : memref<1x1xf32, #tpu.memory_space<vmem>>, vector<1x1xf32>
    %add3A_34 = vector.broadcast %get3A_33 : vector<1x1xf32> to vector<1000x1xf32>
    %add3A_35 = arith.addf %dot_general3A_30, %add3A_34 : vector<1000x1xf32>
    %swap3A = arith.constant 0 : index
    %swap3A_36 = arith.constant 0 : index
    %swap3A_37 = vector.load %arg5[%swap3A, %swap3A_36] : memref<1000x1xf32, #tpu.memory_space<vmem>>, vector<1000x1xf32>
    tpu.vector_store %arg5[%swap3A, %swap3A_36], %add3A_35 {strides = array<i32>} : memref<1000x1xf32, #tpu.memory_space<vmem>>, vector<1000x1xf32>,
    return
  }
}

</mosaic_0001>

<sc_bundles>
// kernel: kernel.11.cloned.1.call-start
scs
__scs_entry_jumppad:
0x0: {  	(pc) =	sbr.rel $0x88, $3  }
0x1: {  	(tag) =	ssettag $0x0;
	lr =	simm.s32 $0x1  }
0x2: {  	[smem:$0x3F98] =	sst lr;
	_ =	strace $0xD0000000  }
0x3: {  	_ = 	snop  }
0x4: {  	_ = 	snop  }
0x5: {  	_ = 	snop  }
0x6: {  	_ = 	snop  }
0x7: {  	_ = 	snop  }
__scs_overlays_trampoline_lowered:
0x8: {  	[smem:$0x3FA7] =	sst s0  }
0x9: {  	[smem:$0x3FA8] =	sst s1  }
0xa: {  	[smem:$0x3FA9] =	sst s2  }
0xb: {  	[smem:$0x3FAA] =	sst s3  }
0xc: {  	[smem:$0x3FAB] =	sst s4  }
0xd: {  	[smem:$0x3FAC] =	sst s5  }
0xe: {  	[smem:$0x3FAD] =	sst s6  }
0xf: {  	[smem:$0x3FAE] =	sst s7  }
0x10: {  	[smem:$0x3FAF] =	sst s8  }
0x11: {  	[smem:$0x3FB0] =	sst s9;
	s0 =	simm.s32 @!p0 $0x0  }
0x12: {  	s1 =	sld [smem:$0x3F96];
	s0 =	simm.s32 @p0 $0x1  }
0x13: {  	[smem:$0x3FB1] =	sst s0;
	s0 =	simm.s32 @!p1 $0x0  }
0x14: {  	s2 =	sld [smem:$0x3F95];
	s0 =	simm.s32 @p1 $0x1  }
0x15: {  	[smem:$0x3FB2] =	sst s0;
	s0 =	simm.s32 @!p2 $0x0  }
0x16: {  	s3 =	sld [smem:$0x3FDB];
	s0 =	simm.s32 @p2 $0x1  }
0x17: {  	s4 =	simm.s32 $0x1BF5;
	[smem:$0x3FB4] =	sst s0  }
0x18: {  	s0 =	sld [smem:$0x3F97];
	_ =	swait.ge [sflag:s4], $0x0  }
0x19: {  	s7 =	sld [smem:$0x3F98]  }
0x1a: {  	s8 =	sadd.s32 $0xFFFFE003, lr  }
0x1b: {  	s9 =	sadd.s32 $0xFFFFFEF7, lr;
	s5 =	simm.s32 $0xFFFFFFFF;
	p2 =	slt.u32 s8, $0xFFFFF086  }
0x1c: {  	p1 =	slt.u32 s9, $0xF7A;
	s5 =	simm.s32 @!p2 $0x0  }
0x1d: {  	s5 =	simm.s32 @p1 $0x1;
	p0 =	seq.s32 s7, s2  }
0x1e: {  	s7 =	smul.u32 @!p0 $0xF7A, s2;
	p2 =	seq.s32 @!p0 s5, $0x0  }
0x1f: {  	s9 =	smul.u32 $0xF7A, s1;
	s8 =	simm.s32 @!p0 $0x1BF5;
	p2 =	por !p2, p0  }
0x20: {  	[sflag:s8] =	ssyncset.s32 @!p0 $0xFFFFF086;
	s6 =	sadd.s32 @!p0 s3, s7;
	s7 =	simm.s32 @!p0 $0x108  }
0x21: {  	s3 =	sadd.s32 s3, s9;
	s6 =	sadd.s32 @!p0 $0x88, s6;
	s7 =	simm.s32 @p2 $0x1082  }
0x22: {  	[simem:s7], [sflag:s8] =	dma.local @!p0 [hbm:s6], $0xF7A  }
0x23: {  	s9 =	sor.u32 $0xD0000000, s2;
	s6 =	simm.s32 $0x108;
	_ =	swait.ge @!p0 [sflag:s8], $0x0  }
0x24: {  	s3 =	sadd.s32 $0x88, s3;
	s6 =	simm.s32 @!p1 $0x1082;
	[sflag:s4] =	ssyncset.s32 $0xFFFFF086  }
0x25: {  	[simem:s6], [sflag:s4] =	dma.local [hbm:s3], $0xF7A  }
0x26: {  	[smem:$0x3F98] =	sst s1;
	(tag) =	ssettag s2;
	_ =	strace s9  }
0x27: {  	s1 =	sld [smem:$0x3FA8]  }
0x28: {  	s2 =	sld [smem:$0x3FA9]  }
0x29: {  	s4 =	sld [smem:$0x3FAB]  }
0x2a: {  	p0 =	seq.s32 s5, $0x0;
	s5 =	sld [smem:$0x3FAC]  }
0x2b: {  	s6 =	sld [smem:$0x3FAD]  }
0x2c: {  	s7 =	sld [smem:$0x3FAE]  }
0x2d: {  	s3 =	simm.s32 $0x108;
	s8 =	sld [smem:$0x3FAF]  }
0x2e: {  	s3 =	simm.s32 @!p0 $0x1082;
	s9 =	sld [smem:$0x3FB0]  }
0x2f: {  	lr =	sadd.s32 s0, s3;
	s0 =	sld [smem:$0x3FA7]  }
0x30: {  	s3 =	sld [smem:$0x3FAA]  }
0x31: {  	[smem:$0x3FB3] =	sst s10  }
0x32: {  	s10 =	sld [smem:$0x3FB1];
	_ =	sdelay $0x3  }
0x33: {  	p0 =	seq.s32 s10, $0x1;
	s10 =	sld [smem:$0x3FB3];
	_ =	sdelay $0x3  }
0x34: {  	[smem:$0x3FB3] =	sst s10  }
0x35: {  	s10 =	sld [smem:$0x3FB2];
	_ =	sdelay $0x3  }
0x36: {  	p1 =	seq.s32 s10, $0x1;
	s10 =	sld [smem:$0x3FB3];
	_ =	sdelay $0x3  }
0x37: {  	[smem:$0x3FB3] =	sst s10  }
0x38: {  	s10 =	sld [smem:$0x3FB4]  }
0x39: {  	_ = 	snop;
	(pc) =	sbr.ind lr, $3  }
0x3a: {  	_ = 	snop  }
0x3b: {  	_ = 	snop  }
0x3c: {  	p2 =	seq.s32 s10, $0x1;
	s10 =	sld [smem:$0x3FB3]  }
0x3d: {  	_ =	shalt  }
0x3e: {  	_ =	shalt  }
0x3f: {  	_ =	shalt  }
0x40: {  	_ =	shalt  }
0x41: {  	_ =	shalt  }
0x42: {  	_ =	shalt  }
0x43: {  	_ =	shalt  }
0x44: {  	_ =	shalt  }
0x45: {  	_ =	shalt  }
0x46: {  	_ =	shalt  }
0x47: {  	_ =	shalt  }
0x48: {  	_ =	shalt  }
0x49: {  	_ =	shalt  }
0x4a: {  	_ =	shalt  }
0x4b: {  	_ =	shalt  }
0x4c: {  	_ =	shalt  }
0x4d: {  	_ =	shalt  }
0x4e: {  	_ =	shalt  }
0x4f: {  	_ =	shalt  }
0x50: {  	_ =	shalt  }
0x51: {  	_ =	shalt  }
0x52: {  	_ =	shalt  }
0x53: {  	_ =	shalt  }
0x54: {  	_ =	shalt  }
0x55: {  	_ =	shalt  }
0x56: {  	_ =	shalt  }
0x57: {  	_ =	shalt  }
0x58: {  	_ =	shalt  }
0x59: {  	_ =	shalt  }
0x5a: {  	_ =	shalt  }
0x5b: {  	_ =	shalt  }
0x5c: {  	_ =	shalt  }
0x5d: {  	_ =	shalt  }
0x5e: {  	_ =	shalt  }
0x5f: {  	_ =	shalt  }
0x60: {  	_ =	shalt  }
0x61: {  	_ =	shalt  }
0x62: {  	_ =	shalt  }
0x63: {  	_ =	shalt  }
0x64: {  	_ =	shalt  }
0x65: {  	_ =	shalt  }
0x66: {  	_ =	shalt  }
0x67: {  	_ =	shalt  }
0x68: {  	_ =	shalt  }
0x69: {  	_ =	shalt  }
0x6a: {  	_ =	shalt  }
0x6b: {  	_ =	shalt  }
0x6c: {  	_ =	shalt  }
0x6d: {  	_ =	shalt  }
0x6e: {  	_ =	shalt  }
0x6f: {  	_ =	shalt  }
0x70: {  	_ =	shalt  }
0x71: {  	_ =	shalt  }
0x72: {  	_ =	shalt  }
0x73: {  	_ =	shalt  }
0x74: {  	_ =	shalt  }
0x75: {  	_ =	shalt  }
0x76: {  	_ =	shalt  }
0x77: {  	_ =	shalt  }
0x78: {  	_ =	shalt  }
0x79: {  	_ =	shalt  }
0x7a: {  	_ =	shalt  }
0x7b: {  	_ =	shalt  }
0x7c: {  	_ =	shalt  }
0x7d: {  	_ =	shalt  }
0x7e: {  	_ =	shalt  }
0x7f: {  	_ =	shalt  }
0x80: {  	_ =	shalt  }
0x81: {  	_ =	shalt  }
0x82: {  	_ =	shalt  }
0x83: {  	_ =	shalt  }
0x84: {  	_ =	shalt  }
0x85: {  	_ =	shalt  }
0x86: {  	_ =	shalt  }
0x87: {  	_ =	shalt  }
.Lfunc_end0:
.L_simem_size_0:
called_computation.1_lowered:
.L_overlay_start_0:
0x88: {  	s2 =	sld [smem:$0x3FD9]  }
0x89: {  	s3 =	sld [smem:$0x3FFE];
	_ =	sdelay $0x1  }
0x8a: {  	s1 =	srdreg.scid  }
0x8b: {  	s0 =	sand.u32 $0x1, s1  }
0x8c: {  	s16 =	sshll.u32 s0, $0xA;
	s2 =	sadd.s32 s3, s2  }
0x8d: {  	s2 =	sadd.s32 s2, s16  }
0x8e: {  	[smem:$0x3FBF] =	sst s2  }
0x8f: {  	_ = 	snop  }
0x90: {  	(tm) =	ssettm $0x1  }
0x91: {  	s17 =	sld [smem:$0x3FFB];
	_ =	sdelay $0x3  }
0x92: {  	_ =	strace s17  }
0x93: {  	s2 =	sld [smem:$0x3FFC];
	_ =	sdelay $0x3  }
0x94: {  	_ =	strace s2  }
0x95: {  	s2 =	sld [smem:$0x3FFD];
	_ =	sdelay $0x3  }
0x96: {  	_ =	strace s2  }
0x97: {  	_ =	strace $0x8FFFFFFF  }
0x98: {  	s18 =	sld [smem:$0x3FDB];
	_ =	sdelay $0x1  }
0x99: {  	s19 =	simm.s32 $_scs_section_size  }
0x9a: {  	s4 =	simm.s32 $_size__tile_overlayer_lowered;
	s5 =	simm.s32 $_tile_overlayer_lowered  }
0x9b: {  	s22 =	simm.s32 $0x1BFF;
	s21 =	sshll.u32 s5, $0x1;
	s2 =	sadd.s32 s19, s18  }
0x9c: {  	s6 =	simm.s32 $0x0;
	s20 =	sshll.u32 s4, $0x1;
	s4 =	sadd.s32 s21, s2  }
0x9d: {  	[timem:s6], [sflag:s22] =	dma.local [hbm:s4], s20  }
0x9e: {  	_ =	swait.ge [sflag:s22], s20  }
0x9f: {  	s3 =	ssub.s32 $0x0, s20;
	[sflag:s22] =	ssyncset.done $0x0  }
0xa0: {  	[sflag:s22] =	ssyncadd.s32 s3;
	_ =	sdelay $0x1  }
0xa1: {  	s23 =	simm.s32 $0x1B8B  }
0xa2: {  	_ =	swait.ge [sflag:s23], $0x1  }
0xa3: {  	[sflag:s23] =	ssyncset.done $0x0  }
0xa4: {  	s25 =	simm.s32 $0x1B8E;
	s24 =	sld [smem:$0x3FFE];
	[sflag:s23] =	ssyncadd.s32 $0xFFFFFFFF  }
0xa5: {  	s26 =	simm.s32 $execute0_lowered;
	[smem:$0x3FD2] =	sst s25  }
0xa6: {  	s4 =	sshll.u32 s26, $0x1;
	_ =	strace $0x80000049;
	[dreg:$0x1] =	wrdreg $0xFFFFFFFF  }
0xa7: {  	s28 =	simm.s32 $_size_execute0_lowered;
	s2 =	sadd.s32 s2, s4;
	[dreg:$0x0] =	wrdreg $0x0  }
0xa8: {  	s4 =	sshll.u32 s28, $0x1;
	[dreg:$0x2] =	wrdreg s2  }
0xa9: {  	[dreg:$0x3] =	wrdreg s4  }
0xaa: {  	[dreg:$0x4] =	wrdreg $0xC0  }
0xab: {  	_ =	task [dreg:s6], $0x5FFFF  }
0xac: {  	[dreg:$0x1] =	wrdreg $0xFFFFFFFF  }
0xad: {  	[dreg:$0x0] =	wrdreg $0x60  }
0xae: {  	[dreg:$0x2] =	wrdreg s24  }
0xaf: {  	[dreg:$0x3] =	wrdreg $0x90000  }
0xb0: {  	[dreg:$0x4] =	wrdreg $0x9  }
0xb1: {  	_ =	task.clear_ibuf [dreg:s6], $0x5FFFF;
	_ =	strace $0x90000049  }
0xb2: {  	s29 =	simm.s32 $0x9;
	_ =	strace $0x8000004B  }
0xb3: {  	_ =	swait.ge [sflag:s29], $0x1  }
0xb4: {  	[sflag:s29] =	ssyncadd.s32 $0xFFFFFFFF  }
0xb5: {  	_ =	strace $0x9000004B  }
0xb6: {  	_ =	sfence  }
0xb7: {  	s30 =	sld [smem:$0x0];
	_ =	sdelay $0x2  }
0xb8: {  	s31 =	sshll.u32 s1, $0xD;
	s1 =	sshrl.u32 s1, $0x2  }
0xb9: {  	s3 =	sand.u32 $0x4000, s31;
	s1 =	sadd.s32 s1, s30  }
0xba: {  	s0 =	sor.u32 s3, s0;
	s1 =	sshll.u32 s1, $0x11  }
0xbb: {  	s0 =	sor.u32 s1, s0  }
0xbc: {  	s0 =	sadd.s32 $0x8F2B, s0  }
0xbd: {  	[sflag:s0] =	ssyncadd.remote.s32 $0x1  }
0xbe: {  	_ =	sfence.sel $0xFFFF  }
0xbf: {  	[dreg:$0x0] =	wrdreg $0xFFFFFFFF;
	(pc) =	sbr.abs _section_cstart, $3  }
0xc0: {  	[dreg:$0x1] =	wrdreg $0xFFFFFFFF  }
0xc1: {  	_ =	task.clear_ibuf [dreg:s6], $0x2FFFF;
	_ =	strace $0x9FFFFFFF  }
0xc2: {  	(tm) =	ssettm $0x7FFFFFFF  }
0xc3: {  	_ =	shalt  }
tec
execute0_lowered:
.L_overlay_start_1:
0x0: {  	(tag) =	ssettag $0x1  }
0x1: {  	s0 =	rddreg [dreg:$0x0]  }
0x2: {  	s1 =	rddreg [dreg:$0x1];
	s3 =	simm.s32 $0x0;
	s2 =	srdreg.scid  }
0x3: {  	s12 =	stileid.u32;
	s28 =	simm.s32 $0x8;
	s30 =	simm.s32 $0x4  }
0x4: {  	s31 =	simm.s32 $0x6;
	[smem:$0x7FF] =	sst s3;
	s2 =	sand.u32 $0x1, s2  }
0x5: {  	s5 =	sshll.u32 s12, $0x1;
	s4 =	sadd.s32 $0x16E00, s0;
	s8 =	smul.u32 $0x13C00, s12  }
0x6: {  	s6 =	sadd.s32 $0x2E00, s0;
	s10 =	sadd.s32 $0x3E600, s0;
	s22 =	smul.u32 $0x4F000, s12  }
0x7: {  	s23 =	smul.u32 $0x5000, s12;
	s29 =	sshll.u32 s12, $0x6;
	_ =	strace $0x8000004A  }
0x8: {  	s7 =	smul.u32 $0x13C000, s2;
	s9 =	sor.u32 s2, s5;
	s5 =	sadd.s32 $0xCE00, s0  }
0x9: {  	[dreg:$0x3] =	wrdreg s10;
	s16 =	ssub.s32 $0x2, s2;
	s2 =	smul.u32 $0x2800, s2  }
0xa: {  	s14 =	sor.u32 $0x1C09, s29;
	s9 =	smul.u32 $0x2800, s9;
	s17 =	sshrl.u32 s16, $0x1  }
0xb: {  	s26 =	sshrl.u32 s22, $0x2;
	[dreg:$0xb] =	wrdreg s14;
	s7 =	sadd.s32 s8, s7  }
0xc: {  	s18 =	ssub.s32 s16, s17;
	s10 =	sadd.s32 s26, s1;
	s2 =	sadd.s32 s2, s23  }
0xd: {  	s7 =	sshrl.u32 s7, $0x3;
	s9 =	sshrl.u32 s9, $0x3;
	s12 =	sadd.s32 $0xC00, s2  }
0xe: {  	s13 =	sadd.s32 $0x4000, s10;
	s15 =	sadd.s32 $0xA00, s2;
	s16 =	sor.u32 $0x600, s2  }
0xf: {  	s2 =	sadd.s32 $0x800, s2;
	s26 =	sadd.s32 $0x10000, s10;
	[dreg:$0xa] =	wrdreg s10  }
0x10: {  	s29 =	sadd.s32 $0xC000, s10;
	s0 =	sadd.s32 s7, s0;
	s19 =	sadd.s32 s5, s9  }
0x11: {  	s20 =	sadd.s32 s6, s9;
	s21 =	sor.u32 $0x40, s9;
	[dreg:$0xe] =	wrdreg s2  }
0x12: {  	s9 =	sor.u32 $0x80, s9;
	s17 =	sshrl.u32 s16, $0x3;
	[dreg:$0x4] =	wrdreg s19  }
0x13: {  	s22 =	sshrl.u32 s13, $0x3;
	s2 =	sshrl.u32 s29, $0x3;
	[dreg:$0x5] =	wrdreg s20  }
0x14: {  	s13 =	simm.s32 $0x1;
	s16 =	simm.s32 $0x1000;
	[dreg:$0xf] =	wrdreg s22  }
0x15: {  	s7 =	simm.s32 $0x5;
	s11 =	sadd.s32 s5, s21;
	[dreg:$0x11] =	wrdreg s2  }
0x16: {  	s8 =	sadd.s32 s6, s21;
	s24 =	sadd.s32 s5, s9;
	[dreg:$0x6] =	wrdreg s11  }
0x17: {  	s25 =	sadd.s32 s6, s9;
	s0 =	sadd.s32 $0x3EE00, s0;
	[dreg:$0x7] =	wrdreg s8  }
0x18: {  	s23 =	sadd.s32 s17, s6;
	s2 =	simm.s32 $0x800;
	[dreg:$0x8] =	wrdreg s24  }
0x19: {  	s22 =	simm.s32 $0x2;
	s9 =	simm.s32 $0xE00;
	[dreg:$0x9] =	wrdreg s25  }
0x1a: {  	[dreg:$0xc] =	wrdreg s0;
	s11 =	smax.u32 s18, $0x1;
	s0 =	sshrl.u32 s12, $0x3  }
0x1b: {  	s8 =	sshrl.u32 s15, $0x3;
	s24 =	sadd.s32 s17, s5;
	s25 =	sadd.s32 $0x8000, s10  }
0x1c: {  	s10 =	simm.s32 $0x3;
	s12 =	simm.s32 $0x5000;
	s17 =	simm.s32 $0x7  }
.Ltmp0:
0x1d: {  	s15 =	simm.s32 $0xC00;
	[dreg:$0xd] =	wrdreg s11;
	(pc) =	sbr.rel .LBB2_1-.Ltmp0, $4  }
0x1e: {  	s18 =	sadd.s32 s0, s6;
	s19 =	sadd.s32 s0, s5;
	s20 =	sadd.s32 s8, s6  }
0x1f: {  	s21 =	sadd.s32 s8, s5;
	s0 =	sshrl.u32 s25, $0x3;
	s8 =	simm.s32 $0xA00  }
0x20: {  	s11 =	simm.s32 $0x80;
	[dreg:$0x10] =	wrdreg s0;
	s0 =	sshrl.u32 s26, $0x3  }
0x21: {  	s25 =	simm.s32 $0x0;
	s26 =	simm.s32 $0x9;
	[dreg:$0x12] =	wrdreg s0  }
.LBB2_4:
0x22: {  	_ =	swait.ge [sflag:s17], $0x4000  }
0x23: {  	[sflag:s17] =	ssyncset.done $0x0  }
0x24: {  	[sflag:s17] =	ssyncadd.s32 $0xFFFFC000  }
0x25: {  	_ =	swait.ge [sflag:s28], $0x4000  }
0x26: {  	[sflag:s28] =	ssyncset.done $0x0  }
0x27: {  	[sflag:s28] =	ssyncadd.s32 $0xFFFFC000  }
0x28: {  	[bflag:$0x0] =	sbarrier.arrive $0xFFFF  }
0x29: {  	s14 =	rddreg [dreg:$0xb]  }
0x2a: {  	s0 =	rddreg [dreg:$0xc]  }
0x2b: {  	s26 =	simm.s32 $0x9;
	s25 =	rddreg [dreg:$0x14]  }
0x2c: {  	[hbm:s0], [sflag:s14] =	dma.local [spmem:s25], $0x2780  }
0x2d: {  	_ =	swait.ge [sflag:s26], $0x2780  }
0x2e: {  	s0 =	rddreg [dreg:$0x13]  }
0x2f: {  	s29 =	rddreg [dreg:$0xd];
	s25 =	sadd.s32 $0x1, s0  }
0x30: {  	p0 =	sne.s32 s25, s29  }
.Ltmp1:
0x31: {  	_ = 	snop;
	(pc) =	sbr.rel @!p0 .LBB2_5-.Ltmp1, $3  }
0x32: {  	_ =	sdelay $0x1  }
0x33: {  	[sflag:s26] =	ssyncset.done $0x0  }
0x34: {  	[sflag:s26] =	ssyncadd.s32 $0xFFFFD880  }
.LBB2_1:
0x35: {  	[dreg:$0x13] =	wrdreg s25  }
0x36: {  	s0 =	rddreg [dreg:$0x4]  }
0x37: {  	[tilespmem:s3], [sflag:$0x3] =	stream.linear.gather [hbm4b:s0+s3], $0x200, $0x38;
	[tilespmem:$0x1CC00] =	vst v63  }
0x38: {  	s25 =	rddreg [dreg:$0x5];
	s29 =	simm.s32 $0x200  }
0x39: {  	[tilespmem:s29], [sflag:$0x3] =	stream.linear.gather [hbm4b:s25+s3], $0x200, $0x38;
	[tilespmem:$0x1CC00] =	vst v63  }
0x3a: {  	s25 =	rddreg [dreg:$0x6];
	s29 =	simm.s32 $0x400  }
0x3b: {  	[tilespmem:s29], [sflag:$0x4] =	stream.linear.gather [hbm4b:s25+s3], $0x200, $0x38;
	[tilespmem:$0x1CC00] =	vst v63  }
0x3c: {  	s25 =	rddreg [dreg:$0x7];
	s29 =	simm.s32 $0x600  }
0x3d: {  	[tilespmem:s29], [sflag:$0x4] =	stream.linear.gather [hbm4b:s25+s3], $0x200, $0x38;
	[tilespmem:$0x1CC00] =	vst v63  }
0x3e: {  	s25 =	rddreg [dreg:$0x8]  }
0x3f: {  	s29 =	rddreg [dreg:$0x9]  }
0x40: {  	[tilespmem:s2], [sflag:$0x5] =	stream.linear.gather [hbm4b:s25+s3], $0x200, $0x38;
	[tilespmem:$0x1CC00] =	vst v63  }
0x41: {  	s25 =	rddreg [dreg:$0xa]  }
0x42: {  	[tilespmem:s8], [sflag:$0x5] =	stream.linear.gather [hbm4b:s29+s3], $0x200, $0x38;
	[tilespmem:$0x1CC00] =	vst v63  }
0x43: {  	s0 =	rddreg [dreg:$0x3];
	s29 =	sshrl.u32 s25, $0x3  }
0x44: {  	[dreg:$0x14] =	wrdreg s29  }
0x45: {  	[spmem:s29], [sflag:s14] =	dma.local [hbm:s0], $0x800  }
0x46: {  	_ =	swait.ge [sflag:s26], $0x800  }
0x47: {  	[sflag:s26] =	ssyncset.done $0x0  }
0x48: {  	s29 =	rddreg [dreg:$0xf];
	[sflag:s26] =	ssyncadd.s32 $0xFFFFF800  }
0x49: {  	[spmem:s29], [sflag:s14] =	dma.local [hbm:s0], $0x800  }
0x4a: {  	_ =	swait.ge [sflag:s26], $0x800  }
0x4b: {  	[sflag:s26] =	ssyncset.done $0x0  }
0x4c: {  	s29 =	rddreg [dreg:$0x10];
	[sflag:s26] =	ssyncadd.s32 $0xFFFFF800  }
0x4d: {  	[spmem:s29], [sflag:s14] =	dma.local [hbm:s0], $0x800  }
0x4e: {  	_ =	swait.ge [sflag:s26], $0x800  }
0x4f: {  	[sflag:s26] =	ssyncset.done $0x0  }
0x50: {  	s29 =	rddreg [dreg:$0x11];
	[sflag:s26] =	ssyncadd.s32 $0xFFFFF800  }
0x51: {  	[spmem:s29], [sflag:s14] =	dma.local [hbm:s0], $0x800  }
0x52: {  	_ =	swait.ge [sflag:s26], $0x800  }
0x53: {  	[sflag:s26] =	ssyncset.done $0x0  }
0x54: {  	s29 =	rddreg [dreg:$0x12];
	[sflag:s26] =	ssyncadd.s32 $0xFFFFF800  }
0x55: {  	[spmem:s29], [sflag:s14] =	dma.local [hbm:s0], $0x780  }
0x56: {  	_ =	swait.ge [sflag:s26], $0x780  }
0x57: {  	[sflag:s26] =	ssyncset.done $0x0  }
0x58: {  	[sflag:s26] =	ssyncadd.s32 $0xFFFFF880  }
0x59: {  	[bflag:$0x0] =	sbarrier.arrive $0xFFFF  }
0x5a: {  	s26 =	simm.s32 $0x0;
	s25 =	rddreg [dreg:$0xe]  }
.LBB2_2:
0x5b: {  	_ =	swait.ge [sflag:s10], $0x200  }
0x5c: {  	[sflag:s10] =	ssyncset.done $0x0  }
0x5d: {  	[sflag:s10] =	ssyncadd.s32 $0xFFFFFE00  }
0x5e: {  	p0 =	seq.s32 s26, $0x0;
	_ =	swait.ge [sflag:s10], $0x200  }
0x5f: {  	s29 =	simm.s32 @p0 $0x80;
	[sflag:s10] =	ssyncset.done $0x0  }
0x60: {  	s14 =	simm.s32 @p0 $0x0;
	s0 =	simm.s32 @p0 $0x1000;
	[sflag:s10] =	ssyncadd.s32 $0xFFFFFE00  }
0x61: {  	[tilespmem:s0], [sflag:$0x1] =	stream.indirect.gather @p0 [hbm4b:s4+s29], $0x80, s14, s29, $0xb8;
	[tilespmem:$0x1CC00] =	vst v63  }
0x62: {  	s0 =	simm.s32 @!p0 $0x7  }
0x63: {  	_ =	swait.ge @!p0 [sflag:s0], $0x4000  }
0x64: {  	s14 =	simm.s32 @!p0 $0x0;
	[sflag:s0] =	ssyncset.done @!p0 $0x0  }
0x65: {  	s29 =	simm.s32 @!p0 $0x1000;
	[sflag:s0] =	ssyncadd.s32 @!p0 $0xFFFFC000;
	s0 =	simm.s32 @!p0 $0x80  }
0x66: {  	[tilespmem:s29], [sflag:$0x1] =	stream.indirect.gather @!p0 [hbm4b:s4+s0], $0x80, s14, s0, $0xb8;
	[tilespmem:$0x1CC00] =	vst v63  }
0x67: {  	s0 =	simm.s32 @!p0 $0x8  }
0x68: {  	_ =	swait.ge @!p0 [sflag:s0], $0x4000  }
0x69: {  	[sflag:s0] =	ssyncset.done @!p0 $0x0  }
0x6a: {  	[sflag:s0] =	ssyncadd.s32 @!p0 $0xFFFFC000  }
0x6b: {  	[tilespmem:s12], [sflag:$0x2] =	stream.indirect.gather [hbm4b:s4+s11], $0x80, s11, s11, $0xb8;
	[tilespmem:$0x1CC00] =	vst v63  }
0x6c: {  	_ =	swait.ge [sflag:s13], $0x4000  }
0x6d: {  	[sflag:s13] =	ssyncset.done $0x0  }
0x6e: {  	s14 =	simm.s32 $0x200;
	[sflag:s13] =	ssyncadd.s32 $0xFFFFC000  }
0x6f: {  	[spmem:s1] =	stream.indirect.scatter.add.f32 [tilespmem:s16], [sflag:$0x7], $0x80, s14, s11, $0xb8;
	[tilespmem:$0x1CC00] =	vst v63  }
0x70: {  	_ =	swait.ge [sflag:s17], $0x4000  }
0x71: {  	[sflag:s17] =	ssyncset.done $0x0  }
0x72: {  	s29 =	simm.s32 $0x100;
	[sflag:s17] =	ssyncadd.s32 $0xFFFFC000  }
0x73: {  	[tilespmem:s16], [sflag:$0x1] =	stream.indirect.gather [hbm4b:s4+s11], $0x80, s29, s11, $0xb8;
	[tilespmem:$0x1CC00] =	vst v63  }
0x74: {  	_ =	swait.ge [sflag:s22], $0x4000  }
0x75: {  	[sflag:s22] =	ssyncset.done $0x0  }
0x76: {  	s14 =	simm.s32 $0x280;
	[sflag:s22] =	ssyncadd.s32 $0xFFFFC000  }
0x77: {  	[spmem:s1] =	stream.indirect.scatter.add.f32 [tilespmem:s12], [sflag:$0x8], $0x80, s14, s11, $0xb8;
	[tilespmem:$0x1CC00] =	vst v63  }
0x78: {  	_ =	swait.ge [sflag:s28], $0x4000  }
0x79: {  	[sflag:s28] =	ssyncset.done $0x0  }
0x7a: {  	s29 =	simm.s32 $0x180;
	[sflag:s28] =	ssyncadd.s32 $0xFFFFC000  }
0x7b: {  	[tilespmem:s12], [sflag:$0x2] =	stream.indirect.gather [hbm4b:s4+s11], $0x80, s29, s11, $0xb8;
	[tilespmem:$0x1CC00] =	vst v63  }
0x7c: {  	_ =	swait.ge [sflag:s13], $0x4000  }
0x7d: {  	[sflag:s13] =	ssyncset.done $0x0  }
0x7e: {  	s14 =	simm.s32 $0x300;
	[sflag:s13] =	ssyncadd.s32 $0xFFFFC000  }
0x7f: {  	[spmem:s1] =	stream.indirect.scatter.add.f32 [tilespmem:s16], [sflag:$0x7], $0x80, s14, s11, $0xb8;
	[tilespmem:$0x1CC00] =	vst v63  }
0x80: {  	_ =	swait.ge [sflag:s22], $0x4000  }
0x81: {  	[sflag:s22] =	ssyncset.done $0x0  }
0x82: {  	s29 =	simm.s32 $0x380;
	[sflag:s22] =	ssyncadd.s32 $0xFFFFC000  }
0x83: {  	[spmem:s1] =	stream.indirect.scatter.add.f32 [tilespmem:s12], [sflag:$0x8], $0x80, s29, s11, $0xb8;
	[tilespmem:$0x1CC00] =	vst v63  }
0x84: {  	s14 =	sadd.s32 s26, s24  }
0x85: {  	[tilespmem:s15], [sflag:$0x6] =	stream.linear.gather [hbm4b:s14+s3], $0x200, $0x38;
	[tilespmem:$0x1CC00] =	vst v63  }
0x86: {  	s29 =	sadd.s32 s26, s23  }
0x87: {  	[tilespmem:s9], [sflag:$0x6] =	stream.linear.gather [hbm4b:s29+s3], $0x200, $0x38;
	[tilespmem:$0x1CC00] =	vst v63  }
0x88: {  	_ =	swait.ge [sflag:s30], $0x200  }
0x89: {  	[sflag:s30] =	ssyncset.done $0x0  }
0x8a: {  	[sflag:s30] =	ssyncadd.s32 $0xFFFFFE00  }
0x8b: {  	_ =	swait.ge [sflag:s30], $0x200  }
0x8c: {  	[sflag:s30] =	ssyncset.done $0x0  }
0x8d: {  	[sflag:s30] =	ssyncadd.s32 $0xFFFFFE00  }
0x8e: {  	_ =	swait.ge [sflag:s17], $0x4000  }
0x8f: {  	[sflag:s17] =	ssyncset.done $0x0  }
0x90: {  	s14 =	simm.s32 $0x400;
	[sflag:s17] =	ssyncadd.s32 $0xFFFFC000  }
0x91: {  	[tilespmem:s16], [sflag:$0x1] =	stream.indirect.gather [hbm4b:s4+s11], $0x80, s14, s11, $0xb8;
	[tilespmem:$0x1CC00] =	vst v63  }
0x92: {  	_ =	swait.ge [sflag:s28], $0x4000  }
0x93: {  	[sflag:s28] =	ssyncset.done $0x0  }
0x94: {  	s29 =	simm.s32 $0x480;
	[sflag:s28] =	ssyncadd.s32 $0xFFFFC000  }
0x95: {  	[tilespmem:s12], [sflag:$0x2] =	stream.indirect.gather [hbm4b:s4+s11], $0x80, s29, s11, $0xb8;
	[tilespmem:$0x1CC00] =	vst v63  }
0x96: {  	_ =	swait.ge [sflag:s13], $0x4000  }
0x97: {  	[sflag:s13] =	ssyncset.done $0x0  }
0x98: {  	s14 =	simm.s32 $0x600;
	[sflag:s13] =	ssyncadd.s32 $0xFFFFC000  }
0x99: {  	[spmem:s1] =	stream.indirect.scatter.add.f32 [tilespmem:s16], [sflag:$0x7], $0x80, s14, s11, $0xb8;
	[tilespmem:$0x1CC00] =	vst v63  }
0x9a: {  	_ =	swait.ge [sflag:s17], $0x4000  }
0x9b: {  	[sflag:s17] =	ssyncset.done $0x0  }
0x9c: {  	s29 =	simm.s32 $0x500;
	[sflag:s17] =	ssyncadd.s32 $0xFFFFC000  }
0x9d: {  	[tilespmem:s16], [sflag:$0x1] =	stream.indirect.gather [hbm4b:s4+s11], $0x80, s29, s11, $0xb8;
	[tilespmem:$0x1CC00] =	vst v63  }
0x9e: {  	_ =	swait.ge [sflag:s22], $0x4000  }
0x9f: {  	[sflag:s22] =	ssyncset.done $0x0  }
0xa0: {  	s14 =	simm.s32 $0x680;
	[sflag:s22] =	ssyncadd.s32 $0xFFFFC000  }
0xa1: {  	[spmem:s1] =	stream.indirect.scatter.add.f32 [tilespmem:s12], [sflag:$0x8], $0x80, s14, s11, $0xb8;
	[tilespmem:$0x1CC00] =	vst v63  }
0xa2: {  	_ =	swait.ge [sflag:s28], $0x4000  }
0xa3: {  	[sflag:s28] =	ssyncset.done $0x0  }
0xa4: {  	s29 =	simm.s32 $0x580;
	[sflag:s28] =	ssyncadd.s32 $0xFFFFC000  }
0xa5: {  	[tilespmem:s12], [sflag:$0x2] =	stream.indirect.gather [hbm4b:s4+s11], $0x80, s29, s11, $0xb8;
	[tilespmem:$0x1CC00] =	vst v63  }
0xa6: {  	_ =	swait.ge [sflag:s13], $0x4000  }
0xa7: {  	[sflag:s13] =	ssyncset.done $0x0  }
0xa8: {  	s14 =	simm.s32 $0x700;
	[sflag:s13] =	ssyncadd.s32 $0xFFFFC000  }
0xa9: {  	[spmem:s1] =	stream.indirect.scatter.add.f32 [tilespmem:s16], [sflag:$0x7], $0x80, s14, s11, $0xb8;
	[tilespmem:$0x1CC00] =	vst v63  }
0xaa: {  	_ =	swait.ge [sflag:s22], $0x4000  }
0xab: {  	p0 =	seq.s32 s26, $0x400;
	[sflag:s22] =	ssyncset.done $0x0  }
0xac: {  	s0 =	sshrl.u32 @!p0 s25, $0x3;
	s29 =	simm.s32 $0x780;
	[sflag:s22] =	ssyncadd.s32 $0xFFFFC000  }
0xad: {  	[spmem:s1] =	stream.indirect.scatter.add.f32 [tilespmem:s12], [sflag:$0x8], $0x80, s29, s11, $0xb8;
	[tilespmem:$0x1CC00] =	vst v63  }
0xae: {  	s14 =	sadd.s32 @!p0 s5, s0;
	s29 =	simm.s32 @!p0 $0x0  }
0xaf: {  	[tilespmem:s29], [sflag:$0x3] =	stream.linear.gather @!p0 [hbm4b:s14+s29], $0x200, $0x38;
	[tilespmem:$0x1CC00] =	vst v63  }
0xb0: {  	s0 =	sadd.s32 @!p0 s6, s0;
	s14 =	simm.s32 @!p0 $0x200  }
0xb1: {  	[tilespmem:s14], [sflag:$0x3] =	stream.linear.gather @!p0 [hbm4b:s0+s29], $0x200, $0x38;
	[tilespmem:$0x1CC00] =	vst v63  }
0xb2: {  	_ =	swait.ge [sflag:s7], $0x200  }
0xb3: {  	[sflag:s7] =	ssyncset.done $0x0  }
0xb4: {  	[sflag:s7] =	ssyncadd.s32 $0xFFFFFE00  }
0xb5: {  	_ =	swait.ge [sflag:s7], $0x200  }
0xb6: {  	[sflag:s7] =	ssyncset.done $0x0  }
0xb7: {  	[sflag:s7] =	ssyncadd.s32 $0xFFFFFE00  }
0xb8: {  	_ =	swait.ge [sflag:s17], $0x4000  }
0xb9: {  	[sflag:s17] =	ssyncset.done $0x0  }
0xba: {  	[sflag:s17] =	ssyncadd.s32 $0xFFFFC000  }
0xbb: {  	[tilespmem:s16], [sflag:$0x1] =	stream.indirect.gather [hbm4b:s4+s11], $0x80, s2, s11, $0xb8;
	[tilespmem:$0x1CC00] =	vst v63  }
0xbc: {  	_ =	swait.ge [sflag:s28], $0x4000  }
0xbd: {  	[sflag:s28] =	ssyncset.done $0x0  }
0xbe: {  	s14 =	simm.s32 $0x880;
	[sflag:s28] =	ssyncadd.s32 $0xFFFFC000  }
0xbf: {  	[tilespmem:s12], [sflag:$0x2] =	stream.indirect.gather [hbm4b:s4+s11], $0x80, s14, s11, $0xb8;
	[tilespmem:$0x1CC00] =	vst v63  }
0xc0: {  	_ =	swait.ge [sflag:s13], $0x4000  }
0xc1: {  	[sflag:s13] =	ssyncset.done $0x0  }
0xc2: {  	[sflag:s13] =	ssyncadd.s32 $0xFFFFC000  }
0xc3: {  	[spmem:s1] =	stream.indirect.scatter.add.f32 [tilespmem:s16], [sflag:$0x7], $0x80, s8, s11, $0xb8;
	[tilespmem:$0x1CC00] =	vst v63  }
0xc4: {  	_ =	swait.ge [sflag:s17], $0x4000  }
0xc5: {  	[sflag:s17] =	ssyncset.done $0x0  }
0xc6: {  	s14 =	simm.s32 $0x900;
	[sflag:s17] =	ssyncadd.s32 $0xFFFFC000  }
0xc7: {  	[tilespmem:s16], [sflag:$0x1] =	stream.indirect.gather [hbm4b:s4+s11], $0x80, s14, s11, $0xb8;
	[tilespmem:$0x1CC00] =	vst v63  }
0xc8: {  	_ =	swait.ge [sflag:s22], $0x4000  }
0xc9: {  	[sflag:s22] =	ssyncset.done $0x0  }
0xca: {  	s14 =	simm.s32 $0xA80;
	[sflag:s22] =	ssyncadd.s32 $0xFFFFC000  }
0xcb: {  	[spmem:s1] =	stream.indirect.scatter.add.f32 [tilespmem:s12], [sflag:$0x8], $0x80, s14, s11, $0xb8;
	[tilespmem:$0x1CC00] =	vst v63  }
0xcc: {  	_ =	swait.ge [sflag:s28], $0x4000  }
0xcd: {  	[sflag:s28] =	ssyncset.done $0x0  }
0xce: {  	s14 =	simm.s32 $0x980;
	[sflag:s28] =	ssyncadd.s32 $0xFFFFC000  }
0xcf: {  	[tilespmem:s12], [sflag:$0x2] =	stream.indirect.gather [hbm4b:s4+s11], $0x80, s14, s11, $0xb8;
	[tilespmem:$0x1CC00] =	vst v63  }
0xd0: {  	_ =	swait.ge [sflag:s13], $0x4000  }
0xd1: {  	[sflag:s13] =	ssyncset.done $0x0  }
0xd2: {  	s14 =	simm.s32 $0xB00;
	[sflag:s13] =	ssyncadd.s32 $0xFFFFC000  }
0xd3: {  	[spmem:s1] =	stream.indirect.scatter.add.f32 [tilespmem:s16], [sflag:$0x7], $0x80, s14, s11, $0xb8;
	[tilespmem:$0x1CC00] =	vst v63  }
0xd4: {  	_ =	swait.ge [sflag:s22], $0x4000  }
0xd5: {  	[sflag:s22] =	ssyncset.done $0x0  }
0xd6: {  	s14 =	simm.s32 $0xB80;
	[sflag:s22] =	ssyncadd.s32 $0xFFFFC000  }
0xd7: {  	[spmem:s1] =	stream.indirect.scatter.add.f32 [tilespmem:s12], [sflag:$0x8], $0x80, s14, s11, $0xb8;
	[tilespmem:$0x1CC00] =	vst v63  }
0xd8: {  	s0 =	sadd.s32 @!p0 s26, s21;
	s14 =	simm.s32 @!p0 $0x400  }
0xd9: {  	[tilespmem:s14], [sflag:$0x4] =	stream.linear.gather @!p0 [hbm4b:s0+s29], $0x200, $0x38;
	[tilespmem:$0x1CC00] =	vst v63  }
0xda: {  	s0 =	sadd.s32 @!p0 s26, s20;
	s14 =	simm.s32 @!p0 $0x600  }
0xdb: {  	[tilespmem:s14], [sflag:$0x4] =	stream.linear.gather @!p0 [hbm4b:s0+s29], $0x200, $0x38;
	[tilespmem:$0x1CC00] =	vst v63  }
0xdc: {  	_ =	swait.ge [sflag:s31], $0x200  }
0xdd: {  	[sflag:s31] =	ssyncset.done $0x0  }
0xde: {  	[sflag:s31] =	ssyncadd.s32 $0xFFFFFE00  }
0xdf: {  	_ =	swait.ge [sflag:s31], $0x200  }
0xe0: {  	[sflag:s31] =	ssyncset.done $0x0  }
0xe1: {  	[sflag:s31] =	ssyncadd.s32 $0xFFFFFE00  }
0xe2: {  	_ =	swait.ge [sflag:s17], $0x4000  }
0xe3: {  	[sflag:s17] =	ssyncset.done $0x0  }
0xe4: {  	[sflag:s17] =	ssyncadd.s32 $0xFFFFC000  }
0xe5: {  	[tilespmem:s16], [sflag:$0x1] =	stream.indirect.gather [hbm4b:s4+s11], $0x80, s15, s11, $0xb8;
	[tilespmem:$0x1CC00] =	vst v63  }
0xe6: {  	_ =	swait.ge [sflag:s28], $0x4000  }
0xe7: {  	[sflag:s28] =	ssyncset.done $0x0  }
0xe8: {  	s14 =	simm.s32 $0xC80;
	[sflag:s28] =	ssyncadd.s32 $0xFFFFC000  }
0xe9: {  	[tilespmem:s12], [sflag:$0x2] =	stream.indirect.gather [hbm4b:s4+s11], $0x80, s14, s11, $0xb8;
	[tilespmem:$0x1CC00] =	vst v63  }
0xea: {  	_ =	swait.ge [sflag:s13], $0x4000  }
0xeb: {  	[sflag:s13] =	ssyncset.done $0x0  }
0xec: {  	[sflag:s13] =	ssyncadd.s32 $0xFFFFC000  }
0xed: {  	[spmem:s1] =	stream.indirect.scatter.add.f32 [tilespmem:s16], [sflag:$0x7], $0x80, s9, s11, $0xb8;
	[tilespmem:$0x1CC00] =	vst v63  }
0xee: {  	_ =	swait.ge [sflag:s17], $0x4000  }
0xef: {  	[sflag:s17] =	ssyncset.done $0x0  }
0xf0: {  	s29 =	simm.s32 $0xD00;
	[sflag:s17] =	ssyncadd.s32 $0xFFFFC000  }
0xf1: {  	[tilespmem:s16], [sflag:$0x1] =	stream.indirect.gather [hbm4b:s4+s11], $0x80, s29, s11, $0xb8;
	[tilespmem:$0x1CC00] =	vst v63  }
0xf2: {  	_ =	swait.ge [sflag:s22], $0x4000  }
0xf3: {  	[sflag:s22] =	ssyncset.done $0x0  }
0xf4: {  	s14 =	simm.s32 $0xE80;
	[sflag:s22] =	ssyncadd.s32 $0xFFFFC000  }
0xf5: {  	[spmem:s1] =	stream.indirect.scatter.add.f32 [tilespmem:s12], [sflag:$0x8], $0x80, s14, s11, $0xb8;
	[tilespmem:$0x1CC00] =	vst v63  }
0xf6: {  	_ =	swait.ge [sflag:s28], $0x4000  }
0xf7: {  	[sflag:s28] =	ssyncset.done $0x0  }
0xf8: {  	s29 =	simm.s32 $0xD80;
	[sflag:s28] =	ssyncadd.s32 $0xFFFFC000  }
0xf9: {  	[tilespmem:s12], [sflag:$0x2] =	stream.indirect.gather [hbm4b:s4+s11], $0x80, s29, s11, $0xb8;
	[tilespmem:$0x1CC00] =	vst v63  }
0xfa: {  	_ =	swait.ge [sflag:s13], $0x4000  }
0xfb: {  	[sflag:s13] =	ssyncset.done $0x0  }
0xfc: {  	s14 =	simm.s32 $0xF00;
	[sflag:s13] =	ssyncadd.s32 $0xFFFFC000  }
0xfd: {  	[spmem:s1] =	stream.indirect.scatter.add.f32 [tilespmem:s16], [sflag:$0x7], $0x80, s14, s11, $0xb8;
	[tilespmem:$0x1CC00] =	vst v63  }
.Ltmp2:
0xfe: {  	_ = 	snop;
	(pc) =	sbr.rel @p0 .LBB2_4-.Ltmp2, $4  }
0xff: {  	_ =	swait.ge [sflag:s22], $0x4000  }
0x100: {  	[sflag:s22] =	ssyncset.done $0x0  }
0x101: {  	s29 =	simm.s32 $0xF80;
	[sflag:s22] =	ssyncadd.s32 $0xFFFFC000  }
0x102: {  	[spmem:s1] =	stream.indirect.scatter.add.f32 [tilespmem:s12], [sflag:$0x8], $0x80, s29, s11, $0xb8;
	[tilespmem:$0x1CC00] =	vst v63  }
.Ltmp3:
0x103: {  	(pc) =	sbr.rel .LBB2_2-.Ltmp3, $4  }
0x104: {  	s0 =	sadd.s32 s26, s19  }
0x105: {  	[tilespmem:s2], [sflag:$0x5] =	stream.linear.gather [hbm4b:s0+s3], $0x200, $0x38;
	[tilespmem:$0x1CC00] =	vst v63  }
0x106: {  	s29 =	sadd.s32 s26, s18;
	s26 =	sadd.s32 $0x100, s26;
	s25 =	sadd.s32 $0x800, s25  }
0x107: {  	[tilespmem:s8], [sflag:$0x5] =	stream.linear.gather [hbm4b:s29+s3], $0x200, $0x38;
	[tilespmem:$0x1CC00] =	vst v63  }
.LBB2_5:
0x108: {  	_ =	sfence.sel $0x180000  }
0x109: {  	[bflag:$0x0] =	sbarrier.arrive $0xFFFF  }
0x10a: {  	_ =	strace $0x9000004A  }
0x10b: {  	s0 =	stileid.u32;
	[bflag:$0x2] =	sbarrier.arrive $0xFFFF  }
0x10c: {  	p0 =	sne.s32 s0, $0x0;
	s0 =	rddreg [dreg:$0x2]  }
0x10d: {  	s0 =	sadd.s32 @!p0 $0x100000, s0  }
0x10e: {  	[sflag:s0] =	ssyncadd.tile.s32 @!p0 $0x1;
	_ =	shalt  }
.Lfunc_end2:
_tile_overlayer_lowered:
.L_overlay_start_2:
0x10f: {  	(tag) =	ssettag $0x2  }
0x110: {  	s0 =	rddreg [dreg:$0x0];
	s2 =	stileid.u32  }
0x111: {  	s1 =	rddreg [dreg:$0x1];
	p0 =	sne.s32 s2, $0x0  }
0x112: {  	s3 =	rddreg [dreg:$0x2];
	[bflag:$0x3] =	sbarrier.arrive $0xFFFF;
	s2 =	simm.s32 @!p0 $0x1C09  }
0x113: {  	[timem:s3], [sflag:s2] =	dma.local @!p0 [hbm:s0], s1  }
0x114: {  	s0 =	simm.s32 @!p0 $0x9  }
0x115: {  	_ =	swait.ge @!p0 [sflag:s0], s1  }
0x116: {  	s1 =	ssub.s32 @!p0 $0x0, s1;
	[sflag:s0] =	ssyncset.done @!p0 $0x0  }
0x117: {  	[sflag:s0] =	ssyncadd.s32 @!p0 s1  }
0x118: {  	[bflag:$0x3] =	sbarrier.arrive $0xFFFF  }
0x119: {  	_ =	shalt  }

// kernel: kernel.14.cloned.1.call-start
scs
__scs_entry_jumppad:
0x0: {  	(pc) =	sbr.rel $0x88, $3  }
0x1: {  	(tag) =	ssettag $0x0;
	lr =	simm.s32 $0x1  }
0x2: {  	[smem:$0x3F98] =	sst lr;
	_ =	strace $0xD0000000  }
0x3: {  	_ = 	snop  }
0x4: {  	_ = 	snop  }
0x5: {  	_ = 	snop  }
0x6: {  	_ = 	snop  }
0x7: {  	_ = 	snop  }
__scs_overlays_trampoline_lowered:
0x8: {  	[smem:$0x3FA7] =	sst s0  }
0x9: {  	[smem:$0x3FA8] =	sst s1  }
0xa: {  	[smem:$0x3FA9] =	sst s2  }
0xb: {  	[smem:$0x3FAA] =	sst s3  }
0xc: {  	[smem:$0x3FAB] =	sst s4  }
0xd: {  	[smem:$0x3FAC] =	sst s5  }
0xe: {  	[smem:$0x3FAD] =	sst s6  }
0xf: {  	[smem:$0x3FAE] =	sst s7  }
0x10: {  	[smem:$0x3FAF] =	sst s8  }
0x11: {  	[smem:$0x3FB0] =	sst s9;
	s0 =	simm.s32 @!p0 $0x0  }
0x12: {  	s1 =	sld [smem:$0x3F96];
	s0 =	simm.s32 @p0 $0x1  }
0x13: {  	[smem:$0x3FB1] =	sst s0;
	s0 =	simm.s32 @!p1 $0x0  }
0x14: {  	s2 =	sld [smem:$0x3F95];
	s0 =	simm.s32 @p1 $0x1  }
0x15: {  	[smem:$0x3FB2] =	sst s0;
	s0 =	simm.s32 @!p2 $0x0  }
0x16: {  	s3 =	sld [smem:$0x3FDB];
	s0 =	simm.s32 @p2 $0x1  }
0x17: {  	s4 =	simm.s32 $0x1BF5;
	[smem:$0x3FB4] =	sst s0  }
0x18: {  	s0 =	sld [smem:$0x3F97];
	_ =	swait.ge [sflag:s4], $0x0  }
0x19: {  	s7 =	sld [smem:$0x3F98]  }
0x1a: {  	s8 =	sadd.s32 $0xFFFFE003, lr  }
0x1b: {  	s9 =	sadd.s32 $0xFFFFFEF7, lr;
	s5 =	simm.s32 $0xFFFFFFFF;
	p2 =	slt.u32 s8, $0xFFFFF086  }
0x1c: {  	p1 =	slt.u32 s9, $0xF7A;
	s5 =	simm.s32 @!p2 $0x0  }
0x1d: {  	s5 =	simm.s32 @p1 $0x1;
	p0 =	seq.s32 s7, s2  }
0x1e: {  	s7 =	smul.u32 @!p0 $0xF7A, s2;
	p2 =	seq.s32 @!p0 s5, $0x0  }
0x1f: {  	s9 =	smul.u32 $0xF7A, s1;
	s8 =	simm.s32 @!p0 $0x1BF5;
	p2 =	por !p2, p0  }
0x20: {  	[sflag:s8] =	ssyncset.s32 @!p0 $0xFFFFF086;
	s6 =	sadd.s32 @!p0 s3, s7;
	s7 =	simm.s32 @!p0 $0x108  }
0x21: {  	s3 =	sadd.s32 s3, s9;
	s6 =	sadd.s32 @!p0 $0x88, s6;
	s7 =	simm.s32 @p2 $0x1082  }
0x22: {  	[simem:s7], [sflag:s8] =	dma.local @!p0 [hbm:s6], $0xF7A  }
0x23: {  	s9 =	sor.u32 $0xD0000000, s2;
	s6 =	simm.s32 $0x108;
	_ =	swait.ge @!p0 [sflag:s8], $0x0  }
0x24: {  	s3 =	sadd.s32 $0x88, s3;
	s6 =	simm.s32 @!p1 $0x1082;
	[sflag:s4] =	ssyncset.s32 $0xFFFFF086  }
0x25: {  	[simem:s6], [sflag:s4] =	dma.local [hbm:s3], $0xF7A  }
0x26: {  	[smem:$0x3F98] =	sst s1;
	(tag) =	ssettag s2;
	_ =	strace s9  }
0x27: {  	s1 =	sld [smem:$0x3FA8]  }
0x28: {  	s2 =	sld [smem:$0x3FA9]  }
0x29: {  	s4 =	sld [smem:$0x3FAB]  }
0x2a: {  	p0 =	seq.s32 s5, $0x0;
	s5 =	sld [smem:$0x3FAC]  }
0x2b: {  	s6 =	sld [smem:$0x3FAD]  }
0x2c: {  	s7 =	sld [smem:$0x3FAE]  }
0x2d: {  	s3 =	simm.s32 $0x108;
	s8 =	sld [smem:$0x3FAF]  }
0x2e: {  	s3 =	simm.s32 @!p0 $0x1082;
	s9 =	sld [smem:$0x3FB0]  }
0x2f: {  	lr =	sadd.s32 s0, s3;
	s0 =	sld [smem:$0x3FA7]  }
0x30: {  	s3 =	sld [smem:$0x3FAA]  }
0x31: {  	[smem:$0x3FB3] =	sst s10  }
0x32: {  	s10 =	sld [smem:$0x3FB1];
	_ =	sdelay $0x3  }
0x33: {  	p0 =	seq.s32 s10, $0x1;
	s10 =	sld [smem:$0x3FB3];
	_ =	sdelay $0x3  }
0x34: {  	[smem:$0x3FB3] =	sst s10  }
0x35: {  	s10 =	sld [smem:$0x3FB2];
	_ =	sdelay $0x3  }
0x36: {  	p1 =	seq.s32 s10, $0x1;
	s10 =	sld [smem:$0x3FB3];
	_ =	sdelay $0x3  }
0x37: {  	[smem:$0x3FB3] =	sst s10  }
0x38: {  	s10 =	sld [smem:$0x3FB4]  }
0x39: {  	_ = 	snop;
	(pc) =	sbr.ind lr, $3  }
0x3a: {  	_ = 	snop  }
0x3b: {  	_ = 	snop  }
0x3c: {  	p2 =	seq.s32 s10, $0x1;
	s10 =	sld [smem:$0x3FB3]  }
0x3d: {  	_ =	shalt  }
0x3e: {  	_ =	shalt  }
0x3f: {  	_ =	shalt  }
0x40: {  	_ =	shalt  }
0x41: {  	_ =	shalt  }
0x42: {  	_ =	shalt  }
0x43: {  	_ =	shalt  }
0x44: {  	_ =	shalt  }
0x45: {  	_ =	shalt  }
0x46: {  	_ =	shalt  }
0x47: {  	_ =	shalt  }
0x48: {  	_ =	shalt  }
0x49: {  	_ =	shalt  }
0x4a: {  	_ =	shalt  }
0x4b: {  	_ =	shalt  }
0x4c: {  	_ =	shalt  }
0x4d: {  	_ =	shalt  }
0x4e: {  	_ =	shalt  }
0x4f: {  	_ =	shalt  }
0x50: {  	_ =	shalt  }
0x51: {  	_ =	shalt  }
0x52: {  	_ =	shalt  }
0x53: {  	_ =	shalt  }
0x54: {  	_ =	shalt  }
0x55: {  	_ =	shalt  }
0x56: {  	_ =	shalt  }
0x57: {  	_ =	shalt  }
0x58: {  	_ =	shalt  }
0x59: {  	_ =	shalt  }
0x5a: {  	_ =	shalt  }
0x5b: {  	_ =	shalt  }
0x5c: {  	_ =	shalt  }
0x5d: {  	_ =	shalt  }
0x5e: {  	_ =	shalt  }
0x5f: {  	_ =	shalt  }
0x60: {  	_ =	shalt  }
0x61: {  	_ =	shalt  }
0x62: {  	_ =	shalt  }
0x63: {  	_ =	shalt  }
0x64: {  	_ =	shalt  }
0x65: {  	_ =	shalt  }
0x66: {  	_ =	shalt  }
0x67: {  	_ =	shalt  }
0x68: {  	_ =	shalt  }
0x69: {  	_ =	shalt  }
0x6a: {  	_ =	shalt  }
0x6b: {  	_ =	shalt  }
0x6c: {  	_ =	shalt  }
0x6d: {  	_ =	shalt  }
0x6e: {  	_ =	shalt  }
0x6f: {  	_ =	shalt  }
0x70: {  	_ =	shalt  }
0x71: {  	_ =	shalt  }
0x72: {  	_ =	shalt  }
0x73: {  	_ =	shalt  }
0x74: {  	_ =	shalt  }
0x75: {  	_ =	shalt  }
0x76: {  	_ =	shalt  }
0x77: {  	_ =	shalt  }
0x78: {  	_ =	shalt  }
0x79: {  	_ =	shalt  }
0x7a: {  	_ =	shalt  }
0x7b: {  	_ =	shalt  }
0x7c: {  	_ =	shalt  }
0x7d: {  	_ =	shalt  }
0x7e: {  	_ =	shalt  }
0x7f: {  	_ =	shalt  }
0x80: {  	_ =	shalt  }
0x81: {  	_ =	shalt  }
0x82: {  	_ =	shalt  }
0x83: {  	_ =	shalt  }
0x84: {  	_ =	shalt  }
0x85: {  	_ =	shalt  }
0x86: {  	_ =	shalt  }
0x87: {  	_ =	shalt  }
.Lfunc_end0:
.L_simem_size_0:
called_computation.2_lowered:
.L_overlay_start_0:
0x88: {  	s2 =	sld [smem:$0x3FD9]  }
0x89: {  	s3 =	sld [smem:$0x3FFE];
	_ =	sdelay $0x1  }
0x8a: {  	s1 =	srdreg.scid  }
0x8b: {  	s0 =	sand.u32 $0x1, s1  }
0x8c: {  	s16 =	sshll.u32 s0, $0xA;
	s2 =	sadd.s32 s3, s2  }
0x8d: {  	s2 =	sadd.s32 s2, s16  }
0x8e: {  	[smem:$0x3FBF] =	sst s2  }
0x8f: {  	_ = 	snop  }
0x90: {  	(tm) =	ssettm $0x1  }
0x91: {  	s17 =	sld [smem:$0x3FFB];
	_ =	sdelay $0x3  }
0x92: {  	_ =	strace s17  }
0x93: {  	s2 =	sld [smem:$0x3FFC];
	_ =	sdelay $0x3  }
0x94: {  	_ =	strace s2  }
0x95: {  	s2 =	sld [smem:$0x3FFD];
	_ =	sdelay $0x3  }
0x96: {  	_ =	strace s2  }
0x97: {  	_ =	strace $0x8FFFFFFF  }
0x98: {  	s18 =	sld [smem:$0x3FDB];
	_ =	sdelay $0x1  }
0x99: {  	s19 =	simm.s32 $_scs_section_size  }
0x9a: {  	s4 =	simm.s32 $_size__tile_overlayer_lowered;
	s5 =	simm.s32 $_tile_overlayer_lowered  }
0x9b: {  	s22 =	simm.s32 $0x1BFF;
	s21 =	sshll.u32 s5, $0x1;
	s2 =	sadd.s32 s19, s18  }
0x9c: {  	s6 =	simm.s32 $0x0;
	s20 =	sshll.u32 s4, $0x1;
	s4 =	sadd.s32 s21, s2  }
0x9d: {  	[timem:s6], [sflag:s22] =	dma.local [hbm:s4], s20  }
0x9e: {  	_ =	swait.ge [sflag:s22], s20  }
0x9f: {  	s3 =	ssub.s32 $0x0, s20;
	[sflag:s22] =	ssyncset.done $0x0  }
0xa0: {  	[sflag:s22] =	ssyncadd.s32 s3;
	_ =	sdelay $0x1  }
0xa1: {  	s23 =	simm.s32 $0x1B8B  }
0xa2: {  	_ =	swait.ge [sflag:s23], $0x1  }
0xa3: {  	[sflag:s23] =	ssyncset.done $0x0  }
0xa4: {  	s25 =	simm.s32 $0x1B8E;
	s24 =	sld [smem:$0x3FFE];
	[sflag:s23] =	ssyncadd.s32 $0xFFFFFFFF  }
0xa5: {  	s26 =	simm.s32 $execute0_lowered;
	[smem:$0x3FD2] =	sst s25  }
0xa6: {  	s4 =	sshll.u32 s26, $0x1;
	_ =	strace $0x8000004C;
	[dreg:$0x1] =	wrdreg $0xFFFFFFFF  }
0xa7: {  	s28 =	simm.s32 $_size_execute0_lowered;
	s2 =	sadd.s32 s2, s4;
	[dreg:$0x0] =	wrdreg $0x0  }
0xa8: {  	s4 =	sshll.u32 s28, $0x1;
	[dreg:$0x2] =	wrdreg s2  }
0xa9: {  	[dreg:$0x3] =	wrdreg s4  }
0xaa: {  	[dreg:$0x4] =	wrdreg $0xC0  }
0xab: {  	_ =	task [dreg:s6], $0x5FFFF  }
0xac: {  	[dreg:$0x1] =	wrdreg $0xFFFFFFFF  }
0xad: {  	[dreg:$0x0] =	wrdreg $0x60  }
0xae: {  	[dreg:$0x2] =	wrdreg s24  }
0xaf: {  	[dreg:$0x3] =	wrdreg $0x90000  }
0xb0: {  	[dreg:$0x4] =	wrdreg $0x9  }
0xb1: {  	_ =	task.clear_ibuf [dreg:s6], $0x5FFFF;
	_ =	strace $0x9000004C  }
0xb2: {  	s29 =	simm.s32 $0x9;
	_ =	strace $0x8000004E  }
0xb3: {  	_ =	swait.ge [sflag:s29], $0x1  }
0xb4: {  	[sflag:s29] =	ssyncadd.s32 $0xFFFFFFFF  }
0xb5: {  	_ =	strace $0x9000004E  }
0xb6: {  	_ =	sfence  }
0xb7: {  	s30 =	sld [smem:$0x0];
	_ =	sdelay $0x2  }
0xb8: {  	s31 =	sshll.u32 s1, $0xD;
	s1 =	sshrl.u32 s1, $0x2  }
0xb9: {  	s3 =	sand.u32 $0x4000, s31;
	s1 =	sadd.s32 s1, s30  }
0xba: {  	s0 =	sor.u32 s3, s0;
	s1 =	sshll.u32 s1, $0x11  }
0xbb: {  	s0 =	sor.u32 s1, s0  }
0xbc: {  	s0 =	sadd.s32 $0x8F2B, s0  }
0xbd: {  	[sflag:s0] =	ssyncadd.remote.s32 $0x1  }
0xbe: {  	_ =	sfence.sel $0xFFFF  }
0xbf: {  	[dreg:$0x0] =	wrdreg $0xFFFFFFFF;
	(pc) =	sbr.abs _section_cstart, $3  }
0xc0: {  	[dreg:$0x1] =	wrdreg $0xFFFFFFFF  }
0xc1: {  	_ =	task.clear_ibuf [dreg:s6], $0x2FFFF;
	_ =	strace $0x9FFFFFFF  }
0xc2: {  	(tm) =	ssettm $0x7FFFFFFF  }
0xc3: {  	_ =	shalt  }
tec
execute0_lowered:
.L_overlay_start_1:
0x0: {  	(tag) =	ssettag $0x1  }
0x1: {  	s0 =	rddreg [dreg:$0x0]  }
0x2: {  	s1 =	rddreg [dreg:$0x1];
	s3 =	simm.s32 $0x0;
	s2 =	srdreg.scid  }
0x3: {  	s12 =	stileid.u32;
	s28 =	simm.s32 $0x8;
	s30 =	simm.s32 $0x4  }
0x4: {  	s31 =	simm.s32 $0x6;
	[smem:$0x7FF] =	sst s3;
	s2 =	sand.u32 $0x1, s2  }
0x5: {  	s5 =	sshll.u32 s12, $0x1;
	s4 =	sadd.s32 $0x16E00, s0;
	s8 =	smul.u32 $0x13C00, s12  }
0x6: {  	s6 =	sadd.s32 $0x2E00, s0;
	s10 =	sadd.s32 $0x3E600, s0;
	s22 =	smul.u32 $0x4F000, s12  }
0x7: {  	s23 =	smul.u32 $0x5000, s12;
	s29 =	sshll.u32 s12, $0x6;
	_ =	strace $0x8000004D  }
0x8: {  	s7 =	smul.u32 $0x13C000, s2;
	s9 =	sor.u32 s2, s5;
	s5 =	sadd.s32 $0xCE00, s0  }
0x9: {  	[dreg:$0x3] =	wrdreg s10;
	s16 =	ssub.s32 $0x2, s2;
	s2 =	smul.u32 $0x2800, s2  }
0xa: {  	s14 =	sor.u32 $0x1C09, s29;
	s9 =	smul.u32 $0x2800, s9;
	s17 =	sshrl.u32 s16, $0x1  }
0xb: {  	s26 =	sshrl.u32 s22, $0x2;
	[dreg:$0xb] =	wrdreg s14;
	s7 =	sadd.s32 s8, s7  }
0xc: {  	s18 =	ssub.s32 s16, s17;
	s10 =	sadd.s32 s26, s1;
	s2 =	sadd.s32 s2, s23  }
0xd: {  	s7 =	sshrl.u32 s7, $0x3;
	s9 =	sshrl.u32 s9, $0x3;
	s12 =	sadd.s32 $0xC00, s2  }
0xe: {  	s13 =	sadd.s32 $0x4000, s10;
	s15 =	sadd.s32 $0xA00, s2;
	s16 =	sor.u32 $0x600, s2  }
0xf: {  	s2 =	sadd.s32 $0x800, s2;
	s26 =	sadd.s32 $0x10000, s10;
	[dreg:$0xa] =	wrdreg s10  }
0x10: {  	s29 =	sadd.s32 $0xC000, s10;
	s0 =	sadd.s32 s7, s0;
	s19 =	sadd.s32 s5, s9  }
0x11: {  	s20 =	sadd.s32 s6, s9;
	s21 =	sor.u32 $0x40, s9;
	[dreg:$0xe] =	wrdreg s2  }
0x12: {  	s9 =	sor.u32 $0x80, s9;
	s17 =	sshrl.u32 s16, $0x3;
	[dreg:$0x4] =	wrdreg s19  }
0x13: {  	s22 =	sshrl.u32 s13, $0x3;
	s2 =	sshrl.u32 s29, $0x3;
	[dreg:$0x5] =	wrdreg s20  }
0x14: {  	s13 =	simm.s32 $0x1;
	s16 =	simm.s32 $0x1000;
	[dreg:$0xf] =	wrdreg s22  }
0x15: {  	s7 =	simm.s32 $0x5;
	s11 =	sadd.s32 s5, s21;
	[dreg:$0x11] =	wrdreg s2  }
0x16: {  	s8 =	sadd.s32 s6, s21;
	s24 =	sadd.s32 s5, s9;
	[dreg:$0x6] =	wrdreg s11  }
0x17: {  	s25 =	sadd.s32 s6, s9;
	s0 =	sadd.s32 $0x3EE00, s0;
	[dreg:$0x7] =	wrdreg s8  }
0x18: {  	s23 =	sadd.s32 s17, s6;
	s2 =	simm.s32 $0x800;
	[dreg:$0x8] =	wrdreg s24  }
0x19: {  	s22 =	simm.s32 $0x2;
	s9 =	simm.s32 $0xE00;
	[dreg:$0x9] =	wrdreg s25  }
0x1a: {  	[dreg:$0xc] =	wrdreg s0;
	s11 =	smax.u32 s18, $0x1;
	s0 =	sshrl.u32 s12, $0x3  }
0x1b: {  	s8 =	sshrl.u32 s15, $0x3;
	s24 =	sadd.s32 s17, s5;
	s25 =	sadd.s32 $0x8000, s10  }
0x1c: {  	s10 =	simm.s32 $0x3;
	s12 =	simm.s32 $0x5000;
	s17 =	simm.s32 $0x7  }
.Ltmp0:
0x1d: {  	s15 =	simm.s32 $0xC00;
	[dreg:$0xd] =	wrdreg s11;
	(pc) =	sbr.rel .LBB2_1-.Ltmp0, $4  }
0x1e: {  	s18 =	sadd.s32 s0, s6;
	s19 =	sadd.s32 s0, s5;
	s20 =	sadd.s32 s8, s6  }
0x1f: {  	s21 =	sadd.s32 s8, s5;
	s0 =	sshrl.u32 s25, $0x3;
	s8 =	simm.s32 $0xA00  }
0x20: {  	s11 =	simm.s32 $0x80;
	[dreg:$0x10] =	wrdreg s0;
	s0 =	sshrl.u32 s26, $0x3  }
0x21: {  	s25 =	simm.s32 $0x0;
	s26 =	simm.s32 $0x9;
	[dreg:$0x12] =	wrdreg s0  }
.LBB2_4:
0x22: {  	_ =	swait.ge [sflag:s17], $0x4000  }
0x23: {  	[sflag:s17] =	ssyncset.done $0x0  }
0x24: {  	[sflag:s17] =	ssyncadd.s32 $0xFFFFC000  }
0x25: {  	_ =	swait.ge [sflag:s28], $0x4000  }
0x26: {  	[sflag:s28] =	ssyncset.done $0x0  }
0x27: {  	[sflag:s28] =	ssyncadd.s32 $0xFFFFC000  }
0x28: {  	[bflag:$0x0] =	sbarrier.arrive $0xFFFF  }
0x29: {  	s14 =	rddreg [dreg:$0xb]  }
0x2a: {  	s0 =	rddreg [dreg:$0xc]  }
0x2b: {  	s26 =	simm.s32 $0x9;
	s25 =	rddreg [dreg:$0x14]  }
0x2c: {  	[hbm:s0], [sflag:s14] =	dma.local [spmem:s25], $0x2780  }
0x2d: {  	_ =	swait.ge [sflag:s26], $0x2780  }
0x2e: {  	s0 =	rddreg [dreg:$0x13]  }
0x2f: {  	s29 =	rddreg [dreg:$0xd];
	s25 =	sadd.s32 $0x1, s0  }
0x30: {  	p0 =	sne.s32 s25, s29  }
.Ltmp1:
0x31: {  	_ = 	snop;
	(pc) =	sbr.rel @!p0 .LBB2_5-.Ltmp1, $3  }
0x32: {  	_ =	sdelay $0x1  }
0x33: {  	[sflag:s26] =	ssyncset.done $0x0  }
0x34: {  	[sflag:s26] =	ssyncadd.s32 $0xFFFFD880  }
.LBB2_1:
0x35: {  	[dreg:$0x13] =	wrdreg s25  }
0x36: {  	s0 =	rddreg [dreg:$0x4]  }
0x37: {  	[tilespmem:s3], [sflag:$0x3] =	stream.linear.gather [hbm4b:s0+s3], $0x200, $0x38;
	[tilespmem:$0x1CC00] =	vst v63  }
0x38: {  	s25 =	rddreg [dreg:$0x5];
	s29 =	simm.s32 $0x200  }
0x39: {  	[tilespmem:s29], [sflag:$0x3] =	stream.linear.gather [hbm4b:s25+s3], $0x200, $0x38;
	[tilespmem:$0x1CC00] =	vst v63  }
0x3a: {  	s25 =	rddreg [dreg:$0x6];
	s29 =	simm.s32 $0x400  }
0x3b: {  	[tilespmem:s29], [sflag:$0x4] =	stream.linear.gather [hbm4b:s25+s3], $0x200, $0x38;
	[tilespmem:$0x1CC00] =	vst v63  }
0x3c: {  	s25 =	rddreg [dreg:$0x7];
	s29 =	simm.s32 $0x600  }
0x3d: {  	[tilespmem:s29], [sflag:$0x4] =	stream.linear.gather [hbm4b:s25+s3], $0x200, $0x38;
	[tilespmem:$0x1CC00] =	vst v63  }
0x3e: {  	s25 =	rddreg [dreg:$0x8]  }
0x3f: {  	s29 =	rddreg [dreg:$0x9]  }
0x40: {  	[tilespmem:s2], [sflag:$0x5] =	stream.linear.gather [hbm4b:s25+s3], $0x200, $0x38;
	[tilespmem:$0x1CC00] =	vst v63  }
0x41: {  	s25 =	rddreg [dreg:$0xa]  }
0x42: {  	[tilespmem:s8], [sflag:$0x5] =	stream.linear.gather [hbm4b:s29+s3], $0x200, $0x38;
	[tilespmem:$0x1CC00] =	vst v63  }
0x43: {  	s0 =	rddreg [dreg:$0x3];
	s29 =	sshrl.u32 s25, $0x3  }
0x44: {  	[dreg:$0x14] =	wrdreg s29  }
0x45: {  	[spmem:s29], [sflag:s14] =	dma.local [hbm:s0], $0x800  }
0x46: {  	_ =	swait.ge [sflag:s26], $0x800  }
0x47: {  	[sflag:s26] =	ssyncset.done $0x0  }
0x48: {  	s29 =	rddreg [dreg:$0xf];
	[sflag:s26] =	ssyncadd.s32 $0xFFFFF800  }
0x49: {  	[spmem:s29], [sflag:s14] =	dma.local [hbm:s0], $0x800  }
0x4a: {  	_ =	swait.ge [sflag:s26], $0x800  }
0x4b: {  	[sflag:s26] =	ssyncset.done $0x0  }
0x4c: {  	s29 =	rddreg [dreg:$0x10];
	[sflag:s26] =	ssyncadd.s32 $0xFFFFF800  }
0x4d: {  	[spmem:s29], [sflag:s14] =	dma.local [hbm:s0], $0x800  }
0x4e: {  	_ =	swait.ge [sflag:s26], $0x800  }
0x4f: {  	[sflag:s26] =	ssyncset.done $0x0  }
0x50: {  	s29 =	rddreg [dreg:$0x11];
	[sflag:s26] =	ssyncadd.s32 $0xFFFFF800  }
0x51: {  	[spmem:s29], [sflag:s14] =	dma.local [hbm:s0], $0x800  }
0x52: {  	_ =	swait.ge [sflag:s26], $0x800  }
0x53: {  	[sflag:s26] =	ssyncset.done $0x0  }
0x54: {  	s29 =	rddreg [dreg:$0x12];
	[sflag:s26] =	ssyncadd.s32 $0xFFFFF800  }
0x55: {  	[spmem:s29], [sflag:s14] =	dma.local [hbm:s0], $0x780  }
0x56: {  	_ =	swait.ge [sflag:s26], $0x780  }
0x57: {  	[sflag:s26] =	ssyncset.done $0x0  }
0x58: {  	[sflag:s26] =	ssyncadd.s32 $0xFFFFF880  }
0x59: {  	[bflag:$0x0] =	sbarrier.arrive $0xFFFF  }
0x5a: {  	s26 =	simm.s32 $0x0;
	s25 =	rddreg [dreg:$0xe]  }
.LBB2_2:
0x5b: {  	_ =	swait.ge [sflag:s10], $0x200  }
0x5c: {  	[sflag:s10] =	ssyncset.done $0x0  }
0x5d: {  	[sflag:s10] =	ssyncadd.s32 $0xFFFFFE00  }
0x5e: {  	p0 =	seq.s32 s26, $0x0;
	_ =	swait.ge [sflag:s10], $0x200  }
0x5f: {  	s29 =	simm.s32 @p0 $0x80;
	[sflag:s10] =	ssyncset.done $0x0  }
0x60: {  	s14 =	simm.s32 @p0 $0x0;
	s0 =	simm.s32 @p0 $0x1000;
	[sflag:s10] =	ssyncadd.s32 $0xFFFFFE00  }
0x61: {  	[tilespmem:s0], [sflag:$0x1] =	stream.indirect.gather @p0 [hbm4b:s4+s29], $0x80, s14, s29, $0xb8;
	[tilespmem:$0x1CC00] =	vst v63  }
0x62: {  	s0 =	simm.s32 @!p0 $0x7  }
0x63: {  	_ =	swait.ge @!p0 [sflag:s0], $0x4000  }
0x64: {  	s14 =	simm.s32 @!p0 $0x0;
	[sflag:s0] =	ssyncset.done @!p0 $0x0  }
0x65: {  	s29 =	simm.s32 @!p0 $0x1000;
	[sflag:s0] =	ssyncadd.s32 @!p0 $0xFFFFC000;
	s0 =	simm.s32 @!p0 $0x80  }
0x66: {  	[tilespmem:s29], [sflag:$0x1] =	stream.indirect.gather @!p0 [hbm4b:s4+s0], $0x80, s14, s0, $0xb8;
	[tilespmem:$0x1CC00] =	vst v63  }
0x67: {  	s0 =	simm.s32 @!p0 $0x8  }
0x68: {  	_ =	swait.ge @!p0 [sflag:s0], $0x4000  }
0x69: {  	[sflag:s0] =	ssyncset.done @!p0 $0x0  }
0x6a: {  	[sflag:s0] =	ssyncadd.s32 @!p0 $0xFFFFC000  }
0x6b: {  	[tilespmem:s12], [sflag:$0x2] =	stream.indirect.gather [hbm4b:s4+s11], $0x80, s11, s11, $0xb8;
	[tilespmem:$0x1CC00] =	vst v63  }
0x6c: {  	_ =	swait.ge [sflag:s13], $0x4000  }
0x6d: {  	[sflag:s13] =	ssyncset.done $0x0  }
0x6e: {  	s14 =	simm.s32 $0x200;
	[sflag:s13] =	ssyncadd.s32 $0xFFFFC000  }
0x6f: {  	[spmem:s1] =	stream.indirect.scatter.add.f32 [tilespmem:s16], [sflag:$0x7], $0x80, s14, s11, $0xb8;
	[tilespmem:$0x1CC00] =	vst v63  }
0x70: {  	_ =	swait.ge [sflag:s17], $0x4000  }
0x71: {  	[sflag:s17] =	ssyncset.done $0x0  }
0x72: {  	s29 =	simm.s32 $0x100;
	[sflag:s17] =	ssyncadd.s32 $0xFFFFC000  }
0x73: {  	[tilespmem:s16], [sflag:$0x1] =	stream.indirect.gather [hbm4b:s4+s11], $0x80, s29, s11, $0xb8;
	[tilespmem:$0x1CC00] =	vst v63  }
0x74: {  	_ =	swait.ge [sflag:s22], $0x4000  }
0x75: {  	[sflag:s22] =	ssyncset.done $0x0  }
0x76: {  	s14 =	simm.s32 $0x280;
	[sflag:s22] =	ssyncadd.s32 $0xFFFFC000  }
0x77: {  	[spmem:s1] =	stream.indirect.scatter.add.f32 [tilespmem:s12], [sflag:$0x8], $0x80, s14, s11, $0xb8;
	[tilespmem:$0x1CC00] =	vst v63  }
0x78: {  	_ =	swait.ge [sflag:s28], $0x4000  }
0x79: {  	[sflag:s28] =	ssyncset.done $0x0  }
0x7a: {  	s29 =	simm.s32 $0x180;
	[sflag:s28] =	ssyncadd.s32 $0xFFFFC000  }
0x7b: {  	[tilespmem:s12], [sflag:$0x2] =	stream.indirect.gather [hbm4b:s4+s11], $0x80, s29, s11, $0xb8;
	[tilespmem:$0x1CC00] =	vst v63  }
0x7c: {  	_ =	swait.ge [sflag:s13], $0x4000  }
0x7d: {  	[sflag:s13] =	ssyncset.done $0x0  }
0x7e: {  	s14 =	simm.s32 $0x300;
	[sflag:s13] =	ssyncadd.s32 $0xFFFFC000  }
0x7f: {  	[spmem:s1] =	stream.indirect.scatter.add.f32 [tilespmem:s16], [sflag:$0x7], $0x80, s14, s11, $0xb8;
	[tilespmem:$0x1CC00] =	vst v63  }
0x80: {  	_ =	swait.ge [sflag:s22], $0x4000  }
0x81: {  	[sflag:s22] =	ssyncset.done $0x0  }
0x82: {  	s29 =	simm.s32 $0x380;
	[sflag:s22] =	ssyncadd.s32 $0xFFFFC000  }
0x83: {  	[spmem:s1] =	stream.indirect.scatter.add.f32 [tilespmem:s12], [sflag:$0x8], $0x80, s29, s11, $0xb8;
	[tilespmem:$0x1CC00] =	vst v63  }
0x84: {  	s14 =	sadd.s32 s26, s24  }
0x85: {  	[tilespmem:s15], [sflag:$0x6] =	stream.linear.gather [hbm4b:s14+s3], $0x200, $0x38;
	[tilespmem:$0x1CC00] =	vst v63  }
0x86: {  	s29 =	sadd.s32 s26, s23  }
0x87: {  	[tilespmem:s9], [sflag:$0x6] =	stream.linear.gather [hbm4b:s29+s3], $0x200, $0x38;
	[tilespmem:$0x1CC00] =	vst v63  }
0x88: {  	_ =	swait.ge [sflag:s30], $0x200  }
0x89: {  	[sflag:s30] =	ssyncset.done $0x0  }
0x8a: {  	[sflag:s30] =	ssyncadd.s32 $0xFFFFFE00  }
0x8b: {  	_ =	swait.ge [sflag:s30], $0x200  }
0x8c: {  	[sflag:s30] =	ssyncset.done $0x0  }
0x8d: {  	[sflag:s30] =	ssyncadd.s32 $0xFFFFFE00  }
0x8e: {  	_ =	swait.ge [sflag:s17], $0x4000  }
0x8f: {  	[sflag:s17] =	ssyncset.done $0x0  }
0x90: {  	s14 =	simm.s32 $0x400;
	[sflag:s17] =	ssyncadd.s32 $0xFFFFC000  }
0x91: {  	[tilespmem:s16], [sflag:$0x1] =	stream.indirect.gather [hbm4b:s4+s11], $0x80, s14, s11, $0xb8;
	[tilespmem:$0x1CC00] =	vst v63  }
0x92: {  	_ =	swait.ge [sflag:s28], $0x4000  }
0x93: {  	[sflag:s28] =	ssyncset.done $0x0  }
0x94: {  	s29 =	simm.s32 $0x480;
	[sflag:s28] =	ssyncadd.s32 $0xFFFFC000  }
0x95: {  	[tilespmem:s12], [sflag:$0x2] =	stream.indirect.gather [hbm4b:s4+s11], $0x80, s29, s11, $0xb8;
	[tilespmem:$0x1CC00] =	vst v63  }
0x96: {  	_ =	swait.ge [sflag:s13], $0x4000  }
0x97: {  	[sflag:s13] =	ssyncset.done $0x0  }
0x98: {  	s14 =	simm.s32 $0x600;
	[sflag:s13] =	ssyncadd.s32 $0xFFFFC000  }
0x99: {  	[spmem:s1] =	stream.indirect.scatter.add.f32 [tilespmem:s16], [sflag:$0x7], $0x80, s14, s11, $0xb8;
	[tilespmem:$0x1CC00] =	vst v63  }
0x9a: {  	_ =	swait.ge [sflag:s17], $0x4000  }
0x9b: {  	[sflag:s17] =	ssyncset.done $0x0  }
0x9c: {  	s29 =	simm.s32 $0x500;
	[sflag:s17] =	ssyncadd.s32 $0xFFFFC000  }
0x9d: {  	[tilespmem:s16], [sflag:$0x1] =	stream.indirect.gather [hbm4b:s4+s11], $0x80, s29, s11, $0xb8;
	[tilespmem:$0x1CC00] =	vst v63  }
0x9e: {  	_ =	swait.ge [sflag:s22], $0x4000  }
0x9f: {  	[sflag:s22] =	ssyncset.done $0x0  }
0xa0: {  	s14 =	simm.s32 $0x680;
	[sflag:s22] =	ssyncadd.s32 $0xFFFFC000  }
0xa1: {  	[spmem:s1] =	stream.indirect.scatter.add.f32 [tilespmem:s12], [sflag:$0x8], $0x80, s14, s11, $0xb8;
	[tilespmem:$0x1CC00] =	vst v63  }
0xa2: {  	_ =	swait.ge [sflag:s28], $0x4000  }
0xa3: {  	[sflag:s28] =	ssyncset.done $0x0  }
0xa4: {  	s29 =	simm.s32 $0x580;
	[sflag:s28] =	ssyncadd.s32 $0xFFFFC000  }
0xa5: {  	[tilespmem:s12], [sflag:$0x2] =	stream.indirect.gather [hbm4b:s4+s11], $0x80, s29, s11, $0xb8;
	[tilespmem:$0x1CC00] =	vst v63  }
0xa6: {  	_ =	swait.ge [sflag:s13], $0x4000  }
0xa7: {  	[sflag:s13] =	ssyncset.done $0x0  }
0xa8: {  	s14 =	simm.s32 $0x700;
	[sflag:s13] =	ssyncadd.s32 $0xFFFFC000  }
0xa9: {  	[spmem:s1] =	stream.indirect.scatter.add.f32 [tilespmem:s16], [sflag:$0x7], $0x80, s14, s11, $0xb8;
	[tilespmem:$0x1CC00] =	vst v63  }
0xaa: {  	_ =	swait.ge [sflag:s22], $0x4000  }
0xab: {  	p0 =	seq.s32 s26, $0x400;
	[sflag:s22] =	ssyncset.done $0x0  }
0xac: {  	s0 =	sshrl.u32 @!p0 s25, $0x3;
	s29 =	simm.s32 $0x780;
	[sflag:s22] =	ssyncadd.s32 $0xFFFFC000  }
0xad: {  	[spmem:s1] =	stream.indirect.scatter.add.f32 [tilespmem:s12], [sflag:$0x8], $0x80, s29, s11, $0xb8;
	[tilespmem:$0x1CC00] =	vst v63  }
0xae: {  	s14 =	sadd.s32 @!p0 s5, s0;
	s29 =	simm.s32 @!p0 $0x0  }
0xaf: {  	[tilespmem:s29], [sflag:$0x3] =	stream.linear.gather @!p0 [hbm4b:s14+s29], $0x200, $0x38;
	[tilespmem:$0x1CC00] =	vst v63  }
0xb0: {  	s0 =	sadd.s32 @!p0 s6, s0;
	s14 =	simm.s32 @!p0 $0x200  }
0xb1: {  	[tilespmem:s14], [sflag:$0x3] =	stream.linear.gather @!p0 [hbm4b:s0+s29], $0x200, $0x38;
	[tilespmem:$0x1CC00] =	vst v63  }
0xb2: {  	_ =	swait.ge [sflag:s7], $0x200  }
0xb3: {  	[sflag:s7] =	ssyncset.done $0x0  }
0xb4: {  	[sflag:s7] =	ssyncadd.s32 $0xFFFFFE00  }
0xb5: {  	_ =	swait.ge [sflag:s7], $0x200  }
0xb6: {  	[sflag:s7] =	ssyncset.done $0x0  }
0xb7: {  	[sflag:s7] =	ssyncadd.s32 $0xFFFFFE00  }
0xb8: {  	_ =	swait.ge [sflag:s17], $0x4000  }
0xb9: {  	[sflag:s17] =	ssyncset.done $0x0  }
0xba: {  	[sflag:s17] =	ssyncadd.s32 $0xFFFFC000  }
0xbb: {  	[tilespmem:s16], [sflag:$0x1] =	stream.indirect.gather [hbm4b:s4+s11], $0x80, s2, s11, $0xb8;
	[tilespmem:$0x1CC00] =	vst v63  }
0xbc: {  	_ =	swait.ge [sflag:s28], $0x4000  }
0xbd: {  	[sflag:s28] =	ssyncset.done $0x0  }
0xbe: {  	s14 =	simm.s32 $0x880;
	[sflag:s28] =	ssyncadd.s32 $0xFFFFC000  }
0xbf: {  	[tilespmem:s12], [sflag:$0x2] =	stream.indirect.gather [hbm4b:s4+s11], $0x80, s14, s11, $0xb8;
	[tilespmem:$0x1CC00] =	vst v63  }
0xc0: {  	_ =	swait.ge [sflag:s13], $0x4000  }
0xc1: {  	[sflag:s13] =	ssyncset.done $0x0  }
0xc2: {  	[sflag:s13] =	ssyncadd.s32 $0xFFFFC000  }
0xc3: {  	[spmem:s1] =	stream.indirect.scatter.add.f32 [tilespmem:s16], [sflag:$0x7], $0x80, s8, s11, $0xb8;
	[tilespmem:$0x1CC00] =	vst v63  }
0xc4: {  	_ =	swait.ge [sflag:s17], $0x4000  }
0xc5: {  	[sflag:s17] =	ssyncset.done $0x0  }
0xc6: {  	s14 =	simm.s32 $0x900;
	[sflag:s17] =	ssyncadd.s32 $0xFFFFC000  }
0xc7: {  	[tilespmem:s16], [sflag:$0x1] =	stream.indirect.gather [hbm4b:s4+s11], $0x80, s14, s11, $0xb8;
	[tilespmem:$0x1CC00] =	vst v63  }
0xc8: {  	_ =	swait.ge [sflag:s22], $0x4000  }
0xc9: {  	[sflag:s22] =	ssyncset.done $0x0  }
0xca: {  	s14 =	simm.s32 $0xA80;
	[sflag:s22] =	ssyncadd.s32 $0xFFFFC000  }
0xcb: {  	[spmem:s1] =	stream.indirect.scatter.add.f32 [tilespmem:s12], [sflag:$0x8], $0x80, s14, s11, $0xb8;
	[tilespmem:$0x1CC00] =	vst v63  }
0xcc: {  	_ =	swait.ge [sflag:s28], $0x4000  }
0xcd: {  	[sflag:s28] =	ssyncset.done $0x0  }
0xce: {  	s14 =	simm.s32 $0x980;
	[sflag:s28] =	ssyncadd.s32 $0xFFFFC000  }
0xcf: {  	[tilespmem:s12], [sflag:$0x2] =	stream.indirect.gather [hbm4b:s4+s11], $0x80, s14, s11, $0xb8;
	[tilespmem:$0x1CC00] =	vst v63  }
0xd0: {  	_ =	swait.ge [sflag:s13], $0x4000  }
0xd1: {  	[sflag:s13] =	ssyncset.done $0x0  }
0xd2: {  	s14 =	simm.s32 $0xB00;
	[sflag:s13] =	ssyncadd.s32 $0xFFFFC000  }
0xd3: {  	[spmem:s1] =	stream.indirect.scatter.add.f32 [tilespmem:s16], [sflag:$0x7], $0x80, s14, s11, $0xb8;
	[tilespmem:$0x1CC00] =	vst v63  }
0xd4: {  	_ =	swait.ge [sflag:s22], $0x4000  }
0xd5: {  	[sflag:s22] =	ssyncset.done $0x0  }
0xd6: {  	s14 =	simm.s32 $0xB80;
	[sflag:s22] =	ssyncadd.s32 $0xFFFFC000  }
0xd7: {  	[spmem:s1] =	stream.indirect.scatter.add.f32 [tilespmem:s12], [sflag:$0x8], $0x80, s14, s11, $0xb8;
	[tilespmem:$0x1CC00] =	vst v63  }
0xd8: {  	s0 =	sadd.s32 @!p0 s26, s21;
	s14 =	simm.s32 @!p0 $0x400  }
0xd9: {  	[tilespmem:s14], [sflag:$0x4] =	stream.linear.gather @!p0 [hbm4b:s0+s29], $0x200, $0x38;
	[tilespmem:$0x1CC00] =	vst v63  }
0xda: {  	s0 =	sadd.s32 @!p0 s26, s20;
	s14 =	simm.s32 @!p0 $0x600  }
0xdb: {  	[tilespmem:s14], [sflag:$0x4] =	stream.linear.gather @!p0 [hbm4b:s0+s29], $0x200, $0x38;
	[tilespmem:$0x1CC00] =	vst v63  }
0xdc: {  	_ =	swait.ge [sflag:s31], $0x200  }
0xdd: {  	[sflag:s31] =	ssyncset.done $0x0  }
0xde: {  	[sflag:s31] =	ssyncadd.s32 $0xFFFFFE00  }
0xdf: {  	_ =	swait.ge [sflag:s31], $0x200  }
0xe0: {  	[sflag:s31] =	ssyncset.done $0x0  }
0xe1: {  	[sflag:s31] =	ssyncadd.s32 $0xFFFFFE00  }
0xe2: {  	_ =	swait.ge [sflag:s17], $0x4000  }
0xe3: {  	[sflag:s17] =	ssyncset.done $0x0  }
0xe4: {  	[sflag:s17] =	ssyncadd.s32 $0xFFFFC000  }
0xe5: {  	[tilespmem:s16], [sflag:$0x1] =	stream.indirect.gather [hbm4b:s4+s11], $0x80, s15, s11, $0xb8;
	[tilespmem:$0x1CC00] =	vst v63  }
0xe6: {  	_ =	swait.ge [sflag:s28], $0x4000  }
0xe7: {  	[sflag:s28] =	ssyncset.done $0x0  }
0xe8: {  	s14 =	simm.s32 $0xC80;
	[sflag:s28] =	ssyncadd.s32 $0xFFFFC000  }
0xe9: {  	[tilespmem:s12], [sflag:$0x2] =	stream.indirect.gather [hbm4b:s4+s11], $0x80, s14, s11, $0xb8;
	[tilespmem:$0x1CC00] =	vst v63  }
0xea: {  	_ =	swait.ge [sflag:s13], $0x4000  }
0xeb: {  	[sflag:s13] =	ssyncset.done $0x0  }
0xec: {  	[sflag:s13] =	ssyncadd.s32 $0xFFFFC000  }
0xed: {  	[spmem:s1] =	stream.indirect.scatter.add.f32 [tilespmem:s16], [sflag:$0x7], $0x80, s9, s11, $0xb8;
	[tilespmem:$0x1CC00] =	vst v63  }
0xee: {  	_ =	swait.ge [sflag:s17], $0x4000  }
0xef: {  	[sflag:s17] =	ssyncset.done $0x0  }
0xf0: {  	s29 =	simm.s32 $0xD00;
	[sflag:s17] =	ssyncadd.s32 $0xFFFFC000  }
0xf1: {  	[tilespmem:s16], [sflag:$0x1] =	stream.indirect.gather [hbm4b:s4+s11], $0x80, s29, s11, $0xb8;
	[tilespmem:$0x1CC00] =	vst v63  }
0xf2: {  	_ =	swait.ge [sflag:s22], $0x4000  }
0xf3: {  	[sflag:s22] =	ssyncset.done $0x0  }
0xf4: {  	s14 =	simm.s32 $0xE80;
	[sflag:s22] =	ssyncadd.s32 $0xFFFFC000  }
0xf5: {  	[spmem:s1] =	stream.indirect.scatter.add.f32 [tilespmem:s12], [sflag:$0x8], $0x80, s14, s11, $0xb8;
	[tilespmem:$0x1CC00] =	vst v63  }
0xf6: {  	_ =	swait.ge [sflag:s28], $0x4000  }
0xf7: {  	[sflag:s28] =	ssyncset.done $0x0  }
0xf8: {  	s29 =	simm.s32 $0xD80;
	[sflag:s28] =	ssyncadd.s32 $0xFFFFC000  }
0xf9: {  	[tilespmem:s12], [sflag:$0x2] =	stream.indirect.gather [hbm4b:s4+s11], $0x80, s29, s11, $0xb8;
	[tilespmem:$0x1CC00] =	vst v63  }
0xfa: {  	_ =	swait.ge [sflag:s13], $0x4000  }
0xfb: {  	[sflag:s13] =	ssyncset.done $0x0  }
0xfc: {  	s14 =	simm.s32 $0xF00;
	[sflag:s13] =	ssyncadd.s32 $0xFFFFC000  }
0xfd: {  	[spmem:s1] =	stream.indirect.scatter.add.f32 [tilespmem:s16], [sflag:$0x7], $0x80, s14, s11, $0xb8;
	[tilespmem:$0x1CC00] =	vst v63  }
.Ltmp2:
0xfe: {  	_ = 	snop;
	(pc) =	sbr.rel @p0 .LBB2_4-.Ltmp2, $4  }
0xff: {  	_ =	swait.ge [sflag:s22], $0x4000  }
0x100: {  	[sflag:s22] =	ssyncset.done $0x0  }
0x101: {  	s29 =	simm.s32 $0xF80;
	[sflag:s22] =	ssyncadd.s32 $0xFFFFC000  }
0x102: {  	[spmem:s1] =	stream.indirect.scatter.add.f32 [tilespmem:s12], [sflag:$0x8], $0x80, s29, s11, $0xb8;
	[tilespmem:$0x1CC00] =	vst v63  }
.Ltmp3:
0x103: {  	(pc) =	sbr.rel .LBB2_2-.Ltmp3, $4  }
0x104: {  	s0 =	sadd.s32 s26, s19  }
0x105: {  	[tilespmem:s2], [sflag:$0x5] =	stream.linear.gather [hbm4b:s0+s3], $0x200, $0x38;
	[tilespmem:$0x1CC00] =	vst v63  }
0x106: {  	s29 =	sadd.s32 s26, s18;
	s26 =	sadd.s32 $0x100, s26;
	s25 =	sadd.s32 $0x800, s25  }
0x107: {  	[tilespmem:s8], [sflag:$0x5] =	stream.linear.gather [hbm4b:s29+s3], $0x200, $0x38;
	[tilespmem:$0x1CC00] =	vst v63  }
.LBB2_5:
0x108: {  	_ =	sfence.sel $0x180000  }
0x109: {  	[bflag:$0x0] =	sbarrier.arrive $0xFFFF  }
0x10a: {  	_ =	strace $0x9000004D  }
0x10b: {  	s0 =	stileid.u32;
	[bflag:$0x2] =	sbarrier.arrive $0xFFFF  }
0x10c: {  	p0 =	sne.s32 s0, $0x0;
	s0 =	rddreg [dreg:$0x2]  }
0x10d: {  	s0 =	sadd.s32 @!p0 $0x100000, s0  }
0x10e: {  	[sflag:s0] =	ssyncadd.tile.s32 @!p0 $0x1;
	_ =	shalt  }
.Lfunc_end2:
_tile_overlayer_lowered:
.L_overlay_start_2:
0x10f: {  	(tag) =	ssettag $0x2  }
0x110: {  	s0 =	rddreg [dreg:$0x0];
	s2 =	stileid.u32  }
0x111: {  	s1 =	rddreg [dreg:$0x1];
	p0 =	sne.s32 s2, $0x0  }
0x112: {  	s3 =	rddreg [dreg:$0x2];
	[bflag:$0x3] =	sbarrier.arrive $0xFFFF;
	s2 =	simm.s32 @!p0 $0x1C09  }
0x113: {  	[timem:s3], [sflag:s2] =	dma.local @!p0 [hbm:s0], s1  }
0x114: {  	s0 =	simm.s32 @!p0 $0x9  }
0x115: {  	_ =	swait.ge @!p0 [sflag:s0], s1  }
0x116: {  	s1 =	ssub.s32 @!p0 $0x0, s1;
	[sflag:s0] =	ssyncset.done @!p0 $0x0  }
0x117: {  	[sflag:s0] =	ssyncadd.s32 @!p0 s1  }
0x118: {  	[bflag:$0x3] =	sbarrier.arrive $0xFFFF  }
0x119: {  	_ =	shalt  }

// kernel: kernel.8.cloned.1.call-start
scs
__scs_entry_jumppad:
0x0: {  	(pc) =	sbr.rel $0x88, $3  }
0x1: {  	(tag) =	ssettag $0x0;
	lr =	simm.s32 $0x1  }
0x2: {  	[smem:$0x3F98] =	sst lr;
	_ =	strace $0xD0000000  }
0x3: {  	_ = 	snop  }
0x4: {  	_ = 	snop  }
0x5: {  	_ = 	snop  }
0x6: {  	_ = 	snop  }
0x7: {  	_ = 	snop  }
__scs_overlays_trampoline_lowered:
0x8: {  	[smem:$0x3FA7] =	sst s0  }
0x9: {  	[smem:$0x3FA8] =	sst s1  }
0xa: {  	[smem:$0x3FA9] =	sst s2  }
0xb: {  	[smem:$0x3FAA] =	sst s3  }
0xc: {  	[smem:$0x3FAB] =	sst s4  }
0xd: {  	[smem:$0x3FAC] =	sst s5  }
0xe: {  	[smem:$0x3FAD] =	sst s6  }
0xf: {  	[smem:$0x3FAE] =	sst s7  }
0x10: {  	[smem:$0x3FAF] =	sst s8  }
0x11: {  	[smem:$0x3FB0] =	sst s9;
	s0 =	simm.s32 @!p0 $0x0  }
0x12: {  	s1 =	sld [smem:$0x3F96];
	s0 =	simm.s32 @p0 $0x1  }
0x13: {  	[smem:$0x3FB1] =	sst s0;
	s0 =	simm.s32 @!p1 $0x0  }
0x14: {  	s2 =	sld [smem:$0x3F95];
	s0 =	simm.s32 @p1 $0x1  }
0x15: {  	[smem:$0x3FB2] =	sst s0;
	s0 =	simm.s32 @!p2 $0x0  }
0x16: {  	s3 =	sld [smem:$0x3FDB];
	s0 =	simm.s32 @p2 $0x1  }
0x17: {  	s4 =	simm.s32 $0x1BF5;
	[smem:$0x3FB4] =	sst s0  }
0x18: {  	s0 =	sld [smem:$0x3F97];
	_ =	swait.ge [sflag:s4], $0x0  }
0x19: {  	s7 =	sld [smem:$0x3F98]  }
0x1a: {  	s8 =	sadd.s32 $0xFFFFE003, lr  }
0x1b: {  	s9 =	sadd.s32 $0xFFFFFEF7, lr;
	s5 =	simm.s32 $0xFFFFFFFF;
	p2 =	slt.u32 s8, $0xFFFFF086  }
0x1c: {  	p1 =	slt.u32 s9, $0xF7A;
	s5 =	simm.s32 @!p2 $0x0  }
0x1d: {  	s5 =	simm.s32 @p1 $0x1;
	p0 =	seq.s32 s7, s2  }
0x1e: {  	s7 =	smul.u32 @!p0 $0xF7A, s2;
	p2 =	seq.s32 @!p0 s5, $0x0  }
0x1f: {  	s9 =	smul.u32 $0xF7A, s1;
	s8 =	simm.s32 @!p0 $0x1BF5;
	p2 =	por !p2, p0  }
0x20: {  	[sflag:s8] =	ssyncset.s32 @!p0 $0xFFFFF086;
	s6 =	sadd.s32 @!p0 s3, s7;
	s7 =	simm.s32 @!p0 $0x108  }
0x21: {  	s3 =	sadd.s32 s3, s9;
	s6 =	sadd.s32 @!p0 $0x88, s6;
	s7 =	simm.s32 @p2 $0x1082  }
0x22: {  	[simem:s7], [sflag:s8] =	dma.local @!p0 [hbm:s6], $0xF7A  }
0x23: {  	s9 =	sor.u32 $0xD0000000, s2;
	s6 =	simm.s32 $0x108;
	_ =	swait.ge @!p0 [sflag:s8], $0x0  }
0x24: {  	s3 =	sadd.s32 $0x88, s3;
	s6 =	simm.s32 @!p1 $0x1082;
	[sflag:s4] =	ssyncset.s32 $0xFFFFF086  }
0x25: {  	[simem:s6], [sflag:s4] =	dma.local [hbm:s3], $0xF7A  }
0x26: {  	[smem:$0x3F98] =	sst s1;
	(tag) =	ssettag s2;
	_ =	strace s9  }
0x27: {  	s1 =	sld [smem:$0x3FA8]  }
0x28: {  	s2 =	sld [smem:$0x3FA9]  }
0x29: {  	s4 =	sld [smem:$0x3FAB]  }
0x2a: {  	p0 =	seq.s32 s5, $0x0;
	s5 =	sld [smem:$0x3FAC]  }
0x2b: {  	s6 =	sld [smem:$0x3FAD]  }
0x2c: {  	s7 =	sld [smem:$0x3FAE]  }
0x2d: {  	s3 =	simm.s32 $0x108;
	s8 =	sld [smem:$0x3FAF]  }
0x2e: {  	s3 =	simm.s32 @!p0 $0x1082;
	s9 =	sld [smem:$0x3FB0]  }
0x2f: {  	lr =	sadd.s32 s0, s3;
	s0 =	sld [smem:$0x3FA7]  }
0x30: {  	s3 =	sld [smem:$0x3FAA]  }
0x31: {  	[smem:$0x3FB3] =	sst s10  }
0x32: {  	s10 =	sld [smem:$0x3FB1];
	_ =	sdelay $0x3  }
0x33: {  	p0 =	seq.s32 s10, $0x1;
	s10 =	sld [smem:$0x3FB3];
	_ =	sdelay $0x3  }
0x34: {  	[smem:$0x3FB3] =	sst s10  }
0x35: {  	s10 =	sld [smem:$0x3FB2];
	_ =	sdelay $0x3  }
0x36: {  	p1 =	seq.s32 s10, $0x1;
	s10 =	sld [smem:$0x3FB3];
	_ =	sdelay $0x3  }
0x37: {  	[smem:$0x3FB3] =	sst s10  }
0x38: {  	s10 =	sld [smem:$0x3FB4]  }
0x39: {  	_ = 	snop;
	(pc) =	sbr.ind lr, $3  }
0x3a: {  	_ = 	snop  }
0x3b: {  	_ = 	snop  }
0x3c: {  	p2 =	seq.s32 s10, $0x1;
	s10 =	sld [smem:$0x3FB3]  }
0x3d: {  	_ =	shalt  }
0x3e: {  	_ =	shalt  }
0x3f: {  	_ =	shalt  }
0x40: {  	_ =	shalt  }
0x41: {  	_ =	shalt  }
0x42: {  	_ =	shalt  }
0x43: {  	_ =	shalt  }
0x44: {  	_ =	shalt  }
0x45: {  	_ =	shalt  }
0x46: {  	_ =	shalt  }
0x47: {  	_ =	shalt  }
0x48: {  	_ =	shalt  }
0x49: {  	_ =	shalt  }
0x4a: {  	_ =	shalt  }
0x4b: {  	_ =	shalt  }
0x4c: {  	_ =	shalt  }
0x4d: {  	_ =	shalt  }
0x4e: {  	_ =	shalt  }
0x4f: {  	_ =	shalt  }
0x50: {  	_ =	shalt  }
0x51: {  	_ =	shalt  }
0x52: {  	_ =	shalt  }
0x53: {  	_ =	shalt  }
0x54: {  	_ =	shalt  }
0x55: {  	_ =	shalt  }
0x56: {  	_ =	shalt  }
0x57: {  	_ =	shalt  }
0x58: {  	_ =	shalt  }
0x59: {  	_ =	shalt  }
0x5a: {  	_ =	shalt  }
0x5b: {  	_ =	shalt  }
0x5c: {  	_ =	shalt  }
0x5d: {  	_ =	shalt  }
0x5e: {  	_ =	shalt  }
0x5f: {  	_ =	shalt  }
0x60: {  	_ =	shalt  }
0x61: {  	_ =	shalt  }
0x62: {  	_ =	shalt  }
0x63: {  	_ =	shalt  }
0x64: {  	_ =	shalt  }
0x65: {  	_ =	shalt  }
0x66: {  	_ =	shalt  }
0x67: {  	_ =	shalt  }
0x68: {  	_ =	shalt  }
0x69: {  	_ =	shalt  }
0x6a: {  	_ =	shalt  }
0x6b: {  	_ =	shalt  }
0x6c: {  	_ =	shalt  }
0x6d: {  	_ =	shalt  }
0x6e: {  	_ =	shalt  }
0x6f: {  	_ =	shalt  }
0x70: {  	_ =	shalt  }
0x71: {  	_ =	shalt  }
0x72: {  	_ =	shalt  }
0x73: {  	_ =	shalt  }
0x74: {  	_ =	shalt  }
0x75: {  	_ =	shalt  }
0x76: {  	_ =	shalt  }
0x77: {  	_ =	shalt  }
0x78: {  	_ =	shalt  }
0x79: {  	_ =	shalt  }
0x7a: {  	_ =	shalt  }
0x7b: {  	_ =	shalt  }
0x7c: {  	_ =	shalt  }
0x7d: {  	_ =	shalt  }
0x7e: {  	_ =	shalt  }
0x7f: {  	_ =	shalt  }
0x80: {  	_ =	shalt  }
0x81: {  	_ =	shalt  }
0x82: {  	_ =	shalt  }
0x83: {  	_ =	shalt  }
0x84: {  	_ =	shalt  }
0x85: {  	_ =	shalt  }
0x86: {  	_ =	shalt  }
0x87: {  	_ =	shalt  }
.Lfunc_end0:
.L_simem_size_0:
called_computation_lowered:
.L_overlay_start_0:
0x88: {  	s2 =	sld [smem:$0x3FD9]  }
0x89: {  	s3 =	sld [smem:$0x3FFE];
	_ =	sdelay $0x1  }
0x8a: {  	s1 =	srdreg.scid  }
0x8b: {  	s0 =	sand.u32 $0x1, s1  }
0x8c: {  	s17 =	sshll.u32 s0, $0xA;
	s2 =	sadd.s32 s3, s2  }
0x8d: {  	s2 =	sadd.s32 s2, s17  }
0x8e: {  	[smem:$0x3FBF] =	sst s2  }
0x8f: {  	_ = 	snop  }
0x90: {  	s2 =	sld [smem:$0x3FD0];
	(tm) =	ssettm $0x1  }
0x91: {  	s18 =	sld [smem:$0x3FFB];
	_ =	sdelay $0x3  }
0x92: {  	_ =	strace s18  }
0x93: {  	s3 =	sld [smem:$0x3FFC];
	_ =	sdelay $0x3  }
0x94: {  	_ =	strace s3  }
0x95: {  	s3 =	sld [smem:$0x3FFD];
	_ =	sdelay $0x3  }
0x96: {  	_ =	strace s3  }
0x97: {  	_ =	strace $0x8FFFFFFF  }
0x98: {  	s19 =	sld [smem:$0x3FDB];
	_ =	sdelay $0x1  }
0x99: {  	s4 =	simm.s32 $_scs_section_size  }
0x9a: {  	s5 =	simm.s32 $_size__tile_overlayer_lowered;
	s6 =	simm.s32 $_tile_overlayer_lowered  }
0x9b: {  	s22 =	simm.s32 $0x1BFF;
	s21 =	sshll.u32 s6, $0x1;
	s3 =	sadd.s32 s4, s19  }
0x9c: {  	s7 =	simm.s32 $0x0;
	s20 =	sshll.u32 s5, $0x1;
	s5 =	sadd.s32 s21, s3  }
0x9d: {  	[timem:s7], [sflag:s22] =	dma.local [hbm:s5], s20  }
0x9e: {  	_ =	swait.ge [sflag:s22], s20  }
0x9f: {  	s4 =	ssub.s32 $0x0, s20;
	[sflag:s22] =	ssyncset.done $0x0  }
0xa0: {  	[sflag:s22] =	ssyncadd.s32 s4;
	_ =	sdelay $0x1  }
0xa1: {  	s23 =	simm.s32 $0x1B8B  }
0xa2: {  	_ =	swait.ge [sflag:s23], $0x1  }
0xa3: {  	[sflag:s23] =	ssyncset.done $0x0  }
0xa4: {  	s25 =	simm.s32 $0x1B8E;
	s24 =	sld [smem:$0x3FFE];
	[sflag:s23] =	ssyncadd.s32 $0xFFFFFFFF  }
0xa5: {  	s26 =	simm.s32 $execute0_lowered;
	[smem:$0x3FD2] =	sst s25  }
0xa6: {  	s5 =	sshll.u32 s26, $0x1;
	_ =	strace $0x80000046;
	[dreg:$0x1] =	wrdreg $0xFFFFFFFF  }
0xa7: {  	s28 =	simm.s32 $_size_execute0_lowered;
	s3 =	sadd.s32 s3, s5;
	[dreg:$0x0] =	wrdreg $0x0  }
0xa8: {  	s5 =	sshll.u32 s28, $0x1;
	[dreg:$0x2] =	wrdreg s3  }
0xa9: {  	[dreg:$0x3] =	wrdreg s5  }
0xaa: {  	[dreg:$0x4] =	wrdreg $0xC0  }
0xab: {  	_ =	task [dreg:s7], $0x5FFFF  }
0xac: {  	[dreg:$0x1] =	wrdreg $0xFFFFFFFF  }
0xad: {  	[dreg:$0x0] =	wrdreg $0x60  }
0xae: {  	[dreg:$0x2] =	wrdreg s24  }
0xaf: {  	[dreg:$0x3] =	wrdreg s2  }
0xb0: {  	[dreg:$0x4] =	wrdreg $0xB000  }
0xb1: {  	[dreg:$0x5] =	wrdreg $0xD800  }
0xb2: {  	[dreg:$0x6] =	wrdreg $0x9  }
0xb3: {  	_ =	task.clear_ibuf [dreg:s7], $0x7FFFF;
	_ =	strace $0x90000046  }
0xb4: {  	s29 =	simm.s32 $0x9;
	_ =	strace $0x80000048  }
0xb5: {  	_ =	swait.ge [sflag:s29], $0x1  }
0xb6: {  	[sflag:s29] =	ssyncadd.s32 $0xFFFFFFFF  }
0xb7: {  	_ =	strace $0x90000048  }
0xb8: {  	_ =	sfence  }
0xb9: {  	s30 =	sld [smem:$0x0];
	_ =	sdelay $0x2  }
0xba: {  	s31 =	sshll.u32 s1, $0xD;
	s1 =	sshrl.u32 s1, $0x2  }
0xbb: {  	s3 =	sand.u32 $0x4000, s31;
	s1 =	sadd.s32 s1, s30  }
0xbc: {  	s0 =	sor.u32 s3, s0;
	s1 =	sshll.u32 s1, $0x11  }
0xbd: {  	s0 =	sor.u32 s1, s0  }
0xbe: {  	s0 =	sadd.s32 $0x8F2B, s0  }
0xbf: {  	[sflag:s0] =	ssyncadd.remote.s32 $0x1  }
0xc0: {  	_ =	sfence.sel $0xFFFF  }
0xc1: {  	[dreg:$0x0] =	wrdreg $0xFFFFFFFF;
	(pc) =	sbr.abs _section_cstart, $3  }
0xc2: {  	[dreg:$0x1] =	wrdreg $0xFFFFFFFF  }
0xc3: {  	_ =	task.clear_ibuf [dreg:s7], $0x2FFFF;
	_ =	strace $0x9FFFFFFF  }
0xc4: {  	(tm) =	ssettm $0x7FFFFFFF  }
0xc5: {  	_ =	shalt  }
tec
execute0_lowered:
.L_overlay_start_1:
0x0: {  	(tag) =	ssettag $0x1  }
0x1: {  	s0 =	rddreg [dreg:$0x0]  }
0x2: {  	s2 =	rddreg [dreg:$0x2]  }
0x3: {  	s3 =	rddreg [dreg:$0x3];
	s5 =	simm.s32 $0x0  }
0x4: {  	s1 =	srdreg.scid;
	s11 =	stileid.u32;
	s28 =	simm.s32 $0x280  }
0x5: {  	s29 =	simm.s32 $0x100;
	s30 =	simm.s32 $0x300;
	s31 =	simm.s32 $0x180  }
0x6: {  	[smem:$0x7FF] =	sst s5;
	s1 =	sand.u32 $0x1, s1;
	s4 =	sshll.u32 s11, $0x1  }
0x7: {  	s6 =	sadd.s32 $0xCE00, s0;
	s7 =	sadd.s32 $0x2E00, s0;
	s8 =	sadd.s32 $0x16E00, s0  }
0x8: {  	s12 =	sadd.s32 $0x17400, s0;
	s13 =	sadd.s32 $0x17A00, s0;
	s14 =	smul.u32 $0x280, s11  }
0x9: {  	s0 =	sadd.s32 $0x18000, s0;
	s20 =	smul.u32 $0x5000, s11;
	s11 =	simm.s32 $0x0  }
0xa: {  	_ =	strace $0x80000047;
	s4 =	sor.u32 s1, s4;
	s15 =	smul.u32 $0x2800, s1  }
0xb: {  	s9 =	ssub.s32 $0x2, s1;
	p0 =	seq.s32 s1, $0x1;
	s4 =	smul.u32 $0x2800, s4  }
0xc: {  	s10 =	sshrl.u32 s9, $0x1;
	s23 =	sadd.s32 s14, s2;
	s24 =	sadd.s32 s14, s3  }
0xd: {  	s21 =	sshrl.u32 s14, $0x3;
	s8 =	smov.u32 @p0 s12;
	s13 =	smov.u32 @p0 s0  }
0xe: {  	s14 =	simm.s32 $0x4;
	s12 =	simm.s32 $0x580;
	s9 =	ssub.s32 s9, s10  }
0xf: {  	s8 =	sadd.s32 s8, s21;
	s1 =	sadd.s32 s13, s21;
	[dreg:$0x9] =	wrdreg s23  }
0x10: {  	s21 =	simm.s32 $0x600;
	s13 =	simm.s32 $0x780;
	[dreg:$0xa] =	wrdreg s24  }
0x11: {  	s4 =	sshrl.u32 s4, $0x3;
	s9 =	smax.u32 s9, $0x1;
	[dreg:$0xc] =	wrdreg s8  }
0x12: {  	[dreg:$0xd] =	wrdreg s1;
	s1 =	simm.s32 $0x3;
	s8 =	simm.s32 $0x500  }
0x13: {  	s17 =	sadd.s32 s6, s4;
	s18 =	sor.u32 $0x40, s4;
	[dreg:$0xb] =	wrdreg s9  }
0x14: {  	s4 =	sadd.s32 s7, s4;
	s9 =	simm.s32 $0x700;
	[dreg:$0x5] =	wrdreg s17  }
0x15: {  	[dreg:$0x6] =	wrdreg s4;
	s19 =	sadd.s32 s6, s18;
	s10 =	sadd.s32 s7, s18  }
0x16: {  	s4 =	sadd.s32 s15, s20;
	s20 =	simm.s32 $0x400;
	[dreg:$0x7] =	wrdreg s19  }
0x17: {  	[dreg:$0x8] =	wrdreg s10;
	s22 =	sor.u32 $0x600, s4;
	s25 =	sor.u32 $0x400, s4  }
.Ltmp0:
0x18: {  	s19 =	simm.s32 $0x200;
	s4 =	simm.s32 $0x2;
	(pc) =	sbr.rel .LBB2_1-.Ltmp0, $4  }
0x19: {  	s0 =	sshrl.u32 s22, $0x3;
	s26 =	sshrl.u32 s25, $0x3;
	s22 =	simm.s32 $0x800  }
0x1a: {  	s25 =	simm.s32 $0x1;
	s15 =	sadd.s32 s0, s7;
	s16 =	sadd.s32 s0, s6  }
0x1b: {  	s17 =	sadd.s32 s26, s7;
	s18 =	sadd.s32 s26, s6;
	s26 =	simm.s32 $0x80  }
0x1c: {  	v0 =	vimm.f32 $0.0e+00;
	s0 =	simm.s32 $0x380;
	s6 =	simm.s32 $0x480;
	s7 =	simm.s32 $0x680  }
.LBB2_4:
0x1d: {  	s10 =	stileid.u32;
	[bflag:$0x0] =	sbarrier.arrive $0xFFFF  }
0x1e: {  	s10 =	sshll.u32 s10, $0x6;
	s23 =	rddreg [dreg:$0x9]  }
0x1f: {  	s24 =	rddreg [dreg:$0xc];
	s10 =	sor.u32 $0x1C04, s10;
	s11 =	sshrl.u32 s23, $0x3  }
0x20: {  	[hbm:s24], [sflag:s10] =	dma.local [spmem:s11], $0x50  }
0x21: {  	_ =	swait.ge [sflag:s14], $0x50  }
0x22: {  	[sflag:s14] =	ssyncset.done $0x0;
	s24 =	rddreg [dreg:$0xa]  }
0x23: {  	[sflag:s14] =	ssyncadd.s32 $0xFFFFFFB0;
	s11 =	sshrl.u32 s24, $0x3;
	s14 =	rddreg [dreg:$0xd]  }
0x24: {  	[hbm:s14], [sflag:s10] =	dma.local [spmem:s11], $0x50  }
0x25: {  	s14 =	simm.s32 $0x4  }
0x26: {  	_ =	swait.ge [sflag:s14], $0x50  }
0x27: {  	s10 =	rddreg [dreg:$0xe]  }
0x28: {  	s11 =	sadd.s32 $0x1, s10;
	s10 =	rddreg [dreg:$0xb]  }
0x29: {  	p0 =	sne.s32 s11, s10  }
.Ltmp1:
0x2a: {  	_ = 	snop;
	(pc) =	sbr.rel @!p0 .LBB2_5-.Ltmp1, $3  }
0x2b: {  	_ =	sdelay $0x1  }
0x2c: {  	[sflag:s14] =	ssyncset.done $0x0  }
0x2d: {  	[sflag:s14] =	ssyncadd.s32 $0xFFFFFFB0  }
.LBB2_1:
0x2e: {  	[dreg:$0xe] =	wrdreg s11  }
0x2f: {  	s10 =	rddreg [dreg:$0x5]  }
0x30: {  	[tilespmem:s5], [sflag:$0x1] =	stream.linear.gather [hbm4b:s10+s5], $0x200, $0x38;
	[tilespmem:$0x1000] =	vst v63  }
0x31: {  	s11 =	rddreg [dreg:$0x6]  }
0x32: {  	[tilespmem:s19], [sflag:$0x1] =	stream.linear.gather [hbm4b:s11+s5], $0x200, $0x38;
	[tilespmem:$0x1000] =	vst v63  }
0x33: {  	s11 =	rddreg [dreg:$0x7]  }
0x34: {  	[tilespmem:s20], [sflag:$0x2] =	stream.linear.gather [hbm4b:s11+s5], $0x200, $0x38;
	[tilespmem:$0x1000] =	vst v63  }
0x35: {  	s11 =	rddreg [dreg:$0x8]  }
0x36: {  	[tilespmem:s21], [sflag:$0x2] =	stream.linear.gather [hbm4b:s11+s5], $0x200, $0x38;
	[tilespmem:$0x1000] =	vst v63  }
0x37: {  	s11 =	rddreg [dreg:$0x1]  }
0x38: {  	[tilespmem:s22], [sflag:$0x4] =	stream.linear.gather [hbm4b:s11+s5], $0x80, $0x38;
	[tilespmem:$0x1000] =	vst v63  }
0x39: {  	_ =	swait.ge [sflag:s14], $0x80  }
0x3a: {  	[sflag:s14] =	ssyncset.done $0x0  }
0x3b: {  	[sflag:s14] =	ssyncadd.s32 $0xFFFFFF80  }
0x3c: {  	[tilespmem:$0x880] =	vst v0  }
0x3d: {  	[tilespmem:$0x890] =	vst v0  }
0x3e: {  	[tilespmem:$0x8A0] =	vst v0  }
0x3f: {  	[tilespmem:$0x8B0] =	vst v0  }
0x40: {  	[tilespmem:$0x8C0] =	vst v0  }
0x41: {  	[tilespmem:$0x8D0] =	vst v0  }
0x42: {  	[tilespmem:$0x8E0] =	vst v0  }
0x43: {  	[tilespmem:$0x8F0] =	vst v0  }
0x44: {  	[tilespmem:$0x900] =	vst v0  }
0x45: {  	[tilespmem:$0x910] =	vst v0  }
0x46: {  	[tilespmem:$0x920] =	vst v0  }
0x47: {  	[tilespmem:$0x930] =	vst v0  }
0x48: {  	[tilespmem:$0x940] =	vst v0  }
0x49: {  	[tilespmem:$0x950] =	vst v0  }
0x4a: {  	[tilespmem:$0x960] =	vst v0  }
0x4b: {  	[tilespmem:$0x970] =	vst v0  }
0x4c: {  	[tilespmem:$0x980] =	vst v0  }
0x4d: {  	[tilespmem:$0x990] =	vst v0  }
0x4e: {  	[tilespmem:$0x9A0] =	vst v0  }
0x4f: {  	[tilespmem:$0x9B0] =	vst v0  }
0x50: {  	[tilespmem:$0x9C0] =	vst v0  }
0x51: {  	[tilespmem:$0x9D0] =	vst v0  }
0x52: {  	[tilespmem:$0x9E0] =	vst v0  }
0x53: {  	[tilespmem:$0x9F0] =	vst v0  }
0x54: {  	[tilespmem:$0xA00] =	vst v0  }
0x55: {  	[tilespmem:$0xA10] =	vst v0  }
0x56: {  	[tilespmem:$0xA20] =	vst v0  }
0x57: {  	[tilespmem:$0xA30] =	vst v0  }
0x58: {  	[tilespmem:$0xA40] =	vst v0  }
0x59: {  	[tilespmem:$0xA50] =	vst v0  }
0x5a: {  	[tilespmem:$0xA60] =	vst v0  }
0x5b: {  	[tilespmem:$0xA70] =	vst v0  }
0x5c: {  	[tilespmem:$0xA80] =	vst v0  }
0x5d: {  	[tilespmem:$0xA90] =	vst v0  }
0x5e: {  	[tilespmem:$0xAA0] =	vst v0  }
0x5f: {  	[tilespmem:$0xAB0] =	vst v0  }
0x60: {  	[tilespmem:$0xAC0] =	vst v0  }
0x61: {  	[tilespmem:$0xAD0] =	vst v0  }
0x62: {  	[tilespmem:$0xAE0] =	vst v0  }
0x63: {  	s11 =	simm.s32 $0x880;
	[tilespmem:$0xAF0] =	vst v0  }
0x64: {  	[spmem:s23] =	stream.linear.scatter [tilespmem:s11], [sflag:$0x4], $0x280, $0x38;
	[tilespmem:$0x1000] =	vst v63  }
0x65: {  	_ =	swait.ge [sflag:s14], $0x280  }
0x66: {  	[sflag:s14] =	ssyncset.done $0x0  }
0x67: {  	[sflag:s14] =	ssyncadd.s32 $0xFFFFFD80  }
0x68: {  	[spmem:s24] =	stream.linear.scatter [tilespmem:s11], [sflag:$0x4], $0x280, $0x38;
	[tilespmem:$0x1000] =	vst v63  }
0x69: {  	_ =	swait.ge [sflag:s14], $0x280  }
0x6a: {  	[sflag:s14] =	ssyncset.done $0x0  }
0x6b: {  	[sflag:s14] =	ssyncadd.s32 $0xFFFFFD80  }
0x6c: {  	s24 =	simm.s32 $0x0;
	[bflag:$0x0] =	sbarrier.arrive $0xFFFF  }
.LBB2_2:
0x6d: {  	_ =	swait.ge [sflag:s25], $0x200  }
0x6e: {  	[sflag:s25] =	ssyncset.done $0x0  }
0x6f: {  	[sflag:s25] =	ssyncadd.s32 $0xFFFFFE00  }
0x70: {  	_ =	swait.ge [sflag:s25], $0x200  }
0x71: {  	[sflag:s25] =	ssyncset.done $0x0  }
0x72: {  	[sflag:s25] =	ssyncadd.s32 $0xFFFFFE00  }
0x73: {  	[spmem:s2] =	stream.indirect.scatter.add.f32 [tilespmem:s22], [sflag:$0x3], $0x1, s5, s26, $0xb8;
	[tilespmem:$0x1000] =	vst v63  }
0x74: {  	_ = 	snop  }
0x75: {  	[spmem:s3] =	stream.indirect.scatter.add.f32 [tilespmem:s22], [sflag:$0x3], $0x1, s19, s26, $0xb8;
	[tilespmem:$0x1000] =	vst v63  }
0x76: {  	_ = 	snop  }
0x77: {  	[spmem:s2] =	stream.indirect.scatter.add.f32 [tilespmem:s22], [sflag:$0x3], $0x1, s26, s26, $0xb8;
	[tilespmem:$0x1000] =	vst v63  }
0x78: {  	_ = 	snop  }
0x79: {  	[spmem:s3] =	stream.indirect.scatter.add.f32 [tilespmem:s22], [sflag:$0x3], $0x1, s28, s26, $0xb8;
	[tilespmem:$0x1000] =	vst v63  }
0x7a: {  	_ = 	snop  }
0x7b: {  	[spmem:s2] =	stream.indirect.scatter.add.f32 [tilespmem:s22], [sflag:$0x3], $0x1, s29, s26, $0xb8;
	[tilespmem:$0x1000] =	vst v63  }
0x7c: {  	_ = 	snop  }
0x7d: {  	[spmem:s3] =	stream.indirect.scatter.add.f32 [tilespmem:s22], [sflag:$0x3], $0x1, s30, s26, $0xb8;
	[tilespmem:$0x1000] =	vst v63  }
0x7e: {  	_ = 	snop  }
0x7f: {  	[spmem:s2] =	stream.indirect.scatter.add.f32 [tilespmem:s22], [sflag:$0x3], $0x1, s31, s26, $0xb8;
	[tilespmem:$0x1000] =	vst v63  }
0x80: {  	_ = 	snop  }
0x81: {  	[spmem:s3] =	stream.indirect.scatter.add.f32 [tilespmem:s22], [sflag:$0x3], $0x1, s0, s26, $0xb8;
	[tilespmem:$0x1000] =	vst v63  }
0x82: {  	_ =	swait.ge [sflag:s1], $0x80  }
0x83: {  	[sflag:s1] =	ssyncset.done $0x0  }
0x84: {  	[sflag:s1] =	ssyncadd.s32 $0xFFFFFF80  }
0x85: {  	_ =	swait.ge [sflag:s1], $0x80  }
0x86: {  	[sflag:s1] =	ssyncset.done $0x0  }
0x87: {  	[sflag:s1] =	ssyncadd.s32 $0xFFFFFF80  }
0x88: {  	_ =	swait.ge [sflag:s1], $0x80  }
0x89: {  	[sflag:s1] =	ssyncset.done $0x0  }
0x8a: {  	[sflag:s1] =	ssyncadd.s32 $0xFFFFFF80  }
0x8b: {  	_ =	swait.ge [sflag:s1], $0x80  }
0x8c: {  	[sflag:s1] =	ssyncset.done $0x0  }
0x8d: {  	[sflag:s1] =	ssyncadd.s32 $0xFFFFFF80  }
0x8e: {  	_ =	swait.ge [sflag:s1], $0x80  }
0x8f: {  	[sflag:s1] =	ssyncset.done $0x0  }
0x90: {  	[sflag:s1] =	ssyncadd.s32 $0xFFFFFF80  }
0x91: {  	_ =	swait.ge [sflag:s1], $0x80  }
0x92: {  	[sflag:s1] =	ssyncset.done $0x0  }
0x93: {  	[sflag:s1] =	ssyncadd.s32 $0xFFFFFF80  }
0x94: {  	_ =	swait.ge [sflag:s1], $0x80  }
0x95: {  	[sflag:s1] =	ssyncset.done $0x0  }
0x96: {  	[sflag:s1] =	ssyncadd.s32 $0xFFFFFF80  }
0x97: {  	_ =	swait.ge [sflag:s1], $0x80  }
0x98: {  	p0 =	seq.s32 s24, $0x480;
	[sflag:s1] =	ssyncset.done $0x0  }
0x99: {  	s10 =	sadd.s32 @!p0 s24, s18;
	s11 =	simm.s32 @!p0 $0x0;
	[sflag:s1] =	ssyncadd.s32 $0xFFFFFF80  }
0x9a: {  	[tilespmem:s11], [sflag:$0x1] =	stream.linear.gather @!p0 [hbm4b:s10+s11], $0x200, $0x38;
	[tilespmem:$0x1000] =	vst v63  }
0x9b: {  	s23 =	simm.s32 @!p0 $0x200;
	s10 =	sadd.s32 @!p0 s24, s17  }
0x9c: {  	[tilespmem:s23], [sflag:$0x1] =	stream.linear.gather @!p0 [hbm4b:s10+s11], $0x200, $0x38;
	[tilespmem:$0x1000] =	vst v63  }
0x9d: {  	_ =	swait.ge [sflag:s4], $0x200  }
0x9e: {  	[sflag:s4] =	ssyncset.done $0x0  }
0x9f: {  	[sflag:s4] =	ssyncadd.s32 $0xFFFFFE00  }
0xa0: {  	_ =	swait.ge [sflag:s4], $0x200  }
0xa1: {  	[sflag:s4] =	ssyncset.done $0x0  }
0xa2: {  	[sflag:s4] =	ssyncadd.s32 $0xFFFFFE00  }
0xa3: {  	[spmem:s2] =	stream.indirect.scatter.add.f32 [tilespmem:s22], [sflag:$0x3], $0x1, s20, s26, $0xb8;
	[tilespmem:$0x1000] =	vst v63  }
0xa4: {  	_ = 	snop  }
0xa5: {  	[spmem:s3] =	stream.indirect.scatter.add.f32 [tilespmem:s22], [sflag:$0x3], $0x1, s21, s26, $0xb8;
	[tilespmem:$0x1000] =	vst v63  }
0xa6: {  	_ = 	snop  }
0xa7: {  	[spmem:s2] =	stream.indirect.scatter.add.f32 [tilespmem:s22], [sflag:$0x3], $0x1, s6, s26, $0xb8;
	[tilespmem:$0x1000] =	vst v63  }
0xa8: {  	_ = 	snop  }
0xa9: {  	[spmem:s3] =	stream.indirect.scatter.add.f32 [tilespmem:s22], [sflag:$0x3], $0x1, s7, s26, $0xb8;
	[tilespmem:$0x1000] =	vst v63  }
0xaa: {  	_ = 	snop  }
0xab: {  	[spmem:s2] =	stream.indirect.scatter.add.f32 [tilespmem:s22], [sflag:$0x3], $0x1, s8, s26, $0xb8;
	[tilespmem:$0x1000] =	vst v63  }
0xac: {  	_ = 	snop  }
0xad: {  	[spmem:s3] =	stream.indirect.scatter.add.f32 [tilespmem:s22], [sflag:$0x3], $0x1, s9, s26, $0xb8;
	[tilespmem:$0x1000] =	vst v63  }
0xae: {  	_ = 	snop  }
0xaf: {  	[spmem:s2] =	stream.indirect.scatter.add.f32 [tilespmem:s22], [sflag:$0x3], $0x1, s12, s26, $0xb8;
	[tilespmem:$0x1000] =	vst v63  }
0xb0: {  	_ = 	snop  }
0xb1: {  	[spmem:s3] =	stream.indirect.scatter.add.f32 [tilespmem:s22], [sflag:$0x3], $0x1, s13, s26, $0xb8;
	[tilespmem:$0x1000] =	vst v63  }
0xb2: {  	_ =	swait.ge [sflag:s1], $0x80  }
0xb3: {  	[sflag:s1] =	ssyncset.done $0x0  }
0xb4: {  	[sflag:s1] =	ssyncadd.s32 $0xFFFFFF80  }
0xb5: {  	_ =	swait.ge [sflag:s1], $0x80  }
0xb6: {  	[sflag:s1] =	ssyncset.done $0x0  }
0xb7: {  	[sflag:s1] =	ssyncadd.s32 $0xFFFFFF80  }
0xb8: {  	_ =	swait.ge [sflag:s1], $0x80  }
0xb9: {  	[sflag:s1] =	ssyncset.done $0x0  }
0xba: {  	[sflag:s1] =	ssyncadd.s32 $0xFFFFFF80  }
0xbb: {  	_ =	swait.ge [sflag:s1], $0x80  }
0xbc: {  	[sflag:s1] =	ssyncset.done $0x0  }
0xbd: {  	[sflag:s1] =	ssyncadd.s32 $0xFFFFFF80  }
0xbe: {  	_ =	swait.ge [sflag:s1], $0x80  }
0xbf: {  	[sflag:s1] =	ssyncset.done $0x0  }
0xc0: {  	[sflag:s1] =	ssyncadd.s32 $0xFFFFFF80  }
0xc1: {  	_ =	swait.ge [sflag:s1], $0x80  }
0xc2: {  	[sflag:s1] =	ssyncset.done $0x0  }
0xc3: {  	[sflag:s1] =	ssyncadd.s32 $0xFFFFFF80  }
0xc4: {  	_ =	swait.ge [sflag:s1], $0x80  }
.Ltmp2:
0xc5: {  	[sflag:s1] =	ssyncset.done $0x0;
	(pc) =	sbr.rel @p0 .LBB2_4-.Ltmp2, $4  }
0xc6: {  	[sflag:s1] =	ssyncadd.s32 $0xFFFFFF80  }
0xc7: {  	_ =	swait.ge [sflag:s1], $0x80  }
0xc8: {  	[sflag:s1] =	ssyncset.done $0x0  }
0xc9: {  	[sflag:s1] =	ssyncadd.s32 $0xFFFFFF80  }
.Ltmp3:
0xca: {  	(pc) =	sbr.rel .LBB2_2-.Ltmp3, $4  }
0xcb: {  	s10 =	sadd.s32 s24, s16  }
0xcc: {  	[tilespmem:s20], [sflag:$0x2] =	stream.linear.gather [hbm4b:s10+s5], $0x200, $0x38;
	[tilespmem:$0x1000] =	vst v63  }
0xcd: {  	s23 =	sadd.s32 s24, s15;
	s24 =	sadd.s32 $0x80, s24  }
0xce: {  	[tilespmem:s21], [sflag:$0x2] =	stream.linear.gather [hbm4b:s23+s5], $0x200, $0x38;
	[tilespmem:$0x1000] =	vst v63  }
.LBB2_5:
0xcf: {  	_ =	sfence.sel $0x180000  }
0xd0: {  	[bflag:$0x0] =	sbarrier.arrive $0xFFFF  }
0xd1: {  	_ =	strace $0x90000047  }
0xd2: {  	s0 =	stileid.u32;
	[bflag:$0x2] =	sbarrier.arrive $0xFFFF  }
0xd3: {  	p0 =	sne.s32 s0, $0x0;
	s0 =	rddreg [dreg:$0x4]  }
0xd4: {  	s0 =	sadd.s32 @!p0 $0x100000, s0  }
0xd5: {  	[sflag:s0] =	ssyncadd.tile.s32 @!p0 $0x1;
	_ =	shalt  }
.Lfunc_end2:
_tile_overlayer_lowered:
.L_overlay_start_2:
0xd6: {  	(tag) =	ssettag $0x2  }
0xd7: {  	s0 =	rddreg [dreg:$0x0];
	s2 =	stileid.u32  }
0xd8: {  	s1 =	rddreg [dreg:$0x1];
	p0 =	sne.s32 s2, $0x0  }
0xd9: {  	s3 =	rddreg [dreg:$0x2];
	[bflag:$0x3] =	sbarrier.arrive $0xFFFF;
	s2 =	simm.s32 @!p0 $0x1C04  }
0xda: {  	[timem:s3], [sflag:s2] =	dma.local @!p0 [hbm:s0], s1  }
0xdb: {  	s0 =	simm.s32 @!p0 $0x4  }
0xdc: {  	_ =	swait.ge @!p0 [sflag:s0], s1  }
0xdd: {  	s1 =	ssub.s32 @!p0 $0x0, s1;
	[sflag:s0] =	ssyncset.done @!p0 $0x0  }
0xde: {  	[sflag:s0] =	ssyncadd.s32 @!p0 s1  }
0xdf: {  	[bflag:$0x3] =	sbarrier.arrive $0xFFFF  }
0xe0: {  	_ =	shalt  }

</sc_bundles>
